<compile_context>
chip_gen: v7x
topology: tpu7x:2x2x1
jax: 0.10.2.dev20260603
libtpu: 0.0.44.dev20260713+nightly
codegen_flags: <defaults>
</compile_context>

<pallas_src>
import jax
import jax.numpy as jnp
from jax import lax
from jax.experimental import pallas as pl
from jax.experimental.pallas import tpu as pltpu
from jax.experimental.pallas import tpu_sc as plsc

NTOK = 10000
NPAD = 10240
STRIPE = NPAD // 16
NINP = 256
NHID = 512
NE = 160000
PADROW = 10016
EP = 172032
NCH = EP // (16 * 128)
MCH = 28
DEG_EP = 161792
NCH_DEG = DEG_EP // (16 * 128)
BLK = 1024
_MESH = plsc.VectorSubcoreMesh(core_axis_name="c", subcore_axis_name="s")
_SC_PARAMS = pltpu.CompilerParams(needs_layout_passes=False)


def _plan_body(colsdeg_hbm, rows_hbm, cols_hbm, tok_hbm, ones_hbm, init_hbm,
               zbm_hbm, deg_hbm, crows_hbm, ccols_hbm, counts_hbm,
               dbuf, rbuf, cbuf, tbuf, bmap, crv, ccv, ones_v, cntb, acc):
    c = lax.axis_index("c")
    s = lax.axis_index("s")
    pltpu.sync_copy(colsdeg_hbm.at[s], dbuf)
    pltpu.sync_copy(rows_hbm.at[s], rbuf)
    pltpu.sync_copy(cols_hbm.at[s], cbuf)
    pltpu.sync_copy(tok_hbm, tbuf)
    pltpu.sync_copy(zbm_hbm, bmap)
    pltpu.sync_copy(ones_hbm, ones_v)
    pltpu.sync_copy(init_hbm, acc.at[pl.ds(s * STRIPE, STRIPE)])
    plsc.subcore_barrier()

    one16 = jnp.full((16,), 1, jnp.int32)
    padr = jnp.full((16,), PADROW, jnp.int32)

    def tloop(k, carry):
        t16 = tbuf[pl.ds(k * 16, 16)]
        plsc.store_scatter(bmap, [t16], one16)
        return carry

    lax.fori_loop(0, 1024 // 16, tloop, 0)

    def dloop(j, carry):
        pltpu.sync_copy(ones_v, acc.at[dbuf.at[j]], add=True)
        return carry

    lax.fori_loop(0, NCH_DEG, dloop, 0)

    def filt(member, rdst, cdst):
        def floop(j, off):
            for k in range(8):
                c16 = cbuf[j, pl.ds(k * 16, 16)]
                r16 = rbuf[j, pl.ds(k * 16, 16)]
                m = member(c16)
                plsc.store_compressed(rdst.at[pl.ds(off, 16)], r16, mask=m)
                plsc.store_compressed(cdst.at[pl.ds(off, 16)], c16, mask=m)
                off = off + jnp.sum(m.astype(jnp.int32))
            return off

        cnt = lax.fori_loop(0, NCH, floop, jnp.int32(0))
        for k in range(8):
            rdst[pl.ds(cnt + k * 16, 16)] = padr
            cdst[pl.ds(cnt + k * 16, 16)] = padr
        return cnt

    cnt = filt(lambda c16: plsc.load_gather(bmap, [c16]) > 0, crv, ccv)
    cntb[pl.ds(0, 16)] = jnp.full((16,), cnt, jnp.int32)
    plsc.subcore_barrier()

    @pl.when(c == 0)
    def _():
        pltpu.sync_copy(acc.at[pl.ds(s * STRIPE, STRIPE)],
                        deg_hbm.at[pl.ds(s * STRIPE, STRIPE)])
        pltpu.sync_copy(crv.at[pl.ds(0, 16 * NCH * 8)], crows_hbm.at[s])
        pltpu.sync_copy(ccv.at[pl.ds(0, 16 * NCH * 8)], ccols_hbm.at[s])
        pltpu.sync_copy(cntb, counts_hbm.at[s])

_plan = pl.kernel(
    _plan_body,
    mesh=_MESH,
    out_type=(
        jax.ShapeDtypeStruct((NPAD,), jnp.float32),
        jax.ShapeDtypeStruct((16, NCH * 128), jnp.int32),
        jax.ShapeDtypeStruct((16, NCH * 128), jnp.int32),
        jax.ShapeDtypeStruct((16, 16), jnp.int32),
    ),
    scratch_types=[
        pltpu.VMEM((NCH_DEG, 128), jnp.int32),
        pltpu.VMEM((NCH, 128), jnp.int32),
        pltpu.VMEM((NCH, 128), jnp.int32),
        pltpu.VMEM((1024,), jnp.int32),
        pltpu.VMEM((NPAD,), jnp.int32),
        pltpu.VMEM((NCH * 128 + 128,), jnp.int32),
        pltpu.VMEM((NCH * 128 + 128,), jnp.int32),
        pltpu.VMEM((128,), jnp.float32),
        pltpu.VMEM((16,), jnp.int32),
        pltpu.VMEM_SHARED((NPAD,), jnp.float32),
    ],
    compiler_params=_SC_PARAMS,
)


def _prop_body(rows_hbm, cols_hbm, xs0_hbm, xs1_hbm, zeros_hbm, out_hbm,
               rbuf, cbuf, gbufa, gbufb, acc, sema, semb):
    c = lax.axis_index("c")
    s = lax.axis_index("s")
    pltpu.sync_copy(zeros_hbm, acc.at[pl.ds(s * STRIPE, STRIPE)])
    plsc.subcore_barrier()

    def run(xs_hbm):
        def macro(m, carry):
            pltpu.sync_copy(rows_hbm.at[s, m], rbuf)
            pltpu.sync_copy(cols_hbm.at[s, m], cbuf)
            pltpu.async_copy(xs_hbm.at[rbuf.at[0]], gbufa, sema)
            pltpu.async_copy(xs_hbm.at[rbuf.at[1]], gbufb, semb)

            def body(i, carry2):
                j0 = 2 * i
                pltpu.make_async_copy(xs_hbm.at[rbuf.at[j0]], gbufa,
                                      sema).wait()
                pltpu.sync_copy(gbufa, acc.at[cbuf.at[j0]], add=True)

                @pl.when(i < MCH // 2 - 1)
                def _():
                    pltpu.async_copy(xs_hbm.at[rbuf.at[j0 + 2]], gbufa, sema)

                pltpu.make_async_copy(xs_hbm.at[rbuf.at[j0]], gbufb,
                                      semb).wait()
                pltpu.sync_copy(gbufb, acc.at[cbuf.at[j0 + 1]], add=True)

                @pl.when(i < MCH // 2 - 1)
                def _():
                    pltpu.async_copy(xs_hbm.at[rbuf.at[j0 + 3]], gbufb, semb)

                return carry2

            lax.fori_loop(0, MCH // 2, body, 0)
            return carry

        lax.fori_loop(0, NCH // MCH, macro, 0)

    @pl.when(c == 0)
    def _():
        run(xs0_hbm)

    @pl.when(c == 1)
    def _():
        run(xs1_hbm)

    plsc.subcore_barrier()

    @pl.when(c == 0)
    def _():
        pltpu.sync_copy(acc.at[pl.ds(s * STRIPE, STRIPE)],
                        out_hbm.at[pl.ds(s * STRIPE, STRIPE), pl.ds(0, 128)])

    @pl.when(c == 1)
    def _():
        pltpu.sync_copy(acc.at[pl.ds(s * STRIPE, STRIPE)],
                        out_hbm.at[pl.ds(s * STRIPE, STRIPE), pl.ds(128, 128)])


_prop = pl.kernel(
    _prop_body,
    mesh=_MESH,
    out_type=jax.ShapeDtypeStruct((NPAD, NINP), jnp.float32),
    scratch_types=[
        pltpu.VMEM((MCH, 128), jnp.int32),
        pltpu.VMEM((MCH, 128), jnp.int32),
        pltpu.VMEM((128, 128), jnp.float32),
        pltpu.VMEM((128, 128), jnp.float32),
        pltpu.VMEM_SHARED((NPAD, 128), jnp.float32),
        pltpu.SemaphoreType.DMA,
        pltpu.SemaphoreType.DMA,
    ],
    compiler_params=_SC_PARAMS,
)


def _prop_f_body(crows_hbm, ccols_hbm, counts_hbm, xs0_hbm, xs1_hbm,
                 zeros_hbm, out_hbm, rbuf, cbuf, cntv, gbufa, gbufb, acc,
                 sema, semb):
    c = lax.axis_index("c")
    s = lax.axis_index("s")
    pltpu.sync_copy(counts_hbm, cntv)
    pltpu.sync_copy(zeros_hbm, acc.at[pl.ds(s * STRIPE, STRIPE)])
    plsc.subcore_barrier()
    cnt = jnp.max(cntv[s, pl.ds(0, 16)])
    nch = lax.div(cnt + 127, jnp.int32(128))

    def run(xs_hbm):
        def fill(m):
            pltpu.sync_copy(crows_hbm.at[s, m], rbuf)
            pltpu.sync_copy(ccols_hbm.at[s, m], cbuf)

        nfull = lax.div(nch, jnp.int32(MCH))

        def macro_full(m, carry):
            fill(m)
            pltpu.async_copy(xs_hbm.at[rbuf.at[0]], gbufa, sema)
            pltpu.async_copy(xs_hbm.at[rbuf.at[1]], gbufb, semb)

            def body(i, carry2):
                j0 = 2 * i
                pltpu.make_async_copy(xs_hbm.at[rbuf.at[j0]], gbufa,
                                      sema).wait()
                pltpu.sync_copy(gbufa, acc.at[cbuf.at[j0]], add=True)

                @pl.when(i < MCH // 2 - 1)
                def _():
                    pltpu.async_copy(xs_hbm.at[rbuf.at[j0 + 2]], gbufa, sema)

                pltpu.make_async_copy(xs_hbm.at[rbuf.at[j0]], gbufb,
                                      semb).wait()
                pltpu.sync_copy(gbufb, acc.at[cbuf.at[j0 + 1]], add=True)

                @pl.when(i < MCH // 2 - 1)
                def _():
                    pltpu.async_copy(xs_hbm.at[rbuf.at[j0 + 3]], gbufb, semb)

                return carry2

            lax.fori_loop(0, MCH // 2, body, 0)
            return carry

        lax.fori_loop(0, nfull, macro_full, 0)
        rem = nch - nfull * MCH

        @pl.when(rem > 0)
        def _():
            fill(nfull)

            pltpu.async_copy(xs_hbm.at[rbuf.at[0]], gbufa, sema)

            @pl.when(rem > 1)
            def _():
                pltpu.async_copy(xs_hbm.at[rbuf.at[1]], gbufb, semb)

            def body(i, carry2):
                j0 = 2 * i
                pltpu.make_async_copy(xs_hbm.at[rbuf.at[j0]], gbufa,
                                      sema).wait()
                pltpu.sync_copy(gbufa, acc.at[cbuf.at[j0]], add=True)

                @pl.when(j0 + 2 < rem)
                def _():
                    pltpu.async_copy(xs_hbm.at[rbuf.at[j0 + 2]], gbufa, sema)

                @pl.when(j0 + 1 < rem)
                def _():
                    pltpu.make_async_copy(xs_hbm.at[rbuf.at[j0]], gbufb,
                                          semb).wait()
                    pltpu.sync_copy(gbufb, acc.at[cbuf.at[j0 + 1]], add=True)

                    @pl.when(j0 + 3 < rem)
                    def _():
                        pltpu.async_copy(xs_hbm.at[rbuf.at[j0 + 3]], gbufb,
                                         semb)

                return carry2

            lax.fori_loop(0, (rem + 1) // 2, body, 0)

    @pl.when(c == 0)
    def _():
        run(xs0_hbm)

    @pl.when(c == 1)
    def _():
        run(xs1_hbm)

    plsc.subcore_barrier()

    @pl.when(c == 0)
    def _():
        pltpu.sync_copy(acc.at[pl.ds(s * STRIPE, STRIPE)],
                        out_hbm.at[pl.ds(s * STRIPE, STRIPE), pl.ds(0, 128)])

    @pl.when(c == 1)
    def _():
        pltpu.sync_copy(acc.at[pl.ds(s * STRIPE, STRIPE)],
                        out_hbm.at[pl.ds(s * STRIPE, STRIPE), pl.ds(128, 128)])


_prop_f = pl.kernel(
    _prop_f_body,
    mesh=_MESH,
    out_type=jax.ShapeDtypeStruct((NPAD, NINP), jnp.float32),
    scratch_types=[
        pltpu.VMEM((MCH, 128), jnp.int32),
        pltpu.VMEM((MCH, 128), jnp.int32),
        pltpu.VMEM((16, 16), jnp.int32),
        pltpu.VMEM((128, 128), jnp.float32),
        pltpu.VMEM((128, 128), jnp.float32),
        pltpu.VMEM_SHARED((NPAD, 128), jnp.float32),
        pltpu.SemaphoreType.DMA,
        pltpu.SemaphoreType.DMA,
    ],
    compiler_params=_SC_PARAMS,
)


def _lookup_body(tok_hbm, s2_hbm, dinv_hbm, b2_hbm, out_hbm,
                 ibuf, dtab, b2v, gbuf, obuf, sem):
    c = lax.axis_index("c")
    s = lax.axis_index("s")
    w = s * 2 + c
    pltpu.sync_copy(tok_hbm.at[w], ibuf)
    pltpu.sync_copy(dinv_hbm, dtab)
    pltpu.sync_copy(b2_hbm, b2v)
    pltpu.async_copy(s2_hbm.at[ibuf], gbuf, sem).wait()
    dv0 = plsc.load_gather(dtab, [ibuf[pl.ds(0, 16)]])
    dv1 = plsc.load_gather(dtab, [ibuf[pl.ds(16, 16)]])
    riota = jnp.arange(16, dtype=jnp.int32)

    def body(f, carry):
        fs = jnp.full((16,), f, dtype=jnp.int32)
        bv = plsc.load_gather(b2v, [fs])
        v0 = plsc.load_gather(gbuf, [riota, fs]) * dv0 + bv
        v1 = plsc.load_gather(gbuf, [riota + 16, fs]) * dv1 + bv
        plsc.store_scatter(obuf, [riota, fs], v0)
        plsc.store_scatter(obuf, [riota + 16, fs], v1)
        return carry

    lax.fori_loop(0, NINP, body, 0)
    pltpu.sync_copy(obuf, out_hbm.at[pl.ds(w * 32, 32)])


_lookup = pl.kernel(
    _lookup_body,
    mesh=_MESH,
    out_type=jax.ShapeDtypeStruct((1024, NINP), jnp.float32),
    scratch_types=[
        pltpu.VMEM((32,), jnp.int32),
        pltpu.VMEM((NPAD,), jnp.float32),
        pltpu.VMEM((NINP,), jnp.float32),
        pltpu.VMEM((32, NINP), jnp.float32),
        pltpu.VMEM((32, NINP), jnp.float32),
        pltpu.SemaphoreType.DMA,
    ],
    compiler_params=_SC_PARAMS,
)


def _scale_body(deg_ref, emb_ref, dinv_ref, xs0_ref, xs1_ref):
    deg = deg_ref[...]
    dv = jnp.where(deg > 0, lax.rsqrt(deg), 0.0)
    dinv_ref[...] = dv
    e = emb_ref[...]
    xs0_ref[...] = e[:, :128] * dv
    xs1_ref[...] = e[:, 128:] * dv


_scale = pl.pallas_call(
    _scale_body,
    grid=(NPAD // BLK,),
    in_specs=[
        pl.BlockSpec((BLK, 1), lambda i: (i, 0)),
        pl.BlockSpec((BLK, NINP), lambda i: (i, 0)),
    ],
    out_specs=[
        pl.BlockSpec((BLK, 1), lambda i: (i, 0)),
        pl.BlockSpec((BLK, 128), lambda i: (i, 0)),
        pl.BlockSpec((BLK, 128), lambda i: (i, 0)),
    ],
    out_shape=[
        jax.ShapeDtypeStruct((NPAD, 1), jnp.float32),
        jax.ShapeDtypeStruct((NPAD, 128), jnp.float32),
        jax.ShapeDtypeStruct((NPAD, 128), jnp.float32),
    ],
)


def _mid_body(s1_ref, dinv_ref, w1_ref, b1_ref, w2_ref, xs20_ref, xs21_ref):
    i = pl.program_id(0)
    dv = dinv_ref[...]
    u = s1_ref[...] * dv
    h = jnp.dot(u, w1_ref[...], preferred_element_type=jnp.float32) + b1_ref[...]
    y = jnp.dot(h, w2_ref[...], preferred_element_type=jnp.float32) * dv
    rid = i * BLK + lax.broadcasted_iota(jnp.int32, (BLK, 1), 0)
    y = jnp.where(rid < NTOK, y, 0.0)
    xs20_ref[...] = y[:, :128]
    xs21_ref[...] = y[:, 128:]


_mid = pl.pallas_call(
    _mid_body,
    grid=(NPAD // BLK,),
    in_specs=[
        pl.BlockSpec((BLK, NINP), lambda i: (i, 0)),
        pl.BlockSpec((BLK, 1), lambda i: (i, 0)),
        pl.BlockSpec((NINP, NHID), lambda i: (0, 0)),
        pl.BlockSpec((1, NHID), lambda i: (0, 0)),
        pl.BlockSpec((NHID, NINP), lambda i: (0, 0)),
    ],
    out_specs=[
        pl.BlockSpec((BLK, 128), lambda i: (i, 0)),
        pl.BlockSpec((BLK, 128), lambda i: (i, 0)),
    ],
    out_shape=[
        jax.ShapeDtypeStruct((NPAD, 128), jnp.float32),
        jax.ShapeDtypeStruct((NPAD, 128), jnp.float32),
    ],
)


def kernel(input, input_timestamp, edge_index, emb, W1, b1, W2, b2):
    f32, i32 = jnp.float32, jnp.int32
    ei = edge_index.astype(i32)
    loops = jnp.arange(NTOK, dtype=i32)
    rows = jnp.concatenate([ei[0], loops,
                            jnp.full((EP - NE - NTOK,), PADROW, i32)])
    cols = jnp.concatenate([ei[1], loops,
                            jnp.full((EP - NE - NTOK,), PADROW, i32)])
    rows = rows.reshape(EP // 16, 16).T
    cols = cols.reshape(EP // 16, 16).T
    rows_h = rows.reshape(16, NCH // MCH, MCH, 128)
    cols_h = cols.reshape(16, NCH // MCH, MCH, 128)
    rows_h3 = rows.reshape(16, NCH, 128)
    cols_h3 = cols.reshape(16, NCH, 128)
    cols_deg = jnp.concatenate(
        [ei[1], jnp.full((DEG_EP - NE,), PADROW, i32)]).reshape(16, NCH_DEG, 128)
    ones128 = jnp.ones((128,), f32)
    init640 = jnp.ones((STRIPE,), f32)
    zeros640 = jnp.zeros((STRIPE, 128), f32)
    zbm = jnp.zeros((NPAD,), i32)
    emb_pad = jnp.pad(emb, ((0, NPAD - NTOK), (0, 0)))
    flat = input.reshape(-1).astype(i32)
    tok = jnp.concatenate([flat, jnp.zeros((1024 - flat.shape[0],), i32)])

    deg, crows, ccols, counts = _plan(cols_deg, rows_h3, cols_h3, tok,
                                      ones128, init640, zbm)
    dinv, xs0, xs1 = _scale(deg.reshape(NPAD, 1), emb_pad)
    s1 = _prop(rows_h, cols_h, xs0, xs1, zeros640)
    xs20, xs21 = _mid(s1, dinv, W1, b1.reshape(1, NHID), W2)
    s2 = _prop_f(crows.reshape(16, NCH // MCH, MCH, 128),
                 ccols.reshape(16, NCH // MCH, MCH, 128),
                 counts, xs20, xs21, zeros640)

    out = _lookup(tok.reshape(32, 32), s2, dinv.reshape(-1), b2)
    return out[:flat.shape[0]].reshape(input.shape[0], input.shape[1], NINP)

# --- scband reference (transcript-rebuilt; emitter-appended) ---
"""Pipeline reference for scband-graph-encoder-70755291234309 (READ-ONLY COPY).

The authoritative reference and input builder live on the scoring server;
editing this copy changes nothing except your own understanding.
"""

import jax, jax.numpy as jnp
import numpy as np

NTOKEN = 10000
NINP = 256
NHID = 512
NEDGES = 160000
B, L = 16, 50


def gcn_conv(x, edge_index, W, b, n):
    # GCNConv (Kipf & Welling): x' = D^{-1/2} (A + I) D^{-1/2} X W + b
    x = x @ W
    row, col = edge_index[0], edge_index[1]
    loop = jnp.arange(n, dtype=row.dtype)
    row = jnp.concatenate([row, loop])
    col = jnp.concatenate([col, loop])
    ones = jnp.ones(row.shape[0], dtype=x.dtype)
    deg = jnp.zeros((n,), dtype=x.dtype).at[col].add(ones)
    dinv = jnp.where(deg > 0, deg ** -0.5, 0.0)
    norm = dinv[row] * dinv[col]
    msg = x[row] * norm[:, None]
    out = jnp.zeros((n, x.shape[1]), dtype=x.dtype).at[col].add(msg)
    return out + b


def setup_inputs(seed: int = 0) -> dict:
    key = jax.random.key(seed)
    k1, k2, k3, k4, k5, k6, k7, k8 = jax.random.split(key, 8)
    inp = jax.random.randint(k1, (B, L), 0, NTOKEN, dtype=jnp.int64)
    input_timestamp = jax.random.uniform(k2, (B, L), dtype=jnp.float32)
    edge_index = jax.random.randint(k3, (2, NEDGES), 0, NTOKEN, dtype=jnp.int64)
    # learned params: embedding (xavier_normal) + two GCN layers
    emb = jax.random.normal(k4, (NTOKEN, NINP), dtype=jnp.float32) * float(np.sqrt(2.0 / (NTOKEN + NINP)))
    emb = emb.at[0].set(0.0)  # padding_idx=0
    W1 = jax.random.normal(k5, (NINP, NHID), dtype=jnp.float32) * float(np.sqrt(1.0 / NINP))
    b1 = jnp.zeros((NHID,), dtype=jnp.float32)
    W2 = jax.random.normal(k6, (NHID, NINP), dtype=jnp.float32) * float(np.sqrt(1.0 / NHID))
    b2 = jnp.zeros((NINP,), dtype=jnp.float32)
    return {"input": inp, "input_timestamp": input_timestamp, "edge_index": edge_index,
            "emb": emb, "W1": W1, "b1": b1, "W2": W2, "b2": b2}


def reference(input, input_timestamp, edge_index, emb, W1, b1, W2, b2):
    # GraphNN: two GCN convs over the full embedding table (dropout = identity in eval)
    h = gcn_conv(emb, edge_index, W1, b1, NTOKEN)
    lookup = gcn_conv(h, edge_index, W2, b2, NTOKEN)
    # GraphEncoder: one-hot scatter + einsum lookup (faithful to the original, not a plain gather)
    bsz, mlen = input.shape
    flat = input.reshape(bsz * mlen)
    one_hot = jnp.zeros((bsz * mlen, NTOKEN), dtype=lookup.dtype).at[jnp.arange(bsz * mlen), flat].set(1.0)
    out = jnp.einsum('bt,td->bd', one_hot, lookup)
    return out.reshape(bsz, mlen, NINP)

if __name__ == "__main__":
    import jax
    _d = setup_inputs()
    print(jax.jit(kernel)(*tuple(_d.values())))

</pallas_src>

<mosaic_0001>
#map = affine_map<(d0, d1) -> (0, 0, 0)>
#map1 = affine_map<(d0, d1) -> (0)>
#map2 = affine_map<(d0, d1) -> (0, 0)>
module attributes {stable_mosaic.version = 14 : i64} {
  func.func @_plan_body(%arg0: i32, %arg1: i32, %arg2: memref<16x79x128xi32, #tpu.memory_space<hbm>>, %arg3: memref<16x84x128xi32, #tpu.memory_space<hbm>>, %arg4: memref<16x84x128xi32, #tpu.memory_space<hbm>>, %arg5: memref<1024xi32, #tpu.memory_space<hbm>>, %arg6: memref<128xf32, #tpu.memory_space<hbm>>, %arg7: memref<640xf32, #tpu.memory_space<hbm>>, %arg8: memref<10240xi32, #tpu.memory_space<hbm>>, %arg9: memref<10240xf32, #tpu.memory_space<hbm>>, %arg10: memref<16x10752xi32, #tpu.memory_space<hbm>>, %arg11: memref<16x10752xi32, #tpu.memory_space<hbm>>, %arg12: memref<16x16xi32, #tpu.memory_space<hbm>>, %arg13: memref<79x128xi32, #tpu.memory_space<vmem>>, %arg14: memref<84x128xi32, #tpu.memory_space<vmem>>, %arg15: memref<84x128xi32, #tpu.memory_space<vmem>>, %arg16: memref<1024xi32, #tpu.memory_space<vmem>>, %arg17: memref<10240xi32, #tpu.memory_space<vmem>>, %arg18: memref<10880xi32, #tpu.memory_space<vmem>>, %arg19: memref<10880xi32, #tpu.memory_space<vmem>>, %arg20: memref<128xf32, #tpu.memory_space<vmem>>, %arg21: memref<16xi32, #tpu.memory_space<vmem>>, %arg22: memref<10240xf32, #tpu.memory_space<vmem_shared>>) attributes {dimension_semantics = [#tpu.dimension_semantics<core_parallel>, #tpu.dimension_semantics<subcore_parallel>], iteration_bounds = array<i64: 2, 16>, scalar_prefetch = 0 : i64, scratch_operands = 10 : i64, tpu.core_type = #tpu.core_type<sc_vector_subcore>, window_params = [{transform_indices = #map}, {transform_indices = #map}, {transform_indices = #map}, {transform_indices = #map1}, {transform_indices = #map1}, {transform_indices = #map1}, {transform_indices = #map1}, {transform_indices = #map1}, {transform_indices = #map2}, {transform_indices = #map2}, {transform_indices = #map2}]} {
    "tpu.region"() ({
      %run_scoped3A = tpu.sem_alloc : memref<!tpu.dma_semaphore, #tpu.memory_space<semaphore_mem>>
      %dma_start3A = arith.constant 0 : i32
      %dma_start3A_90 = arith.constant 0 : i32
      %dma_start3A_91 = tpu.memref_slice %arg2[%arg1, %dma_start3A, %dma_start3A_90] : memref<16x79x128xi32, #tpu.memory_space<hbm>> -> memref<1x79x128xi32, #tpu.memory_space<hbm>>
      %dma_start3A_92 = tpu.memref_squeeze %dma_start3A_91 : memref<1x79x128xi32, #tpu.memory_space<hbm>> -> memref<79x128xi32, #tpu.memory_space<hbm>>
      %dma_start3A_93 = arith.constant 0 : i32
      %dma_start3A_94 = arith.constant 0 : i32
      %dma_start3A_95 = tpu.memref_slice %arg2[%arg1, %dma_start3A_93, %dma_start3A_94] : memref<16x79x128xi32, #tpu.memory_space<hbm>> -> memref<1x79x128xi32, #tpu.memory_space<hbm>>
      %dma_start3A_96 = tpu.memref_squeeze %dma_start3A_95 : memref<1x79x128xi32, #tpu.memory_space<hbm>> -> memref<79x128xi32, #tpu.memory_space<hbm>>
      tpu.enqueue_dma source(%dma_start3A_96 : memref<79x128xi32, #tpu.memory_space<hbm>>) target(%arg13 : memref<79x128xi32, #tpu.memory_space<vmem>>) target_semaphore(%run_scoped3A : memref<!tpu.dma_semaphore, #tpu.memory_space<semaphore_mem>>)
      %dma_wait3A = arith.constant 0 : i32
      %dma_wait3A_97 = arith.constant 0 : i32
      %dma_wait3A_98 = tpu.memref_slice %arg2[%arg1, %dma_wait3A, %dma_wait3A_97] : memref<16x79x128xi32, #tpu.memory_space<hbm>> -> memref<1x79x128xi32, #tpu.memory_space<hbm>>
      %dma_wait3A_99 = tpu.memref_squeeze %dma_wait3A_98 : memref<1x79x128xi32, #tpu.memory_space<hbm>> -> memref<79x128xi32, #tpu.memory_space<hbm>>
      %dma_wait3A_100 = arith.constant 0 : i32
      %dma_wait3A_101 = arith.constant 0 : i32
      %dma_wait3A_102 = tpu.memref_slice %arg2[%arg1, %dma_wait3A_100, %dma_wait3A_101] : memref<16x79x128xi32, #tpu.memory_space<hbm>> -> memref<1x79x128xi32, #tpu.memory_space<hbm>>
      %dma_wait3A_103 = tpu.memref_squeeze %dma_wait3A_102 : memref<1x79x128xi32, #tpu.memory_space<hbm>> -> memref<79x128xi32, #tpu.memory_space<hbm>>
      tpu.wait_dma2 semaphore(%run_scoped3A : memref<!tpu.dma_semaphore, #tpu.memory_space<semaphore_mem>>) src(%dma_wait3A_103 : memref<79x128xi32, #tpu.memory_space<hbm>>) dst(%arg13 : memref<79x128xi32, #tpu.memory_space<vmem>>)
      tpu.yield
    }) : () -> ()
    "tpu.region"() ({
      %run_scoped3A = tpu.sem_alloc : memref<!tpu.dma_semaphore, #tpu.memory_space<semaphore_mem>>
      %dma_start3A = arith.constant 0 : i32
      %dma_start3A_90 = arith.constant 0 : i32
      %dma_start3A_91 = tpu.memref_slice %arg3[%arg1, %dma_start3A, %dma_start3A_90] : memref<16x84x128xi32, #tpu.memory_space<hbm>> -> memref<1x84x128xi32, #tpu.memory_space<hbm>>
      %dma_start3A_92 = tpu.memref_squeeze %dma_start3A_91 : memref<1x84x128xi32, #tpu.memory_space<hbm>> -> memref<84x128xi32, #tpu.memory_space<hbm>>
      %dma_start3A_93 = arith.constant 0 : i32
      %dma_start3A_94 = arith.constant 0 : i32
      %dma_start3A_95 = tpu.memref_slice %arg3[%arg1, %dma_start3A_93, %dma_start3A_94] : memref<16x84x128xi32, #tpu.memory_space<hbm>> -> memref<1x84x128xi32, #tpu.memory_space<hbm>>
      %dma_start3A_96 = tpu.memref_squeeze %dma_start3A_95 : memref<1x84x128xi32, #tpu.memory_space<hbm>> -> memref<84x128xi32, #tpu.memory_space<hbm>>
      tpu.enqueue_dma source(%dma_start3A_96 : memref<84x128xi32, #tpu.memory_space<hbm>>) target(%arg14 : memref<84x128xi32, #tpu.memory_space<vmem>>) target_semaphore(%run_scoped3A : memref<!tpu.dma_semaphore, #tpu.memory_space<semaphore_mem>>)
      %dma_wait3A = arith.constant 0 : i32
      %dma_wait3A_97 = arith.constant 0 : i32
      %dma_wait3A_98 = tpu.memref_slice %arg3[%arg1, %dma_wait3A, %dma_wait3A_97] : memref<16x84x128xi32, #tpu.memory_space<hbm>> -> memref<1x84x128xi32, #tpu.memory_space<hbm>>
      %dma_wait3A_99 = tpu.memref_squeeze %dma_wait3A_98 : memref<1x84x128xi32, #tpu.memory_space<hbm>> -> memref<84x128xi32, #tpu.memory_space<hbm>>
      %dma_wait3A_100 = arith.constant 0 : i32
      %dma_wait3A_101 = arith.constant 0 : i32
      %dma_wait3A_102 = tpu.memref_slice %arg3[%arg1, %dma_wait3A_100, %dma_wait3A_101] : memref<16x84x128xi32, #tpu.memory_space<hbm>> -> memref<1x84x128xi32, #tpu.memory_space<hbm>>
      %dma_wait3A_103 = tpu.memref_squeeze %dma_wait3A_102 : memref<1x84x128xi32, #tpu.memory_space<hbm>> -> memref<84x128xi32, #tpu.memory_space<hbm>>
      tpu.wait_dma2 semaphore(%run_scoped3A : memref<!tpu.dma_semaphore, #tpu.memory_space<semaphore_mem>>) src(%dma_wait3A_103 : memref<84x128xi32, #tpu.memory_space<hbm>>) dst(%arg14 : memref<84x128xi32, #tpu.memory_space<vmem>>)
      tpu.yield
    }) : () -> ()
    "tpu.region"() ({
      %run_scoped3A = tpu.sem_alloc : memref<!tpu.dma_semaphore, #tpu.memory_space<semaphore_mem>>
      %dma_start3A = arith.constant 0 : i32
      %dma_start3A_90 = arith.constant 0 : i32
      %dma_start3A_91 = tpu.memref_slice %arg4[%arg1, %dma_start3A, %dma_start3A_90] : memref<16x84x128xi32, #tpu.memory_space<hbm>> -> memref<1x84x128xi32, #tpu.memory_space<hbm>>
      %dma_start3A_92 = tpu.memref_squeeze %dma_start3A_91 : memref<1x84x128xi32, #tpu.memory_space<hbm>> -> memref<84x128xi32, #tpu.memory_space<hbm>>
      %dma_start3A_93 = arith.constant 0 : i32
      %dma_start3A_94 = arith.constant 0 : i32
      %dma_start3A_95 = tpu.memref_slice %arg4[%arg1, %dma_start3A_93, %dma_start3A_94] : memref<16x84x128xi32, #tpu.memory_space<hbm>> -> memref<1x84x128xi32, #tpu.memory_space<hbm>>
      %dma_start3A_96 = tpu.memref_squeeze %dma_start3A_95 : memref<1x84x128xi32, #tpu.memory_space<hbm>> -> memref<84x128xi32, #tpu.memory_space<hbm>>
      tpu.enqueue_dma source(%dma_start3A_96 : memref<84x128xi32, #tpu.memory_space<hbm>>) target(%arg15 : memref<84x128xi32, #tpu.memory_space<vmem>>) target_semaphore(%run_scoped3A : memref<!tpu.dma_semaphore, #tpu.memory_space<semaphore_mem>>)
      %dma_wait3A = arith.constant 0 : i32
      %dma_wait3A_97 = arith.constant 0 : i32
      %dma_wait3A_98 = tpu.memref_slice %arg4[%arg1, %dma_wait3A, %dma_wait3A_97] : memref<16x84x128xi32, #tpu.memory_space<hbm>> -> memref<1x84x128xi32, #tpu.memory_space<hbm>>
      %dma_wait3A_99 = tpu.memref_squeeze %dma_wait3A_98 : memref<1x84x128xi32, #tpu.memory_space<hbm>> -> memref<84x128xi32, #tpu.memory_space<hbm>>
      %dma_wait3A_100 = arith.constant 0 : i32
      %dma_wait3A_101 = arith.constant 0 : i32
      %dma_wait3A_102 = tpu.memref_slice %arg4[%arg1, %dma_wait3A_100, %dma_wait3A_101] : memref<16x84x128xi32, #tpu.memory_space<hbm>> -> memref<1x84x128xi32, #tpu.memory_space<hbm>>
      %dma_wait3A_103 = tpu.memref_squeeze %dma_wait3A_102 : memref<1x84x128xi32, #tpu.memory_space<hbm>> -> memref<84x128xi32, #tpu.memory_space<hbm>>
      tpu.wait_dma2 semaphore(%run_scoped3A : memref<!tpu.dma_semaphore, #tpu.memory_space<semaphore_mem>>) src(%dma_wait3A_103 : memref<84x128xi32, #tpu.memory_space<hbm>>) dst(%arg15 : memref<84x128xi32, #tpu.memory_space<vmem>>)
      tpu.yield
    }) : () -> ()
    "tpu.region"() ({
      %run_scoped3A = tpu.sem_alloc : memref<!tpu.dma_semaphore, #tpu.memory_space<semaphore_mem>>
      tpu.enqueue_dma source(%arg5 : memref<1024xi32, #tpu.memory_space<hbm>>) target(%arg16 : memref<1024xi32, #tpu.memory_space<vmem>>) target_semaphore(%run_scoped3A : memref<!tpu.dma_semaphore, #tpu.memory_space<semaphore_mem>>)
      tpu.wait_dma2 semaphore(%run_scoped3A : memref<!tpu.dma_semaphore, #tpu.memory_space<semaphore_mem>>) src(%arg5 : memref<1024xi32, #tpu.memory_space<hbm>>) dst(%arg16 : memref<1024xi32, #tpu.memory_space<vmem>>)
      tpu.yield
    }) : () -> ()
    "tpu.region"() ({
      %run_scoped3A = tpu.sem_alloc : memref<!tpu.dma_semaphore, #tpu.memory_space<semaphore_mem>>
      tpu.enqueue_dma source(%arg8 : memref<10240xi32, #tpu.memory_space<hbm>>) target(%arg17 : memref<10240xi32, #tpu.memory_space<vmem>>) target_semaphore(%run_scoped3A : memref<!tpu.dma_semaphore, #tpu.memory_space<semaphore_mem>>)
      tpu.wait_dma2 semaphore(%run_scoped3A : memref<!tpu.dma_semaphore, #tpu.memory_space<semaphore_mem>>) src(%arg8 : memref<10240xi32, #tpu.memory_space<hbm>>) dst(%arg17 : memref<10240xi32, #tpu.memory_space<vmem>>)
      tpu.yield
    }) : () -> ()
    "tpu.region"() ({
      %run_scoped3A = tpu.sem_alloc : memref<!tpu.dma_semaphore, #tpu.memory_space<semaphore_mem>>
      tpu.enqueue_dma source(%arg6 : memref<128xf32, #tpu.memory_space<hbm>>) target(%arg20 : memref<128xf32, #tpu.memory_space<vmem>>) target_semaphore(%run_scoped3A : memref<!tpu.dma_semaphore, #tpu.memory_space<semaphore_mem>>)
      tpu.wait_dma2 semaphore(%run_scoped3A : memref<!tpu.dma_semaphore, #tpu.memory_space<semaphore_mem>>) src(%arg6 : memref<128xf32, #tpu.memory_space<hbm>>) dst(%arg20 : memref<128xf32, #tpu.memory_space<vmem>>)
      tpu.yield
    }) : () -> ()
    %mul3A = arith.constant 640 : i32
    %mul3A_0 = arith.muli %arg1, %mul3A : i32
    "tpu.region"() ({
      %run_scoped3A = tpu.sem_alloc : memref<!tpu.dma_semaphore, #tpu.memory_space<semaphore_mem>>
      %dma_start3A = tpu.memref_slice %arg22[%mul3A_0] : memref<10240xf32, #tpu.memory_space<vmem_shared>> -> memref<640xf32, #tpu.memory_space<vmem_shared>>
      tpu.enqueue_dma source(%arg7 : memref<640xf32, #tpu.memory_space<hbm>>) target(%dma_start3A : memref<640xf32, #tpu.memory_space<vmem_shared>>) target_semaphore(%run_scoped3A : memref<!tpu.dma_semaphore, #tpu.memory_space<semaphore_mem>>)
      %dma_wait3A = tpu.memref_slice %arg22[%mul3A_0] : memref<10240xf32, #tpu.memory_space<vmem_shared>> -> memref<640xf32, #tpu.memory_space<vmem_shared>>
      tpu.wait_dma2 semaphore(%run_scoped3A : memref<!tpu.dma_semaphore, #tpu.memory_space<semaphore_mem>>) src(%arg7 : memref<640xf32, #tpu.memory_space<hbm>>) dst(%dma_wait3A : memref<640xf32, #tpu.memory_space<vmem_shared>>)
      tpu.yield
    }) : () -> ()
    %barrier3A = arith.constant 0 : index
    tpu.barrier barrier_id(%barrier3A)
    %broadcast_in_dim3A = arith.constant 1 : i32
    %broadcast_in_dim3A_1 = vector.broadcast %broadcast_in_dim3A : i32 to vector<16xi32>
    %broadcast_in_dim3A_2 = arith.constant 10016 : i32
    %broadcast_in_dim3A_3 = vector.broadcast %broadcast_in_dim3A_2 : i32 to vector<16xi32>
    %scan3A = arith.constant 0 : i32
    %scan3A_4 = arith.constant 0 : i32
    %scan3A_5 = arith.constant 64 : i32
    %scan3A_6 = arith.addi %scan3A_4, %scan3A_5 : i32
    %scan3A_7 = arith.constant 1 : i32
    scf.for %scan3A_90 = %scan3A_4 to %scan3A_6 step %scan3A_7  : i32 {
      %mul3A_91 = arith.constant 16 : i32
      %mul3A_92 = arith.muli %scan3A_90, %mul3A_91 : i32
      %get3A = arith.index_cast %mul3A_92 : i32 to index
      %get3A_93 = tpu.vector_load %arg16[%get3A] {strides = array<i32>} : memref<1024xi32, #tpu.memory_space<vmem>>, vector<16xi32>,
      tpu.vector_store_idx %arg17[%get3A_93], %broadcast_in_dim3A_1 : memref<10240xi32, #tpu.memory_space<vmem>>[vector<16xi32>], vector<16xi32>,
    }
    %scan3A_8 = arith.constant 64 : i32
    %scan3A_9 = arith.constant 0 : i32
    %scan3A_10 = arith.constant 0 : i32
    %scan3A_11 = arith.constant 79 : i32
    %scan3A_12 = arith.addi %scan3A_10, %scan3A_11 : i32
    %scan3A_13 = arith.constant 1 : i32
    scf.for %scan3A_90 = %scan3A_10 to %scan3A_12 step %scan3A_13  : i32 {
      "tpu.region"() ({
        %run_scoped3A = tpu.sem_alloc : memref<!tpu.dma_semaphore, #tpu.memory_space<semaphore_mem>>
        %dma_start3A = arith.constant 0 : i32
        %dma_start3A_91 = tpu.memref_slice %arg13[%scan3A_90, %dma_start3A] : memref<79x128xi32, #tpu.memory_space<vmem>> -> memref<1x128xi32, #tpu.memory_space<vmem>>
        %dma_start3A_92 = tpu.memref_squeeze %dma_start3A_91 : memref<1x128xi32, #tpu.memory_space<vmem>> -> memref<128xi32, #tpu.memory_space<vmem>>
        %dma_start3A_93 = arith.constant 0 : i32
        %dma_start3A_94 = tpu.memref_slice %arg22[%dma_start3A_93] : memref<10240xf32, #tpu.memory_space<vmem_shared>> -> memref<10240xf32, #tpu.memory_space<vmem_shared>>
        tpu.enqueue_indirect_dma source(%arg20 : memref<128xf32, #tpu.memory_space<vmem>>) target(%dma_start3A_94 : memref<10240xf32, #tpu.memory_space<vmem_shared>>) offsets(%dma_start3A_92 : memref<128xi32, #tpu.memory_space<vmem>>) semaphore(%run_scoped3A : memref<!tpu.dma_semaphore, #tpu.memory_space<semaphore_mem>>) {add = true}
        %dma_wait3A = arith.constant 0 : i32
        %dma_wait3A_95 = tpu.memref_slice %arg13[%scan3A_90, %dma_wait3A] : memref<79x128xi32, #tpu.memory_space<vmem>> -> memref<1x128xi32, #tpu.memory_space<vmem>>
        %dma_wait3A_96 = tpu.memref_squeeze %dma_wait3A_95 : memref<1x128xi32, #tpu.memory_space<vmem>> -> memref<128xi32, #tpu.memory_space<vmem>>
        %dma_wait3A_97 = arith.constant 0 : i32
        %dma_wait3A_98 = tpu.memref_slice %arg22[%dma_wait3A_97] : memref<10240xf32, #tpu.memory_space<vmem_shared>> -> memref<10240xf32, #tpu.memory_space<vmem_shared>>
        tpu.wait_indirect_dma semaphore(%run_scoped3A : memref<!tpu.dma_semaphore, #tpu.memory_space<semaphore_mem>>) src(%arg20 : memref<128xf32, #tpu.memory_space<vmem>>) dst(%dma_wait3A_98 : memref<10240xf32, #tpu.memory_space<vmem_shared>>)
        tpu.yield
      }) : () -> ()
    }
    %scan3A_14 = arith.constant 79 : i32
    %scan3A_15 = arith.constant 0 : i32
    %scan3A_16 = arith.constant 0 : i32
    %scan3A_17 = arith.constant 84 : i32
    %scan3A_18 = arith.addi %scan3A_16, %scan3A_17 : i32
    %scan3A_19 = arith.constant 1 : i32
    %scan3A_20 = scf.for %scan3A_90 = %scan3A_16 to %scan3A_18 step %scan3A_19 iter_args(%scan3A_91 = %scan3A_15) -> (i32)  : i32 {
      %get3A = arith.index_cast %scan3A_90 : i32 to index
      %get3A_92 = arith.constant 0 : index
      %get3A_93 = tpu.vector_load %arg15[%get3A, %get3A_92] {strides = array<i32>} : memref<84x128xi32, #tpu.memory_space<vmem>>, vector<16xi32>,
      %get3A_94 = arith.index_cast %scan3A_90 : i32 to index
      %get3A_95 = arith.constant 0 : index
      %get3A_96 = tpu.vector_load %arg14[%get3A_94, %get3A_95] {strides = array<i32>} : memref<84x128xi32, #tpu.memory_space<vmem>>, vector<16xi32>,
      %gather3A = tpu.vector_load_idx %arg17[%get3A_93] : memref<10240xi32, #tpu.memory_space<vmem>>[vector<16xi32>], vector<16xi32>,
      %gt3A = arith.constant 0 : i32
      %gt3A_97 = vector.broadcast %gt3A : i32 to vector<16xi32>
      %gt3A_98 = arith.cmpi sgt, %gather3A, %gt3A_97 : vector<16xi32>
      %swap3A_99 = arith.index_cast %scan3A_91 : i32 to index
      %swap3A_100 = tpu.vector_load %arg18[%swap3A_99] masked %gt3A_98 {strides = array<i32>} : memref<10880xi32, #tpu.memory_space<vmem>>, vector<16xi32>, vector<16xi1>
      tpu.vector_store %arg18[%swap3A_99], %get3A_96 masked %gt3A_98 {strides = array<i32>} : memref<10880xi32, #tpu.memory_space<vmem>>, vector<16xi32>, vector<16xi1>
      %swap3A_101 = arith.index_cast %scan3A_91 : i32 to index
      %swap3A_102 = tpu.vector_load %arg19[%swap3A_101] masked %gt3A_98 {strides = array<i32>} : memref<10880xi32, #tpu.memory_space<vmem>>, vector<16xi32>, vector<16xi1>
      tpu.vector_store %arg19[%swap3A_101], %get3A_93 masked %gt3A_98 {strides = array<i32>} : memref<10880xi32, #tpu.memory_space<vmem>>, vector<16xi32>, vector<16xi1>
      %convert_element_type3A_103 = arith.extui %gt3A_98 : vector<16xi1> to vector<16xi32>
      %reduce_sum3A = arith.constant true
      %reduce_sum3A_104 = vector.broadcast %reduce_sum3A : i1 to vector<16xi1>
      %reduce_sum3A_105 = tpu.scan <sum>, %convert_element_type3A_103 masked %reduce_sum3A_104 : vector<16xi32>, vector<16xi1> -> vector<16xi32>
      %reduce_sum3A_106 = vector.extract %reduce_sum3A_105[15] : i32 from vector<16xi32>
      %add3A_107 = arith.addi %scan3A_91, %reduce_sum3A_106 : i32
      %get3A_108 = arith.index_cast %scan3A_90 : i32 to index
      %get3A_109 = arith.constant 16 : index
      %get3A_110 = tpu.vector_load %arg15[%get3A_108, %get3A_109] {strides = array<i32>} : memref<84x128xi32, #tpu.memory_space<vmem>>, vector<16xi32>,
      %get3A_111 = arith.index_cast %scan3A_90 : i32 to index
      %get3A_112 = arith.constant 16 : index
      %get3A_113 = tpu.vector_load %arg14[%get3A_111, %get3A_112] {strides = array<i32>} : memref<84x128xi32, #tpu.memory_space<vmem>>, vector<16xi32>,
      %gather3A_114 = tpu.vector_load_idx %arg17[%get3A_110] : memref<10240xi32, #tpu.memory_space<vmem>>[vector<16xi32>], vector<16xi32>,
      %gt3A_115 = arith.constant 0 : i32
      %gt3A_116 = vector.broadcast %gt3A_115 : i32 to vector<16xi32>
      %gt3A_117 = arith.cmpi sgt, %gather3A_114, %gt3A_116 : vector<16xi32>
      %swap3A_118 = arith.index_cast %add3A_107 : i32 to index
      %swap3A_119 = tpu.vector_load %arg18[%swap3A_118] masked %gt3A_117 {strides = array<i32>} : memref<10880xi32, #tpu.memory_space<vmem>>, vector<16xi32>, vector<16xi1>
      tpu.vector_store %arg18[%swap3A_118], %get3A_113 masked %gt3A_117 {strides = array<i32>} : memref<10880xi32, #tpu.memory_space<vmem>>, vector<16xi32>, vector<16xi1>
      %swap3A_120 = arith.index_cast %add3A_107 : i32 to index
      %swap3A_121 = tpu.vector_load %arg19[%swap3A_120] masked %gt3A_117 {strides = array<i32>} : memref<10880xi32, #tpu.memory_space<vmem>>, vector<16xi32>, vector<16xi1>
      tpu.vector_store %arg19[%swap3A_120], %get3A_110 masked %gt3A_117 {strides = array<i32>} : memref<10880xi32, #tpu.memory_space<vmem>>, vector<16xi32>, vector<16xi1>
      %convert_element_type3A_122 = arith.extui %gt3A_117 : vector<16xi1> to vector<16xi32>
      %reduce_sum3A_123 = arith.constant true
      %reduce_sum3A_124 = vector.broadcast %reduce_sum3A_123 : i1 to vector<16xi1>
      %reduce_sum3A_125 = tpu.scan <sum>, %convert_element_type3A_122 masked %reduce_sum3A_124 : vector<16xi32>, vector<16xi1> -> vector<16xi32>
      %reduce_sum3A_126 = vector.extract %reduce_sum3A_125[15] : i32 from vector<16xi32>
      %add3A_127 = arith.addi %add3A_107, %reduce_sum3A_126 : i32
      %get3A_128 = arith.index_cast %scan3A_90 : i32 to index
      %get3A_129 = arith.constant 32 : index
      %get3A_130 = tpu.vector_load %arg15[%get3A_128, %get3A_129] {strides = array<i32>} : memref<84x128xi32, #tpu.memory_space<vmem>>, vector<16xi32>,
      %get3A_131 = arith.index_cast %scan3A_90 : i32 to index
      %get3A_132 = arith.constant 32 : index
      %get3A_133 = tpu.vector_load %arg14[%get3A_131, %get3A_132] {strides = array<i32>} : memref<84x128xi32, #tpu.memory_space<vmem>>, vector<16xi32>,
      %gather3A_134 = tpu.vector_load_idx %arg17[%get3A_130] : memref<10240xi32, #tpu.memory_space<vmem>>[vector<16xi32>], vector<16xi32>,
      %gt3A_135 = arith.constant 0 : i32
      %gt3A_136 = vector.broadcast %gt3A_135 : i32 to vector<16xi32>
      %gt3A_137 = arith.cmpi sgt, %gather3A_134, %gt3A_136 : vector<16xi32>
      %swap3A_138 = arith.index_cast %add3A_127 : i32 to index
      %swap3A_139 = tpu.vector_load %arg18[%swap3A_138] masked %gt3A_137 {strides = array<i32>} : memref<10880xi32, #tpu.memory_space<vmem>>, vector<16xi32>, vector<16xi1>
      tpu.vector_store %arg18[%swap3A_138], %get3A_133 masked %gt3A_137 {strides = array<i32>} : memref<10880xi32, #tpu.memory_space<vmem>>, vector<16xi32>, vector<16xi1>
      %swap3A_140 = arith.index_cast %add3A_127 : i32 to index
      %swap3A_141 = tpu.vector_load %arg19[%swap3A_140] masked %gt3A_137 {strides = array<i32>} : memref<10880xi32, #tpu.memory_space<vmem>>, vector<16xi32>, vector<16xi1>
      tpu.vector_store %arg19[%swap3A_140], %get3A_130 masked %gt3A_137 {strides = array<i32>} : memref<10880xi32, #tpu.memory_space<vmem>>, vector<16xi32>, vector<16xi1>
      %convert_element_type3A_142 = arith.extui %gt3A_137 : vector<16xi1> to vector<16xi32>
      %reduce_sum3A_143 = arith.constant true
      %reduce_sum3A_144 = vector.broadcast %reduce_sum3A_143 : i1 to vector<16xi1>
      %reduce_sum3A_145 = tpu.scan <sum>, %convert_element_type3A_142 masked %reduce_sum3A_144 : vector<16xi32>, vector<16xi1> -> vector<16xi32>
      %reduce_sum3A_146 = vector.extract %reduce_sum3A_145[15] : i32 from vector<16xi32>
      %add3A_147 = arith.addi %add3A_127, %reduce_sum3A_146 : i32
      %get3A_148 = arith.index_cast %scan3A_90 : i32 to index
      %get3A_149 = arith.constant 48 : index
      %get3A_150 = tpu.vector_load %arg15[%get3A_148, %get3A_149] {strides = array<i32>} : memref<84x128xi32, #tpu.memory_space<vmem>>, vector<16xi32>,
      %get3A_151 = arith.index_cast %scan3A_90 : i32 to index
      %get3A_152 = arith.constant 48 : index
      %get3A_153 = tpu.vector_load %arg14[%get3A_151, %get3A_152] {strides = array<i32>} : memref<84x128xi32, #tpu.memory_space<vmem>>, vector<16xi32>,
      %gather3A_154 = tpu.vector_load_idx %arg17[%get3A_150] : memref<10240xi32, #tpu.memory_space<vmem>>[vector<16xi32>], vector<16xi32>,
      %gt3A_155 = arith.constant 0 : i32
      %gt3A_156 = vector.broadcast %gt3A_155 : i32 to vector<16xi32>
      %gt3A_157 = arith.cmpi sgt, %gather3A_154, %gt3A_156 : vector<16xi32>
      %swap3A_158 = arith.index_cast %add3A_147 : i32 to index
      %swap3A_159 = tpu.vector_load %arg18[%swap3A_158] masked %gt3A_157 {strides = array<i32>} : memref<10880xi32, #tpu.memory_space<vmem>>, vector<16xi32>, vector<16xi1>
      tpu.vector_store %arg18[%swap3A_158], %get3A_153 masked %gt3A_157 {strides = array<i32>} : memref<10880xi32, #tpu.memory_space<vmem>>, vector<16xi32>, vector<16xi1>
      %swap3A_160 = arith.index_cast %add3A_147 : i32 to index
      %swap3A_161 = tpu.vector_load %arg19[%swap3A_160] masked %gt3A_157 {strides = array<i32>} : memref<10880xi32, #tpu.memory_space<vmem>>, vector<16xi32>, vector<16xi1>
      tpu.vector_store %arg19[%swap3A_160], %get3A_150 masked %gt3A_157 {strides = array<i32>} : memref<10880xi32, #tpu.memory_space<vmem>>, vector<16xi32>, vector<16xi1>
      %convert_element_type3A_162 = arith.extui %gt3A_157 : vector<16xi1> to vector<16xi32>
      %reduce_sum3A_163 = arith.constant true
      %reduce_sum3A_164 = vector.broadcast %reduce_sum3A_163 : i1 to vector<16xi1>
      %reduce_sum3A_165 = tpu.scan <sum>, %convert_element_type3A_162 masked %reduce_sum3A_164 : vector<16xi32>, vector<16xi1> -> vector<16xi32>
      %reduce_sum3A_166 = vector.extract %reduce_sum3A_165[15] : i32 from vector<16xi32>
      %add3A_167 = arith.addi %add3A_147, %reduce_sum3A_166 : i32
      %get3A_168 = arith.index_cast %scan3A_90 : i32 to index
      %get3A_169 = arith.constant 64 : index
      %get3A_170 = tpu.vector_load %arg15[%get3A_168, %get3A_169] {strides = array<i32>} : memref<84x128xi32, #tpu.memory_space<vmem>>, vector<16xi32>,
      %get3A_171 = arith.index_cast %scan3A_90 : i32 to index
      %get3A_172 = arith.constant 64 : index
      %get3A_173 = tpu.vector_load %arg14[%get3A_171, %get3A_172] {strides = array<i32>} : memref<84x128xi32, #tpu.memory_space<vmem>>, vector<16xi32>,
      %gather3A_174 = tpu.vector_load_idx %arg17[%get3A_170] : memref<10240xi32, #tpu.memory_space<vmem>>[vector<16xi32>], vector<16xi32>,
      %gt3A_175 = arith.constant 0 : i32
      %gt3A_176 = vector.broadcast %gt3A_175 : i32 to vector<16xi32>
      %gt3A_177 = arith.cmpi sgt, %gather3A_174, %gt3A_176 : vector<16xi32>
      %swap3A_178 = arith.index_cast %add3A_167 : i32 to index
      %swap3A_179 = tpu.vector_load %arg18[%swap3A_178] masked %gt3A_177 {strides = array<i32>} : memref<10880xi32, #tpu.memory_space<vmem>>, vector<16xi32>, vector<16xi1>
      tpu.vector_store %arg18[%swap3A_178], %get3A_173 masked %gt3A_177 {strides = array<i32>} : memref<10880xi32, #tpu.memory_space<vmem>>, vector<16xi32>, vector<16xi1>
      %swap3A_180 = arith.index_cast %add3A_167 : i32 to index
      %swap3A_181 = tpu.vector_load %arg19[%swap3A_180] masked %gt3A_177 {strides = array<i32>} : memref<10880xi32, #tpu.memory_space<vmem>>, vector<16xi32>, vector<16xi1>
      tpu.vector_store %arg19[%swap3A_180], %get3A_170 masked %gt3A_177 {strides = array<i32>} : memref<10880xi32, #tpu.memory_space<vmem>>, vector<16xi32>, vector<16xi1>
      %convert_element_type3A_182 = arith.extui %gt3A_177 : vector<16xi1> to vector<16xi32>
      %reduce_sum3A_183 = arith.constant true
      %reduce_sum3A_184 = vector.broadcast %reduce_sum3A_183 : i1 to vector<16xi1>
      %reduce_sum3A_185 = tpu.scan <sum>, %convert_element_type3A_182 masked %reduce_sum3A_184 : vector<16xi32>, vector<16xi1> -> vector<16xi32>
      %reduce_sum3A_186 = vector.extract %reduce_sum3A_185[15] : i32 from vector<16xi32>
      %add3A_187 = arith.addi %add3A_167, %reduce_sum3A_186 : i32
      %get3A_188 = arith.index_cast %scan3A_90 : i32 to index
      %get3A_189 = arith.constant 80 : index
      %get3A_190 = tpu.vector_load %arg15[%get3A_188, %get3A_189] {strides = array<i32>} : memref<84x128xi32, #tpu.memory_space<vmem>>, vector<16xi32>,
      %get3A_191 = arith.index_cast %scan3A_90 : i32 to index
      %get3A_192 = arith.constant 80 : index
      %get3A_193 = tpu.vector_load %arg14[%get3A_191, %get3A_192] {strides = array<i32>} : memref<84x128xi32, #tpu.memory_space<vmem>>, vector<16xi32>,
      %gather3A_194 = tpu.vector_load_idx %arg17[%get3A_190] : memref<10240xi32, #tpu.memory_space<vmem>>[vector<16xi32>], vector<16xi32>,
      %gt3A_195 = arith.constant 0 : i32
      %gt3A_196 = vector.broadcast %gt3A_195 : i32 to vector<16xi32>
      %gt3A_197 = arith.cmpi sgt, %gather3A_194, %gt3A_196 : vector<16xi32>
      %swap3A_198 = arith.index_cast %add3A_187 : i32 to index
      %swap3A_199 = tpu.vector_load %arg18[%swap3A_198] masked %gt3A_197 {strides = array<i32>} : memref<10880xi32, #tpu.memory_space<vmem>>, vector<16xi32>, vector<16xi1>
      tpu.vector_store %arg18[%swap3A_198], %get3A_193 masked %gt3A_197 {strides = array<i32>} : memref<10880xi32, #tpu.memory_space<vmem>>, vector<16xi32>, vector<16xi1>
      %swap3A_200 = arith.index_cast %add3A_187 : i32 to index
      %swap3A_201 = tpu.vector_load %arg19[%swap3A_200] masked %gt3A_197 {strides = array<i32>} : memref<10880xi32, #tpu.memory_space<vmem>>, vector<16xi32>, vector<16xi1>
      tpu.vector_store %arg19[%swap3A_200], %get3A_190 masked %gt3A_197 {strides = array<i32>} : memref<10880xi32, #tpu.memory_space<vmem>>, vector<16xi32>, vector<16xi1>
      %convert_element_type3A_202 = arith.extui %gt3A_197 : vector<16xi1> to vector<16xi32>
      %reduce_sum3A_203 = arith.constant true
      %reduce_sum3A_204 = vector.broadcast %reduce_sum3A_203 : i1 to vector<16xi1>
      %reduce_sum3A_205 = tpu.scan <sum>, %convert_element_type3A_202 masked %reduce_sum3A_204 : vector<16xi32>, vector<16xi1> -> vector<16xi32>
      %reduce_sum3A_206 = vector.extract %reduce_sum3A_205[15] : i32 from vector<16xi32>
      %add3A_207 = arith.addi %add3A_187, %reduce_sum3A_206 : i32
      %get3A_208 = arith.index_cast %scan3A_90 : i32 to index
      %get3A_209 = arith.constant 96 : index
      %get3A_210 = tpu.vector_load %arg15[%get3A_208, %get3A_209] {strides = array<i32>} : memref<84x128xi32, #tpu.memory_space<vmem>>, vector<16xi32>,
      %get3A_211 = arith.index_cast %scan3A_90 : i32 to index
      %get3A_212 = arith.constant 96 : index
      %get3A_213 = tpu.vector_load %arg14[%get3A_211, %get3A_212] {strides = array<i32>} : memref<84x128xi32, #tpu.memory_space<vmem>>, vector<16xi32>,
      %gather3A_214 = tpu.vector_load_idx %arg17[%get3A_210] : memref<10240xi32, #tpu.memory_space<vmem>>[vector<16xi32>], vector<16xi32>,
      %gt3A_215 = arith.constant 0 : i32
      %gt3A_216 = vector.broadcast %gt3A_215 : i32 to vector<16xi32>
      %gt3A_217 = arith.cmpi sgt, %gather3A_214, %gt3A_216 : vector<16xi32>
      %swap3A_218 = arith.index_cast %add3A_207 : i32 to index
      %swap3A_219 = tpu.vector_load %arg18[%swap3A_218] masked %gt3A_217 {strides = array<i32>} : memref<10880xi32, #tpu.memory_space<vmem>>, vector<16xi32>, vector<16xi1>
      tpu.vector_store %arg18[%swap3A_218], %get3A_213 masked %gt3A_217 {strides = array<i32>} : memref<10880xi32, #tpu.memory_space<vmem>>, vector<16xi32>, vector<16xi1>
      %swap3A_220 = arith.index_cast %add3A_207 : i32 to index
      %swap3A_221 = tpu.vector_load %arg19[%swap3A_220] masked %gt3A_217 {strides = array<i32>} : memref<10880xi32, #tpu.memory_space<vmem>>, vector<16xi32>, vector<16xi1>
      tpu.vector_store %arg19[%swap3A_220], %get3A_210 masked %gt3A_217 {strides = array<i32>} : memref<10880xi32, #tpu.memory_space<vmem>>, vector<16xi32>, vector<16xi1>
      %convert_element_type3A_222 = arith.extui %gt3A_217 : vector<16xi1> to vector<16xi32>
      %reduce_sum3A_223 = arith.constant true
      %reduce_sum3A_224 = vector.broadcast %reduce_sum3A_223 : i1 to vector<16xi1>
      %reduce_sum3A_225 = tpu.scan <sum>, %convert_element_type3A_222 masked %reduce_sum3A_224 : vector<16xi32>, vector<16xi1> -> vector<16xi32>
      %reduce_sum3A_226 = vector.extract %reduce_sum3A_225[15] : i32 from vector<16xi32>
      %add3A_227 = arith.addi %add3A_207, %reduce_sum3A_226 : i32
      %get3A_228 = arith.index_cast %scan3A_90 : i32 to index
      %get3A_229 = arith.constant 112 : index
      %get3A_230 = tpu.vector_load %arg15[%get3A_228, %get3A_229] {strides = array<i32>} : memref<84x128xi32, #tpu.memory_space<vmem>>, vector<16xi32>,
      %get3A_231 = arith.index_cast %scan3A_90 : i32 to index
      %get3A_232 = arith.constant 112 : index
      %get3A_233 = tpu.vector_load %arg14[%get3A_231, %get3A_232] {strides = array<i32>} : memref<84x128xi32, #tpu.memory_space<vmem>>, vector<16xi32>,
      %gather3A_234 = tpu.vector_load_idx %arg17[%get3A_230] : memref<10240xi32, #tpu.memory_space<vmem>>[vector<16xi32>], vector<16xi32>,
      %gt3A_235 = arith.constant 0 : i32
      %gt3A_236 = vector.broadcast %gt3A_235 : i32 to vector<16xi32>
      %gt3A_237 = arith.cmpi sgt, %gather3A_234, %gt3A_236 : vector<16xi32>
      %swap3A_238 = arith.index_cast %add3A_227 : i32 to index
      %swap3A_239 = tpu.vector_load %arg18[%swap3A_238] masked %gt3A_237 {strides = array<i32>} : memref<10880xi32, #tpu.memory_space<vmem>>, vector<16xi32>, vector<16xi1>
      tpu.vector_store %arg18[%swap3A_238], %get3A_233 masked %gt3A_237 {strides = array<i32>} : memref<10880xi32, #tpu.memory_space<vmem>>, vector<16xi32>, vector<16xi1>
      %swap3A_240 = arith.index_cast %add3A_227 : i32 to index
      %swap3A_241 = tpu.vector_load %arg19[%swap3A_240] masked %gt3A_237 {strides = array<i32>} : memref<10880xi32, #tpu.memory_space<vmem>>, vector<16xi32>, vector<16xi1>
      tpu.vector_store %arg19[%swap3A_240], %get3A_230 masked %gt3A_237 {strides = array<i32>} : memref<10880xi32, #tpu.memory_space<vmem>>, vector<16xi32>, vector<16xi1>
      %convert_element_type3A_242 = arith.extui %gt3A_237 : vector<16xi1> to vector<16xi32>
      %reduce_sum3A_243 = arith.constant true
      %reduce_sum3A_244 = vector.broadcast %reduce_sum3A_243 : i1 to vector<16xi1>
      %reduce_sum3A_245 = tpu.scan <sum>, %convert_element_type3A_242 masked %reduce_sum3A_244 : vector<16xi32>, vector<16xi1> -> vector<16xi32>
      %reduce_sum3A_246 = vector.extract %reduce_sum3A_245[15] : i32 from vector<16xi32>
      %add3A_247 = arith.addi %add3A_227, %reduce_sum3A_246 : i32
      scf.yield %add3A_247 : i32
    }
    %scan3A_21 = arith.constant 84 : i32
    %add3A = arith.constant 0 : i32
    %add3A_22 = arith.addi %scan3A_20, %add3A : i32
    %swap3A = arith.index_cast %add3A_22 : i32 to index
    %swap3A_23 = tpu.vector_load %arg18[%swap3A] {strides = array<i32>} : memref<10880xi32, #tpu.memory_space<vmem>>, vector<16xi32>,
    tpu.vector_store %arg18[%swap3A], %broadcast_in_dim3A_3 {strides = array<i32>} : memref<10880xi32, #tpu.memory_space<vmem>>, vector<16xi32>,
    %add3A_24 = arith.constant 0 : i32
    %add3A_25 = arith.addi %scan3A_20, %add3A_24 : i32
    %swap3A_26 = arith.index_cast %add3A_25 : i32 to index
    %swap3A_27 = tpu.vector_load %arg19[%swap3A_26] {strides = array<i32>} : memref<10880xi32, #tpu.memory_space<vmem>>, vector<16xi32>,
    tpu.vector_store %arg19[%swap3A_26], %broadcast_in_dim3A_3 {strides = array<i32>} : memref<10880xi32, #tpu.memory_space<vmem>>, vector<16xi32>,
    %add3A_28 = arith.constant 16 : i32
    %add3A_29 = arith.addi %scan3A_20, %add3A_28 : i32
    %swap3A_30 = arith.index_cast %add3A_29 : i32 to index
    %swap3A_31 = tpu.vector_load %arg18[%swap3A_30] {strides = array<i32>} : memref<10880xi32, #tpu.memory_space<vmem>>, vector<16xi32>,
    tpu.vector_store %arg18[%swap3A_30], %broadcast_in_dim3A_3 {strides = array<i32>} : memref<10880xi32, #tpu.memory_space<vmem>>, vector<16xi32>,
    %add3A_32 = arith.constant 16 : i32
    %add3A_33 = arith.addi %scan3A_20, %add3A_32 : i32
    %swap3A_34 = arith.index_cast %add3A_33 : i32 to index
    %swap3A_35 = tpu.vector_load %arg19[%swap3A_34] {strides = array<i32>} : memref<10880xi32, #tpu.memory_space<vmem>>, vector<16xi32>,
    tpu.vector_store %arg19[%swap3A_34], %broadcast_in_dim3A_3 {strides = array<i32>} : memref<10880xi32, #tpu.memory_space<vmem>>, vector<16xi32>,
    %add3A_36 = arith.constant 32 : i32
    %add3A_37 = arith.addi %scan3A_20, %add3A_36 : i32
    %swap3A_38 = arith.index_cast %add3A_37 : i32 to index
    %swap3A_39 = tpu.vector_load %arg18[%swap3A_38] {strides = array<i32>} : memref<10880xi32, #tpu.memory_space<vmem>>, vector<16xi32>,
    tpu.vector_store %arg18[%swap3A_38], %broadcast_in_dim3A_3 {strides = array<i32>} : memref<10880xi32, #tpu.memory_space<vmem>>, vector<16xi32>,
    %add3A_40 = arith.constant 32 : i32
    %add3A_41 = arith.addi %scan3A_20, %add3A_40 : i32
    %swap3A_42 = arith.index_cast %add3A_41 : i32 to index
    %swap3A_43 = tpu.vector_load %arg19[%swap3A_42] {strides = array<i32>} : memref<10880xi32, #tpu.memory_space<vmem>>, vector<16xi32>,
    tpu.vector_store %arg19[%swap3A_42], %broadcast_in_dim3A_3 {strides = array<i32>} : memref<10880xi32, #tpu.memory_space<vmem>>, vector<16xi32>,
    %add3A_44 = arith.constant 48 : i32
    %add3A_45 = arith.addi %scan3A_20, %add3A_44 : i32
    %swap3A_46 = arith.index_cast %add3A_45 : i32 to index
    %swap3A_47 = tpu.vector_load %arg18[%swap3A_46] {strides = array<i32>} : memref<10880xi32, #tpu.memory_space<vmem>>, vector<16xi32>,
    tpu.vector_store %arg18[%swap3A_46], %broadcast_in_dim3A_3 {strides = array<i32>} : memref<10880xi32, #tpu.memory_space<vmem>>, vector<16xi32>,
    %add3A_48 = arith.constant 48 : i32
    %add3A_49 = arith.addi %scan3A_20, %add3A_48 : i32
    %swap3A_50 = arith.index_cast %add3A_49 : i32 to index
    %swap3A_51 = tpu.vector_load %arg19[%swap3A_50] {strides = array<i32>} : memref<10880xi32, #tpu.memory_space<vmem>>, vector<16xi32>,
    tpu.vector_store %arg19[%swap3A_50], %broadcast_in_dim3A_3 {strides = array<i32>} : memref<10880xi32, #tpu.memory_space<vmem>>, vector<16xi32>,
    %add3A_52 = arith.constant 64 : i32
    %add3A_53 = arith.addi %scan3A_20, %add3A_52 : i32
    %swap3A_54 = arith.index_cast %add3A_53 : i32 to index
    %swap3A_55 = tpu.vector_load %arg18[%swap3A_54] {strides = array<i32>} : memref<10880xi32, #tpu.memory_space<vmem>>, vector<16xi32>,
    tpu.vector_store %arg18[%swap3A_54], %broadcast_in_dim3A_3 {strides = array<i32>} : memref<10880xi32, #tpu.memory_space<vmem>>, vector<16xi32>,
    %add3A_56 = arith.constant 64 : i32
    %add3A_57 = arith.addi %scan3A_20, %add3A_56 : i32
    %swap3A_58 = arith.index_cast %add3A_57 : i32 to index
    %swap3A_59 = tpu.vector_load %arg19[%swap3A_58] {strides = array<i32>} : memref<10880xi32, #tpu.memory_space<vmem>>, vector<16xi32>,
    tpu.vector_store %arg19[%swap3A_58], %broadcast_in_dim3A_3 {strides = array<i32>} : memref<10880xi32, #tpu.memory_space<vmem>>, vector<16xi32>,
    %add3A_60 = arith.constant 80 : i32
    %add3A_61 = arith.addi %scan3A_20, %add3A_60 : i32
    %swap3A_62 = arith.index_cast %add3A_61 : i32 to index
    %swap3A_63 = tpu.vector_load %arg18[%swap3A_62] {strides = array<i32>} : memref<10880xi32, #tpu.memory_space<vmem>>, vector<16xi32>,
    tpu.vector_store %arg18[%swap3A_62], %broadcast_in_dim3A_3 {strides = array<i32>} : memref<10880xi32, #tpu.memory_space<vmem>>, vector<16xi32>,
    %add3A_64 = arith.constant 80 : i32
    %add3A_65 = arith.addi %scan3A_20, %add3A_64 : i32
    %swap3A_66 = arith.index_cast %add3A_65 : i32 to index
    %swap3A_67 = tpu.vector_load %arg19[%swap3A_66] {strides = array<i32>} : memref<10880xi32, #tpu.memory_space<vmem>>, vector<16xi32>,
    tpu.vector_store %arg19[%swap3A_66], %broadcast_in_dim3A_3 {strides = array<i32>} : memref<10880xi32, #tpu.memory_space<vmem>>, vector<16xi32>,
    %add3A_68 = arith.constant 96 : i32
    %add3A_69 = arith.addi %scan3A_20, %add3A_68 : i32
    %swap3A_70 = arith.index_cast %add3A_69 : i32 to index
    %swap3A_71 = tpu.vector_load %arg18[%swap3A_70] {strides = array<i32>} : memref<10880xi32, #tpu.memory_space<vmem>>, vector<16xi32>,
    tpu.vector_store %arg18[%swap3A_70], %broadcast_in_dim3A_3 {strides = array<i32>} : memref<10880xi32, #tpu.memory_space<vmem>>, vector<16xi32>,
    %add3A_72 = arith.constant 96 : i32
    %add3A_73 = arith.addi %scan3A_20, %add3A_72 : i32
    %swap3A_74 = arith.index_cast %add3A_73 : i32 to index
    %swap3A_75 = tpu.vector_load %arg19[%swap3A_74] {strides = array<i32>} : memref<10880xi32, #tpu.memory_space<vmem>>, vector<16xi32>,
    tpu.vector_store %arg19[%swap3A_74], %broadcast_in_dim3A_3 {strides = array<i32>} : memref<10880xi32, #tpu.memory_space<vmem>>, vector<16xi32>,
    %add3A_76 = arith.constant 112 : i32
    %add3A_77 = arith.addi %scan3A_20, %add3A_76 : i32
    %swap3A_78 = arith.index_cast %add3A_77 : i32 to index
    %swap3A_79 = tpu.vector_load %arg18[%swap3A_78] {strides = array<i32>} : memref<10880xi32, #tpu.memory_space<vmem>>, vector<16xi32>,
    tpu.vector_store %arg18[%swap3A_78], %broadcast_in_dim3A_3 {strides = array<i32>} : memref<10880xi32, #tpu.memory_space<vmem>>, vector<16xi32>,
    %add3A_80 = arith.constant 112 : i32
    %add3A_81 = arith.addi %scan3A_20, %add3A_80 : i32
    %swap3A_82 = arith.index_cast %add3A_81 : i32 to index
    %swap3A_83 = tpu.vector_load %arg19[%swap3A_82] {strides = array<i32>} : memref<10880xi32, #tpu.memory_space<vmem>>, vector<16xi32>,
    tpu.vector_store %arg19[%swap3A_82], %broadcast_in_dim3A_3 {strides = array<i32>} : memref<10880xi32, #tpu.memory_space<vmem>>, vector<16xi32>,
    %broadcast_in_dim3A_84 = vector.broadcast %scan3A_20 : i32 to vector<16xi32>
    %swap3A_85 = arith.constant 0 : index
    %swap3A_86 = tpu.vector_load %arg21[%swap3A_85] {strides = array<i32>} : memref<16xi32, #tpu.memory_space<vmem>>, vector<16xi32>,
    tpu.vector_store %arg21[%swap3A_85], %broadcast_in_dim3A_84 {strides = array<i32>} : memref<16xi32, #tpu.memory_space<vmem>>, vector<16xi32>,
    %barrier3A_87 = arith.constant 0 : index
    tpu.barrier barrier_id(%barrier3A_87)
    %eq3A = arith.constant 0 : i32
    %eq3A_88 = arith.cmpi eq, %arg0, %eq3A : i32
    %convert_element_type3A = arith.extui %eq3A_88 : i1 to i32
    %cond3A = arith.constant 0 : i32
    %cond3A_89 = arith.cmpi ne, %convert_element_type3A, %cond3A : i32
    scf.if %cond3A_89 {
      %mul3A_90 = arith.constant 640 : i32
      %mul3A_91 = arith.muli %arg1, %mul3A_90 : i32
      %mul3A_92 = arith.constant 640 : i32
      %mul3A_93 = arith.muli %arg1, %mul3A_92 : i32
      "tpu.region"() ({
        %run_scoped3A = tpu.sem_alloc : memref<!tpu.dma_semaphore, #tpu.memory_space<semaphore_mem>>
        %dma_start3A = tpu.memref_slice %arg9[%mul3A_93] : memref<10240xf32, #tpu.memory_space<hbm>> -> memref<640xf32, #tpu.memory_space<hbm>>
        %dma_start3A_94 = tpu.memref_slice %arg22[%mul3A_91] : memref<10240xf32, #tpu.memory_space<vmem_shared>> -> memref<640xf32, #tpu.memory_space<vmem_shared>>
        tpu.enqueue_dma source(%dma_start3A_94 : memref<640xf32, #tpu.memory_space<vmem_shared>>) target(%dma_start3A : memref<640xf32, #tpu.memory_space<hbm>>) target_semaphore(%run_scoped3A : memref<!tpu.dma_semaphore, #tpu.memory_space<semaphore_mem>>)
        %dma_wait3A = tpu.memref_slice %arg9[%mul3A_93] : memref<10240xf32, #tpu.memory_space<hbm>> -> memref<640xf32, #tpu.memory_space<hbm>>
        %dma_wait3A_95 = tpu.memref_slice %arg22[%mul3A_91] : memref<10240xf32, #tpu.memory_space<vmem_shared>> -> memref<640xf32, #tpu.memory_space<vmem_shared>>
        tpu.wait_dma2 semaphore(%run_scoped3A : memref<!tpu.dma_semaphore, #tpu.memory_space<semaphore_mem>>) src(%dma_wait3A_95 : memref<640xf32, #tpu.memory_space<vmem_shared>>) dst(%dma_wait3A : memref<640xf32, #tpu.memory_space<hbm>>)
        tpu.yield
      }) : () -> ()
      "tpu.region"() ({
        %run_scoped3A = tpu.sem_alloc : memref<!tpu.dma_semaphore, #tpu.memory_space<semaphore_mem>>
        %dma_start3A = arith.constant 0 : i32
        %dma_start3A_94 = tpu.memref_slice %arg18[%dma_start3A] : memref<10880xi32, #tpu.memory_space<vmem>> -> memref<10752xi32, #tpu.memory_space<vmem>>
        %dma_start3A_95 = arith.constant 0 : i32
        %dma_start3A_96 = tpu.memref_slice %arg10[%arg1, %dma_start3A_95] : memref<16x10752xi32, #tpu.memory_space<hbm>> -> memref<1x10752xi32, #tpu.memory_space<hbm>>
        %dma_start3A_97 = tpu.memref_squeeze %dma_start3A_96 : memref<1x10752xi32, #tpu.memory_space<hbm>> -> memref<10752xi32, #tpu.memory_space<hbm>>
        %dma_start3A_98 = arith.constant 0 : i32
        %dma_start3A_99 = tpu.memref_slice %arg10[%arg1, %dma_start3A_98] : memref<16x10752xi32, #tpu.memory_space<hbm>> -> memref<1x10752xi32, #tpu.memory_space<hbm>>
        %dma_start3A_100 = tpu.memref_squeeze %dma_start3A_99 : memref<1x10752xi32, #tpu.memory_space<hbm>> -> memref<10752xi32, #tpu.memory_space<hbm>>
        %dma_start3A_101 = arith.constant 0 : i32
        %dma_start3A_102 = tpu.memref_slice %arg18[%dma_start3A_101] : memref<10880xi32, #tpu.memory_space<vmem>> -> memref<10752xi32, #tpu.memory_space<vmem>>
        tpu.enqueue_dma source(%dma_start3A_102 : memref<10752xi32, #tpu.memory_space<vmem>>) target(%dma_start3A_100 : memref<10752xi32, #tpu.memory_space<hbm>>) target_semaphore(%run_scoped3A : memref<!tpu.dma_semaphore, #tpu.memory_space<semaphore_mem>>)
        %dma_wait3A = arith.constant 0 : i32
        %dma_wait3A_103 = tpu.memref_slice %arg18[%dma_wait3A] : memref<10880xi32, #tpu.memory_space<vmem>> -> memref<10752xi32, #tpu.memory_space<vmem>>
        %dma_wait3A_104 = arith.constant 0 : i32
        %dma_wait3A_105 = tpu.memref_slice %arg10[%arg1, %dma_wait3A_104] : memref<16x10752xi32, #tpu.memory_space<hbm>> -> memref<1x10752xi32, #tpu.memory_space<hbm>>
        %dma_wait3A_106 = tpu.memref_squeeze %dma_wait3A_105 : memref<1x10752xi32, #tpu.memory_space<hbm>> -> memref<10752xi32, #tpu.memory_space<hbm>>
        %dma_wait3A_107 = arith.constant 0 : i32
        %dma_wait3A_108 = tpu.memref_slice %arg10[%arg1, %dma_wait3A_107] : memref<16x10752xi32, #tpu.memory_space<hbm>> -> memref<1x10752xi32, #tpu.memory_space<hbm>>
        %dma_wait3A_109 = tpu.memref_squeeze %dma_wait3A_108 : memref<1x10752xi32, #tpu.memory_space<hbm>> -> memref<10752xi32, #tpu.memory_space<hbm>>
        %dma_wait3A_110 = arith.constant 0 : i32
        %dma_wait3A_111 = tpu.memref_slice %arg18[%dma_wait3A_110] : memref<10880xi32, #tpu.memory_space<vmem>> -> memref<10752xi32, #tpu.memory_space<vmem>>
        tpu.wait_dma2 semaphore(%run_scoped3A : memref<!tpu.dma_semaphore, #tpu.memory_space<semaphore_mem>>) src(%dma_wait3A_111 : memref<10752xi32, #tpu.memory_space<vmem>>) dst(%dma_wait3A_109 : memref<10752xi32, #tpu.memory_space<hbm>>)
        tpu.yield
      }) : () -> ()
      "tpu.region"() ({
        %run_scoped3A = tpu.sem_alloc : memref<!tpu.dma_semaphore, #tpu.memory_space<semaphore_mem>>
        %dma_start3A = arith.constant 0 : i32
        %dma_start3A_94 = tpu.memref_slice %arg19[%dma_start3A] : memref<10880xi32, #tpu.memory_space<vmem>> -> memref<10752xi32, #tpu.memory_space<vmem>>
        %dma_start3A_95 = arith.constant 0 : i32
        %dma_start3A_96 = tpu.memref_slice %arg11[%arg1, %dma_start3A_95] : memref<16x10752xi32, #tpu.memory_space<hbm>> -> memref<1x10752xi32, #tpu.memory_space<hbm>>
        %dma_start3A_97 = tpu.memref_squeeze %dma_start3A_96 : memref<1x10752xi32, #tpu.memory_space<hbm>> -> memref<10752xi32, #tpu.memory_space<hbm>>
        %dma_start3A_98 = arith.constant 0 : i32
        %dma_start3A_99 = tpu.memref_slice %arg11[%arg1, %dma_start3A_98] : memref<16x10752xi32, #tpu.memory_space<hbm>> -> memref<1x10752xi32, #tpu.memory_space<hbm>>
        %dma_start3A_100 = tpu.memref_squeeze %dma_start3A_99 : memref<1x10752xi32, #tpu.memory_space<hbm>> -> memref<10752xi32, #tpu.memory_space<hbm>>
        %dma_start3A_101 = arith.constant 0 : i32
        %dma_start3A_102 = tpu.memref_slice %arg19[%dma_start3A_101] : memref<10880xi32, #tpu.memory_space<vmem>> -> memref<10752xi32, #tpu.memory_space<vmem>>
        tpu.enqueue_dma source(%dma_start3A_102 : memref<10752xi32, #tpu.memory_space<vmem>>) target(%dma_start3A_100 : memref<10752xi32, #tpu.memory_space<hbm>>) target_semaphore(%run_scoped3A : memref<!tpu.dma_semaphore, #tpu.memory_space<semaphore_mem>>)
        %dma_wait3A = arith.constant 0 : i32
        %dma_wait3A_103 = tpu.memref_slice %arg19[%dma_wait3A] : memref<10880xi32, #tpu.memory_space<vmem>> -> memref<10752xi32, #tpu.memory_space<vmem>>
        %dma_wait3A_104 = arith.constant 0 : i32
        %dma_wait3A_105 = tpu.memref_slice %arg11[%arg1, %dma_wait3A_104] : memref<16x10752xi32, #tpu.memory_space<hbm>> -> memref<1x10752xi32, #tpu.memory_space<hbm>>
        %dma_wait3A_106 = tpu.memref_squeeze %dma_wait3A_105 : memref<1x10752xi32, #tpu.memory_space<hbm>> -> memref<10752xi32, #tpu.memory_space<hbm>>
        %dma_wait3A_107 = arith.constant 0 : i32
        %dma_wait3A_108 = tpu.memref_slice %arg11[%arg1, %dma_wait3A_107] : memref<16x10752xi32, #tpu.memory_space<hbm>> -> memref<1x10752xi32, #tpu.memory_space<hbm>>
        %dma_wait3A_109 = tpu.memref_squeeze %dma_wait3A_108 : memref<1x10752xi32, #tpu.memory_space<hbm>> -> memref<10752xi32, #tpu.memory_space<hbm>>
        %dma_wait3A_110 = arith.constant 0 : i32
        %dma_wait3A_111 = tpu.memref_slice %arg19[%dma_wait3A_110] : memref<10880xi32, #tpu.memory_space<vmem>> -> memref<10752xi32, #tpu.memory_space<vmem>>
        tpu.wait_dma2 semaphore(%run_scoped3A : memref<!tpu.dma_semaphore, #tpu.memory_space<semaphore_mem>>) src(%dma_wait3A_111 : memref<10752xi32, #tpu.memory_space<vmem>>) dst(%dma_wait3A_109 : memref<10752xi32, #tpu.memory_space<hbm>>)
        tpu.yield
      }) : () -> ()
      "tpu.region"() ({
        %run_scoped3A = tpu.sem_alloc : memref<!tpu.dma_semaphore, #tpu.memory_space<semaphore_mem>>
        %dma_start3A = arith.constant 0 : i32
        %dma_start3A_94 = tpu.memref_slice %arg12[%arg1, %dma_start3A] : memref<16x16xi32, #tpu.memory_space<hbm>> -> memref<1x16xi32, #tpu.memory_space<hbm>>
        %dma_start3A_95 = tpu.memref_squeeze %dma_start3A_94 : memref<1x16xi32, #tpu.memory_space<hbm>> -> memref<16xi32, #tpu.memory_space<hbm>>
        %dma_start3A_96 = arith.constant 0 : i32
        %dma_start3A_97 = tpu.memref_slice %arg12[%arg1, %dma_start3A_96] : memref<16x16xi32, #tpu.memory_space<hbm>> -> memref<1x16xi32, #tpu.memory_space<hbm>>
        %dma_start3A_98 = tpu.memref_squeeze %dma_start3A_97 : memref<1x16xi32, #tpu.memory_space<hbm>> -> memref<16xi32, #tpu.memory_space<hbm>>
        tpu.enqueue_dma source(%arg21 : memref<16xi32, #tpu.memory_space<vmem>>) target(%dma_start3A_98 : memref<16xi32, #tpu.memory_space<hbm>>) target_semaphore(%run_scoped3A : memref<!tpu.dma_semaphore, #tpu.memory_space<semaphore_mem>>)
        %dma_wait3A = arith.constant 0 : i32
        %dma_wait3A_99 = tpu.memref_slice %arg12[%arg1, %dma_wait3A] : memref<16x16xi32, #tpu.memory_space<hbm>> -> memref<1x16xi32, #tpu.memory_space<hbm>>
        %dma_wait3A_100 = tpu.memref_squeeze %dma_wait3A_99 : memref<1x16xi32, #tpu.memory_space<hbm>> -> memref<16xi32, #tpu.memory_space<hbm>>
        %dma_wait3A_101 = arith.constant 0 : i32
        %dma_wait3A_102 = tpu.memref_slice %arg12[%arg1, %dma_wait3A_101] : memref<16x16xi32, #tpu.memory_space<hbm>> -> memref<1x16xi32, #tpu.memory_space<hbm>>
        %dma_wait3A_103 = tpu.memref_squeeze %dma_wait3A_102 : memref<1x16xi32, #tpu.memory_space<hbm>> -> memref<16xi32, #tpu.memory_space<hbm>>
        tpu.wait_dma2 semaphore(%run_scoped3A : memref<!tpu.dma_semaphore, #tpu.memory_space<semaphore_mem>>) src(%arg21 : memref<16xi32, #tpu.memory_space<vmem>>) dst(%dma_wait3A_103 : memref<16xi32, #tpu.memory_space<hbm>>)
        tpu.yield
      }) : () -> ()
    } else {
    }
    return
  }
}

#map = affine_map<(d0, d1) -> (0, 0, 0, 0)>
#map1 = affine_map<(d0, d1) -> (0, 0)>
module attributes {stable_mosaic.version = 14 : i64} {
  func.func @_prop_body(%arg0: i32, %arg1: i32, %arg2: memref<16x3x28x128xi32, #tpu.memory_space<hbm>>, %arg3: memref<16x3x28x128xi32, #tpu.memory_space<hbm>>, %arg4: memref<10240x128xf32, #tpu.memory_space<hbm>>, %arg5: memref<10240x128xf32, #tpu.memory_space<hbm>>, %arg6: memref<640x128xf32, #tpu.memory_space<hbm>>, %arg7: memref<10240x256xf32, #tpu.memory_space<hbm>>, %arg8: memref<28x128xi32, #tpu.memory_space<vmem>>, %arg9: memref<28x128xi32, #tpu.memory_space<vmem>>, %arg10: memref<128x128xf32, #tpu.memory_space<vmem>>, %arg11: memref<128x128xf32, #tpu.memory_space<vmem>>, %arg12: memref<10240x128xf32, #tpu.memory_space<vmem_shared>>, %arg13: memref<!tpu.dma_semaphore, #tpu.memory_space<semaphore_mem>>, %arg14: memref<!tpu.dma_semaphore, #tpu.memory_space<semaphore_mem>>) attributes {dimension_semantics = [#tpu.dimension_semantics<core_parallel>, #tpu.dimension_semantics<subcore_parallel>], iteration_bounds = array<i64: 2, 16>, scalar_prefetch = 0 : i64, scratch_operands = 7 : i64, tpu.core_type = #tpu.core_type<sc_vector_subcore>, window_params = [{transform_indices = #map}, {transform_indices = #map}, {transform_indices = #map1}, {transform_indices = #map1}, {transform_indices = #map1}, {transform_indices = #map1}]} {
    %mul3A = arith.constant 640 : i32
    %mul3A_0 = arith.muli %arg1, %mul3A : i32
    "tpu.region"() ({
      %run_scoped3A = tpu.sem_alloc : memref<!tpu.dma_semaphore, #tpu.memory_space<semaphore_mem>>
      %dma_start3A = arith.constant 0 : i32
      %dma_start3A_19 = tpu.memref_slice %arg12[%mul3A_0, %dma_start3A] : memref<10240x128xf32, #tpu.memory_space<vmem_shared>> -> memref<640x128xf32, #tpu.memory_space<vmem_shared>>
      tpu.enqueue_dma source(%arg6 : memref<640x128xf32, #tpu.memory_space<hbm>>) target(%dma_start3A_19 : memref<640x128xf32, #tpu.memory_space<vmem_shared>>) target_semaphore(%run_scoped3A : memref<!tpu.dma_semaphore, #tpu.memory_space<semaphore_mem>>)
      %dma_wait3A = arith.constant 0 : i32
      %dma_wait3A_20 = tpu.memref_slice %arg12[%mul3A_0, %dma_wait3A] : memref<10240x128xf32, #tpu.memory_space<vmem_shared>> -> memref<640x128xf32, #tpu.memory_space<vmem_shared>>
      tpu.wait_dma2 semaphore(%run_scoped3A : memref<!tpu.dma_semaphore, #tpu.memory_space<semaphore_mem>>) src(%arg6 : memref<640x128xf32, #tpu.memory_space<hbm>>) dst(%dma_wait3A_20 : memref<640x128xf32, #tpu.memory_space<vmem_shared>>)
      tpu.yield
    }) : () -> ()
    %barrier3A = arith.constant 0 : index
    tpu.barrier barrier_id(%barrier3A)
    %eq3A = arith.constant 0 : i32
    %eq3A_1 = arith.cmpi eq, %arg0, %eq3A : i32
    %convert_element_type3A = arith.extui %eq3A_1 : i1 to i32
    %cond3A = arith.constant 0 : i32
    %cond3A_2 = arith.cmpi ne, %convert_element_type3A, %cond3A : i32
    scf.if %cond3A_2 {
      %scan3A = arith.constant 0 : i32
      %scan3A_19 = arith.constant 0 : i32
      %scan3A_20 = arith.constant 3 : i32
      %scan3A_21 = arith.addi %scan3A_19, %scan3A_20 : i32
      %scan3A_22 = arith.constant 1 : i32
      scf.for %scan3A_24 = %scan3A_19 to %scan3A_21 step %scan3A_22  : i32 {
        "tpu.region"() ({
          %run_scoped3A = tpu.sem_alloc : memref<!tpu.dma_semaphore, #tpu.memory_space<semaphore_mem>>
          %dma_start3A_44 = arith.constant 0 : i32
          %dma_start3A_45 = arith.constant 0 : i32
          %dma_start3A_46 = tpu.memref_slice %arg2[%arg1, %scan3A_24, %dma_start3A_44, %dma_start3A_45] : memref<16x3x28x128xi32, #tpu.memory_space<hbm>> -> memref<1x1x28x128xi32, #tpu.memory_space<hbm>>
          %dma_start3A_47 = tpu.memref_squeeze %dma_start3A_46 : memref<1x1x28x128xi32, #tpu.memory_space<hbm>> -> memref<28x128xi32, #tpu.memory_space<hbm>>
          %dma_start3A_48 = arith.constant 0 : i32
          %dma_start3A_49 = arith.constant 0 : i32
          %dma_start3A_50 = tpu.memref_slice %arg2[%arg1, %scan3A_24, %dma_start3A_48, %dma_start3A_49] : memref<16x3x28x128xi32, #tpu.memory_space<hbm>> -> memref<1x1x28x128xi32, #tpu.memory_space<hbm>>
          %dma_start3A_51 = tpu.memref_squeeze %dma_start3A_50 : memref<1x1x28x128xi32, #tpu.memory_space<hbm>> -> memref<28x128xi32, #tpu.memory_space<hbm>>
          tpu.enqueue_dma source(%dma_start3A_51 : memref<28x128xi32, #tpu.memory_space<hbm>>) target(%arg8 : memref<28x128xi32, #tpu.memory_space<vmem>>) target_semaphore(%run_scoped3A : memref<!tpu.dma_semaphore, #tpu.memory_space<semaphore_mem>>)
          %dma_wait3A = arith.constant 0 : i32
          %dma_wait3A_52 = arith.constant 0 : i32
          %dma_wait3A_53 = tpu.memref_slice %arg2[%arg1, %scan3A_24, %dma_wait3A, %dma_wait3A_52] : memref<16x3x28x128xi32, #tpu.memory_space<hbm>> -> memref<1x1x28x128xi32, #tpu.memory_space<hbm>>
          %dma_wait3A_54 = tpu.memref_squeeze %dma_wait3A_53 : memref<1x1x28x128xi32, #tpu.memory_space<hbm>> -> memref<28x128xi32, #tpu.memory_space<hbm>>
          %dma_wait3A_55 = arith.constant 0 : i32
          %dma_wait3A_56 = arith.constant 0 : i32
          %dma_wait3A_57 = tpu.memref_slice %arg2[%arg1, %scan3A_24, %dma_wait3A_55, %dma_wait3A_56] : memref<16x3x28x128xi32, #tpu.memory_space<hbm>> -> memref<1x1x28x128xi32, #tpu.memory_space<hbm>>
          %dma_wait3A_58 = tpu.memref_squeeze %dma_wait3A_57 : memref<1x1x28x128xi32, #tpu.memory_space<hbm>> -> memref<28x128xi32, #tpu.memory_space<hbm>>
          tpu.wait_dma2 semaphore(%run_scoped3A : memref<!tpu.dma_semaphore, #tpu.memory_space<semaphore_mem>>) src(%dma_wait3A_58 : memref<28x128xi32, #tpu.memory_space<hbm>>) dst(%arg8 : memref<28x128xi32, #tpu.memory_space<vmem>>)
          tpu.yield
        }) : () -> ()
        "tpu.region"() ({
          %run_scoped3A = tpu.sem_alloc : memref<!tpu.dma_semaphore, #tpu.memory_space<semaphore_mem>>
          %dma_start3A_44 = arith.constant 0 : i32
          %dma_start3A_45 = arith.constant 0 : i32
          %dma_start3A_46 = tpu.memref_slice %arg3[%arg1, %scan3A_24, %dma_start3A_44, %dma_start3A_45] : memref<16x3x28x128xi32, #tpu.memory_space<hbm>> -> memref<1x1x28x128xi32, #tpu.memory_space<hbm>>
          %dma_start3A_47 = tpu.memref_squeeze %dma_start3A_46 : memref<1x1x28x128xi32, #tpu.memory_space<hbm>> -> memref<28x128xi32, #tpu.memory_space<hbm>>
          %dma_start3A_48 = arith.constant 0 : i32
          %dma_start3A_49 = arith.constant 0 : i32
          %dma_start3A_50 = tpu.memref_slice %arg3[%arg1, %scan3A_24, %dma_start3A_48, %dma_start3A_49] : memref<16x3x28x128xi32, #tpu.memory_space<hbm>> -> memref<1x1x28x128xi32, #tpu.memory_space<hbm>>
          %dma_start3A_51 = tpu.memref_squeeze %dma_start3A_50 : memref<1x1x28x128xi32, #tpu.memory_space<hbm>> -> memref<28x128xi32, #tpu.memory_space<hbm>>
          tpu.enqueue_dma source(%dma_start3A_51 : memref<28x128xi32, #tpu.memory_space<hbm>>) target(%arg9 : memref<28x128xi32, #tpu.memory_space<vmem>>) target_semaphore(%run_scoped3A : memref<!tpu.dma_semaphore, #tpu.memory_space<semaphore_mem>>)
          %dma_wait3A = arith.constant 0 : i32
          %dma_wait3A_52 = arith.constant 0 : i32
          %dma_wait3A_53 = tpu.memref_slice %arg3[%arg1, %scan3A_24, %dma_wait3A, %dma_wait3A_52] : memref<16x3x28x128xi32, #tpu.memory_space<hbm>> -> memref<1x1x28x128xi32, #tpu.memory_space<hbm>>
          %dma_wait3A_54 = tpu.memref_squeeze %dma_wait3A_53 : memref<1x1x28x128xi32, #tpu.memory_space<hbm>> -> memref<28x128xi32, #tpu.memory_space<hbm>>
          %dma_wait3A_55 = arith.constant 0 : i32
          %dma_wait3A_56 = arith.constant 0 : i32
          %dma_wait3A_57 = tpu.memref_slice %arg3[%arg1, %scan3A_24, %dma_wait3A_55, %dma_wait3A_56] : memref<16x3x28x128xi32, #tpu.memory_space<hbm>> -> memref<1x1x28x128xi32, #tpu.memory_space<hbm>>
          %dma_wait3A_58 = tpu.memref_squeeze %dma_wait3A_57 : memref<1x1x28x128xi32, #tpu.memory_space<hbm>> -> memref<28x128xi32, #tpu.memory_space<hbm>>
          tpu.wait_dma2 semaphore(%run_scoped3A : memref<!tpu.dma_semaphore, #tpu.memory_space<semaphore_mem>>) src(%dma_wait3A_58 : memref<28x128xi32, #tpu.memory_space<hbm>>) dst(%arg9 : memref<28x128xi32, #tpu.memory_space<vmem>>)
          tpu.yield
        }) : () -> ()
        %dma_start3A = arith.constant 0 : i32
        %dma_start3A_25 = arith.constant 0 : i32
        %dma_start3A_26 = tpu.memref_slice %arg8[%dma_start3A, %dma_start3A_25] : memref<28x128xi32, #tpu.memory_space<vmem>> -> memref<1x128xi32, #tpu.memory_space<vmem>>
        %dma_start3A_27 = tpu.memref_squeeze %dma_start3A_26 : memref<1x128xi32, #tpu.memory_space<vmem>> -> memref<128xi32, #tpu.memory_space<vmem>>
        %dma_start3A_28 = arith.constant 0 : i32
        %dma_start3A_29 = arith.constant 0 : i32
        %dma_start3A_30 = tpu.memref_slice %arg4[%dma_start3A_28, %dma_start3A_29] : memref<10240x128xf32, #tpu.memory_space<hbm>> -> memref<10240x128xf32, #tpu.memory_space<hbm>>
        tpu.enqueue_indirect_dma source(%dma_start3A_30 : memref<10240x128xf32, #tpu.memory_space<hbm>>) target(%arg10 : memref<128x128xf32, #tpu.memory_space<vmem>>) offsets(%dma_start3A_27 : memref<128xi32, #tpu.memory_space<vmem>>) semaphore(%arg13 : memref<!tpu.dma_semaphore, #tpu.memory_space<semaphore_mem>>)
        %dma_start3A_31 = arith.constant 1 : i32
        %dma_start3A_32 = arith.constant 0 : i32
        %dma_start3A_33 = tpu.memref_slice %arg8[%dma_start3A_31, %dma_start3A_32] : memref<28x128xi32, #tpu.memory_space<vmem>> -> memref<1x128xi32, #tpu.memory_space<vmem>>
        %dma_start3A_34 = tpu.memref_squeeze %dma_start3A_33 : memref<1x128xi32, #tpu.memory_space<vmem>> -> memref<128xi32, #tpu.memory_space<vmem>>
        %dma_start3A_35 = arith.constant 0 : i32
        %dma_start3A_36 = arith.constant 0 : i32
        %dma_start3A_37 = tpu.memref_slice %arg4[%dma_start3A_35, %dma_start3A_36] : memref<10240x128xf32, #tpu.memory_space<hbm>> -> memref<10240x128xf32, #tpu.memory_space<hbm>>
        tpu.enqueue_indirect_dma source(%dma_start3A_37 : memref<10240x128xf32, #tpu.memory_space<hbm>>) target(%arg11 : memref<128x128xf32, #tpu.memory_space<vmem>>) offsets(%dma_start3A_34 : memref<128xi32, #tpu.memory_space<vmem>>) semaphore(%arg14 : memref<!tpu.dma_semaphore, #tpu.memory_space<semaphore_mem>>)
        %scan3A_38 = arith.constant 0 : i32
        %scan3A_39 = arith.constant 0 : i32
        %scan3A_40 = arith.constant 14 : i32
        %scan3A_41 = arith.addi %scan3A_39, %scan3A_40 : i32
        %scan3A_42 = arith.constant 1 : i32
        scf.for %scan3A_44 = %scan3A_39 to %scan3A_41 step %scan3A_42  : i32 {
          %mul3A_45 = arith.constant 2 : i32
          %mul3A_46 = arith.muli %mul3A_45, %scan3A_44 : i32
          %dma_wait3A = arith.constant 0 : i32
          %dma_wait3A_47 = tpu.memref_slice %arg8[%mul3A_46, %dma_wait3A] : memref<28x128xi32, #tpu.memory_space<vmem>> -> memref<1x128xi32, #tpu.memory_space<vmem>>
          %dma_wait3A_48 = tpu.memref_squeeze %dma_wait3A_47 : memref<1x128xi32, #tpu.memory_space<vmem>> -> memref<128xi32, #tpu.memory_space<vmem>>
          %dma_wait3A_49 = arith.constant 0 : i32
          %dma_wait3A_50 = arith.constant 0 : i32
          %dma_wait3A_51 = tpu.memref_slice %arg4[%dma_wait3A_49, %dma_wait3A_50] : memref<10240x128xf32, #tpu.memory_space<hbm>> -> memref<10240x128xf32, #tpu.memory_space<hbm>>
          tpu.wait_indirect_dma semaphore(%arg13 : memref<!tpu.dma_semaphore, #tpu.memory_space<semaphore_mem>>) src(%dma_wait3A_51 : memref<10240x128xf32, #tpu.memory_space<hbm>>) dst(%arg10 : memref<128x128xf32, #tpu.memory_space<vmem>>)
          "tpu.region"() ({
            %run_scoped3A = tpu.sem_alloc : memref<!tpu.dma_semaphore, #tpu.memory_space<semaphore_mem>>
            %dma_start3A_68 = arith.constant 0 : i32
            %dma_start3A_69 = tpu.memref_slice %arg9[%mul3A_46, %dma_start3A_68] : memref<28x128xi32, #tpu.memory_space<vmem>> -> memref<1x128xi32, #tpu.memory_space<vmem>>
            %dma_start3A_70 = tpu.memref_squeeze %dma_start3A_69 : memref<1x128xi32, #tpu.memory_space<vmem>> -> memref<128xi32, #tpu.memory_space<vmem>>
            %dma_start3A_71 = arith.constant 0 : i32
            %dma_start3A_72 = arith.constant 0 : i32
            %dma_start3A_73 = tpu.memref_slice %arg12[%dma_start3A_71, %dma_start3A_72] : memref<10240x128xf32, #tpu.memory_space<vmem_shared>> -> memref<10240x128xf32, #tpu.memory_space<vmem_shared>>
            tpu.enqueue_indirect_dma source(%arg10 : memref<128x128xf32, #tpu.memory_space<vmem>>) target(%dma_start3A_73 : memref<10240x128xf32, #tpu.memory_space<vmem_shared>>) offsets(%dma_start3A_70 : memref<128xi32, #tpu.memory_space<vmem>>) semaphore(%run_scoped3A : memref<!tpu.dma_semaphore, #tpu.memory_space<semaphore_mem>>) {add = true}
            %dma_wait3A_74 = arith.constant 0 : i32
            %dma_wait3A_75 = tpu.memref_slice %arg9[%mul3A_46, %dma_wait3A_74] : memref<28x128xi32, #tpu.memory_space<vmem>> -> memref<1x128xi32, #tpu.memory_space<vmem>>
            %dma_wait3A_76 = tpu.memref_squeeze %dma_wait3A_75 : memref<1x128xi32, #tpu.memory_space<vmem>> -> memref<128xi32, #tpu.memory_space<vmem>>
            %dma_wait3A_77 = arith.constant 0 : i32
            %dma_wait3A_78 = arith.constant 0 : i32
            %dma_wait3A_79 = tpu.memref_slice %arg12[%dma_wait3A_77, %dma_wait3A_78] : memref<10240x128xf32, #tpu.memory_space<vmem_shared>> -> memref<10240x128xf32, #tpu.memory_space<vmem_shared>>
            tpu.wait_indirect_dma semaphore(%run_scoped3A : memref<!tpu.dma_semaphore, #tpu.memory_space<semaphore_mem>>) src(%arg10 : memref<128x128xf32, #tpu.memory_space<vmem>>) dst(%dma_wait3A_79 : memref<10240x128xf32, #tpu.memory_space<vmem_shared>>)
            tpu.yield
          }) : () -> ()
          %lt3A = arith.constant 13 : i32
          %lt3A_52 = arith.cmpi slt, %scan3A_44, %lt3A : i32
          %convert_element_type3A_53 = arith.extui %lt3A_52 : i1 to i32
          %cond3A_54 = arith.constant 0 : i32
          %cond3A_55 = arith.cmpi ne, %convert_element_type3A_53, %cond3A_54 : i32
          scf.if %cond3A_55 {
            %add3A_68 = arith.constant 2 : i32
            %add3A_69 = arith.addi %mul3A_46, %add3A_68 : i32
            %dma_start3A_70 = arith.constant 0 : i32
            %dma_start3A_71 = tpu.memref_slice %arg8[%add3A_69, %dma_start3A_70] : memref<28x128xi32, #tpu.memory_space<vmem>> -> memref<1x128xi32, #tpu.memory_space<vmem>>
            %dma_start3A_72 = tpu.memref_squeeze %dma_start3A_71 : memref<1x128xi32, #tpu.memory_space<vmem>> -> memref<128xi32, #tpu.memory_space<vmem>>
            %dma_start3A_73 = arith.constant 0 : i32
            %dma_start3A_74 = arith.constant 0 : i32
            %dma_start3A_75 = tpu.memref_slice %arg4[%dma_start3A_73, %dma_start3A_74] : memref<10240x128xf32, #tpu.memory_space<hbm>> -> memref<10240x128xf32, #tpu.memory_space<hbm>>
            tpu.enqueue_indirect_dma source(%dma_start3A_75 : memref<10240x128xf32, #tpu.memory_space<hbm>>) target(%arg10 : memref<128x128xf32, #tpu.memory_space<vmem>>) offsets(%dma_start3A_72 : memref<128xi32, #tpu.memory_space<vmem>>) semaphore(%arg13 : memref<!tpu.dma_semaphore, #tpu.memory_space<semaphore_mem>>)
          } else {
          }
          %dma_wait3A_56 = arith.constant 0 : i32
          %dma_wait3A_57 = tpu.memref_slice %arg8[%mul3A_46, %dma_wait3A_56] : memref<28x128xi32, #tpu.memory_space<vmem>> -> memref<1x128xi32, #tpu.memory_space<vmem>>
          %dma_wait3A_58 = tpu.memref_squeeze %dma_wait3A_57 : memref<1x128xi32, #tpu.memory_space<vmem>> -> memref<128xi32, #tpu.memory_space<vmem>>
          %dma_wait3A_59 = arith.constant 0 : i32
          %dma_wait3A_60 = arith.constant 0 : i32
          %dma_wait3A_61 = tpu.memref_slice %arg4[%dma_wait3A_59, %dma_wait3A_60] : memref<10240x128xf32, #tpu.memory_space<hbm>> -> memref<10240x128xf32, #tpu.memory_space<hbm>>
          tpu.wait_indirect_dma semaphore(%arg14 : memref<!tpu.dma_semaphore, #tpu.memory_space<semaphore_mem>>) src(%dma_wait3A_61 : memref<10240x128xf32, #tpu.memory_space<hbm>>) dst(%arg11 : memref<128x128xf32, #tpu.memory_space<vmem>>)
          %add3A = arith.constant 1 : i32
          %add3A_62 = arith.addi %mul3A_46, %add3A : i32
          "tpu.region"() ({
            %run_scoped3A = tpu.sem_alloc : memref<!tpu.dma_semaphore, #tpu.memory_space<semaphore_mem>>
            %dma_start3A_68 = arith.constant 0 : i32
            %dma_start3A_69 = tpu.memref_slice %arg9[%add3A_62, %dma_start3A_68] : memref<28x128xi32, #tpu.memory_space<vmem>> -> memref<1x128xi32, #tpu.memory_space<vmem>>
            %dma_start3A_70 = tpu.memref_squeeze %dma_start3A_69 : memref<1x128xi32, #tpu.memory_space<vmem>> -> memref<128xi32, #tpu.memory_space<vmem>>
            %dma_start3A_71 = arith.constant 0 : i32
            %dma_start3A_72 = arith.constant 0 : i32
            %dma_start3A_73 = tpu.memref_slice %arg12[%dma_start3A_71, %dma_start3A_72] : memref<10240x128xf32, #tpu.memory_space<vmem_shared>> -> memref<10240x128xf32, #tpu.memory_space<vmem_shared>>
            tpu.enqueue_indirect_dma source(%arg11 : memref<128x128xf32, #tpu.memory_space<vmem>>) target(%dma_start3A_73 : memref<10240x128xf32, #tpu.memory_space<vmem_shared>>) offsets(%dma_start3A_70 : memref<128xi32, #tpu.memory_space<vmem>>) semaphore(%run_scoped3A : memref<!tpu.dma_semaphore, #tpu.memory_space<semaphore_mem>>) {add = true}
            %dma_wait3A_74 = arith.constant 0 : i32
            %dma_wait3A_75 = tpu.memref_slice %arg9[%add3A_62, %dma_wait3A_74] : memref<28x128xi32, #tpu.memory_space<vmem>> -> memref<1x128xi32, #tpu.memory_space<vmem>>
            %dma_wait3A_76 = tpu.memref_squeeze %dma_wait3A_75 : memref<1x128xi32, #tpu.memory_space<vmem>> -> memref<128xi32, #tpu.memory_space<vmem>>
            %dma_wait3A_77 = arith.constant 0 : i32
            %dma_wait3A_78 = arith.constant 0 : i32
            %dma_wait3A_79 = tpu.memref_slice %arg12[%dma_wait3A_77, %dma_wait3A_78] : memref<10240x128xf32, #tpu.memory_space<vmem_shared>> -> memref<10240x128xf32, #tpu.memory_space<vmem_shared>>
            tpu.wait_indirect_dma semaphore(%run_scoped3A : memref<!tpu.dma_semaphore, #tpu.memory_space<semaphore_mem>>) src(%arg11 : memref<128x128xf32, #tpu.memory_space<vmem>>) dst(%dma_wait3A_79 : memref<10240x128xf32, #tpu.memory_space<vmem_shared>>)
            tpu.yield
          }) : () -> ()
          %lt3A_63 = arith.constant 13 : i32
          %lt3A_64 = arith.cmpi slt, %scan3A_44, %lt3A_63 : i32
          %convert_element_type3A_65 = arith.extui %lt3A_64 : i1 to i32
          %cond3A_66 = arith.constant 0 : i32
          %cond3A_67 = arith.cmpi ne, %convert_element_type3A_65, %cond3A_66 : i32
          scf.if %cond3A_67 {
            %add3A_68 = arith.constant 3 : i32
            %add3A_69 = arith.addi %mul3A_46, %add3A_68 : i32
            %dma_start3A_70 = arith.constant 0 : i32
            %dma_start3A_71 = tpu.memref_slice %arg8[%add3A_69, %dma_start3A_70] : memref<28x128xi32, #tpu.memory_space<vmem>> -> memref<1x128xi32, #tpu.memory_space<vmem>>
            %dma_start3A_72 = tpu.memref_squeeze %dma_start3A_71 : memref<1x128xi32, #tpu.memory_space<vmem>> -> memref<128xi32, #tpu.memory_space<vmem>>
            %dma_start3A_73 = arith.constant 0 : i32
            %dma_start3A_74 = arith.constant 0 : i32
            %dma_start3A_75 = tpu.memref_slice %arg4[%dma_start3A_73, %dma_start3A_74] : memref<10240x128xf32, #tpu.memory_space<hbm>> -> memref<10240x128xf32, #tpu.memory_space<hbm>>
            tpu.enqueue_indirect_dma source(%dma_start3A_75 : memref<10240x128xf32, #tpu.memory_space<hbm>>) target(%arg11 : memref<128x128xf32, #tpu.memory_space<vmem>>) offsets(%dma_start3A_72 : memref<128xi32, #tpu.memory_space<vmem>>) semaphore(%arg14 : memref<!tpu.dma_semaphore, #tpu.memory_space<semaphore_mem>>)
          } else {
          }
        }
        %scan3A_43 = arith.constant 14 : i32
      }
      %scan3A_23 = arith.constant 3 : i32
    } else {
    }
    %eq3A_3 = arith.constant 1 : i32
    %eq3A_4 = arith.cmpi eq, %arg0, %eq3A_3 : i32
    %convert_element_type3A_5 = arith.extui %eq3A_4 : i1 to i32
    %cond3A_6 = arith.constant 0 : i32
    %cond3A_7 = arith.cmpi ne, %convert_element_type3A_5, %cond3A_6 : i32
    scf.if %cond3A_7 {
      %scan3A = arith.constant 0 : i32
      %scan3A_19 = arith.constant 0 : i32
      %scan3A_20 = arith.constant 3 : i32
      %scan3A_21 = arith.addi %scan3A_19, %scan3A_20 : i32
      %scan3A_22 = arith.constant 1 : i32
      scf.for %scan3A_24 = %scan3A_19 to %scan3A_21 step %scan3A_22  : i32 {
        "tpu.region"() ({
          %run_scoped3A = tpu.sem_alloc : memref<!tpu.dma_semaphore, #tpu.memory_space<semaphore_mem>>
          %dma_start3A_44 = arith.constant 0 : i32
          %dma_start3A_45 = arith.constant 0 : i32
          %dma_start3A_46 = tpu.memref_slice %arg2[%arg1, %scan3A_24, %dma_start3A_44, %dma_start3A_45] : memref<16x3x28x128xi32, #tpu.memory_space<hbm>> -> memref<1x1x28x128xi32, #tpu.memory_space<hbm>>
          %dma_start3A_47 = tpu.memref_squeeze %dma_start3A_46 : memref<1x1x28x128xi32, #tpu.memory_space<hbm>> -> memref<28x128xi32, #tpu.memory_space<hbm>>
          %dma_start3A_48 = arith.constant 0 : i32
          %dma_start3A_49 = arith.constant 0 : i32
          %dma_start3A_50 = tpu.memref_slice %arg2[%arg1, %scan3A_24, %dma_start3A_48, %dma_start3A_49] : memref<16x3x28x128xi32, #tpu.memory_space<hbm>> -> memref<1x1x28x128xi32, #tpu.memory_space<hbm>>
          %dma_start3A_51 = tpu.memref_squeeze %dma_start3A_50 : memref<1x1x28x128xi32, #tpu.memory_space<hbm>> -> memref<28x128xi32, #tpu.memory_space<hbm>>
          tpu.enqueue_dma source(%dma_start3A_51 : memref<28x128xi32, #tpu.memory_space<hbm>>) target(%arg8 : memref<28x128xi32, #tpu.memory_space<vmem>>) target_semaphore(%run_scoped3A : memref<!tpu.dma_semaphore, #tpu.memory_space<semaphore_mem>>)
          %dma_wait3A = arith.constant 0 : i32
          %dma_wait3A_52 = arith.constant 0 : i32
          %dma_wait3A_53 = tpu.memref_slice %arg2[%arg1, %scan3A_24, %dma_wait3A, %dma_wait3A_52] : memref<16x3x28x128xi32, #tpu.memory_space<hbm>> -> memref<1x1x28x128xi32, #tpu.memory_space<hbm>>
          %dma_wait3A_54 = tpu.memref_squeeze %dma_wait3A_53 : memref<1x1x28x128xi32, #tpu.memory_space<hbm>> -> memref<28x128xi32, #tpu.memory_space<hbm>>
          %dma_wait3A_55 = arith.constant 0 : i32
          %dma_wait3A_56 = arith.constant 0 : i32
          %dma_wait3A_57 = tpu.memref_slice %arg2[%arg1, %scan3A_24, %dma_wait3A_55, %dma_wait3A_56] : memref<16x3x28x128xi32, #tpu.memory_space<hbm>> -> memref<1x1x28x128xi32, #tpu.memory_space<hbm>>
          %dma_wait3A_58 = tpu.memref_squeeze %dma_wait3A_57 : memref<1x1x28x128xi32, #tpu.memory_space<hbm>> -> memref<28x128xi32, #tpu.memory_space<hbm>>
          tpu.wait_dma2 semaphore(%run_scoped3A : memref<!tpu.dma_semaphore, #tpu.memory_space<semaphore_mem>>) src(%dma_wait3A_58 : memref<28x128xi32, #tpu.memory_space<hbm>>) dst(%arg8 : memref<28x128xi32, #tpu.memory_space<vmem>>)
          tpu.yield
        }) : () -> ()
        "tpu.region"() ({
          %run_scoped3A = tpu.sem_alloc : memref<!tpu.dma_semaphore, #tpu.memory_space<semaphore_mem>>
          %dma_start3A_44 = arith.constant 0 : i32
          %dma_start3A_45 = arith.constant 0 : i32
          %dma_start3A_46 = tpu.memref_slice %arg3[%arg1, %scan3A_24, %dma_start3A_44, %dma_start3A_45] : memref<16x3x28x128xi32, #tpu.memory_space<hbm>> -> memref<1x1x28x128xi32, #tpu.memory_space<hbm>>
          %dma_start3A_47 = tpu.memref_squeeze %dma_start3A_46 : memref<1x1x28x128xi32, #tpu.memory_space<hbm>> -> memref<28x128xi32, #tpu.memory_space<hbm>>
          %dma_start3A_48 = arith.constant 0 : i32
          %dma_start3A_49 = arith.constant 0 : i32
          %dma_start3A_50 = tpu.memref_slice %arg3[%arg1, %scan3A_24, %dma_start3A_48, %dma_start3A_49] : memref<16x3x28x128xi32, #tpu.memory_space<hbm>> -> memref<1x1x28x128xi32, #tpu.memory_space<hbm>>
          %dma_start3A_51 = tpu.memref_squeeze %dma_start3A_50 : memref<1x1x28x128xi32, #tpu.memory_space<hbm>> -> memref<28x128xi32, #tpu.memory_space<hbm>>
          tpu.enqueue_dma source(%dma_start3A_51 : memref<28x128xi32, #tpu.memory_space<hbm>>) target(%arg9 : memref<28x128xi32, #tpu.memory_space<vmem>>) target_semaphore(%run_scoped3A : memref<!tpu.dma_semaphore, #tpu.memory_space<semaphore_mem>>)
          %dma_wait3A = arith.constant 0 : i32
          %dma_wait3A_52 = arith.constant 0 : i32
          %dma_wait3A_53 = tpu.memref_slice %arg3[%arg1, %scan3A_24, %dma_wait3A, %dma_wait3A_52] : memref<16x3x28x128xi32, #tpu.memory_space<hbm>> -> memref<1x1x28x128xi32, #tpu.memory_space<hbm>>
          %dma_wait3A_54 = tpu.memref_squeeze %dma_wait3A_53 : memref<1x1x28x128xi32, #tpu.memory_space<hbm>> -> memref<28x128xi32, #tpu.memory_space<hbm>>
          %dma_wait3A_55 = arith.constant 0 : i32
          %dma_wait3A_56 = arith.constant 0 : i32
          %dma_wait3A_57 = tpu.memref_slice %arg3[%arg1, %scan3A_24, %dma_wait3A_55, %dma_wait3A_56] : memref<16x3x28x128xi32, #tpu.memory_space<hbm>> -> memref<1x1x28x128xi32, #tpu.memory_space<hbm>>
          %dma_wait3A_58 = tpu.memref_squeeze %dma_wait3A_57 : memref<1x1x28x128xi32, #tpu.memory_space<hbm>> -> memref<28x128xi32, #tpu.memory_space<hbm>>
          tpu.wait_dma2 semaphore(%run_scoped3A : memref<!tpu.dma_semaphore, #tpu.memory_space<semaphore_mem>>) src(%dma_wait3A_58 : memref<28x128xi32, #tpu.memory_space<hbm>>) dst(%arg9 : memref<28x128xi32, #tpu.memory_space<vmem>>)
          tpu.yield
        }) : () -> ()
        %dma_start3A = arith.constant 0 : i32
        %dma_start3A_25 = arith.constant 0 : i32
        %dma_start3A_26 = tpu.memref_slice %arg8[%dma_start3A, %dma_start3A_25] : memref<28x128xi32, #tpu.memory_space<vmem>> -> memref<1x128xi32, #tpu.memory_space<vmem>>
        %dma_start3A_27 = tpu.memref_squeeze %dma_start3A_26 : memref<1x128xi32, #tpu.memory_space<vmem>> -> memref<128xi32, #tpu.memory_space<vmem>>
        %dma_start3A_28 = arith.constant 0 : i32
        %dma_start3A_29 = arith.constant 0 : i32
        %dma_start3A_30 = tpu.memref_slice %arg5[%dma_start3A_28, %dma_start3A_29] : memref<10240x128xf32, #tpu.memory_space<hbm>> -> memref<10240x128xf32, #tpu.memory_space<hbm>>
        tpu.enqueue_indirect_dma source(%dma_start3A_30 : memref<10240x128xf32, #tpu.memory_space<hbm>>) target(%arg10 : memref<128x128xf32, #tpu.memory_space<vmem>>) offsets(%dma_start3A_27 : memref<128xi32, #tpu.memory_space<vmem>>) semaphore(%arg13 : memref<!tpu.dma_semaphore, #tpu.memory_space<semaphore_mem>>)
        %dma_start3A_31 = arith.constant 1 : i32
        %dma_start3A_32 = arith.constant 0 : i32
        %dma_start3A_33 = tpu.memref_slice %arg8[%dma_start3A_31, %dma_start3A_32] : memref<28x128xi32, #tpu.memory_space<vmem>> -> memref<1x128xi32, #tpu.memory_space<vmem>>
        %dma_start3A_34 = tpu.memref_squeeze %dma_start3A_33 : memref<1x128xi32, #tpu.memory_space<vmem>> -> memref<128xi32, #tpu.memory_space<vmem>>
        %dma_start3A_35 = arith.constant 0 : i32
        %dma_start3A_36 = arith.constant 0 : i32
        %dma_start3A_37 = tpu.memref_slice %arg5[%dma_start3A_35, %dma_start3A_36] : memref<10240x128xf32, #tpu.memory_space<hbm>> -> memref<10240x128xf32, #tpu.memory_space<hbm>>
        tpu.enqueue_indirect_dma source(%dma_start3A_37 : memref<10240x128xf32, #tpu.memory_space<hbm>>) target(%arg11 : memref<128x128xf32, #tpu.memory_space<vmem>>) offsets(%dma_start3A_34 : memref<128xi32, #tpu.memory_space<vmem>>) semaphore(%arg14 : memref<!tpu.dma_semaphore, #tpu.memory_space<semaphore_mem>>)
        %scan3A_38 = arith.constant 0 : i32
        %scan3A_39 = arith.constant 0 : i32
        %scan3A_40 = arith.constant 14 : i32
        %scan3A_41 = arith.addi %scan3A_39, %scan3A_40 : i32
        %scan3A_42 = arith.constant 1 : i32
        scf.for %scan3A_44 = %scan3A_39 to %scan3A_41 step %scan3A_42  : i32 {
          %mul3A_45 = arith.constant 2 : i32
          %mul3A_46 = arith.muli %mul3A_45, %scan3A_44 : i32
          %dma_wait3A = arith.constant 0 : i32
          %dma_wait3A_47 = tpu.memref_slice %arg8[%mul3A_46, %dma_wait3A] : memref<28x128xi32, #tpu.memory_space<vmem>> -> memref<1x128xi32, #tpu.memory_space<vmem>>
          %dma_wait3A_48 = tpu.memref_squeeze %dma_wait3A_47 : memref<1x128xi32, #tpu.memory_space<vmem>> -> memref<128xi32, #tpu.memory_space<vmem>>
          %dma_wait3A_49 = arith.constant 0 : i32
          %dma_wait3A_50 = arith.constant 0 : i32
          %dma_wait3A_51 = tpu.memref_slice %arg5[%dma_wait3A_49, %dma_wait3A_50] : memref<10240x128xf32, #tpu.memory_space<hbm>> -> memref<10240x128xf32, #tpu.memory_space<hbm>>
          tpu.wait_indirect_dma semaphore(%arg13 : memref<!tpu.dma_semaphore, #tpu.memory_space<semaphore_mem>>) src(%dma_wait3A_51 : memref<10240x128xf32, #tpu.memory_space<hbm>>) dst(%arg10 : memref<128x128xf32, #tpu.memory_space<vmem>>)
          "tpu.region"() ({
            %run_scoped3A = tpu.sem_alloc : memref<!tpu.dma_semaphore, #tpu.memory_space<semaphore_mem>>
            %dma_start3A_68 = arith.constant 0 : i32
            %dma_start3A_69 = tpu.memref_slice %arg9[%mul3A_46, %dma_start3A_68] : memref<28x128xi32, #tpu.memory_space<vmem>> -> memref<1x128xi32, #tpu.memory_space<vmem>>
            %dma_start3A_70 = tpu.memref_squeeze %dma_start3A_69 : memref<1x128xi32, #tpu.memory_space<vmem>> -> memref<128xi32, #tpu.memory_space<vmem>>
            %dma_start3A_71 = arith.constant 0 : i32
            %dma_start3A_72 = arith.constant 0 : i32
            %dma_start3A_73 = tpu.memref_slice %arg12[%dma_start3A_71, %dma_start3A_72] : memref<10240x128xf32, #tpu.memory_space<vmem_shared>> -> memref<10240x128xf32, #tpu.memory_space<vmem_shared>>
            tpu.enqueue_indirect_dma source(%arg10 : memref<128x128xf32, #tpu.memory_space<vmem>>) target(%dma_start3A_73 : memref<10240x128xf32, #tpu.memory_space<vmem_shared>>) offsets(%dma_start3A_70 : memref<128xi32, #tpu.memory_space<vmem>>) semaphore(%run_scoped3A : memref<!tpu.dma_semaphore, #tpu.memory_space<semaphore_mem>>) {add = true}
            %dma_wait3A_74 = arith.constant 0 : i32
            %dma_wait3A_75 = tpu.memref_slice %arg9[%mul3A_46, %dma_wait3A_74] : memref<28x128xi32, #tpu.memory_space<vmem>> -> memref<1x128xi32, #tpu.memory_space<vmem>>
            %dma_wait3A_76 = tpu.memref_squeeze %dma_wait3A_75 : memref<1x128xi32, #tpu.memory_space<vmem>> -> memref<128xi32, #tpu.memory_space<vmem>>
            %dma_wait3A_77 = arith.constant 0 : i32
            %dma_wait3A_78 = arith.constant 0 : i32
            %dma_wait3A_79 = tpu.memref_slice %arg12[%dma_wait3A_77, %dma_wait3A_78] : memref<10240x128xf32, #tpu.memory_space<vmem_shared>> -> memref<10240x128xf32, #tpu.memory_space<vmem_shared>>
            tpu.wait_indirect_dma semaphore(%run_scoped3A : memref<!tpu.dma_semaphore, #tpu.memory_space<semaphore_mem>>) src(%arg10 : memref<128x128xf32, #tpu.memory_space<vmem>>) dst(%dma_wait3A_79 : memref<10240x128xf32, #tpu.memory_space<vmem_shared>>)
            tpu.yield
          }) : () -> ()
          %lt3A = arith.constant 13 : i32
          %lt3A_52 = arith.cmpi slt, %scan3A_44, %lt3A : i32
          %convert_element_type3A_53 = arith.extui %lt3A_52 : i1 to i32
          %cond3A_54 = arith.constant 0 : i32
          %cond3A_55 = arith.cmpi ne, %convert_element_type3A_53, %cond3A_54 : i32
          scf.if %cond3A_55 {
            %add3A_68 = arith.constant 2 : i32
            %add3A_69 = arith.addi %mul3A_46, %add3A_68 : i32
            %dma_start3A_70 = arith.constant 0 : i32
            %dma_start3A_71 = tpu.memref_slice %arg8[%add3A_69, %dma_start3A_70] : memref<28x128xi32, #tpu.memory_space<vmem>> -> memref<1x128xi32, #tpu.memory_space<vmem>>
            %dma_start3A_72 = tpu.memref_squeeze %dma_start3A_71 : memref<1x128xi32, #tpu.memory_space<vmem>> -> memref<128xi32, #tpu.memory_space<vmem>>
            %dma_start3A_73 = arith.constant 0 : i32
            %dma_start3A_74 = arith.constant 0 : i32
            %dma_start3A_75 = tpu.memref_slice %arg5[%dma_start3A_73, %dma_start3A_74] : memref<10240x128xf32, #tpu.memory_space<hbm>> -> memref<10240x128xf32, #tpu.memory_space<hbm>>
            tpu.enqueue_indirect_dma source(%dma_start3A_75 : memref<10240x128xf32, #tpu.memory_space<hbm>>) target(%arg10 : memref<128x128xf32, #tpu.memory_space<vmem>>) offsets(%dma_start3A_72 : memref<128xi32, #tpu.memory_space<vmem>>) semaphore(%arg13 : memref<!tpu.dma_semaphore, #tpu.memory_space<semaphore_mem>>)
          } else {
          }
          %dma_wait3A_56 = arith.constant 0 : i32
          %dma_wait3A_57 = tpu.memref_slice %arg8[%mul3A_46, %dma_wait3A_56] : memref<28x128xi32, #tpu.memory_space<vmem>> -> memref<1x128xi32, #tpu.memory_space<vmem>>
          %dma_wait3A_58 = tpu.memref_squeeze %dma_wait3A_57 : memref<1x128xi32, #tpu.memory_space<vmem>> -> memref<128xi32, #tpu.memory_space<vmem>>
          %dma_wait3A_59 = arith.constant 0 : i32
          %dma_wait3A_60 = arith.constant 0 : i32
          %dma_wait3A_61 = tpu.memref_slice %arg5[%dma_wait3A_59, %dma_wait3A_60] : memref<10240x128xf32, #tpu.memory_space<hbm>> -> memref<10240x128xf32, #tpu.memory_space<hbm>>
          tpu.wait_indirect_dma semaphore(%arg14 : memref<!tpu.dma_semaphore, #tpu.memory_space<semaphore_mem>>) src(%dma_wait3A_61 : memref<10240x128xf32, #tpu.memory_space<hbm>>) dst(%arg11 : memref<128x128xf32, #tpu.memory_space<vmem>>)
          %add3A = arith.constant 1 : i32
          %add3A_62 = arith.addi %mul3A_46, %add3A : i32
          "tpu.region"() ({
            %run_scoped3A = tpu.sem_alloc : memref<!tpu.dma_semaphore, #tpu.memory_space<semaphore_mem>>
            %dma_start3A_68 = arith.constant 0 : i32
            %dma_start3A_69 = tpu.memref_slice %arg9[%add3A_62, %dma_start3A_68] : memref<28x128xi32, #tpu.memory_space<vmem>> -> memref<1x128xi32, #tpu.memory_space<vmem>>
            %dma_start3A_70 = tpu.memref_squeeze %dma_start3A_69 : memref<1x128xi32, #tpu.memory_space<vmem>> -> memref<128xi32, #tpu.memory_space<vmem>>
            %dma_start3A_71 = arith.constant 0 : i32
            %dma_start3A_72 = arith.constant 0 : i32
            %dma_start3A_73 = tpu.memref_slice %arg12[%dma_start3A_71, %dma_start3A_72] : memref<10240x128xf32, #tpu.memory_space<vmem_shared>> -> memref<10240x128xf32, #tpu.memory_space<vmem_shared>>
            tpu.enqueue_indirect_dma source(%arg11 : memref<128x128xf32, #tpu.memory_space<vmem>>) target(%dma_start3A_73 : memref<10240x128xf32, #tpu.memory_space<vmem_shared>>) offsets(%dma_start3A_70 : memref<128xi32, #tpu.memory_space<vmem>>) semaphore(%run_scoped3A : memref<!tpu.dma_semaphore, #tpu.memory_space<semaphore_mem>>) {add = true}
            %dma_wait3A_74 = arith.constant 0 : i32
            %dma_wait3A_75 = tpu.memref_slice %arg9[%add3A_62, %dma_wait3A_74] : memref<28x128xi32, #tpu.memory_space<vmem>> -> memref<1x128xi32, #tpu.memory_space<vmem>>
            %dma_wait3A_76 = tpu.memref_squeeze %dma_wait3A_75 : memref<1x128xi32, #tpu.memory_space<vmem>> -> memref<128xi32, #tpu.memory_space<vmem>>
            %dma_wait3A_77 = arith.constant 0 : i32
            %dma_wait3A_78 = arith.constant 0 : i32
            %dma_wait3A_79 = tpu.memref_slice %arg12[%dma_wait3A_77, %dma_wait3A_78] : memref<10240x128xf32, #tpu.memory_space<vmem_shared>> -> memref<10240x128xf32, #tpu.memory_space<vmem_shared>>
            tpu.wait_indirect_dma semaphore(%run_scoped3A : memref<!tpu.dma_semaphore, #tpu.memory_space<semaphore_mem>>) src(%arg11 : memref<128x128xf32, #tpu.memory_space<vmem>>) dst(%dma_wait3A_79 : memref<10240x128xf32, #tpu.memory_space<vmem_shared>>)
            tpu.yield
          }) : () -> ()
          %lt3A_63 = arith.constant 13 : i32
          %lt3A_64 = arith.cmpi slt, %scan3A_44, %lt3A_63 : i32
          %convert_element_type3A_65 = arith.extui %lt3A_64 : i1 to i32
          %cond3A_66 = arith.constant 0 : i32
          %cond3A_67 = arith.cmpi ne, %convert_element_type3A_65, %cond3A_66 : i32
          scf.if %cond3A_67 {
            %add3A_68 = arith.constant 3 : i32
            %add3A_69 = arith.addi %mul3A_46, %add3A_68 : i32
            %dma_start3A_70 = arith.constant 0 : i32
            %dma_start3A_71 = tpu.memref_slice %arg8[%add3A_69, %dma_start3A_70] : memref<28x128xi32, #tpu.memory_space<vmem>> -> memref<1x128xi32, #tpu.memory_space<vmem>>
            %dma_start3A_72 = tpu.memref_squeeze %dma_start3A_71 : memref<1x128xi32, #tpu.memory_space<vmem>> -> memref<128xi32, #tpu.memory_space<vmem>>
            %dma_start3A_73 = arith.constant 0 : i32
            %dma_start3A_74 = arith.constant 0 : i32
            %dma_start3A_75 = tpu.memref_slice %arg5[%dma_start3A_73, %dma_start3A_74] : memref<10240x128xf32, #tpu.memory_space<hbm>> -> memref<10240x128xf32, #tpu.memory_space<hbm>>
            tpu.enqueue_indirect_dma source(%dma_start3A_75 : memref<10240x128xf32, #tpu.memory_space<hbm>>) target(%arg11 : memref<128x128xf32, #tpu.memory_space<vmem>>) offsets(%dma_start3A_72 : memref<128xi32, #tpu.memory_space<vmem>>) semaphore(%arg14 : memref<!tpu.dma_semaphore, #tpu.memory_space<semaphore_mem>>)
          } else {
          }
        }
        %scan3A_43 = arith.constant 14 : i32
      }
      %scan3A_23 = arith.constant 3 : i32
    } else {
    }
    %barrier3A_8 = arith.constant 0 : index
    tpu.barrier barrier_id(%barrier3A_8)
    %eq3A_9 = arith.constant 0 : i32
    %eq3A_10 = arith.cmpi eq, %arg0, %eq3A_9 : i32
    %convert_element_type3A_11 = arith.extui %eq3A_10 : i1 to i32
    %cond3A_12 = arith.constant 0 : i32
    %cond3A_13 = arith.cmpi ne, %convert_element_type3A_11, %cond3A_12 : i32
    scf.if %cond3A_13 {
      %mul3A_19 = arith.constant 640 : i32
      %mul3A_20 = arith.muli %arg1, %mul3A_19 : i32
      %mul3A_21 = arith.constant 640 : i32
      %mul3A_22 = arith.muli %arg1, %mul3A_21 : i32
      "tpu.region"() ({
        %run_scoped3A = tpu.sem_alloc : memref<!tpu.dma_semaphore, #tpu.memory_space<semaphore_mem>>
        %dma_start3A = arith.constant 0 : i32
        %dma_start3A_23 = tpu.memref_slice %arg7[%mul3A_22, %dma_start3A] : memref<10240x256xf32, #tpu.memory_space<hbm>> -> memref<640x128xf32, #tpu.memory_space<hbm>>
        %dma_start3A_24 = arith.constant 0 : i32
        %dma_start3A_25 = tpu.memref_slice %arg12[%mul3A_20, %dma_start3A_24] : memref<10240x128xf32, #tpu.memory_space<vmem_shared>> -> memref<640x128xf32, #tpu.memory_space<vmem_shared>>
        tpu.enqueue_dma source(%dma_start3A_25 : memref<640x128xf32, #tpu.memory_space<vmem_shared>>) target(%dma_start3A_23 : memref<640x128xf32, #tpu.memory_space<hbm>>) target_semaphore(%run_scoped3A : memref<!tpu.dma_semaphore, #tpu.memory_space<semaphore_mem>>)
        %dma_wait3A = arith.constant 0 : i32
        %dma_wait3A_26 = tpu.memref_slice %arg7[%mul3A_22, %dma_wait3A] : memref<10240x256xf32, #tpu.memory_space<hbm>> -> memref<640x128xf32, #tpu.memory_space<hbm>>
        %dma_wait3A_27 = arith.constant 0 : i32
        %dma_wait3A_28 = tpu.memref_slice %arg12[%mul3A_20, %dma_wait3A_27] : memref<10240x128xf32, #tpu.memory_space<vmem_shared>> -> memref<640x128xf32, #tpu.memory_space<vmem_shared>>
        tpu.wait_dma2 semaphore(%run_scoped3A : memref<!tpu.dma_semaphore, #tpu.memory_space<semaphore_mem>>) src(%dma_wait3A_28 : memref<640x128xf32, #tpu.memory_space<vmem_shared>>) dst(%dma_wait3A_26 : memref<640x128xf32, #tpu.memory_space<hbm>>)
        tpu.yield
      }) : () -> ()
    } else {
    }
    %eq3A_14 = arith.constant 1 : i32
    %eq3A_15 = arith.cmpi eq, %arg0, %eq3A_14 : i32
    %convert_element_type3A_16 = arith.extui %eq3A_15 : i1 to i32
    %cond3A_17 = arith.constant 0 : i32
    %cond3A_18 = arith.cmpi ne, %convert_element_type3A_16, %cond3A_17 : i32
    scf.if %cond3A_18 {
      %mul3A_19 = arith.constant 640 : i32
      %mul3A_20 = arith.muli %arg1, %mul3A_19 : i32
      %mul3A_21 = arith.constant 640 : i32
      %mul3A_22 = arith.muli %arg1, %mul3A_21 : i32
      "tpu.region"() ({
        %run_scoped3A = tpu.sem_alloc : memref<!tpu.dma_semaphore, #tpu.memory_space<semaphore_mem>>
        %dma_start3A = arith.constant 128 : i32
        %dma_start3A_23 = tpu.memref_slice %arg7[%mul3A_22, %dma_start3A] : memref<10240x256xf32, #tpu.memory_space<hbm>> -> memref<640x128xf32, #tpu.memory_space<hbm>>
        %dma_start3A_24 = arith.constant 0 : i32
        %dma_start3A_25 = tpu.memref_slice %arg12[%mul3A_20, %dma_start3A_24] : memref<10240x128xf32, #tpu.memory_space<vmem_shared>> -> memref<640x128xf32, #tpu.memory_space<vmem_shared>>
        tpu.enqueue_dma source(%dma_start3A_25 : memref<640x128xf32, #tpu.memory_space<vmem_shared>>) target(%dma_start3A_23 : memref<640x128xf32, #tpu.memory_space<hbm>>) target_semaphore(%run_scoped3A : memref<!tpu.dma_semaphore, #tpu.memory_space<semaphore_mem>>)
        %dma_wait3A = arith.constant 128 : i32
        %dma_wait3A_26 = tpu.memref_slice %arg7[%mul3A_22, %dma_wait3A] : memref<10240x256xf32, #tpu.memory_space<hbm>> -> memref<640x128xf32, #tpu.memory_space<hbm>>
        %dma_wait3A_27 = arith.constant 0 : i32
        %dma_wait3A_28 = tpu.memref_slice %arg12[%mul3A_20, %dma_wait3A_27] : memref<10240x128xf32, #tpu.memory_space<vmem_shared>> -> memref<640x128xf32, #tpu.memory_space<vmem_shared>>
        tpu.wait_dma2 semaphore(%run_scoped3A : memref<!tpu.dma_semaphore, #tpu.memory_space<semaphore_mem>>) src(%dma_wait3A_28 : memref<640x128xf32, #tpu.memory_space<vmem_shared>>) dst(%dma_wait3A_26 : memref<640x128xf32, #tpu.memory_space<hbm>>)
        tpu.yield
      }) : () -> ()
    } else {
    }
    return
  }
}

#map = affine_map<(d0, d1) -> (0, 0)>
#map1 = affine_map<(d0, d1) -> (0)>
module attributes {stable_mosaic.version = 14 : i64} {
  func.func @_lookup_body(%arg0: i32, %arg1: i32, %arg2: memref<32x32xi32, #tpu.memory_space<hbm>>, %arg3: memref<10240x256xf32, #tpu.memory_space<hbm>>, %arg4: memref<10240xf32, #tpu.memory_space<hbm>>, %arg5: memref<256xf32, #tpu.memory_space<hbm>>, %arg6: memref<1024x256xf32, #tpu.memory_space<hbm>>, %arg7: memref<32xi32, #tpu.memory_space<vmem>>, %arg8: memref<10240xf32, #tpu.memory_space<vmem>>, %arg9: memref<256xf32, #tpu.memory_space<vmem>>, %arg10: memref<32x256xf32, #tpu.memory_space<vmem>>, %arg11: memref<32x256xf32, #tpu.memory_space<vmem>>, %arg12: memref<!tpu.dma_semaphore, #tpu.memory_space<semaphore_mem>>) attributes {dimension_semantics = [#tpu.dimension_semantics<core_parallel>, #tpu.dimension_semantics<subcore_parallel>], iteration_bounds = array<i64: 2, 16>, scalar_prefetch = 0 : i64, scratch_operands = 6 : i64, tpu.core_type = #tpu.core_type<sc_vector_subcore>, window_params = [{transform_indices = #map}, {transform_indices = #map}, {transform_indices = #map1}, {transform_indices = #map1}, {transform_indices = #map}]} {
    %mul3A = arith.constant 2 : i32
    %mul3A_0 = arith.muli %arg1, %mul3A : i32
    %add3A = arith.addi %mul3A_0, %arg0 : i32
    "tpu.region"() ({
      %run_scoped3A = tpu.sem_alloc : memref<!tpu.dma_semaphore, #tpu.memory_space<semaphore_mem>>
      %dma_start3A_16 = arith.constant 0 : i32
      %dma_start3A_17 = tpu.memref_slice %arg2[%add3A, %dma_start3A_16] : memref<32x32xi32, #tpu.memory_space<hbm>> -> memref<1x32xi32, #tpu.memory_space<hbm>>
      %dma_start3A_18 = tpu.memref_squeeze %dma_start3A_17 : memref<1x32xi32, #tpu.memory_space<hbm>> -> memref<32xi32, #tpu.memory_space<hbm>>
      %dma_start3A_19 = arith.constant 0 : i32
      %dma_start3A_20 = tpu.memref_slice %arg2[%add3A, %dma_start3A_19] : memref<32x32xi32, #tpu.memory_space<hbm>> -> memref<1x32xi32, #tpu.memory_space<hbm>>
      %dma_start3A_21 = tpu.memref_squeeze %dma_start3A_20 : memref<1x32xi32, #tpu.memory_space<hbm>> -> memref<32xi32, #tpu.memory_space<hbm>>
      tpu.enqueue_dma source(%dma_start3A_21 : memref<32xi32, #tpu.memory_space<hbm>>) target(%arg7 : memref<32xi32, #tpu.memory_space<vmem>>) target_semaphore(%run_scoped3A : memref<!tpu.dma_semaphore, #tpu.memory_space<semaphore_mem>>)
      %dma_wait3A_22 = arith.constant 0 : i32
      %dma_wait3A_23 = tpu.memref_slice %arg2[%add3A, %dma_wait3A_22] : memref<32x32xi32, #tpu.memory_space<hbm>> -> memref<1x32xi32, #tpu.memory_space<hbm>>
      %dma_wait3A_24 = tpu.memref_squeeze %dma_wait3A_23 : memref<1x32xi32, #tpu.memory_space<hbm>> -> memref<32xi32, #tpu.memory_space<hbm>>
      %dma_wait3A_25 = arith.constant 0 : i32
      %dma_wait3A_26 = tpu.memref_slice %arg2[%add3A, %dma_wait3A_25] : memref<32x32xi32, #tpu.memory_space<hbm>> -> memref<1x32xi32, #tpu.memory_space<hbm>>
      %dma_wait3A_27 = tpu.memref_squeeze %dma_wait3A_26 : memref<1x32xi32, #tpu.memory_space<hbm>> -> memref<32xi32, #tpu.memory_space<hbm>>
      tpu.wait_dma2 semaphore(%run_scoped3A : memref<!tpu.dma_semaphore, #tpu.memory_space<semaphore_mem>>) src(%dma_wait3A_27 : memref<32xi32, #tpu.memory_space<hbm>>) dst(%arg7 : memref<32xi32, #tpu.memory_space<vmem>>)
      tpu.yield
    }) : () -> ()
    "tpu.region"() ({
      %run_scoped3A = tpu.sem_alloc : memref<!tpu.dma_semaphore, #tpu.memory_space<semaphore_mem>>
      tpu.enqueue_dma source(%arg4 : memref<10240xf32, #tpu.memory_space<hbm>>) target(%arg8 : memref<10240xf32, #tpu.memory_space<vmem>>) target_semaphore(%run_scoped3A : memref<!tpu.dma_semaphore, #tpu.memory_space<semaphore_mem>>)
      tpu.wait_dma2 semaphore(%run_scoped3A : memref<!tpu.dma_semaphore, #tpu.memory_space<semaphore_mem>>) src(%arg4 : memref<10240xf32, #tpu.memory_space<hbm>>) dst(%arg8 : memref<10240xf32, #tpu.memory_space<vmem>>)
      tpu.yield
    }) : () -> ()
    "tpu.region"() ({
      %run_scoped3A = tpu.sem_alloc : memref<!tpu.dma_semaphore, #tpu.memory_space<semaphore_mem>>
      tpu.enqueue_dma source(%arg5 : memref<256xf32, #tpu.memory_space<hbm>>) target(%arg9 : memref<256xf32, #tpu.memory_space<vmem>>) target_semaphore(%run_scoped3A : memref<!tpu.dma_semaphore, #tpu.memory_space<semaphore_mem>>)
      tpu.wait_dma2 semaphore(%run_scoped3A : memref<!tpu.dma_semaphore, #tpu.memory_space<semaphore_mem>>) src(%arg5 : memref<256xf32, #tpu.memory_space<hbm>>) dst(%arg9 : memref<256xf32, #tpu.memory_space<vmem>>)
      tpu.yield
    }) : () -> ()
    %dma_start3A = arith.constant 0 : i32
    %dma_start3A_1 = arith.constant 0 : i32
    %dma_start3A_2 = tpu.memref_slice %arg3[%dma_start3A, %dma_start3A_1] : memref<10240x256xf32, #tpu.memory_space<hbm>> -> memref<10240x256xf32, #tpu.memory_space<hbm>>
    tpu.enqueue_indirect_dma source(%dma_start3A_2 : memref<10240x256xf32, #tpu.memory_space<hbm>>) target(%arg10 : memref<32x256xf32, #tpu.memory_space<vmem>>) offsets(%arg7 : memref<32xi32, #tpu.memory_space<vmem>>) semaphore(%arg12 : memref<!tpu.dma_semaphore, #tpu.memory_space<semaphore_mem>>)
    %dma_wait3A = arith.constant 0 : i32
    %dma_wait3A_3 = arith.constant 0 : i32
    %dma_wait3A_4 = tpu.memref_slice %arg3[%dma_wait3A, %dma_wait3A_3] : memref<10240x256xf32, #tpu.memory_space<hbm>> -> memref<10240x256xf32, #tpu.memory_space<hbm>>
    tpu.wait_indirect_dma semaphore(%arg12 : memref<!tpu.dma_semaphore, #tpu.memory_space<semaphore_mem>>) src(%dma_wait3A_4 : memref<10240x256xf32, #tpu.memory_space<hbm>>) dst(%arg10 : memref<32x256xf32, #tpu.memory_space<vmem>>)
    %get3A = arith.constant 0 : index
    %get3A_5 = tpu.vector_load %arg7[%get3A] {strides = array<i32>} : memref<32xi32, #tpu.memory_space<vmem>>, vector<16xi32>,
    %gather3A = tpu.vector_load_idx %arg8[%get3A_5] : memref<10240xf32, #tpu.memory_space<vmem>>[vector<16xi32>], vector<16xf32>,
    %get3A_6 = arith.constant 16 : index
    %get3A_7 = tpu.vector_load %arg7[%get3A_6] {strides = array<i32>} : memref<32xi32, #tpu.memory_space<vmem>>, vector<16xi32>,
    %gather3A_8 = tpu.vector_load_idx %arg8[%get3A_7] : memref<10240xf32, #tpu.memory_space<vmem>>[vector<16xi32>], vector<16xf32>,
    %iota3A = tpu.iota {dimensions = array<i32: 0>} : vector<16xi32>
    %scan3A = arith.constant 0 : i32
    %scan3A_9 = arith.constant 0 : i32
    %scan3A_10 = arith.constant 256 : i32
    %scan3A_11 = arith.addi %scan3A_9, %scan3A_10 : i32
    %scan3A_12 = arith.constant 1 : i32
    scf.for %scan3A_16 = %scan3A_9 to %scan3A_11 step %scan3A_12  : i32 {
      %broadcast_in_dim3A = vector.broadcast %scan3A_16 : i32 to vector<16xi32>
      %gather3A_17 = tpu.vector_load_idx %arg9[%broadcast_in_dim3A] : memref<256xf32, #tpu.memory_space<vmem>>[vector<16xi32>], vector<16xf32>,
      %gather3A_18 = tpu.vector_load_idx %arg10[%iota3A, %broadcast_in_dim3A] : memref<32x256xf32, #tpu.memory_space<vmem>>[vector<16xi32>, vector<16xi32>], vector<16xf32>,
      %mul3A_19 = arith.mulf %gather3A_18, %gather3A : vector<16xf32>
      %add3A_20 = arith.addf %mul3A_19, %gather3A_17 : vector<16xf32>
      %add3A_21 = arith.constant 16 : i32
      %add3A_22 = vector.broadcast %add3A_21 : i32 to vector<16xi32>
      %add3A_23 = arith.addi %iota3A, %add3A_22 : vector<16xi32>
      %gather3A_24 = tpu.vector_load_idx %arg10[%add3A_23, %broadcast_in_dim3A] : memref<32x256xf32, #tpu.memory_space<vmem>>[vector<16xi32>, vector<16xi32>], vector<16xf32>,
      %mul3A_25 = arith.mulf %gather3A_24, %gather3A_8 : vector<16xf32>
      %add3A_26 = arith.addf %mul3A_25, %gather3A_17 : vector<16xf32>
      tpu.vector_store_idx %arg11[%iota3A, %broadcast_in_dim3A], %add3A_20 : memref<32x256xf32, #tpu.memory_space<vmem>>[vector<16xi32>, vector<16xi32>], vector<16xf32>,
      %add3A_27 = arith.constant 16 : i32
      %add3A_28 = vector.broadcast %add3A_27 : i32 to vector<16xi32>
      %add3A_29 = arith.addi %iota3A, %add3A_28 : vector<16xi32>
      tpu.vector_store_idx %arg11[%add3A_29, %broadcast_in_dim3A], %add3A_26 : memref<32x256xf32, #tpu.memory_space<vmem>>[vector<16xi32>, vector<16xi32>], vector<16xf32>,
    }
    %scan3A_13 = arith.constant 256 : i32
    %mul3A_14 = arith.constant 32 : i32
    %mul3A_15 = arith.muli %add3A, %mul3A_14 : i32
    "tpu.region"() ({
      %run_scoped3A = tpu.sem_alloc : memref<!tpu.dma_semaphore, #tpu.memory_space<semaphore_mem>>
      %dma_start3A_16 = arith.constant 0 : i32
      %dma_start3A_17 = tpu.memref_slice %arg6[%mul3A_15, %dma_start3A_16] : memref<1024x256xf32, #tpu.memory_space<hbm>> -> memref<32x256xf32, #tpu.memory_space<hbm>>
      %dma_start3A_18 = arith.constant 0 : i32
      %dma_start3A_19 = tpu.memref_slice %arg6[%mul3A_15, %dma_start3A_18] : memref<1024x256xf32, #tpu.memory_space<hbm>> -> memref<32x256xf32, #tpu.memory_space<hbm>>
      tpu.enqueue_dma source(%arg11 : memref<32x256xf32, #tpu.memory_space<vmem>>) target(%dma_start3A_19 : memref<32x256xf32, #tpu.memory_space<hbm>>) target_semaphore(%run_scoped3A : memref<!tpu.dma_semaphore, #tpu.memory_space<semaphore_mem>>)
      %dma_wait3A_20 = arith.constant 0 : i32
      %dma_wait3A_21 = tpu.memref_slice %arg6[%mul3A_15, %dma_wait3A_20] : memref<1024x256xf32, #tpu.memory_space<hbm>> -> memref<32x256xf32, #tpu.memory_space<hbm>>
      %dma_wait3A_22 = arith.constant 0 : i32
      %dma_wait3A_23 = tpu.memref_slice %arg6[%mul3A_15, %dma_wait3A_22] : memref<1024x256xf32, #tpu.memory_space<hbm>> -> memref<32x256xf32, #tpu.memory_space<hbm>>
      tpu.wait_dma2 semaphore(%run_scoped3A : memref<!tpu.dma_semaphore, #tpu.memory_space<semaphore_mem>>) src(%arg11 : memref<32x256xf32, #tpu.memory_space<vmem>>) dst(%dma_wait3A_23 : memref<32x256xf32, #tpu.memory_space<hbm>>)
      tpu.yield
    }) : () -> ()
    return
  }
}

#map = affine_map<(d0, d1) -> (0, 0, 0, 0)>
#map1 = affine_map<(d0, d1) -> (0, 0)>
module attributes {stable_mosaic.version = 14 : i64} {
  func.func @_prop_f_body(%arg0: i32, %arg1: i32, %arg2: memref<16x3x28x128xi32, #tpu.memory_space<hbm>>, %arg3: memref<16x3x28x128xi32, #tpu.memory_space<hbm>>, %arg4: memref<16x16xi32, #tpu.memory_space<hbm>>, %arg5: memref<10240x128xf32, #tpu.memory_space<hbm>>, %arg6: memref<10240x128xf32, #tpu.memory_space<hbm>>, %arg7: memref<640x128xf32, #tpu.memory_space<hbm>>, %arg8: memref<10240x256xf32, #tpu.memory_space<hbm>>, %arg9: memref<28x128xi32, #tpu.memory_space<vmem>>, %arg10: memref<28x128xi32, #tpu.memory_space<vmem>>, %arg11: memref<16x16xi32, #tpu.memory_space<vmem>>, %arg12: memref<128x128xf32, #tpu.memory_space<vmem>>, %arg13: memref<128x128xf32, #tpu.memory_space<vmem>>, %arg14: memref<10240x128xf32, #tpu.memory_space<vmem_shared>>, %arg15: memref<!tpu.dma_semaphore, #tpu.memory_space<semaphore_mem>>, %arg16: memref<!tpu.dma_semaphore, #tpu.memory_space<semaphore_mem>>) attributes {dimension_semantics = [#tpu.dimension_semantics<core_parallel>, #tpu.dimension_semantics<subcore_parallel>], iteration_bounds = array<i64: 2, 16>, scalar_prefetch = 0 : i64, scratch_operands = 8 : i64, tpu.core_type = #tpu.core_type<sc_vector_subcore>, window_params = [{transform_indices = #map}, {transform_indices = #map}, {transform_indices = #map1}, {transform_indices = #map1}, {transform_indices = #map1}, {transform_indices = #map1}, {transform_indices = #map1}]} {
    "tpu.region"() ({
      %run_scoped3A = tpu.sem_alloc : memref<!tpu.dma_semaphore, #tpu.memory_space<semaphore_mem>>
      tpu.enqueue_dma source(%arg4 : memref<16x16xi32, #tpu.memory_space<hbm>>) target(%arg11 : memref<16x16xi32, #tpu.memory_space<vmem>>) target_semaphore(%run_scoped3A : memref<!tpu.dma_semaphore, #tpu.memory_space<semaphore_mem>>)
      tpu.wait_dma2 semaphore(%run_scoped3A : memref<!tpu.dma_semaphore, #tpu.memory_space<semaphore_mem>>) src(%arg4 : memref<16x16xi32, #tpu.memory_space<hbm>>) dst(%arg11 : memref<16x16xi32, #tpu.memory_space<vmem>>)
      tpu.yield
    }) : () -> ()
    %mul3A = arith.constant 640 : i32
    %mul3A_0 = arith.muli %arg1, %mul3A : i32
    "tpu.region"() ({
      %run_scoped3A = tpu.sem_alloc : memref<!tpu.dma_semaphore, #tpu.memory_space<semaphore_mem>>
      %dma_start3A = arith.constant 0 : i32
      %dma_start3A_30 = tpu.memref_slice %arg14[%mul3A_0, %dma_start3A] : memref<10240x128xf32, #tpu.memory_space<vmem_shared>> -> memref<640x128xf32, #tpu.memory_space<vmem_shared>>
      tpu.enqueue_dma source(%arg7 : memref<640x128xf32, #tpu.memory_space<hbm>>) target(%dma_start3A_30 : memref<640x128xf32, #tpu.memory_space<vmem_shared>>) target_semaphore(%run_scoped3A : memref<!tpu.dma_semaphore, #tpu.memory_space<semaphore_mem>>)
      %dma_wait3A = arith.constant 0 : i32
      %dma_wait3A_31 = tpu.memref_slice %arg14[%mul3A_0, %dma_wait3A] : memref<10240x128xf32, #tpu.memory_space<vmem_shared>> -> memref<640x128xf32, #tpu.memory_space<vmem_shared>>
      tpu.wait_dma2 semaphore(%run_scoped3A : memref<!tpu.dma_semaphore, #tpu.memory_space<semaphore_mem>>) src(%arg7 : memref<640x128xf32, #tpu.memory_space<hbm>>) dst(%dma_wait3A_31 : memref<640x128xf32, #tpu.memory_space<vmem_shared>>)
      tpu.yield
    }) : () -> ()
    %barrier3A = arith.constant 0 : index
    tpu.barrier barrier_id(%barrier3A)
    %get3A = arith.index_cast %arg1 : i32 to index
    %get3A_1 = arith.constant 0 : index
    %get3A_2 = tpu.vector_load %arg11[%get3A, %get3A_1] {strides = array<i32>} : memref<16x16xi32, #tpu.memory_space<vmem>>, vector<16xi32>,
    %reduce_max3A = arith.constant true
    %reduce_max3A_3 = vector.broadcast %reduce_max3A : i1 to vector<16xi1>
    %reduce_max3A_4 = arith.constant -2147483648 : i32
    %reduce_max3A_5 = vector.broadcast %reduce_max3A_4 : i32 to vector<16xi32>
    %reduce_max3A_6 = arith.xori %get3A_2, %reduce_max3A_5 : vector<16xi32>
    %reduce_max3A_7 = tpu.scan <max>, %reduce_max3A_6 masked %reduce_max3A_3 : vector<16xi32>, vector<16xi1> -> vector<16xi32>
    %reduce_max3A_8 = arith.xori %reduce_max3A_7, %reduce_max3A_5 : vector<16xi32>
    %reduce_max3A_9 = vector.extract %reduce_max3A_8[15] : i32 from vector<16xi32>
    %add3A = arith.constant 127 : i32
    %add3A_10 = arith.addi %reduce_max3A_9, %add3A : i32
    %div3A = arith.constant 128 : i32
    %div3A_11 = arith.divsi %add3A_10, %div3A : i32
    %eq3A = arith.constant 0 : i32
    %eq3A_12 = arith.cmpi eq, %arg0, %eq3A : i32
    %convert_element_type3A = arith.extui %eq3A_12 : i1 to i32
    %cond3A = arith.constant 0 : i32
    %cond3A_13 = arith.cmpi ne, %convert_element_type3A, %cond3A : i32
    scf.if %cond3A_13 {
      %div3A_30 = arith.constant 28 : i32
      %div3A_31 = arith.divsi %div3A_11, %div3A_30 : i32
      %while3A = arith.constant 0 : i32
      %while3A_32 = arith.constant 0 : i32
      %while3A_33 = arith.subi %div3A_31, %while3A_32 : i32
      %while3A_34 = arith.addi %while3A_32, %while3A_33 : i32
      %while3A_35 = arith.constant 1 : i32
      %while3A_36 = arith.divsi %while3A_33, %while3A_35 : i32
      %while3A_37 = arith.muli %while3A_36, %while3A_35 : i32
      %while3A_38 = arith.addi %while3A_32, %while3A_37 : i32
      %while3A_39 = arith.constant 1 : i32
      scf.for %while3A_47 = %while3A_32 to %while3A_38 step %while3A_39  : i32 {
        "tpu.region"() ({
          %run_scoped3A = tpu.sem_alloc : memref<!tpu.dma_semaphore, #tpu.memory_space<semaphore_mem>>
          %dma_start3A_66 = arith.constant 0 : i32
          %dma_start3A_67 = arith.constant 0 : i32
          %dma_start3A_68 = tpu.memref_slice %arg2[%arg1, %while3A_47, %dma_start3A_66, %dma_start3A_67] : memref<16x3x28x128xi32, #tpu.memory_space<hbm>> -> memref<1x1x28x128xi32, #tpu.memory_space<hbm>>
          %dma_start3A_69 = tpu.memref_squeeze %dma_start3A_68 : memref<1x1x28x128xi32, #tpu.memory_space<hbm>> -> memref<28x128xi32, #tpu.memory_space<hbm>>
          %dma_start3A_70 = arith.constant 0 : i32
          %dma_start3A_71 = arith.constant 0 : i32
          %dma_start3A_72 = tpu.memref_slice %arg2[%arg1, %while3A_47, %dma_start3A_70, %dma_start3A_71] : memref<16x3x28x128xi32, #tpu.memory_space<hbm>> -> memref<1x1x28x128xi32, #tpu.memory_space<hbm>>
          %dma_start3A_73 = tpu.memref_squeeze %dma_start3A_72 : memref<1x1x28x128xi32, #tpu.memory_space<hbm>> -> memref<28x128xi32, #tpu.memory_space<hbm>>
          tpu.enqueue_dma source(%dma_start3A_73 : memref<28x128xi32, #tpu.memory_space<hbm>>) target(%arg9 : memref<28x128xi32, #tpu.memory_space<vmem>>) target_semaphore(%run_scoped3A : memref<!tpu.dma_semaphore, #tpu.memory_space<semaphore_mem>>)
          %dma_wait3A = arith.constant 0 : i32
          %dma_wait3A_74 = arith.constant 0 : i32
          %dma_wait3A_75 = tpu.memref_slice %arg2[%arg1, %while3A_47, %dma_wait3A, %dma_wait3A_74] : memref<16x3x28x128xi32, #tpu.memory_space<hbm>> -> memref<1x1x28x128xi32, #tpu.memory_space<hbm>>
          %dma_wait3A_76 = tpu.memref_squeeze %dma_wait3A_75 : memref<1x1x28x128xi32, #tpu.memory_space<hbm>> -> memref<28x128xi32, #tpu.memory_space<hbm>>
          %dma_wait3A_77 = arith.constant 0 : i32
          %dma_wait3A_78 = arith.constant 0 : i32
          %dma_wait3A_79 = tpu.memref_slice %arg2[%arg1, %while3A_47, %dma_wait3A_77, %dma_wait3A_78] : memref<16x3x28x128xi32, #tpu.memory_space<hbm>> -> memref<1x1x28x128xi32, #tpu.memory_space<hbm>>
          %dma_wait3A_80 = tpu.memref_squeeze %dma_wait3A_79 : memref<1x1x28x128xi32, #tpu.memory_space<hbm>> -> memref<28x128xi32, #tpu.memory_space<hbm>>
          tpu.wait_dma2 semaphore(%run_scoped3A : memref<!tpu.dma_semaphore, #tpu.memory_space<semaphore_mem>>) src(%dma_wait3A_80 : memref<28x128xi32, #tpu.memory_space<hbm>>) dst(%arg9 : memref<28x128xi32, #tpu.memory_space<vmem>>)
          tpu.yield
        }) : () -> ()
        "tpu.region"() ({
          %run_scoped3A = tpu.sem_alloc : memref<!tpu.dma_semaphore, #tpu.memory_space<semaphore_mem>>
          %dma_start3A_66 = arith.constant 0 : i32
          %dma_start3A_67 = arith.constant 0 : i32
          %dma_start3A_68 = tpu.memref_slice %arg3[%arg1, %while3A_47, %dma_start3A_66, %dma_start3A_67] : memref<16x3x28x128xi32, #tpu.memory_space<hbm>> -> memref<1x1x28x128xi32, #tpu.memory_space<hbm>>
          %dma_start3A_69 = tpu.memref_squeeze %dma_start3A_68 : memref<1x1x28x128xi32, #tpu.memory_space<hbm>> -> memref<28x128xi32, #tpu.memory_space<hbm>>
          %dma_start3A_70 = arith.constant 0 : i32
          %dma_start3A_71 = arith.constant 0 : i32
          %dma_start3A_72 = tpu.memref_slice %arg3[%arg1, %while3A_47, %dma_start3A_70, %dma_start3A_71] : memref<16x3x28x128xi32, #tpu.memory_space<hbm>> -> memref<1x1x28x128xi32, #tpu.memory_space<hbm>>
          %dma_start3A_73 = tpu.memref_squeeze %dma_start3A_72 : memref<1x1x28x128xi32, #tpu.memory_space<hbm>> -> memref<28x128xi32, #tpu.memory_space<hbm>>
          tpu.enqueue_dma source(%dma_start3A_73 : memref<28x128xi32, #tpu.memory_space<hbm>>) target(%arg10 : memref<28x128xi32, #tpu.memory_space<vmem>>) target_semaphore(%run_scoped3A : memref<!tpu.dma_semaphore, #tpu.memory_space<semaphore_mem>>)
          %dma_wait3A = arith.constant 0 : i32
          %dma_wait3A_74 = arith.constant 0 : i32
          %dma_wait3A_75 = tpu.memref_slice %arg3[%arg1, %while3A_47, %dma_wait3A, %dma_wait3A_74] : memref<16x3x28x128xi32, #tpu.memory_space<hbm>> -> memref<1x1x28x128xi32, #tpu.memory_space<hbm>>
          %dma_wait3A_76 = tpu.memref_squeeze %dma_wait3A_75 : memref<1x1x28x128xi32, #tpu.memory_space<hbm>> -> memref<28x128xi32, #tpu.memory_space<hbm>>
          %dma_wait3A_77 = arith.constant 0 : i32
          %dma_wait3A_78 = arith.constant 0 : i32
          %dma_wait3A_79 = tpu.memref_slice %arg3[%arg1, %while3A_47, %dma_wait3A_77, %dma_wait3A_78] : memref<16x3x28x128xi32, #tpu.memory_space<hbm>> -> memref<1x1x28x128xi32, #tpu.memory_space<hbm>>
          %dma_wait3A_80 = tpu.memref_squeeze %dma_wait3A_79 : memref<1x1x28x128xi32, #tpu.memory_space<hbm>> -> memref<28x128xi32, #tpu.memory_space<hbm>>
          tpu.wait_dma2 semaphore(%run_scoped3A : memref<!tpu.dma_semaphore, #tpu.memory_space<semaphore_mem>>) src(%dma_wait3A_80 : memref<28x128xi32, #tpu.memory_space<hbm>>) dst(%arg10 : memref<28x128xi32, #tpu.memory_space<vmem>>)
          tpu.yield
        }) : () -> ()
        %dma_start3A = arith.constant 0 : i32
        %dma_start3A_48 = arith.constant 0 : i32
        %dma_start3A_49 = tpu.memref_slice %arg9[%dma_start3A, %dma_start3A_48] : memref<28x128xi32, #tpu.memory_space<vmem>> -> memref<1x128xi32, #tpu.memory_space<vmem>>
        %dma_start3A_50 = tpu.memref_squeeze %dma_start3A_49 : memref<1x128xi32, #tpu.memory_space<vmem>> -> memref<128xi32, #tpu.memory_space<vmem>>
        %dma_start3A_51 = arith.constant 0 : i32
        %dma_start3A_52 = arith.constant 0 : i32
        %dma_start3A_53 = tpu.memref_slice %arg5[%dma_start3A_51, %dma_start3A_52] : memref<10240x128xf32, #tpu.memory_space<hbm>> -> memref<10240x128xf32, #tpu.memory_space<hbm>>
        tpu.enqueue_indirect_dma source(%dma_start3A_53 : memref<10240x128xf32, #tpu.memory_space<hbm>>) target(%arg12 : memref<128x128xf32, #tpu.memory_space<vmem>>) offsets(%dma_start3A_50 : memref<128xi32, #tpu.memory_space<vmem>>) semaphore(%arg15 : memref<!tpu.dma_semaphore, #tpu.memory_space<semaphore_mem>>)
        %dma_start3A_54 = arith.constant 1 : i32
        %dma_start3A_55 = arith.constant 0 : i32
        %dma_start3A_56 = tpu.memref_slice %arg9[%dma_start3A_54, %dma_start3A_55] : memref<28x128xi32, #tpu.memory_space<vmem>> -> memref<1x128xi32, #tpu.memory_space<vmem>>
        %dma_start3A_57 = tpu.memref_squeeze %dma_start3A_56 : memref<1x128xi32, #tpu.memory_space<vmem>> -> memref<128xi32, #tpu.memory_space<vmem>>
        %dma_start3A_58 = arith.constant 0 : i32
        %dma_start3A_59 = arith.constant 0 : i32
        %dma_start3A_60 = tpu.memref_slice %arg5[%dma_start3A_58, %dma_start3A_59] : memref<10240x128xf32, #tpu.memory_space<hbm>> -> memref<10240x128xf32, #tpu.memory_space<hbm>>
        tpu.enqueue_indirect_dma source(%dma_start3A_60 : memref<10240x128xf32, #tpu.memory_space<hbm>>) target(%arg13 : memref<128x128xf32, #tpu.memory_space<vmem>>) offsets(%dma_start3A_57 : memref<128xi32, #tpu.memory_space<vmem>>) semaphore(%arg16 : memref<!tpu.dma_semaphore, #tpu.memory_space<semaphore_mem>>)
        %scan3A = arith.constant 0 : i32
        %scan3A_61 = arith.constant 0 : i32
        %scan3A_62 = arith.constant 14 : i32
        %scan3A_63 = arith.addi %scan3A_61, %scan3A_62 : i32
        %scan3A_64 = arith.constant 1 : i32
        scf.for %scan3A_66 = %scan3A_61 to %scan3A_63 step %scan3A_64  : i32 {
          %mul3A_67 = arith.constant 2 : i32
          %mul3A_68 = arith.muli %mul3A_67, %scan3A_66 : i32
          %dma_wait3A = arith.constant 0 : i32
          %dma_wait3A_69 = tpu.memref_slice %arg9[%mul3A_68, %dma_wait3A] : memref<28x128xi32, #tpu.memory_space<vmem>> -> memref<1x128xi32, #tpu.memory_space<vmem>>
          %dma_wait3A_70 = tpu.memref_squeeze %dma_wait3A_69 : memref<1x128xi32, #tpu.memory_space<vmem>> -> memref<128xi32, #tpu.memory_space<vmem>>
          %dma_wait3A_71 = arith.constant 0 : i32
          %dma_wait3A_72 = arith.constant 0 : i32
          %dma_wait3A_73 = tpu.memref_slice %arg5[%dma_wait3A_71, %dma_wait3A_72] : memref<10240x128xf32, #tpu.memory_space<hbm>> -> memref<10240x128xf32, #tpu.memory_space<hbm>>
          tpu.wait_indirect_dma semaphore(%arg15 : memref<!tpu.dma_semaphore, #tpu.memory_space<semaphore_mem>>) src(%dma_wait3A_73 : memref<10240x128xf32, #tpu.memory_space<hbm>>) dst(%arg12 : memref<128x128xf32, #tpu.memory_space<vmem>>)
          "tpu.region"() ({
            %run_scoped3A = tpu.sem_alloc : memref<!tpu.dma_semaphore, #tpu.memory_space<semaphore_mem>>
            %dma_start3A_91 = arith.constant 0 : i32
            %dma_start3A_92 = tpu.memref_slice %arg10[%mul3A_68, %dma_start3A_91] : memref<28x128xi32, #tpu.memory_space<vmem>> -> memref<1x128xi32, #tpu.memory_space<vmem>>
            %dma_start3A_93 = tpu.memref_squeeze %dma_start3A_92 : memref<1x128xi32, #tpu.memory_space<vmem>> -> memref<128xi32, #tpu.memory_space<vmem>>
            %dma_start3A_94 = arith.constant 0 : i32
            %dma_start3A_95 = arith.constant 0 : i32
            %dma_start3A_96 = tpu.memref_slice %arg14[%dma_start3A_94, %dma_start3A_95] : memref<10240x128xf32, #tpu.memory_space<vmem_shared>> -> memref<10240x128xf32, #tpu.memory_space<vmem_shared>>
            tpu.enqueue_indirect_dma source(%arg12 : memref<128x128xf32, #tpu.memory_space<vmem>>) target(%dma_start3A_96 : memref<10240x128xf32, #tpu.memory_space<vmem_shared>>) offsets(%dma_start3A_93 : memref<128xi32, #tpu.memory_space<vmem>>) semaphore(%run_scoped3A : memref<!tpu.dma_semaphore, #tpu.memory_space<semaphore_mem>>) {add = true}
            %dma_wait3A_97 = arith.constant 0 : i32
            %dma_wait3A_98 = tpu.memref_slice %arg10[%mul3A_68, %dma_wait3A_97] : memref<28x128xi32, #tpu.memory_space<vmem>> -> memref<1x128xi32, #tpu.memory_space<vmem>>
            %dma_wait3A_99 = tpu.memref_squeeze %dma_wait3A_98 : memref<1x128xi32, #tpu.memory_space<vmem>> -> memref<128xi32, #tpu.memory_space<vmem>>
            %dma_wait3A_100 = arith.constant 0 : i32
            %dma_wait3A_101 = arith.constant 0 : i32
            %dma_wait3A_102 = tpu.memref_slice %arg14[%dma_wait3A_100, %dma_wait3A_101] : memref<10240x128xf32, #tpu.memory_space<vmem_shared>> -> memref<10240x128xf32, #tpu.memory_space<vmem_shared>>
            tpu.wait_indirect_dma semaphore(%run_scoped3A : memref<!tpu.dma_semaphore, #tpu.memory_space<semaphore_mem>>) src(%arg12 : memref<128x128xf32, #tpu.memory_space<vmem>>) dst(%dma_wait3A_102 : memref<10240x128xf32, #tpu.memory_space<vmem_shared>>)
            tpu.yield
          }) : () -> ()
          %lt3A = arith.constant 13 : i32
          %lt3A_74 = arith.cmpi slt, %scan3A_66, %lt3A : i32
          %convert_element_type3A_75 = arith.extui %lt3A_74 : i1 to i32
          %cond3A_76 = arith.constant 0 : i32
          %cond3A_77 = arith.cmpi ne, %convert_element_type3A_75, %cond3A_76 : i32
          scf.if %cond3A_77 {
            %add3A_91 = arith.constant 2 : i32
            %add3A_92 = arith.addi %mul3A_68, %add3A_91 : i32
            %dma_start3A_93 = arith.constant 0 : i32
            %dma_start3A_94 = tpu.memref_slice %arg9[%add3A_92, %dma_start3A_93] : memref<28x128xi32, #tpu.memory_space<vmem>> -> memref<1x128xi32, #tpu.memory_space<vmem>>
            %dma_start3A_95 = tpu.memref_squeeze %dma_start3A_94 : memref<1x128xi32, #tpu.memory_space<vmem>> -> memref<128xi32, #tpu.memory_space<vmem>>
            %dma_start3A_96 = arith.constant 0 : i32
            %dma_start3A_97 = arith.constant 0 : i32
            %dma_start3A_98 = tpu.memref_slice %arg5[%dma_start3A_96, %dma_start3A_97] : memref<10240x128xf32, #tpu.memory_space<hbm>> -> memref<10240x128xf32, #tpu.memory_space<hbm>>
            tpu.enqueue_indirect_dma source(%dma_start3A_98 : memref<10240x128xf32, #tpu.memory_space<hbm>>) target(%arg12 : memref<128x128xf32, #tpu.memory_space<vmem>>) offsets(%dma_start3A_95 : memref<128xi32, #tpu.memory_space<vmem>>) semaphore(%arg15 : memref<!tpu.dma_semaphore, #tpu.memory_space<semaphore_mem>>)
          } else {
          }
          %dma_wait3A_78 = arith.constant 0 : i32
          %dma_wait3A_79 = tpu.memref_slice %arg9[%mul3A_68, %dma_wait3A_78] : memref<28x128xi32, #tpu.memory_space<vmem>> -> memref<1x128xi32, #tpu.memory_space<vmem>>
          %dma_wait3A_80 = tpu.memref_squeeze %dma_wait3A_79 : memref<1x128xi32, #tpu.memory_space<vmem>> -> memref<128xi32, #tpu.memory_space<vmem>>
          %dma_wait3A_81 = arith.constant 0 : i32
          %dma_wait3A_82 = arith.constant 0 : i32
          %dma_wait3A_83 = tpu.memref_slice %arg5[%dma_wait3A_81, %dma_wait3A_82] : memref<10240x128xf32, #tpu.memory_space<hbm>> -> memref<10240x128xf32, #tpu.memory_space<hbm>>
          tpu.wait_indirect_dma semaphore(%arg16 : memref<!tpu.dma_semaphore, #tpu.memory_space<semaphore_mem>>) src(%dma_wait3A_83 : memref<10240x128xf32, #tpu.memory_space<hbm>>) dst(%arg13 : memref<128x128xf32, #tpu.memory_space<vmem>>)
          %add3A_84 = arith.constant 1 : i32
          %add3A_85 = arith.addi %mul3A_68, %add3A_84 : i32
          "tpu.region"() ({
            %run_scoped3A = tpu.sem_alloc : memref<!tpu.dma_semaphore, #tpu.memory_space<semaphore_mem>>
            %dma_start3A_91 = arith.constant 0 : i32
            %dma_start3A_92 = tpu.memref_slice %arg10[%add3A_85, %dma_start3A_91] : memref<28x128xi32, #tpu.memory_space<vmem>> -> memref<1x128xi32, #tpu.memory_space<vmem>>
            %dma_start3A_93 = tpu.memref_squeeze %dma_start3A_92 : memref<1x128xi32, #tpu.memory_space<vmem>> -> memref<128xi32, #tpu.memory_space<vmem>>
            %dma_start3A_94 = arith.constant 0 : i32
            %dma_start3A_95 = arith.constant 0 : i32
            %dma_start3A_96 = tpu.memref_slice %arg14[%dma_start3A_94, %dma_start3A_95] : memref<10240x128xf32, #tpu.memory_space<vmem_shared>> -> memref<10240x128xf32, #tpu.memory_space<vmem_shared>>
            tpu.enqueue_indirect_dma source(%arg13 : memref<128x128xf32, #tpu.memory_space<vmem>>) target(%dma_start3A_96 : memref<10240x128xf32, #tpu.memory_space<vmem_shared>>) offsets(%dma_start3A_93 : memref<128xi32, #tpu.memory_space<vmem>>) semaphore(%run_scoped3A : memref<!tpu.dma_semaphore, #tpu.memory_space<semaphore_mem>>) {add = true}
            %dma_wait3A_97 = arith.constant 0 : i32
            %dma_wait3A_98 = tpu.memref_slice %arg10[%add3A_85, %dma_wait3A_97] : memref<28x128xi32, #tpu.memory_space<vmem>> -> memref<1x128xi32, #tpu.memory_space<vmem>>
            %dma_wait3A_99 = tpu.memref_squeeze %dma_wait3A_98 : memref<1x128xi32, #tpu.memory_space<vmem>> -> memref<128xi32, #tpu.memory_space<vmem>>
            %dma_wait3A_100 = arith.constant 0 : i32
            %dma_wait3A_101 = arith.constant 0 : i32
            %dma_wait3A_102 = tpu.memref_slice %arg14[%dma_wait3A_100, %dma_wait3A_101] : memref<10240x128xf32, #tpu.memory_space<vmem_shared>> -> memref<10240x128xf32, #tpu.memory_space<vmem_shared>>
            tpu.wait_indirect_dma semaphore(%run_scoped3A : memref<!tpu.dma_semaphore, #tpu.memory_space<semaphore_mem>>) src(%arg13 : memref<128x128xf32, #tpu.memory_space<vmem>>) dst(%dma_wait3A_102 : memref<10240x128xf32, #tpu.memory_space<vmem_shared>>)
            tpu.yield
          }) : () -> ()
          %lt3A_86 = arith.constant 13 : i32
          %lt3A_87 = arith.cmpi slt, %scan3A_66, %lt3A_86 : i32
          %convert_element_type3A_88 = arith.extui %lt3A_87 : i1 to i32
          %cond3A_89 = arith.constant 0 : i32
          %cond3A_90 = arith.cmpi ne, %convert_element_type3A_88, %cond3A_89 : i32
          scf.if %cond3A_90 {
            %add3A_91 = arith.constant 3 : i32
            %add3A_92 = arith.addi %mul3A_68, %add3A_91 : i32
            %dma_start3A_93 = arith.constant 0 : i32
            %dma_start3A_94 = tpu.memref_slice %arg9[%add3A_92, %dma_start3A_93] : memref<28x128xi32, #tpu.memory_space<vmem>> -> memref<1x128xi32, #tpu.memory_space<vmem>>
            %dma_start3A_95 = tpu.memref_squeeze %dma_start3A_94 : memref<1x128xi32, #tpu.memory_space<vmem>> -> memref<128xi32, #tpu.memory_space<vmem>>
            %dma_start3A_96 = arith.constant 0 : i32
            %dma_start3A_97 = arith.constant 0 : i32
            %dma_start3A_98 = tpu.memref_slice %arg5[%dma_start3A_96, %dma_start3A_97] : memref<10240x128xf32, #tpu.memory_space<hbm>> -> memref<10240x128xf32, #tpu.memory_space<hbm>>
            tpu.enqueue_indirect_dma source(%dma_start3A_98 : memref<10240x128xf32, #tpu.memory_space<hbm>>) target(%arg13 : memref<128x128xf32, #tpu.memory_space<vmem>>) offsets(%dma_start3A_95 : memref<128xi32, #tpu.memory_space<vmem>>) semaphore(%arg16 : memref<!tpu.dma_semaphore, #tpu.memory_space<semaphore_mem>>)
          } else {
          }
        }
        %scan3A_65 = arith.constant 14 : i32
      }
      %while3A_40 = arith.constant 1 : i32
      scf.for %while3A_47 = %while3A_38 to %while3A_34 step %while3A_40  : i32 {
        "tpu.region"() ({
          %run_scoped3A = tpu.sem_alloc : memref<!tpu.dma_semaphore, #tpu.memory_space<semaphore_mem>>
          %dma_start3A_66 = arith.constant 0 : i32
          %dma_start3A_67 = arith.constant 0 : i32
          %dma_start3A_68 = tpu.memref_slice %arg2[%arg1, %while3A_47, %dma_start3A_66, %dma_start3A_67] : memref<16x3x28x128xi32, #tpu.memory_space<hbm>> -> memref<1x1x28x128xi32, #tpu.memory_space<hbm>>
          %dma_start3A_69 = tpu.memref_squeeze %dma_start3A_68 : memref<1x1x28x128xi32, #tpu.memory_space<hbm>> -> memref<28x128xi32, #tpu.memory_space<hbm>>
          %dma_start3A_70 = arith.constant 0 : i32
          %dma_start3A_71 = arith.constant 0 : i32
          %dma_start3A_72 = tpu.memref_slice %arg2[%arg1, %while3A_47, %dma_start3A_70, %dma_start3A_71] : memref<16x3x28x128xi32, #tpu.memory_space<hbm>> -> memref<1x1x28x128xi32, #tpu.memory_space<hbm>>
          %dma_start3A_73 = tpu.memref_squeeze %dma_start3A_72 : memref<1x1x28x128xi32, #tpu.memory_space<hbm>> -> memref<28x128xi32, #tpu.memory_space<hbm>>
          tpu.enqueue_dma source(%dma_start3A_73 : memref<28x128xi32, #tpu.memory_space<hbm>>) target(%arg9 : memref<28x128xi32, #tpu.memory_space<vmem>>) target_semaphore(%run_scoped3A : memref<!tpu.dma_semaphore, #tpu.memory_space<semaphore_mem>>)
          %dma_wait3A = arith.constant 0 : i32
          %dma_wait3A_74 = arith.constant 0 : i32
          %dma_wait3A_75 = tpu.memref_slice %arg2[%arg1, %while3A_47, %dma_wait3A, %dma_wait3A_74] : memref<16x3x28x128xi32, #tpu.memory_space<hbm>> -> memref<1x1x28x128xi32, #tpu.memory_space<hbm>>
          %dma_wait3A_76 = tpu.memref_squeeze %dma_wait3A_75 : memref<1x1x28x128xi32, #tpu.memory_space<hbm>> -> memref<28x128xi32, #tpu.memory_space<hbm>>
          %dma_wait3A_77 = arith.constant 0 : i32
          %dma_wait3A_78 = arith.constant 0 : i32
          %dma_wait3A_79 = tpu.memref_slice %arg2[%arg1, %while3A_47, %dma_wait3A_77, %dma_wait3A_78] : memref<16x3x28x128xi32, #tpu.memory_space<hbm>> -> memref<1x1x28x128xi32, #tpu.memory_space<hbm>>
          %dma_wait3A_80 = tpu.memref_squeeze %dma_wait3A_79 : memref<1x1x28x128xi32, #tpu.memory_space<hbm>> -> memref<28x128xi32, #tpu.memory_space<hbm>>
          tpu.wait_dma2 semaphore(%run_scoped3A : memref<!tpu.dma_semaphore, #tpu.memory_space<semaphore_mem>>) src(%dma_wait3A_80 : memref<28x128xi32, #tpu.memory_space<hbm>>) dst(%arg9 : memref<28x128xi32, #tpu.memory_space<vmem>>)
          tpu.yield
        }) : () -> ()
        "tpu.region"() ({
          %run_scoped3A = tpu.sem_alloc : memref<!tpu.dma_semaphore, #tpu.memory_space<semaphore_mem>>
          %dma_start3A_66 = arith.constant 0 : i32
          %dma_start3A_67 = arith.constant 0 : i32
          %dma_start3A_68 = tpu.memref_slice %arg3[%arg1, %while3A_47, %dma_start3A_66, %dma_start3A_67] : memref<16x3x28x128xi32, #tpu.memory_space<hbm>> -> memref<1x1x28x128xi32, #tpu.memory_space<hbm>>
          %dma_start3A_69 = tpu.memref_squeeze %dma_start3A_68 : memref<1x1x28x128xi32, #tpu.memory_space<hbm>> -> memref<28x128xi32, #tpu.memory_space<hbm>>
          %dma_start3A_70 = arith.constant 0 : i32
          %dma_start3A_71 = arith.constant 0 : i32
          %dma_start3A_72 = tpu.memref_slice %arg3[%arg1, %while3A_47, %dma_start3A_70, %dma_start3A_71] : memref<16x3x28x128xi32, #tpu.memory_space<hbm>> -> memref<1x1x28x128xi32, #tpu.memory_space<hbm>>
          %dma_start3A_73 = tpu.memref_squeeze %dma_start3A_72 : memref<1x1x28x128xi32, #tpu.memory_space<hbm>> -> memref<28x128xi32, #tpu.memory_space<hbm>>
          tpu.enqueue_dma source(%dma_start3A_73 : memref<28x128xi32, #tpu.memory_space<hbm>>) target(%arg10 : memref<28x128xi32, #tpu.memory_space<vmem>>) target_semaphore(%run_scoped3A : memref<!tpu.dma_semaphore, #tpu.memory_space<semaphore_mem>>)
          %dma_wait3A = arith.constant 0 : i32
          %dma_wait3A_74 = arith.constant 0 : i32
          %dma_wait3A_75 = tpu.memref_slice %arg3[%arg1, %while3A_47, %dma_wait3A, %dma_wait3A_74] : memref<16x3x28x128xi32, #tpu.memory_space<hbm>> -> memref<1x1x28x128xi32, #tpu.memory_space<hbm>>
          %dma_wait3A_76 = tpu.memref_squeeze %dma_wait3A_75 : memref<1x1x28x128xi32, #tpu.memory_space<hbm>> -> memref<28x128xi32, #tpu.memory_space<hbm>>
          %dma_wait3A_77 = arith.constant 0 : i32
          %dma_wait3A_78 = arith.constant 0 : i32
          %dma_wait3A_79 = tpu.memref_slice %arg3[%arg1, %while3A_47, %dma_wait3A_77, %dma_wait3A_78] : memref<16x3x28x128xi32, #tpu.memory_space<hbm>> -> memref<1x1x28x128xi32, #tpu.memory_space<hbm>>
          %dma_wait3A_80 = tpu.memref_squeeze %dma_wait3A_79 : memref<1x1x28x128xi32, #tpu.memory_space<hbm>> -> memref<28x128xi32, #tpu.memory_space<hbm>>
          tpu.wait_dma2 semaphore(%run_scoped3A : memref<!tpu.dma_semaphore, #tpu.memory_space<semaphore_mem>>) src(%dma_wait3A_80 : memref<28x128xi32, #tpu.memory_space<hbm>>) dst(%arg10 : memref<28x128xi32, #tpu.memory_space<vmem>>)
          tpu.yield
        }) : () -> ()
        %dma_start3A = arith.constant 0 : i32
        %dma_start3A_48 = arith.constant 0 : i32
        %dma_start3A_49 = tpu.memref_slice %arg9[%dma_start3A, %dma_start3A_48] : memref<28x128xi32, #tpu.memory_space<vmem>> -> memref<1x128xi32, #tpu.memory_space<vmem>>
        %dma_start3A_50 = tpu.memref_squeeze %dma_start3A_49 : memref<1x128xi32, #tpu.memory_space<vmem>> -> memref<128xi32, #tpu.memory_space<vmem>>
        %dma_start3A_51 = arith.constant 0 : i32
        %dma_start3A_52 = arith.constant 0 : i32
        %dma_start3A_53 = tpu.memref_slice %arg5[%dma_start3A_51, %dma_start3A_52] : memref<10240x128xf32, #tpu.memory_space<hbm>> -> memref<10240x128xf32, #tpu.memory_space<hbm>>
        tpu.enqueue_indirect_dma source(%dma_start3A_53 : memref<10240x128xf32, #tpu.memory_space<hbm>>) target(%arg12 : memref<128x128xf32, #tpu.memory_space<vmem>>) offsets(%dma_start3A_50 : memref<128xi32, #tpu.memory_space<vmem>>) semaphore(%arg15 : memref<!tpu.dma_semaphore, #tpu.memory_space<semaphore_mem>>)
        %dma_start3A_54 = arith.constant 1 : i32
        %dma_start3A_55 = arith.constant 0 : i32
        %dma_start3A_56 = tpu.memref_slice %arg9[%dma_start3A_54, %dma_start3A_55] : memref<28x128xi32, #tpu.memory_space<vmem>> -> memref<1x128xi32, #tpu.memory_space<vmem>>
        %dma_start3A_57 = tpu.memref_squeeze %dma_start3A_56 : memref<1x128xi32, #tpu.memory_space<vmem>> -> memref<128xi32, #tpu.memory_space<vmem>>
        %dma_start3A_58 = arith.constant 0 : i32
        %dma_start3A_59 = arith.constant 0 : i32
        %dma_start3A_60 = tpu.memref_slice %arg5[%dma_start3A_58, %dma_start3A_59] : memref<10240x128xf32, #tpu.memory_space<hbm>> -> memref<10240x128xf32, #tpu.memory_space<hbm>>
        tpu.enqueue_indirect_dma source(%dma_start3A_60 : memref<10240x128xf32, #tpu.memory_space<hbm>>) target(%arg13 : memref<128x128xf32, #tpu.memory_space<vmem>>) offsets(%dma_start3A_57 : memref<128xi32, #tpu.memory_space<vmem>>) semaphore(%arg16 : memref<!tpu.dma_semaphore, #tpu.memory_space<semaphore_mem>>)
        %scan3A = arith.constant 0 : i32
        %scan3A_61 = arith.constant 0 : i32
        %scan3A_62 = arith.constant 14 : i32
        %scan3A_63 = arith.addi %scan3A_61, %scan3A_62 : i32
        %scan3A_64 = arith.constant 1 : i32
        scf.for %scan3A_66 = %scan3A_61 to %scan3A_63 step %scan3A_64  : i32 {
          %mul3A_67 = arith.constant 2 : i32
          %mul3A_68 = arith.muli %mul3A_67, %scan3A_66 : i32
          %dma_wait3A = arith.constant 0 : i32
          %dma_wait3A_69 = tpu.memref_slice %arg9[%mul3A_68, %dma_wait3A] : memref<28x128xi32, #tpu.memory_space<vmem>> -> memref<1x128xi32, #tpu.memory_space<vmem>>
          %dma_wait3A_70 = tpu.memref_squeeze %dma_wait3A_69 : memref<1x128xi32, #tpu.memory_space<vmem>> -> memref<128xi32, #tpu.memory_space<vmem>>
          %dma_wait3A_71 = arith.constant 0 : i32
          %dma_wait3A_72 = arith.constant 0 : i32
          %dma_wait3A_73 = tpu.memref_slice %arg5[%dma_wait3A_71, %dma_wait3A_72] : memref<10240x128xf32, #tpu.memory_space<hbm>> -> memref<10240x128xf32, #tpu.memory_space<hbm>>
          tpu.wait_indirect_dma semaphore(%arg15 : memref<!tpu.dma_semaphore, #tpu.memory_space<semaphore_mem>>) src(%dma_wait3A_73 : memref<10240x128xf32, #tpu.memory_space<hbm>>) dst(%arg12 : memref<128x128xf32, #tpu.memory_space<vmem>>)
          "tpu.region"() ({
            %run_scoped3A = tpu.sem_alloc : memref<!tpu.dma_semaphore, #tpu.memory_space<semaphore_mem>>
            %dma_start3A_91 = arith.constant 0 : i32
            %dma_start3A_92 = tpu.memref_slice %arg10[%mul3A_68, %dma_start3A_91] : memref<28x128xi32, #tpu.memory_space<vmem>> -> memref<1x128xi32, #tpu.memory_space<vmem>>
            %dma_start3A_93 = tpu.memref_squeeze %dma_start3A_92 : memref<1x128xi32, #tpu.memory_space<vmem>> -> memref<128xi32, #tpu.memory_space<vmem>>
            %dma_start3A_94 = arith.constant 0 : i32
            %dma_start3A_95 = arith.constant 0 : i32
            %dma_start3A_96 = tpu.memref_slice %arg14[%dma_start3A_94, %dma_start3A_95] : memref<10240x128xf32, #tpu.memory_space<vmem_shared>> -> memref<10240x128xf32, #tpu.memory_space<vmem_shared>>
            tpu.enqueue_indirect_dma source(%arg12 : memref<128x128xf32, #tpu.memory_space<vmem>>) target(%dma_start3A_96 : memref<10240x128xf32, #tpu.memory_space<vmem_shared>>) offsets(%dma_start3A_93 : memref<128xi32, #tpu.memory_space<vmem>>) semaphore(%run_scoped3A : memref<!tpu.dma_semaphore, #tpu.memory_space<semaphore_mem>>) {add = true}
            %dma_wait3A_97 = arith.constant 0 : i32
            %dma_wait3A_98 = tpu.memref_slice %arg10[%mul3A_68, %dma_wait3A_97] : memref<28x128xi32, #tpu.memory_space<vmem>> -> memref<1x128xi32, #tpu.memory_space<vmem>>
            %dma_wait3A_99 = tpu.memref_squeeze %dma_wait3A_98 : memref<1x128xi32, #tpu.memory_space<vmem>> -> memref<128xi32, #tpu.memory_space<vmem>>
            %dma_wait3A_100 = arith.constant 0 : i32
            %dma_wait3A_101 = arith.constant 0 : i32
            %dma_wait3A_102 = tpu.memref_slice %arg14[%dma_wait3A_100, %dma_wait3A_101] : memref<10240x128xf32, #tpu.memory_space<vmem_shared>> -> memref<10240x128xf32, #tpu.memory_space<vmem_shared>>
            tpu.wait_indirect_dma semaphore(%run_scoped3A : memref<!tpu.dma_semaphore, #tpu.memory_space<semaphore_mem>>) src(%arg12 : memref<128x128xf32, #tpu.memory_space<vmem>>) dst(%dma_wait3A_102 : memref<10240x128xf32, #tpu.memory_space<vmem_shared>>)
            tpu.yield
          }) : () -> ()
          %lt3A = arith.constant 13 : i32
          %lt3A_74 = arith.cmpi slt, %scan3A_66, %lt3A : i32
          %convert_element_type3A_75 = arith.extui %lt3A_74 : i1 to i32
          %cond3A_76 = arith.constant 0 : i32
          %cond3A_77 = arith.cmpi ne, %convert_element_type3A_75, %cond3A_76 : i32
          scf.if %cond3A_77 {
            %add3A_91 = arith.constant 2 : i32
            %add3A_92 = arith.addi %mul3A_68, %add3A_91 : i32
            %dma_start3A_93 = arith.constant 0 : i32
            %dma_start3A_94 = tpu.memref_slice %arg9[%add3A_92, %dma_start3A_93] : memref<28x128xi32, #tpu.memory_space<vmem>> -> memref<1x128xi32, #tpu.memory_space<vmem>>
            %dma_start3A_95 = tpu.memref_squeeze %dma_start3A_94 : memref<1x128xi32, #tpu.memory_space<vmem>> -> memref<128xi32, #tpu.memory_space<vmem>>
            %dma_start3A_96 = arith.constant 0 : i32
            %dma_start3A_97 = arith.constant 0 : i32
            %dma_start3A_98 = tpu.memref_slice %arg5[%dma_start3A_96, %dma_start3A_97] : memref<10240x128xf32, #tpu.memory_space<hbm>> -> memref<10240x128xf32, #tpu.memory_space<hbm>>
            tpu.enqueue_indirect_dma source(%dma_start3A_98 : memref<10240x128xf32, #tpu.memory_space<hbm>>) target(%arg12 : memref<128x128xf32, #tpu.memory_space<vmem>>) offsets(%dma_start3A_95 : memref<128xi32, #tpu.memory_space<vmem>>) semaphore(%arg15 : memref<!tpu.dma_semaphore, #tpu.memory_space<semaphore_mem>>)
          } else {
          }
          %dma_wait3A_78 = arith.constant 0 : i32
          %dma_wait3A_79 = tpu.memref_slice %arg9[%mul3A_68, %dma_wait3A_78] : memref<28x128xi32, #tpu.memory_space<vmem>> -> memref<1x128xi32, #tpu.memory_space<vmem>>
          %dma_wait3A_80 = tpu.memref_squeeze %dma_wait3A_79 : memref<1x128xi32, #tpu.memory_space<vmem>> -> memref<128xi32, #tpu.memory_space<vmem>>
          %dma_wait3A_81 = arith.constant 0 : i32
          %dma_wait3A_82 = arith.constant 0 : i32
          %dma_wait3A_83 = tpu.memref_slice %arg5[%dma_wait3A_81, %dma_wait3A_82] : memref<10240x128xf32, #tpu.memory_space<hbm>> -> memref<10240x128xf32, #tpu.memory_space<hbm>>
          tpu.wait_indirect_dma semaphore(%arg16 : memref<!tpu.dma_semaphore, #tpu.memory_space<semaphore_mem>>) src(%dma_wait3A_83 : memref<10240x128xf32, #tpu.memory_space<hbm>>) dst(%arg13 : memref<128x128xf32, #tpu.memory_space<vmem>>)
          %add3A_84 = arith.constant 1 : i32
          %add3A_85 = arith.addi %mul3A_68, %add3A_84 : i32
          "tpu.region"() ({
            %run_scoped3A = tpu.sem_alloc : memref<!tpu.dma_semaphore, #tpu.memory_space<semaphore_mem>>
            %dma_start3A_91 = arith.constant 0 : i32
            %dma_start3A_92 = tpu.memref_slice %arg10[%add3A_85, %dma_start3A_91] : memref<28x128xi32, #tpu.memory_space<vmem>> -> memref<1x128xi32, #tpu.memory_space<vmem>>
            %dma_start3A_93 = tpu.memref_squeeze %dma_start3A_92 : memref<1x128xi32, #tpu.memory_space<vmem>> -> memref<128xi32, #tpu.memory_space<vmem>>
            %dma_start3A_94 = arith.constant 0 : i32
            %dma_start3A_95 = arith.constant 0 : i32
            %dma_start3A_96 = tpu.memref_slice %arg14[%dma_start3A_94, %dma_start3A_95] : memref<10240x128xf32, #tpu.memory_space<vmem_shared>> -> memref<10240x128xf32, #tpu.memory_space<vmem_shared>>
            tpu.enqueue_indirect_dma source(%arg13 : memref<128x128xf32, #tpu.memory_space<vmem>>) target(%dma_start3A_96 : memref<10240x128xf32, #tpu.memory_space<vmem_shared>>) offsets(%dma_start3A_93 : memref<128xi32, #tpu.memory_space<vmem>>) semaphore(%run_scoped3A : memref<!tpu.dma_semaphore, #tpu.memory_space<semaphore_mem>>) {add = true}
            %dma_wait3A_97 = arith.constant 0 : i32
            %dma_wait3A_98 = tpu.memref_slice %arg10[%add3A_85, %dma_wait3A_97] : memref<28x128xi32, #tpu.memory_space<vmem>> -> memref<1x128xi32, #tpu.memory_space<vmem>>
            %dma_wait3A_99 = tpu.memref_squeeze %dma_wait3A_98 : memref<1x128xi32, #tpu.memory_space<vmem>> -> memref<128xi32, #tpu.memory_space<vmem>>
            %dma_wait3A_100 = arith.constant 0 : i32
            %dma_wait3A_101 = arith.constant 0 : i32
            %dma_wait3A_102 = tpu.memref_slice %arg14[%dma_wait3A_100, %dma_wait3A_101] : memref<10240x128xf32, #tpu.memory_space<vmem_shared>> -> memref<10240x128xf32, #tpu.memory_space<vmem_shared>>
            tpu.wait_indirect_dma semaphore(%run_scoped3A : memref<!tpu.dma_semaphore, #tpu.memory_space<semaphore_mem>>) src(%arg13 : memref<128x128xf32, #tpu.memory_space<vmem>>) dst(%dma_wait3A_102 : memref<10240x128xf32, #tpu.memory_space<vmem_shared>>)
            tpu.yield
          }) : () -> ()
          %lt3A_86 = arith.constant 13 : i32
          %lt3A_87 = arith.cmpi slt, %scan3A_66, %lt3A_86 : i32
          %convert_element_type3A_88 = arith.extui %lt3A_87 : i1 to i32
          %cond3A_89 = arith.constant 0 : i32
          %cond3A_90 = arith.cmpi ne, %convert_element_type3A_88, %cond3A_89 : i32
          scf.if %cond3A_90 {
            %add3A_91 = arith.constant 3 : i32
            %add3A_92 = arith.addi %mul3A_68, %add3A_91 : i32
            %dma_start3A_93 = arith.constant 0 : i32
            %dma_start3A_94 = tpu.memref_slice %arg9[%add3A_92, %dma_start3A_93] : memref<28x128xi32, #tpu.memory_space<vmem>> -> memref<1x128xi32, #tpu.memory_space<vmem>>
            %dma_start3A_95 = tpu.memref_squeeze %dma_start3A_94 : memref<1x128xi32, #tpu.memory_space<vmem>> -> memref<128xi32, #tpu.memory_space<vmem>>
            %dma_start3A_96 = arith.constant 0 : i32
            %dma_start3A_97 = arith.constant 0 : i32
            %dma_start3A_98 = tpu.memref_slice %arg5[%dma_start3A_96, %dma_start3A_97] : memref<10240x128xf32, #tpu.memory_space<hbm>> -> memref<10240x128xf32, #tpu.memory_space<hbm>>
            tpu.enqueue_indirect_dma source(%dma_start3A_98 : memref<10240x128xf32, #tpu.memory_space<hbm>>) target(%arg13 : memref<128x128xf32, #tpu.memory_space<vmem>>) offsets(%dma_start3A_95 : memref<128xi32, #tpu.memory_space<vmem>>) semaphore(%arg16 : memref<!tpu.dma_semaphore, #tpu.memory_space<semaphore_mem>>)
          } else {
          }
        }
        %scan3A_65 = arith.constant 14 : i32
      }
      %mul3A_41 = arith.constant 28 : i32
      %mul3A_42 = arith.muli %div3A_31, %mul3A_41 : i32
      %sub3A = arith.subi %div3A_11, %mul3A_42 : i32
      %gt3A = arith.constant 0 : i32
      %gt3A_43 = arith.cmpi sgt, %sub3A, %gt3A : i32
      %convert_element_type3A_44 = arith.extui %gt3A_43 : i1 to i32
      %cond3A_45 = arith.constant 0 : i32
      %cond3A_46 = arith.cmpi ne, %convert_element_type3A_44, %cond3A_45 : i32
      scf.if %cond3A_46 {
        "tpu.region"() ({
          %run_scoped3A = tpu.sem_alloc : memref<!tpu.dma_semaphore, #tpu.memory_space<semaphore_mem>>
          %dma_start3A_88 = arith.constant 0 : i32
          %dma_start3A_89 = arith.constant 0 : i32
          %dma_start3A_90 = tpu.memref_slice %arg2[%arg1, %div3A_31, %dma_start3A_88, %dma_start3A_89] : memref<16x3x28x128xi32, #tpu.memory_space<hbm>> -> memref<1x1x28x128xi32, #tpu.memory_space<hbm>>
          %dma_start3A_91 = tpu.memref_squeeze %dma_start3A_90 : memref<1x1x28x128xi32, #tpu.memory_space<hbm>> -> memref<28x128xi32, #tpu.memory_space<hbm>>
          %dma_start3A_92 = arith.constant 0 : i32
          %dma_start3A_93 = arith.constant 0 : i32
          %dma_start3A_94 = tpu.memref_slice %arg2[%arg1, %div3A_31, %dma_start3A_92, %dma_start3A_93] : memref<16x3x28x128xi32, #tpu.memory_space<hbm>> -> memref<1x1x28x128xi32, #tpu.memory_space<hbm>>
          %dma_start3A_95 = tpu.memref_squeeze %dma_start3A_94 : memref<1x1x28x128xi32, #tpu.memory_space<hbm>> -> memref<28x128xi32, #tpu.memory_space<hbm>>
          tpu.enqueue_dma source(%dma_start3A_95 : memref<28x128xi32, #tpu.memory_space<hbm>>) target(%arg9 : memref<28x128xi32, #tpu.memory_space<vmem>>) target_semaphore(%run_scoped3A : memref<!tpu.dma_semaphore, #tpu.memory_space<semaphore_mem>>)
          %dma_wait3A = arith.constant 0 : i32
          %dma_wait3A_96 = arith.constant 0 : i32
          %dma_wait3A_97 = tpu.memref_slice %arg2[%arg1, %div3A_31, %dma_wait3A, %dma_wait3A_96] : memref<16x3x28x128xi32, #tpu.memory_space<hbm>> -> memref<1x1x28x128xi32, #tpu.memory_space<hbm>>
          %dma_wait3A_98 = tpu.memref_squeeze %dma_wait3A_97 : memref<1x1x28x128xi32, #tpu.memory_space<hbm>> -> memref<28x128xi32, #tpu.memory_space<hbm>>
          %dma_wait3A_99 = arith.constant 0 : i32
          %dma_wait3A_100 = arith.constant 0 : i32
          %dma_wait3A_101 = tpu.memref_slice %arg2[%arg1, %div3A_31, %dma_wait3A_99, %dma_wait3A_100] : memref<16x3x28x128xi32, #tpu.memory_space<hbm>> -> memref<1x1x28x128xi32, #tpu.memory_space<hbm>>
          %dma_wait3A_102 = tpu.memref_squeeze %dma_wait3A_101 : memref<1x1x28x128xi32, #tpu.memory_space<hbm>> -> memref<28x128xi32, #tpu.memory_space<hbm>>
          tpu.wait_dma2 semaphore(%run_scoped3A : memref<!tpu.dma_semaphore, #tpu.memory_space<semaphore_mem>>) src(%dma_wait3A_102 : memref<28x128xi32, #tpu.memory_space<hbm>>) dst(%arg9 : memref<28x128xi32, #tpu.memory_space<vmem>>)
          tpu.yield
        }) : () -> ()
        "tpu.region"() ({
          %run_scoped3A = tpu.sem_alloc : memref<!tpu.dma_semaphore, #tpu.memory_space<semaphore_mem>>
          %dma_start3A_88 = arith.constant 0 : i32
          %dma_start3A_89 = arith.constant 0 : i32
          %dma_start3A_90 = tpu.memref_slice %arg3[%arg1, %div3A_31, %dma_start3A_88, %dma_start3A_89] : memref<16x3x28x128xi32, #tpu.memory_space<hbm>> -> memref<1x1x28x128xi32, #tpu.memory_space<hbm>>
          %dma_start3A_91 = tpu.memref_squeeze %dma_start3A_90 : memref<1x1x28x128xi32, #tpu.memory_space<hbm>> -> memref<28x128xi32, #tpu.memory_space<hbm>>
          %dma_start3A_92 = arith.constant 0 : i32
          %dma_start3A_93 = arith.constant 0 : i32
          %dma_start3A_94 = tpu.memref_slice %arg3[%arg1, %div3A_31, %dma_start3A_92, %dma_start3A_93] : memref<16x3x28x128xi32, #tpu.memory_space<hbm>> -> memref<1x1x28x128xi32, #tpu.memory_space<hbm>>
          %dma_start3A_95 = tpu.memref_squeeze %dma_start3A_94 : memref<1x1x28x128xi32, #tpu.memory_space<hbm>> -> memref<28x128xi32, #tpu.memory_space<hbm>>
          tpu.enqueue_dma source(%dma_start3A_95 : memref<28x128xi32, #tpu.memory_space<hbm>>) target(%arg10 : memref<28x128xi32, #tpu.memory_space<vmem>>) target_semaphore(%run_scoped3A : memref<!tpu.dma_semaphore, #tpu.memory_space<semaphore_mem>>)
          %dma_wait3A = arith.constant 0 : i32
          %dma_wait3A_96 = arith.constant 0 : i32
          %dma_wait3A_97 = tpu.memref_slice %arg3[%arg1, %div3A_31, %dma_wait3A, %dma_wait3A_96] : memref<16x3x28x128xi32, #tpu.memory_space<hbm>> -> memref<1x1x28x128xi32, #tpu.memory_space<hbm>>
          %dma_wait3A_98 = tpu.memref_squeeze %dma_wait3A_97 : memref<1x1x28x128xi32, #tpu.memory_space<hbm>> -> memref<28x128xi32, #tpu.memory_space<hbm>>
          %dma_wait3A_99 = arith.constant 0 : i32
          %dma_wait3A_100 = arith.constant 0 : i32
          %dma_wait3A_101 = tpu.memref_slice %arg3[%arg1, %div3A_31, %dma_wait3A_99, %dma_wait3A_100] : memref<16x3x28x128xi32, #tpu.memory_space<hbm>> -> memref<1x1x28x128xi32, #tpu.memory_space<hbm>>
          %dma_wait3A_102 = tpu.memref_squeeze %dma_wait3A_101 : memref<1x1x28x128xi32, #tpu.memory_space<hbm>> -> memref<28x128xi32, #tpu.memory_space<hbm>>
          tpu.wait_dma2 semaphore(%run_scoped3A : memref<!tpu.dma_semaphore, #tpu.memory_space<semaphore_mem>>) src(%dma_wait3A_102 : memref<28x128xi32, #tpu.memory_space<hbm>>) dst(%arg10 : memref<28x128xi32, #tpu.memory_space<vmem>>)
          tpu.yield
        }) : () -> ()
        %dma_start3A = arith.constant 0 : i32
        %dma_start3A_47 = arith.constant 0 : i32
        %dma_start3A_48 = tpu.memref_slice %arg9[%dma_start3A, %dma_start3A_47] : memref<28x128xi32, #tpu.memory_space<vmem>> -> memref<1x128xi32, #tpu.memory_space<vmem>>
        %dma_start3A_49 = tpu.memref_squeeze %dma_start3A_48 : memref<1x128xi32, #tpu.memory_space<vmem>> -> memref<128xi32, #tpu.memory_space<vmem>>
        %dma_start3A_50 = arith.constant 0 : i32
        %dma_start3A_51 = arith.constant 0 : i32
        %dma_start3A_52 = tpu.memref_slice %arg5[%dma_start3A_50, %dma_start3A_51] : memref<10240x128xf32, #tpu.memory_space<hbm>> -> memref<10240x128xf32, #tpu.memory_space<hbm>>
        tpu.enqueue_indirect_dma source(%dma_start3A_52 : memref<10240x128xf32, #tpu.memory_space<hbm>>) target(%arg12 : memref<128x128xf32, #tpu.memory_space<vmem>>) offsets(%dma_start3A_49 : memref<128xi32, #tpu.memory_space<vmem>>) semaphore(%arg15 : memref<!tpu.dma_semaphore, #tpu.memory_space<semaphore_mem>>)
        %gt3A_53 = arith.constant 1 : i32
        %gt3A_54 = arith.cmpi sgt, %sub3A, %gt3A_53 : i32
        %convert_element_type3A_55 = arith.extui %gt3A_54 : i1 to i32
        %cond3A_56 = arith.constant 0 : i32
        %cond3A_57 = arith.cmpi ne, %convert_element_type3A_55, %cond3A_56 : i32
        scf.if %cond3A_57 {
          %dma_start3A_88 = arith.constant 1 : i32
          %dma_start3A_89 = arith.constant 0 : i32
          %dma_start3A_90 = tpu.memref_slice %arg9[%dma_start3A_88, %dma_start3A_89] : memref<28x128xi32, #tpu.memory_space<vmem>> -> memref<1x128xi32, #tpu.memory_space<vmem>>
          %dma_start3A_91 = tpu.memref_squeeze %dma_start3A_90 : memref<1x128xi32, #tpu.memory_space<vmem>> -> memref<128xi32, #tpu.memory_space<vmem>>
          %dma_start3A_92 = arith.constant 0 : i32
          %dma_start3A_93 = arith.constant 0 : i32
          %dma_start3A_94 = tpu.memref_slice %arg5[%dma_start3A_92, %dma_start3A_93] : memref<10240x128xf32, #tpu.memory_space<hbm>> -> memref<10240x128xf32, #tpu.memory_space<hbm>>
          tpu.enqueue_indirect_dma source(%dma_start3A_94 : memref<10240x128xf32, #tpu.memory_space<hbm>>) target(%arg13 : memref<128x128xf32, #tpu.memory_space<vmem>>) offsets(%dma_start3A_91 : memref<128xi32, #tpu.memory_space<vmem>>) semaphore(%arg16 : memref<!tpu.dma_semaphore, #tpu.memory_space<semaphore_mem>>)
        } else {
        }
        %add3A_58 = arith.constant 1 : i32
        %add3A_59 = arith.addi %sub3A, %add3A_58 : i32
        %jit3A = arith.constant 2 : i32
        %div3A_60 = arith.divsi %add3A_59, %jit3A : i32
        %sign3A = arith.constant 0 : i32
        %sign3A_61 = arith.cmpi sgt, %add3A_59, %sign3A : i32
        %sign3A_62 = arith.extui %sign3A_61 : i1 to i32
        %sign3A_63 = arith.constant 0 : i32
        %sign3A_64 = arith.cmpi slt, %add3A_59, %sign3A_63 : i32
        %sign3A_65 = arith.extui %sign3A_64 : i1 to i32
        %sign3A_66 = arith.subi %sign3A_62, %sign3A_65 : i32
        %sign3A_67 = arith.constant 0 : i32
        %sign3A_68 = arith.cmpi sgt, %jit3A, %sign3A_67 : i32
        %sign3A_69 = arith.extui %sign3A_68 : i1 to i32
        %sign3A_70 = arith.constant 0 : i32
        %sign3A_71 = arith.cmpi slt, %jit3A, %sign3A_70 : i32
        %sign3A_72 = arith.extui %sign3A_71 : i1 to i32
        %sign3A_73 = arith.subi %sign3A_69, %sign3A_72 : i32
        %ne3A = arith.cmpi ne, %sign3A_66, %sign3A_73 : i32
        %rem3A = arith.remsi %add3A_59, %jit3A : i32
        %ne3A_74 = arith.constant 0 : i32
        %ne3A_75 = arith.cmpi ne, %rem3A, %ne3A_74 : i32
        %and3A = arith.andi %ne3A, %ne3A_75 : i1
        %sub3A_76 = arith.constant 1 : i32
        %sub3A_77 = arith.subi %div3A_60, %sub3A_76 : i32
        %select_n3A = arith.select %and3A, %sub3A_77, %div3A_60 : i32
        %while3A_78 = arith.constant 0 : i32
        %while3A_79 = arith.constant 0 : i32
        %while3A_80 = arith.subi %select_n3A, %while3A_79 : i32
        %while3A_81 = arith.addi %while3A_79, %while3A_80 : i32
        %while3A_82 = arith.constant 1 : i32
        %while3A_83 = arith.divsi %while3A_80, %while3A_82 : i32
        %while3A_84 = arith.muli %while3A_83, %while3A_82 : i32
        %while3A_85 = arith.addi %while3A_79, %while3A_84 : i32
        %while3A_86 = arith.constant 1 : i32
        scf.for %while3A_88 = %while3A_79 to %while3A_85 step %while3A_86  : i32 {
          %mul3A_89 = arith.constant 2 : i32
          %mul3A_90 = arith.muli %mul3A_89, %while3A_88 : i32
          %dma_wait3A = arith.constant 0 : i32
          %dma_wait3A_91 = tpu.memref_slice %arg9[%mul3A_90, %dma_wait3A] : memref<28x128xi32, #tpu.memory_space<vmem>> -> memref<1x128xi32, #tpu.memory_space<vmem>>
          %dma_wait3A_92 = tpu.memref_squeeze %dma_wait3A_91 : memref<1x128xi32, #tpu.memory_space<vmem>> -> memref<128xi32, #tpu.memory_space<vmem>>
          %dma_wait3A_93 = arith.constant 0 : i32
          %dma_wait3A_94 = arith.constant 0 : i32
          %dma_wait3A_95 = tpu.memref_slice %arg5[%dma_wait3A_93, %dma_wait3A_94] : memref<10240x128xf32, #tpu.memory_space<hbm>> -> memref<10240x128xf32, #tpu.memory_space<hbm>>
          tpu.wait_indirect_dma semaphore(%arg15 : memref<!tpu.dma_semaphore, #tpu.memory_space<semaphore_mem>>) src(%dma_wait3A_95 : memref<10240x128xf32, #tpu.memory_space<hbm>>) dst(%arg12 : memref<128x128xf32, #tpu.memory_space<vmem>>)
          "tpu.region"() ({
            %run_scoped3A = tpu.sem_alloc : memref<!tpu.dma_semaphore, #tpu.memory_space<semaphore_mem>>
            %dma_start3A_107 = arith.constant 0 : i32
            %dma_start3A_108 = tpu.memref_slice %arg10[%mul3A_90, %dma_start3A_107] : memref<28x128xi32, #tpu.memory_space<vmem>> -> memref<1x128xi32, #tpu.memory_space<vmem>>
            %dma_start3A_109 = tpu.memref_squeeze %dma_start3A_108 : memref<1x128xi32, #tpu.memory_space<vmem>> -> memref<128xi32, #tpu.memory_space<vmem>>
            %dma_start3A_110 = arith.constant 0 : i32
            %dma_start3A_111 = arith.constant 0 : i32
            %dma_start3A_112 = tpu.memref_slice %arg14[%dma_start3A_110, %dma_start3A_111] : memref<10240x128xf32, #tpu.memory_space<vmem_shared>> -> memref<10240x128xf32, #tpu.memory_space<vmem_shared>>
            tpu.enqueue_indirect_dma source(%arg12 : memref<128x128xf32, #tpu.memory_space<vmem>>) target(%dma_start3A_112 : memref<10240x128xf32, #tpu.memory_space<vmem_shared>>) offsets(%dma_start3A_109 : memref<128xi32, #tpu.memory_space<vmem>>) semaphore(%run_scoped3A : memref<!tpu.dma_semaphore, #tpu.memory_space<semaphore_mem>>) {add = true}
            %dma_wait3A_113 = arith.constant 0 : i32
            %dma_wait3A_114 = tpu.memref_slice %arg10[%mul3A_90, %dma_wait3A_113] : memref<28x128xi32, #tpu.memory_space<vmem>> -> memref<1x128xi32, #tpu.memory_space<vmem>>
            %dma_wait3A_115 = tpu.memref_squeeze %dma_wait3A_114 : memref<1x128xi32, #tpu.memory_space<vmem>> -> memref<128xi32, #tpu.memory_space<vmem>>
            %dma_wait3A_116 = arith.constant 0 : i32
            %dma_wait3A_117 = arith.constant 0 : i32
            %dma_wait3A_118 = tpu.memref_slice %arg14[%dma_wait3A_116, %dma_wait3A_117] : memref<10240x128xf32, #tpu.memory_space<vmem_shared>> -> memref<10240x128xf32, #tpu.memory_space<vmem_shared>>
            tpu.wait_indirect_dma semaphore(%run_scoped3A : memref<!tpu.dma_semaphore, #tpu.memory_space<semaphore_mem>>) src(%arg12 : memref<128x128xf32, #tpu.memory_space<vmem>>) dst(%dma_wait3A_118 : memref<10240x128xf32, #tpu.memory_space<vmem_shared>>)
            tpu.yield
          }) : () -> ()
          %add3A_96 = arith.constant 2 : i32
          %add3A_97 = arith.addi %mul3A_90, %add3A_96 : i32
          %lt3A = arith.cmpi slt, %add3A_97, %sub3A : i32
          %convert_element_type3A_98 = arith.extui %lt3A : i1 to i32
          %cond3A_99 = arith.constant 0 : i32
          %cond3A_100 = arith.cmpi ne, %convert_element_type3A_98, %cond3A_99 : i32
          scf.if %cond3A_100 {
            %add3A_107 = arith.constant 2 : i32
            %add3A_108 = arith.addi %mul3A_90, %add3A_107 : i32
            %dma_start3A_109 = arith.constant 0 : i32
            %dma_start3A_110 = tpu.memref_slice %arg9[%add3A_108, %dma_start3A_109] : memref<28x128xi32, #tpu.memory_space<vmem>> -> memref<1x128xi32, #tpu.memory_space<vmem>>
            %dma_start3A_111 = tpu.memref_squeeze %dma_start3A_110 : memref<1x128xi32, #tpu.memory_space<vmem>> -> memref<128xi32, #tpu.memory_space<vmem>>
            %dma_start3A_112 = arith.constant 0 : i32
            %dma_start3A_113 = arith.constant 0 : i32
            %dma_start3A_114 = tpu.memref_slice %arg5[%dma_start3A_112, %dma_start3A_113] : memref<10240x128xf32, #tpu.memory_space<hbm>> -> memref<10240x128xf32, #tpu.memory_space<hbm>>
            tpu.enqueue_indirect_dma source(%dma_start3A_114 : memref<10240x128xf32, #tpu.memory_space<hbm>>) target(%arg12 : memref<128x128xf32, #tpu.memory_space<vmem>>) offsets(%dma_start3A_111 : memref<128xi32, #tpu.memory_space<vmem>>) semaphore(%arg15 : memref<!tpu.dma_semaphore, #tpu.memory_space<semaphore_mem>>)
          } else {
          }
          %add3A_101 = arith.constant 1 : i32
          %add3A_102 = arith.addi %mul3A_90, %add3A_101 : i32
          %lt3A_103 = arith.cmpi slt, %add3A_102, %sub3A : i32
          %convert_element_type3A_104 = arith.extui %lt3A_103 : i1 to i32
          %cond3A_105 = arith.constant 0 : i32
          %cond3A_106 = arith.cmpi ne, %convert_element_type3A_104, %cond3A_105 : i32
          scf.if %cond3A_106 {
            %dma_wait3A_107 = arith.constant 0 : i32
            %dma_wait3A_108 = tpu.memref_slice %arg9[%mul3A_90, %dma_wait3A_107] : memref<28x128xi32, #tpu.memory_space<vmem>> -> memref<1x128xi32, #tpu.memory_space<vmem>>
            %dma_wait3A_109 = tpu.memref_squeeze %dma_wait3A_108 : memref<1x128xi32, #tpu.memory_space<vmem>> -> memref<128xi32, #tpu.memory_space<vmem>>
            %dma_wait3A_110 = arith.constant 0 : i32
            %dma_wait3A_111 = arith.constant 0 : i32
            %dma_wait3A_112 = tpu.memref_slice %arg5[%dma_wait3A_110, %dma_wait3A_111] : memref<10240x128xf32, #tpu.memory_space<hbm>> -> memref<10240x128xf32, #tpu.memory_space<hbm>>
            tpu.wait_indirect_dma semaphore(%arg16 : memref<!tpu.dma_semaphore, #tpu.memory_space<semaphore_mem>>) src(%dma_wait3A_112 : memref<10240x128xf32, #tpu.memory_space<hbm>>) dst(%arg13 : memref<128x128xf32, #tpu.memory_space<vmem>>)
            %add3A_113 = arith.constant 1 : i32
            %add3A_114 = arith.addi %mul3A_90, %add3A_113 : i32
            "tpu.region"() ({
              %run_scoped3A = tpu.sem_alloc : memref<!tpu.dma_semaphore, #tpu.memory_space<semaphore_mem>>
              %dma_start3A_121 = arith.constant 0 : i32
              %dma_start3A_122 = tpu.memref_slice %arg10[%add3A_114, %dma_start3A_121] : memref<28x128xi32, #tpu.memory_space<vmem>> -> memref<1x128xi32, #tpu.memory_space<vmem>>
              %dma_start3A_123 = tpu.memref_squeeze %dma_start3A_122 : memref<1x128xi32, #tpu.memory_space<vmem>> -> memref<128xi32, #tpu.memory_space<vmem>>
              %dma_start3A_124 = arith.constant 0 : i32
              %dma_start3A_125 = arith.constant 0 : i32
              %dma_start3A_126 = tpu.memref_slice %arg14[%dma_start3A_124, %dma_start3A_125] : memref<10240x128xf32, #tpu.memory_space<vmem_shared>> -> memref<10240x128xf32, #tpu.memory_space<vmem_shared>>
              tpu.enqueue_indirect_dma source(%arg13 : memref<128x128xf32, #tpu.memory_space<vmem>>) target(%dma_start3A_126 : memref<10240x128xf32, #tpu.memory_space<vmem_shared>>) offsets(%dma_start3A_123 : memref<128xi32, #tpu.memory_space<vmem>>) semaphore(%run_scoped3A : memref<!tpu.dma_semaphore, #tpu.memory_space<semaphore_mem>>) {add = true}
              %dma_wait3A_127 = arith.constant 0 : i32
              %dma_wait3A_128 = tpu.memref_slice %arg10[%add3A_114, %dma_wait3A_127] : memref<28x128xi32, #tpu.memory_space<vmem>> -> memref<1x128xi32, #tpu.memory_space<vmem>>
              %dma_wait3A_129 = tpu.memref_squeeze %dma_wait3A_128 : memref<1x128xi32, #tpu.memory_space<vmem>> -> memref<128xi32, #tpu.memory_space<vmem>>
              %dma_wait3A_130 = arith.constant 0 : i32
              %dma_wait3A_131 = arith.constant 0 : i32
              %dma_wait3A_132 = tpu.memref_slice %arg14[%dma_wait3A_130, %dma_wait3A_131] : memref<10240x128xf32, #tpu.memory_space<vmem_shared>> -> memref<10240x128xf32, #tpu.memory_space<vmem_shared>>
              tpu.wait_indirect_dma semaphore(%run_scoped3A : memref<!tpu.dma_semaphore, #tpu.memory_space<semaphore_mem>>) src(%arg13 : memref<128x128xf32, #tpu.memory_space<vmem>>) dst(%dma_wait3A_132 : memref<10240x128xf32, #tpu.memory_space<vmem_shared>>)
              tpu.yield
            }) : () -> ()
            %add3A_115 = arith.constant 3 : i32
            %add3A_116 = arith.addi %mul3A_90, %add3A_115 : i32
            %lt3A_117 = arith.cmpi slt, %add3A_116, %sub3A : i32
            %convert_element_type3A_118 = arith.extui %lt3A_117 : i1 to i32
            %cond3A_119 = arith.constant 0 : i32
            %cond3A_120 = arith.cmpi ne, %convert_element_type3A_118, %cond3A_119 : i32
            scf.if %cond3A_120 {
              %add3A_121 = arith.constant 3 : i32
              %add3A_122 = arith.addi %mul3A_90, %add3A_121 : i32
              %dma_start3A_123 = arith.constant 0 : i32
              %dma_start3A_124 = tpu.memref_slice %arg9[%add3A_122, %dma_start3A_123] : memref<28x128xi32, #tpu.memory_space<vmem>> -> memref<1x128xi32, #tpu.memory_space<vmem>>
              %dma_start3A_125 = tpu.memref_squeeze %dma_start3A_124 : memref<1x128xi32, #tpu.memory_space<vmem>> -> memref<128xi32, #tpu.memory_space<vmem>>
              %dma_start3A_126 = arith.constant 0 : i32
              %dma_start3A_127 = arith.constant 0 : i32
              %dma_start3A_128 = tpu.memref_slice %arg5[%dma_start3A_126, %dma_start3A_127] : memref<10240x128xf32, #tpu.memory_space<hbm>> -> memref<10240x128xf32, #tpu.memory_space<hbm>>
              tpu.enqueue_indirect_dma source(%dma_start3A_128 : memref<10240x128xf32, #tpu.memory_space<hbm>>) target(%arg13 : memref<128x128xf32, #tpu.memory_space<vmem>>) offsets(%dma_start3A_125 : memref<128xi32, #tpu.memory_space<vmem>>) semaphore(%arg16 : memref<!tpu.dma_semaphore, #tpu.memory_space<semaphore_mem>>)
            } else {
            }
          } else {
          }
        }
        %while3A_87 = arith.constant 1 : i32
        scf.for %while3A_88 = %while3A_85 to %while3A_81 step %while3A_87  : i32 {
          %mul3A_89 = arith.constant 2 : i32
          %mul3A_90 = arith.muli %mul3A_89, %while3A_88 : i32
          %dma_wait3A = arith.constant 0 : i32
          %dma_wait3A_91 = tpu.memref_slice %arg9[%mul3A_90, %dma_wait3A] : memref<28x128xi32, #tpu.memory_space<vmem>> -> memref<1x128xi32, #tpu.memory_space<vmem>>
          %dma_wait3A_92 = tpu.memref_squeeze %dma_wait3A_91 : memref<1x128xi32, #tpu.memory_space<vmem>> -> memref<128xi32, #tpu.memory_space<vmem>>
          %dma_wait3A_93 = arith.constant 0 : i32
          %dma_wait3A_94 = arith.constant 0 : i32
          %dma_wait3A_95 = tpu.memref_slice %arg5[%dma_wait3A_93, %dma_wait3A_94] : memref<10240x128xf32, #tpu.memory_space<hbm>> -> memref<10240x128xf32, #tpu.memory_space<hbm>>
          tpu.wait_indirect_dma semaphore(%arg15 : memref<!tpu.dma_semaphore, #tpu.memory_space<semaphore_mem>>) src(%dma_wait3A_95 : memref<10240x128xf32, #tpu.memory_space<hbm>>) dst(%arg12 : memref<128x128xf32, #tpu.memory_space<vmem>>)
          "tpu.region"() ({
            %run_scoped3A = tpu.sem_alloc : memref<!tpu.dma_semaphore, #tpu.memory_space<semaphore_mem>>
            %dma_start3A_107 = arith.constant 0 : i32
            %dma_start3A_108 = tpu.memref_slice %arg10[%mul3A_90, %dma_start3A_107] : memref<28x128xi32, #tpu.memory_space<vmem>> -> memref<1x128xi32, #tpu.memory_space<vmem>>
            %dma_start3A_109 = tpu.memref_squeeze %dma_start3A_108 : memref<1x128xi32, #tpu.memory_space<vmem>> -> memref<128xi32, #tpu.memory_space<vmem>>
            %dma_start3A_110 = arith.constant 0 : i32
            %dma_start3A_111 = arith.constant 0 : i32
            %dma_start3A_112 = tpu.memref_slice %arg14[%dma_start3A_110, %dma_start3A_111] : memref<10240x128xf32, #tpu.memory_space<vmem_shared>> -> memref<10240x128xf32, #tpu.memory_space<vmem_shared>>
            tpu.enqueue_indirect_dma source(%arg12 : memref<128x128xf32, #tpu.memory_space<vmem>>) target(%dma_start3A_112 : memref<10240x128xf32, #tpu.memory_space<vmem_shared>>) offsets(%dma_start3A_109 : memref<128xi32, #tpu.memory_space<vmem>>) semaphore(%run_scoped3A : memref<!tpu.dma_semaphore, #tpu.memory_space<semaphore_mem>>) {add = true}
            %dma_wait3A_113 = arith.constant 0 : i32
            %dma_wait3A_114 = tpu.memref_slice %arg10[%mul3A_90, %dma_wait3A_113] : memref<28x128xi32, #tpu.memory_space<vmem>> -> memref<1x128xi32, #tpu.memory_space<vmem>>
            %dma_wait3A_115 = tpu.memref_squeeze %dma_wait3A_114 : memref<1x128xi32, #tpu.memory_space<vmem>> -> memref<128xi32, #tpu.memory_space<vmem>>
            %dma_wait3A_116 = arith.constant 0 : i32
            %dma_wait3A_117 = arith.constant 0 : i32
            %dma_wait3A_118 = tpu.memref_slice %arg14[%dma_wait3A_116, %dma_wait3A_117] : memref<10240x128xf32, #tpu.memory_space<vmem_shared>> -> memref<10240x128xf32, #tpu.memory_space<vmem_shared>>
            tpu.wait_indirect_dma semaphore(%run_scoped3A : memref<!tpu.dma_semaphore, #tpu.memory_space<semaphore_mem>>) src(%arg12 : memref<128x128xf32, #tpu.memory_space<vmem>>) dst(%dma_wait3A_118 : memref<10240x128xf32, #tpu.memory_space<vmem_shared>>)
            tpu.yield
          }) : () -> ()
          %add3A_96 = arith.constant 2 : i32
          %add3A_97 = arith.addi %mul3A_90, %add3A_96 : i32
          %lt3A = arith.cmpi slt, %add3A_97, %sub3A : i32
          %convert_element_type3A_98 = arith.extui %lt3A : i1 to i32
          %cond3A_99 = arith.constant 0 : i32
          %cond3A_100 = arith.cmpi ne, %convert_element_type3A_98, %cond3A_99 : i32
          scf.if %cond3A_100 {
            %add3A_107 = arith.constant 2 : i32
            %add3A_108 = arith.addi %mul3A_90, %add3A_107 : i32
            %dma_start3A_109 = arith.constant 0 : i32
            %dma_start3A_110 = tpu.memref_slice %arg9[%add3A_108, %dma_start3A_109] : memref<28x128xi32, #tpu.memory_space<vmem>> -> memref<1x128xi32, #tpu.memory_space<vmem>>
            %dma_start3A_111 = tpu.memref_squeeze %dma_start3A_110 : memref<1x128xi32, #tpu.memory_space<vmem>> -> memref<128xi32, #tpu.memory_space<vmem>>
            %dma_start3A_112 = arith.constant 0 : i32
            %dma_start3A_113 = arith.constant 0 : i32
            %dma_start3A_114 = tpu.memref_slice %arg5[%dma_start3A_112, %dma_start3A_113] : memref<10240x128xf32, #tpu.memory_space<hbm>> -> memref<10240x128xf32, #tpu.memory_space<hbm>>
            tpu.enqueue_indirect_dma source(%dma_start3A_114 : memref<10240x128xf32, #tpu.memory_space<hbm>>) target(%arg12 : memref<128x128xf32, #tpu.memory_space<vmem>>) offsets(%dma_start3A_111 : memref<128xi32, #tpu.memory_space<vmem>>) semaphore(%arg15 : memref<!tpu.dma_semaphore, #tpu.memory_space<semaphore_mem>>)
          } else {
          }
          %add3A_101 = arith.constant 1 : i32
          %add3A_102 = arith.addi %mul3A_90, %add3A_101 : i32
          %lt3A_103 = arith.cmpi slt, %add3A_102, %sub3A : i32
          %convert_element_type3A_104 = arith.extui %lt3A_103 : i1 to i32
          %cond3A_105 = arith.constant 0 : i32
          %cond3A_106 = arith.cmpi ne, %convert_element_type3A_104, %cond3A_105 : i32
          scf.if %cond3A_106 {
            %dma_wait3A_107 = arith.constant 0 : i32
            %dma_wait3A_108 = tpu.memref_slice %arg9[%mul3A_90, %dma_wait3A_107] : memref<28x128xi32, #tpu.memory_space<vmem>> -> memref<1x128xi32, #tpu.memory_space<vmem>>
            %dma_wait3A_109 = tpu.memref_squeeze %dma_wait3A_108 : memref<1x128xi32, #tpu.memory_space<vmem>> -> memref<128xi32, #tpu.memory_space<vmem>>
            %dma_wait3A_110 = arith.constant 0 : i32
            %dma_wait3A_111 = arith.constant 0 : i32
            %dma_wait3A_112 = tpu.memref_slice %arg5[%dma_wait3A_110, %dma_wait3A_111] : memref<10240x128xf32, #tpu.memory_space<hbm>> -> memref<10240x128xf32, #tpu.memory_space<hbm>>
            tpu.wait_indirect_dma semaphore(%arg16 : memref<!tpu.dma_semaphore, #tpu.memory_space<semaphore_mem>>) src(%dma_wait3A_112 : memref<10240x128xf32, #tpu.memory_space<hbm>>) dst(%arg13 : memref<128x128xf32, #tpu.memory_space<vmem>>)
            %add3A_113 = arith.constant 1 : i32
            %add3A_114 = arith.addi %mul3A_90, %add3A_113 : i32
            "tpu.region"() ({
              %run_scoped3A = tpu.sem_alloc : memref<!tpu.dma_semaphore, #tpu.memory_space<semaphore_mem>>
              %dma_start3A_121 = arith.constant 0 : i32
              %dma_start3A_122 = tpu.memref_slice %arg10[%add3A_114, %dma_start3A_121] : memref<28x128xi32, #tpu.memory_space<vmem>> -> memref<1x128xi32, #tpu.memory_space<vmem>>
              %dma_start3A_123 = tpu.memref_squeeze %dma_start3A_122 : memref<1x128xi32, #tpu.memory_space<vmem>> -> memref<128xi32, #tpu.memory_space<vmem>>
              %dma_start3A_124 = arith.constant 0 : i32
              %dma_start3A_125 = arith.constant 0 : i32
              %dma_start3A_126 = tpu.memref_slice %arg14[%dma_start3A_124, %dma_start3A_125] : memref<10240x128xf32, #tpu.memory_space<vmem_shared>> -> memref<10240x128xf32, #tpu.memory_space<vmem_shared>>
              tpu.enqueue_indirect_dma source(%arg13 : memref<128x128xf32, #tpu.memory_space<vmem>>) target(%dma_start3A_126 : memref<10240x128xf32, #tpu.memory_space<vmem_shared>>) offsets(%dma_start3A_123 : memref<128xi32, #tpu.memory_space<vmem>>) semaphore(%run_scoped3A : memref<!tpu.dma_semaphore, #tpu.memory_space<semaphore_mem>>) {add = true}
              %dma_wait3A_127 = arith.constant 0 : i32
              %dma_wait3A_128 = tpu.memref_slice %arg10[%add3A_114, %dma_wait3A_127] : memref<28x128xi32, #tpu.memory_space<vmem>> -> memref<1x128xi32, #tpu.memory_space<vmem>>
              %dma_wait3A_129 = tpu.memref_squeeze %dma_wait3A_128 : memref<1x128xi32, #tpu.memory_space<vmem>> -> memref<128xi32, #tpu.memory_space<vmem>>
              %dma_wait3A_130 = arith.constant 0 : i32
              %dma_wait3A_131 = arith.constant 0 : i32
              %dma_wait3A_132 = tpu.memref_slice %arg14[%dma_wait3A_130, %dma_wait3A_131] : memref<10240x128xf32, #tpu.memory_space<vmem_shared>> -> memref<10240x128xf32, #tpu.memory_space<vmem_shared>>
              tpu.wait_indirect_dma semaphore(%run_scoped3A : memref<!tpu.dma_semaphore, #tpu.memory_space<semaphore_mem>>) src(%arg13 : memref<128x128xf32, #tpu.memory_space<vmem>>) dst(%dma_wait3A_132 : memref<10240x128xf32, #tpu.memory_space<vmem_shared>>)
              tpu.yield
            }) : () -> ()
            %add3A_115 = arith.constant 3 : i32
            %add3A_116 = arith.addi %mul3A_90, %add3A_115 : i32
            %lt3A_117 = arith.cmpi slt, %add3A_116, %sub3A : i32
            %convert_element_type3A_118 = arith.extui %lt3A_117 : i1 to i32
            %cond3A_119 = arith.constant 0 : i32
            %cond3A_120 = arith.cmpi ne, %convert_element_type3A_118, %cond3A_119 : i32
            scf.if %cond3A_120 {
              %add3A_121 = arith.constant 3 : i32
              %add3A_122 = arith.addi %mul3A_90, %add3A_121 : i32
              %dma_start3A_123 = arith.constant 0 : i32
              %dma_start3A_124 = tpu.memref_slice %arg9[%add3A_122, %dma_start3A_123] : memref<28x128xi32, #tpu.memory_space<vmem>> -> memref<1x128xi32, #tpu.memory_space<vmem>>
              %dma_start3A_125 = tpu.memref_squeeze %dma_start3A_124 : memref<1x128xi32, #tpu.memory_space<vmem>> -> memref<128xi32, #tpu.memory_space<vmem>>
              %dma_start3A_126 = arith.constant 0 : i32
              %dma_start3A_127 = arith.constant 0 : i32
              %dma_start3A_128 = tpu.memref_slice %arg5[%dma_start3A_126, %dma_start3A_127] : memref<10240x128xf32, #tpu.memory_space<hbm>> -> memref<10240x128xf32, #tpu.memory_space<hbm>>
              tpu.enqueue_indirect_dma source(%dma_start3A_128 : memref<10240x128xf32, #tpu.memory_space<hbm>>) target(%arg13 : memref<128x128xf32, #tpu.memory_space<vmem>>) offsets(%dma_start3A_125 : memref<128xi32, #tpu.memory_space<vmem>>) semaphore(%arg16 : memref<!tpu.dma_semaphore, #tpu.memory_space<semaphore_mem>>)
            } else {
            }
          } else {
          }
        }
      } else {
      }
    } else {
    }
    %eq3A_14 = arith.constant 1 : i32
    %eq3A_15 = arith.cmpi eq, %arg0, %eq3A_14 : i32
    %convert_element_type3A_16 = arith.extui %eq3A_15 : i1 to i32
    %cond3A_17 = arith.constant 0 : i32
    %cond3A_18 = arith.cmpi ne, %convert_element_type3A_16, %cond3A_17 : i32
    scf.if %cond3A_18 {
      %div3A_30 = arith.constant 28 : i32
      %div3A_31 = arith.divsi %div3A_11, %div3A_30 : i32
      %while3A = arith.constant 0 : i32
      %while3A_32 = arith.constant 0 : i32
      %while3A_33 = arith.subi %div3A_31, %while3A_32 : i32
      %while3A_34 = arith.addi %while3A_32, %while3A_33 : i32
      %while3A_35 = arith.constant 1 : i32
      %while3A_36 = arith.divsi %while3A_33, %while3A_35 : i32
      %while3A_37 = arith.muli %while3A_36, %while3A_35 : i32
      %while3A_38 = arith.addi %while3A_32, %while3A_37 : i32
      %while3A_39 = arith.constant 1 : i32
      scf.for %while3A_47 = %while3A_32 to %while3A_38 step %while3A_39  : i32 {
        "tpu.region"() ({
          %run_scoped3A = tpu.sem_alloc : memref<!tpu.dma_semaphore, #tpu.memory_space<semaphore_mem>>
          %dma_start3A_66 = arith.constant 0 : i32
          %dma_start3A_67 = arith.constant 0 : i32
          %dma_start3A_68 = tpu.memref_slice %arg2[%arg1, %while3A_47, %dma_start3A_66, %dma_start3A_67] : memref<16x3x28x128xi32, #tpu.memory_space<hbm>> -> memref<1x1x28x128xi32, #tpu.memory_space<hbm>>
          %dma_start3A_69 = tpu.memref_squeeze %dma_start3A_68 : memref<1x1x28x128xi32, #tpu.memory_space<hbm>> -> memref<28x128xi32, #tpu.memory_space<hbm>>
          %dma_start3A_70 = arith.constant 0 : i32
          %dma_start3A_71 = arith.constant 0 : i32
          %dma_start3A_72 = tpu.memref_slice %arg2[%arg1, %while3A_47, %dma_start3A_70, %dma_start3A_71] : memref<16x3x28x128xi32, #tpu.memory_space<hbm>> -> memref<1x1x28x128xi32, #tpu.memory_space<hbm>>
          %dma_start3A_73 = tpu.memref_squeeze %dma_start3A_72 : memref<1x1x28x128xi32, #tpu.memory_space<hbm>> -> memref<28x128xi32, #tpu.memory_space<hbm>>
          tpu.enqueue_dma source(%dma_start3A_73 : memref<28x128xi32, #tpu.memory_space<hbm>>) target(%arg9 : memref<28x128xi32, #tpu.memory_space<vmem>>) target_semaphore(%run_scoped3A : memref<!tpu.dma_semaphore, #tpu.memory_space<semaphore_mem>>)
          %dma_wait3A = arith.constant 0 : i32
          %dma_wait3A_74 = arith.constant 0 : i32
          %dma_wait3A_75 = tpu.memref_slice %arg2[%arg1, %while3A_47, %dma_wait3A, %dma_wait3A_74] : memref<16x3x28x128xi32, #tpu.memory_space<hbm>> -> memref<1x1x28x128xi32, #tpu.memory_space<hbm>>
          %dma_wait3A_76 = tpu.memref_squeeze %dma_wait3A_75 : memref<1x1x28x128xi32, #tpu.memory_space<hbm>> -> memref<28x128xi32, #tpu.memory_space<hbm>>
          %dma_wait3A_77 = arith.constant 0 : i32
          %dma_wait3A_78 = arith.constant 0 : i32
          %dma_wait3A_79 = tpu.memref_slice %arg2[%arg1, %while3A_47, %dma_wait3A_77, %dma_wait3A_78] : memref<16x3x28x128xi32, #tpu.memory_space<hbm>> -> memref<1x1x28x128xi32, #tpu.memory_space<hbm>>
          %dma_wait3A_80 = tpu.memref_squeeze %dma_wait3A_79 : memref<1x1x28x128xi32, #tpu.memory_space<hbm>> -> memref<28x128xi32, #tpu.memory_space<hbm>>
          tpu.wait_dma2 semaphore(%run_scoped3A : memref<!tpu.dma_semaphore, #tpu.memory_space<semaphore_mem>>) src(%dma_wait3A_80 : memref<28x128xi32, #tpu.memory_space<hbm>>) dst(%arg9 : memref<28x128xi32, #tpu.memory_space<vmem>>)
          tpu.yield
        }) : () -> ()
        "tpu.region"() ({
          %run_scoped3A = tpu.sem_alloc : memref<!tpu.dma_semaphore, #tpu.memory_space<semaphore_mem>>
          %dma_start3A_66 = arith.constant 0 : i32
          %dma_start3A_67 = arith.constant 0 : i32
          %dma_start3A_68 = tpu.memref_slice %arg3[%arg1, %while3A_47, %dma_start3A_66, %dma_start3A_67] : memref<16x3x28x128xi32, #tpu.memory_space<hbm>> -> memref<1x1x28x128xi32, #tpu.memory_space<hbm>>
          %dma_start3A_69 = tpu.memref_squeeze %dma_start3A_68 : memref<1x1x28x128xi32, #tpu.memory_space<hbm>> -> memref<28x128xi32, #tpu.memory_space<hbm>>
          %dma_start3A_70 = arith.constant 0 : i32
          %dma_start3A_71 = arith.constant 0 : i32
          %dma_start3A_72 = tpu.memref_slice %arg3[%arg1, %while3A_47, %dma_start3A_70, %dma_start3A_71] : memref<16x3x28x128xi32, #tpu.memory_space<hbm>> -> memref<1x1x28x128xi32, #tpu.memory_space<hbm>>
          %dma_start3A_73 = tpu.memref_squeeze %dma_start3A_72 : memref<1x1x28x128xi32, #tpu.memory_space<hbm>> -> memref<28x128xi32, #tpu.memory_space<hbm>>
          tpu.enqueue_dma source(%dma_start3A_73 : memref<28x128xi32, #tpu.memory_space<hbm>>) target(%arg10 : memref<28x128xi32, #tpu.memory_space<vmem>>) target_semaphore(%run_scoped3A : memref<!tpu.dma_semaphore, #tpu.memory_space<semaphore_mem>>)
          %dma_wait3A = arith.constant 0 : i32
          %dma_wait3A_74 = arith.constant 0 : i32
          %dma_wait3A_75 = tpu.memref_slice %arg3[%arg1, %while3A_47, %dma_wait3A, %dma_wait3A_74] : memref<16x3x28x128xi32, #tpu.memory_space<hbm>> -> memref<1x1x28x128xi32, #tpu.memory_space<hbm>>
          %dma_wait3A_76 = tpu.memref_squeeze %dma_wait3A_75 : memref<1x1x28x128xi32, #tpu.memory_space<hbm>> -> memref<28x128xi32, #tpu.memory_space<hbm>>
          %dma_wait3A_77 = arith.constant 0 : i32
          %dma_wait3A_78 = arith.constant 0 : i32
          %dma_wait3A_79 = tpu.memref_slice %arg3[%arg1, %while3A_47, %dma_wait3A_77, %dma_wait3A_78] : memref<16x3x28x128xi32, #tpu.memory_space<hbm>> -> memref<1x1x28x128xi32, #tpu.memory_space<hbm>>
          %dma_wait3A_80 = tpu.memref_squeeze %dma_wait3A_79 : memref<1x1x28x128xi32, #tpu.memory_space<hbm>> -> memref<28x128xi32, #tpu.memory_space<hbm>>
          tpu.wait_dma2 semaphore(%run_scoped3A : memref<!tpu.dma_semaphore, #tpu.memory_space<semaphore_mem>>) src(%dma_wait3A_80 : memref<28x128xi32, #tpu.memory_space<hbm>>) dst(%arg10 : memref<28x128xi32, #tpu.memory_space<vmem>>)
          tpu.yield
        }) : () -> ()
        %dma_start3A = arith.constant 0 : i32
        %dma_start3A_48 = arith.constant 0 : i32
        %dma_start3A_49 = tpu.memref_slice %arg9[%dma_start3A, %dma_start3A_48] : memref<28x128xi32, #tpu.memory_space<vmem>> -> memref<1x128xi32, #tpu.memory_space<vmem>>
        %dma_start3A_50 = tpu.memref_squeeze %dma_start3A_49 : memref<1x128xi32, #tpu.memory_space<vmem>> -> memref<128xi32, #tpu.memory_space<vmem>>
        %dma_start3A_51 = arith.constant 0 : i32
        %dma_start3A_52 = arith.constant 0 : i32
        %dma_start3A_53 = tpu.memref_slice %arg6[%dma_start3A_51, %dma_start3A_52] : memref<10240x128xf32, #tpu.memory_space<hbm>> -> memref<10240x128xf32, #tpu.memory_space<hbm>>
        tpu.enqueue_indirect_dma source(%dma_start3A_53 : memref<10240x128xf32, #tpu.memory_space<hbm>>) target(%arg12 : memref<128x128xf32, #tpu.memory_space<vmem>>) offsets(%dma_start3A_50 : memref<128xi32, #tpu.memory_space<vmem>>) semaphore(%arg15 : memref<!tpu.dma_semaphore, #tpu.memory_space<semaphore_mem>>)
        %dma_start3A_54 = arith.constant 1 : i32
        %dma_start3A_55 = arith.constant 0 : i32
        %dma_start3A_56 = tpu.memref_slice %arg9[%dma_start3A_54, %dma_start3A_55] : memref<28x128xi32, #tpu.memory_space<vmem>> -> memref<1x128xi32, #tpu.memory_space<vmem>>
        %dma_start3A_57 = tpu.memref_squeeze %dma_start3A_56 : memref<1x128xi32, #tpu.memory_space<vmem>> -> memref<128xi32, #tpu.memory_space<vmem>>
        %dma_start3A_58 = arith.constant 0 : i32
        %dma_start3A_59 = arith.constant 0 : i32
        %dma_start3A_60 = tpu.memref_slice %arg6[%dma_start3A_58, %dma_start3A_59] : memref<10240x128xf32, #tpu.memory_space<hbm>> -> memref<10240x128xf32, #tpu.memory_space<hbm>>
        tpu.enqueue_indirect_dma source(%dma_start3A_60 : memref<10240x128xf32, #tpu.memory_space<hbm>>) target(%arg13 : memref<128x128xf32, #tpu.memory_space<vmem>>) offsets(%dma_start3A_57 : memref<128xi32, #tpu.memory_space<vmem>>) semaphore(%arg16 : memref<!tpu.dma_semaphore, #tpu.memory_space<semaphore_mem>>)
        %scan3A = arith.constant 0 : i32
        %scan3A_61 = arith.constant 0 : i32
        %scan3A_62 = arith.constant 14 : i32
        %scan3A_63 = arith.addi %scan3A_61, %scan3A_62 : i32
        %scan3A_64 = arith.constant 1 : i32
        scf.for %scan3A_66 = %scan3A_61 to %scan3A_63 step %scan3A_64  : i32 {
          %mul3A_67 = arith.constant 2 : i32
          %mul3A_68 = arith.muli %mul3A_67, %scan3A_66 : i32
          %dma_wait3A = arith.constant 0 : i32
          %dma_wait3A_69 = tpu.memref_slice %arg9[%mul3A_68, %dma_wait3A] : memref<28x128xi32, #tpu.memory_space<vmem>> -> memref<1x128xi32, #tpu.memory_space<vmem>>
          %dma_wait3A_70 = tpu.memref_squeeze %dma_wait3A_69 : memref<1x128xi32, #tpu.memory_space<vmem>> -> memref<128xi32, #tpu.memory_space<vmem>>
          %dma_wait3A_71 = arith.constant 0 : i32
          %dma_wait3A_72 = arith.constant 0 : i32
          %dma_wait3A_73 = tpu.memref_slice %arg6[%dma_wait3A_71, %dma_wait3A_72] : memref<10240x128xf32, #tpu.memory_space<hbm>> -> memref<10240x128xf32, #tpu.memory_space<hbm>>
          tpu.wait_indirect_dma semaphore(%arg15 : memref<!tpu.dma_semaphore, #tpu.memory_space<semaphore_mem>>) src(%dma_wait3A_73 : memref<10240x128xf32, #tpu.memory_space<hbm>>) dst(%arg12 : memref<128x128xf32, #tpu.memory_space<vmem>>)
          "tpu.region"() ({
            %run_scoped3A = tpu.sem_alloc : memref<!tpu.dma_semaphore, #tpu.memory_space<semaphore_mem>>
            %dma_start3A_91 = arith.constant 0 : i32
            %dma_start3A_92 = tpu.memref_slice %arg10[%mul3A_68, %dma_start3A_91] : memref<28x128xi32, #tpu.memory_space<vmem>> -> memref<1x128xi32, #tpu.memory_space<vmem>>
            %dma_start3A_93 = tpu.memref_squeeze %dma_start3A_92 : memref<1x128xi32, #tpu.memory_space<vmem>> -> memref<128xi32, #tpu.memory_space<vmem>>
            %dma_start3A_94 = arith.constant 0 : i32
            %dma_start3A_95 = arith.constant 0 : i32
            %dma_start3A_96 = tpu.memref_slice %arg14[%dma_start3A_94, %dma_start3A_95] : memref<10240x128xf32, #tpu.memory_space<vmem_shared>> -> memref<10240x128xf32, #tpu.memory_space<vmem_shared>>
            tpu.enqueue_indirect_dma source(%arg12 : memref<128x128xf32, #tpu.memory_space<vmem>>) target(%dma_start3A_96 : memref<10240x128xf32, #tpu.memory_space<vmem_shared>>) offsets(%dma_start3A_93 : memref<128xi32, #tpu.memory_space<vmem>>) semaphore(%run_scoped3A : memref<!tpu.dma_semaphore, #tpu.memory_space<semaphore_mem>>) {add = true}
            %dma_wait3A_97 = arith.constant 0 : i32
            %dma_wait3A_98 = tpu.memref_slice %arg10[%mul3A_68, %dma_wait3A_97] : memref<28x128xi32, #tpu.memory_space<vmem>> -> memref<1x128xi32, #tpu.memory_space<vmem>>
            %dma_wait3A_99 = tpu.memref_squeeze %dma_wait3A_98 : memref<1x128xi32, #tpu.memory_space<vmem>> -> memref<128xi32, #tpu.memory_space<vmem>>
            %dma_wait3A_100 = arith.constant 0 : i32
            %dma_wait3A_101 = arith.constant 0 : i32
            %dma_wait3A_102 = tpu.memref_slice %arg14[%dma_wait3A_100, %dma_wait3A_101] : memref<10240x128xf32, #tpu.memory_space<vmem_shared>> -> memref<10240x128xf32, #tpu.memory_space<vmem_shared>>
            tpu.wait_indirect_dma semaphore(%run_scoped3A : memref<!tpu.dma_semaphore, #tpu.memory_space<semaphore_mem>>) src(%arg12 : memref<128x128xf32, #tpu.memory_space<vmem>>) dst(%dma_wait3A_102 : memref<10240x128xf32, #tpu.memory_space<vmem_shared>>)
            tpu.yield
          }) : () -> ()
          %lt3A = arith.constant 13 : i32
          %lt3A_74 = arith.cmpi slt, %scan3A_66, %lt3A : i32
          %convert_element_type3A_75 = arith.extui %lt3A_74 : i1 to i32
          %cond3A_76 = arith.constant 0 : i32
          %cond3A_77 = arith.cmpi ne, %convert_element_type3A_75, %cond3A_76 : i32
          scf.if %cond3A_77 {
            %add3A_91 = arith.constant 2 : i32
            %add3A_92 = arith.addi %mul3A_68, %add3A_91 : i32
            %dma_start3A_93 = arith.constant 0 : i32
            %dma_start3A_94 = tpu.memref_slice %arg9[%add3A_92, %dma_start3A_93] : memref<28x128xi32, #tpu.memory_space<vmem>> -> memref<1x128xi32, #tpu.memory_space<vmem>>
            %dma_start3A_95 = tpu.memref_squeeze %dma_start3A_94 : memref<1x128xi32, #tpu.memory_space<vmem>> -> memref<128xi32, #tpu.memory_space<vmem>>
            %dma_start3A_96 = arith.constant 0 : i32
            %dma_start3A_97 = arith.constant 0 : i32
            %dma_start3A_98 = tpu.memref_slice %arg6[%dma_start3A_96, %dma_start3A_97] : memref<10240x128xf32, #tpu.memory_space<hbm>> -> memref<10240x128xf32, #tpu.memory_space<hbm>>
            tpu.enqueue_indirect_dma source(%dma_start3A_98 : memref<10240x128xf32, #tpu.memory_space<hbm>>) target(%arg12 : memref<128x128xf32, #tpu.memory_space<vmem>>) offsets(%dma_start3A_95 : memref<128xi32, #tpu.memory_space<vmem>>) semaphore(%arg15 : memref<!tpu.dma_semaphore, #tpu.memory_space<semaphore_mem>>)
          } else {
          }
          %dma_wait3A_78 = arith.constant 0 : i32
          %dma_wait3A_79 = tpu.memref_slice %arg9[%mul3A_68, %dma_wait3A_78] : memref<28x128xi32, #tpu.memory_space<vmem>> -> memref<1x128xi32, #tpu.memory_space<vmem>>
          %dma_wait3A_80 = tpu.memref_squeeze %dma_wait3A_79 : memref<1x128xi32, #tpu.memory_space<vmem>> -> memref<128xi32, #tpu.memory_space<vmem>>
          %dma_wait3A_81 = arith.constant 0 : i32
          %dma_wait3A_82 = arith.constant 0 : i32
          %dma_wait3A_83 = tpu.memref_slice %arg6[%dma_wait3A_81, %dma_wait3A_82] : memref<10240x128xf32, #tpu.memory_space<hbm>> -> memref<10240x128xf32, #tpu.memory_space<hbm>>
          tpu.wait_indirect_dma semaphore(%arg16 : memref<!tpu.dma_semaphore, #tpu.memory_space<semaphore_mem>>) src(%dma_wait3A_83 : memref<10240x128xf32, #tpu.memory_space<hbm>>) dst(%arg13 : memref<128x128xf32, #tpu.memory_space<vmem>>)
          %add3A_84 = arith.constant 1 : i32
          %add3A_85 = arith.addi %mul3A_68, %add3A_84 : i32
          "tpu.region"() ({
            %run_scoped3A = tpu.sem_alloc : memref<!tpu.dma_semaphore, #tpu.memory_space<semaphore_mem>>
            %dma_start3A_91 = arith.constant 0 : i32
            %dma_start3A_92 = tpu.memref_slice %arg10[%add3A_85, %dma_start3A_91] : memref<28x128xi32, #tpu.memory_space<vmem>> -> memref<1x128xi32, #tpu.memory_space<vmem>>
            %dma_start3A_93 = tpu.memref_squeeze %dma_start3A_92 : memref<1x128xi32, #tpu.memory_space<vmem>> -> memref<128xi32, #tpu.memory_space<vmem>>
            %dma_start3A_94 = arith.constant 0 : i32
            %dma_start3A_95 = arith.constant 0 : i32
            %dma_start3A_96 = tpu.memref_slice %arg14[%dma_start3A_94, %dma_start3A_95] : memref<10240x128xf32, #tpu.memory_space<vmem_shared>> -> memref<10240x128xf32, #tpu.memory_space<vmem_shared>>
            tpu.enqueue_indirect_dma source(%arg13 : memref<128x128xf32, #tpu.memory_space<vmem>>) target(%dma_start3A_96 : memref<10240x128xf32, #tpu.memory_space<vmem_shared>>) offsets(%dma_start3A_93 : memref<128xi32, #tpu.memory_space<vmem>>) semaphore(%run_scoped3A : memref<!tpu.dma_semaphore, #tpu.memory_space<semaphore_mem>>) {add = true}
            %dma_wait3A_97 = arith.constant 0 : i32
            %dma_wait3A_98 = tpu.memref_slice %arg10[%add3A_85, %dma_wait3A_97] : memref<28x128xi32, #tpu.memory_space<vmem>> -> memref<1x128xi32, #tpu.memory_space<vmem>>
            %dma_wait3A_99 = tpu.memref_squeeze %dma_wait3A_98 : memref<1x128xi32, #tpu.memory_space<vmem>> -> memref<128xi32, #tpu.memory_space<vmem>>
            %dma_wait3A_100 = arith.constant 0 : i32
            %dma_wait3A_101 = arith.constant 0 : i32
            %dma_wait3A_102 = tpu.memref_slice %arg14[%dma_wait3A_100, %dma_wait3A_101] : memref<10240x128xf32, #tpu.memory_space<vmem_shared>> -> memref<10240x128xf32, #tpu.memory_space<vmem_shared>>
            tpu.wait_indirect_dma semaphore(%run_scoped3A : memref<!tpu.dma_semaphore, #tpu.memory_space<semaphore_mem>>) src(%arg13 : memref<128x128xf32, #tpu.memory_space<vmem>>) dst(%dma_wait3A_102 : memref<10240x128xf32, #tpu.memory_space<vmem_shared>>)
            tpu.yield
          }) : () -> ()
          %lt3A_86 = arith.constant 13 : i32
          %lt3A_87 = arith.cmpi slt, %scan3A_66, %lt3A_86 : i32
          %convert_element_type3A_88 = arith.extui %lt3A_87 : i1 to i32
          %cond3A_89 = arith.constant 0 : i32
          %cond3A_90 = arith.cmpi ne, %convert_element_type3A_88, %cond3A_89 : i32
          scf.if %cond3A_90 {
            %add3A_91 = arith.constant 3 : i32
            %add3A_92 = arith.addi %mul3A_68, %add3A_91 : i32
            %dma_start3A_93 = arith.constant 0 : i32
            %dma_start3A_94 = tpu.memref_slice %arg9[%add3A_92, %dma_start3A_93] : memref<28x128xi32, #tpu.memory_space<vmem>> -> memref<1x128xi32, #tpu.memory_space<vmem>>
            %dma_start3A_95 = tpu.memref_squeeze %dma_start3A_94 : memref<1x128xi32, #tpu.memory_space<vmem>> -> memref<128xi32, #tpu.memory_space<vmem>>
            %dma_start3A_96 = arith.constant 0 : i32
            %dma_start3A_97 = arith.constant 0 : i32
            %dma_start3A_98 = tpu.memref_slice %arg6[%dma_start3A_96, %dma_start3A_97] : memref<10240x128xf32, #tpu.memory_space<hbm>> -> memref<10240x128xf32, #tpu.memory_space<hbm>>
            tpu.enqueue_indirect_dma source(%dma_start3A_98 : memref<10240x128xf32, #tpu.memory_space<hbm>>) target(%arg13 : memref<128x128xf32, #tpu.memory_space<vmem>>) offsets(%dma_start3A_95 : memref<128xi32, #tpu.memory_space<vmem>>) semaphore(%arg16 : memref<!tpu.dma_semaphore, #tpu.memory_space<semaphore_mem>>)
          } else {
          }
        }
        %scan3A_65 = arith.constant 14 : i32
      }
      %while3A_40 = arith.constant 1 : i32
      scf.for %while3A_47 = %while3A_38 to %while3A_34 step %while3A_40  : i32 {
        "tpu.region"() ({
          %run_scoped3A = tpu.sem_alloc : memref<!tpu.dma_semaphore, #tpu.memory_space<semaphore_mem>>
          %dma_start3A_66 = arith.constant 0 : i32
          %dma_start3A_67 = arith.constant 0 : i32
          %dma_start3A_68 = tpu.memref_slice %arg2[%arg1, %while3A_47, %dma_start3A_66, %dma_start3A_67] : memref<16x3x28x128xi32, #tpu.memory_space<hbm>> -> memref<1x1x28x128xi32, #tpu.memory_space<hbm>>
          %dma_start3A_69 = tpu.memref_squeeze %dma_start3A_68 : memref<1x1x28x128xi32, #tpu.memory_space<hbm>> -> memref<28x128xi32, #tpu.memory_space<hbm>>
          %dma_start3A_70 = arith.constant 0 : i32
          %dma_start3A_71 = arith.constant 0 : i32
          %dma_start3A_72 = tpu.memref_slice %arg2[%arg1, %while3A_47, %dma_start3A_70, %dma_start3A_71] : memref<16x3x28x128xi32, #tpu.memory_space<hbm>> -> memref<1x1x28x128xi32, #tpu.memory_space<hbm>>
          %dma_start3A_73 = tpu.memref_squeeze %dma_start3A_72 : memref<1x1x28x128xi32, #tpu.memory_space<hbm>> -> memref<28x128xi32, #tpu.memory_space<hbm>>
          tpu.enqueue_dma source(%dma_start3A_73 : memref<28x128xi32, #tpu.memory_space<hbm>>) target(%arg9 : memref<28x128xi32, #tpu.memory_space<vmem>>) target_semaphore(%run_scoped3A : memref<!tpu.dma_semaphore, #tpu.memory_space<semaphore_mem>>)
          %dma_wait3A = arith.constant 0 : i32
          %dma_wait3A_74 = arith.constant 0 : i32
          %dma_wait3A_75 = tpu.memref_slice %arg2[%arg1, %while3A_47, %dma_wait3A, %dma_wait3A_74] : memref<16x3x28x128xi32, #tpu.memory_space<hbm>> -> memref<1x1x28x128xi32, #tpu.memory_space<hbm>>
          %dma_wait3A_76 = tpu.memref_squeeze %dma_wait3A_75 : memref<1x1x28x128xi32, #tpu.memory_space<hbm>> -> memref<28x128xi32, #tpu.memory_space<hbm>>
          %dma_wait3A_77 = arith.constant 0 : i32
          %dma_wait3A_78 = arith.constant 0 : i32
          %dma_wait3A_79 = tpu.memref_slice %arg2[%arg1, %while3A_47, %dma_wait3A_77, %dma_wait3A_78] : memref<16x3x28x128xi32, #tpu.memory_space<hbm>> -> memref<1x1x28x128xi32, #tpu.memory_space<hbm>>
          %dma_wait3A_80 = tpu.memref_squeeze %dma_wait3A_79 : memref<1x1x28x128xi32, #tpu.memory_space<hbm>> -> memref<28x128xi32, #tpu.memory_space<hbm>>
          tpu.wait_dma2 semaphore(%run_scoped3A : memref<!tpu.dma_semaphore, #tpu.memory_space<semaphore_mem>>) src(%dma_wait3A_80 : memref<28x128xi32, #tpu.memory_space<hbm>>) dst(%arg9 : memref<28x128xi32, #tpu.memory_space<vmem>>)
          tpu.yield
        }) : () -> ()
        "tpu.region"() ({
          %run_scoped3A = tpu.sem_alloc : memref<!tpu.dma_semaphore, #tpu.memory_space<semaphore_mem>>
          %dma_start3A_66 = arith.constant 0 : i32
          %dma_start3A_67 = arith.constant 0 : i32
          %dma_start3A_68 = tpu.memref_slice %arg3[%arg1, %while3A_47, %dma_start3A_66, %dma_start3A_67] : memref<16x3x28x128xi32, #tpu.memory_space<hbm>> -> memref<1x1x28x128xi32, #tpu.memory_space<hbm>>
          %dma_start3A_69 = tpu.memref_squeeze %dma_start3A_68 : memref<1x1x28x128xi32, #tpu.memory_space<hbm>> -> memref<28x128xi32, #tpu.memory_space<hbm>>
          %dma_start3A_70 = arith.constant 0 : i32
          %dma_start3A_71 = arith.constant 0 : i32
          %dma_start3A_72 = tpu.memref_slice %arg3[%arg1, %while3A_47, %dma_start3A_70, %dma_start3A_71] : memref<16x3x28x128xi32, #tpu.memory_space<hbm>> -> memref<1x1x28x128xi32, #tpu.memory_space<hbm>>
          %dma_start3A_73 = tpu.memref_squeeze %dma_start3A_72 : memref<1x1x28x128xi32, #tpu.memory_space<hbm>> -> memref<28x128xi32, #tpu.memory_space<hbm>>
          tpu.enqueue_dma source(%dma_start3A_73 : memref<28x128xi32, #tpu.memory_space<hbm>>) target(%arg10 : memref<28x128xi32, #tpu.memory_space<vmem>>) target_semaphore(%run_scoped3A : memref<!tpu.dma_semaphore, #tpu.memory_space<semaphore_mem>>)
          %dma_wait3A = arith.constant 0 : i32
          %dma_wait3A_74 = arith.constant 0 : i32
          %dma_wait3A_75 = tpu.memref_slice %arg3[%arg1, %while3A_47, %dma_wait3A, %dma_wait3A_74] : memref<16x3x28x128xi32, #tpu.memory_space<hbm>> -> memref<1x1x28x128xi32, #tpu.memory_space<hbm>>
          %dma_wait3A_76 = tpu.memref_squeeze %dma_wait3A_75 : memref<1x1x28x128xi32, #tpu.memory_space<hbm>> -> memref<28x128xi32, #tpu.memory_space<hbm>>
          %dma_wait3A_77 = arith.constant 0 : i32
          %dma_wait3A_78 = arith.constant 0 : i32
          %dma_wait3A_79 = tpu.memref_slice %arg3[%arg1, %while3A_47, %dma_wait3A_77, %dma_wait3A_78] : memref<16x3x28x128xi32, #tpu.memory_space<hbm>> -> memref<1x1x28x128xi32, #tpu.memory_space<hbm>>
          %dma_wait3A_80 = tpu.memref_squeeze %dma_wait3A_79 : memref<1x1x28x128xi32, #tpu.memory_space<hbm>> -> memref<28x128xi32, #tpu.memory_space<hbm>>
          tpu.wait_dma2 semaphore(%run_scoped3A : memref<!tpu.dma_semaphore, #tpu.memory_space<semaphore_mem>>) src(%dma_wait3A_80 : memref<28x128xi32, #tpu.memory_space<hbm>>) dst(%arg10 : memref<28x128xi32, #tpu.memory_space<vmem>>)
          tpu.yield
        }) : () -> ()
        %dma_start3A = arith.constant 0 : i32
        %dma_start3A_48 = arith.constant 0 : i32
        %dma_start3A_49 = tpu.memref_slice %arg9[%dma_start3A, %dma_start3A_48] : memref<28x128xi32, #tpu.memory_space<vmem>> -> memref<1x128xi32, #tpu.memory_space<vmem>>
        %dma_start3A_50 = tpu.memref_squeeze %dma_start3A_49 : memref<1x128xi32, #tpu.memory_space<vmem>> -> memref<128xi32, #tpu.memory_space<vmem>>
        %dma_start3A_51 = arith.constant 0 : i32
        %dma_start3A_52 = arith.constant 0 : i32
        %dma_start3A_53 = tpu.memref_slice %arg6[%dma_start3A_51, %dma_start3A_52] : memref<10240x128xf32, #tpu.memory_space<hbm>> -> memref<10240x128xf32, #tpu.memory_space<hbm>>
        tpu.enqueue_indirect_dma source(%dma_start3A_53 : memref<10240x128xf32, #tpu.memory_space<hbm>>) target(%arg12 : memref<128x128xf32, #tpu.memory_space<vmem>>) offsets(%dma_start3A_50 : memref<128xi32, #tpu.memory_space<vmem>>) semaphore(%arg15 : memref<!tpu.dma_semaphore, #tpu.memory_space<semaphore_mem>>)
        %dma_start3A_54 = arith.constant 1 : i32
        %dma_start3A_55 = arith.constant 0 : i32
        %dma_start3A_56 = tpu.memref_slice %arg9[%dma_start3A_54, %dma_start3A_55] : memref<28x128xi32, #tpu.memory_space<vmem>> -> memref<1x128xi32, #tpu.memory_space<vmem>>
        %dma_start3A_57 = tpu.memref_squeeze %dma_start3A_56 : memref<1x128xi32, #tpu.memory_space<vmem>> -> memref<128xi32, #tpu.memory_space<vmem>>
        %dma_start3A_58 = arith.constant 0 : i32
        %dma_start3A_59 = arith.constant 0 : i32
        %dma_start3A_60 = tpu.memref_slice %arg6[%dma_start3A_58, %dma_start3A_59] : memref<10240x128xf32, #tpu.memory_space<hbm>> -> memref<10240x128xf32, #tpu.memory_space<hbm>>
        tpu.enqueue_indirect_dma source(%dma_start3A_60 : memref<10240x128xf32, #tpu.memory_space<hbm>>) target(%arg13 : memref<128x128xf32, #tpu.memory_space<vmem>>) offsets(%dma_start3A_57 : memref<128xi32, #tpu.memory_space<vmem>>) semaphore(%arg16 : memref<!tpu.dma_semaphore, #tpu.memory_space<semaphore_mem>>)
        %scan3A = arith.constant 0 : i32
        %scan3A_61 = arith.constant 0 : i32
        %scan3A_62 = arith.constant 14 : i32
        %scan3A_63 = arith.addi %scan3A_61, %scan3A_62 : i32
        %scan3A_64 = arith.constant 1 : i32
        scf.for %scan3A_66 = %scan3A_61 to %scan3A_63 step %scan3A_64  : i32 {
          %mul3A_67 = arith.constant 2 : i32
          %mul3A_68 = arith.muli %mul3A_67, %scan3A_66 : i32
          %dma_wait3A = arith.constant 0 : i32
          %dma_wait3A_69 = tpu.memref_slice %arg9[%mul3A_68, %dma_wait3A] : memref<28x128xi32, #tpu.memory_space<vmem>> -> memref<1x128xi32, #tpu.memory_space<vmem>>
          %dma_wait3A_70 = tpu.memref_squeeze %dma_wait3A_69 : memref<1x128xi32, #tpu.memory_space<vmem>> -> memref<128xi32, #tpu.memory_space<vmem>>
          %dma_wait3A_71 = arith.constant 0 : i32
          %dma_wait3A_72 = arith.constant 0 : i32
          %dma_wait3A_73 = tpu.memref_slice %arg6[%dma_wait3A_71, %dma_wait3A_72] : memref<10240x128xf32, #tpu.memory_space<hbm>> -> memref<10240x128xf32, #tpu.memory_space<hbm>>
          tpu.wait_indirect_dma semaphore(%arg15 : memref<!tpu.dma_semaphore, #tpu.memory_space<semaphore_mem>>) src(%dma_wait3A_73 : memref<10240x128xf32, #tpu.memory_space<hbm>>) dst(%arg12 : memref<128x128xf32, #tpu.memory_space<vmem>>)
          "tpu.region"() ({
            %run_scoped3A = tpu.sem_alloc : memref<!tpu.dma_semaphore, #tpu.memory_space<semaphore_mem>>
            %dma_start3A_91 = arith.constant 0 : i32
            %dma_start3A_92 = tpu.memref_slice %arg10[%mul3A_68, %dma_start3A_91] : memref<28x128xi32, #tpu.memory_space<vmem>> -> memref<1x128xi32, #tpu.memory_space<vmem>>
            %dma_start3A_93 = tpu.memref_squeeze %dma_start3A_92 : memref<1x128xi32, #tpu.memory_space<vmem>> -> memref<128xi32, #tpu.memory_space<vmem>>
            %dma_start3A_94 = arith.constant 0 : i32
            %dma_start3A_95 = arith.constant 0 : i32
            %dma_start3A_96 = tpu.memref_slice %arg14[%dma_start3A_94, %dma_start3A_95] : memref<10240x128xf32, #tpu.memory_space<vmem_shared>> -> memref<10240x128xf32, #tpu.memory_space<vmem_shared>>
            tpu.enqueue_indirect_dma source(%arg12 : memref<128x128xf32, #tpu.memory_space<vmem>>) target(%dma_start3A_96 : memref<10240x128xf32, #tpu.memory_space<vmem_shared>>) offsets(%dma_start3A_93 : memref<128xi32, #tpu.memory_space<vmem>>) semaphore(%run_scoped3A : memref<!tpu.dma_semaphore, #tpu.memory_space<semaphore_mem>>) {add = true}
            %dma_wait3A_97 = arith.constant 0 : i32
            %dma_wait3A_98 = tpu.memref_slice %arg10[%mul3A_68, %dma_wait3A_97] : memref<28x128xi32, #tpu.memory_space<vmem>> -> memref<1x128xi32, #tpu.memory_space<vmem>>
            %dma_wait3A_99 = tpu.memref_squeeze %dma_wait3A_98 : memref<1x128xi32, #tpu.memory_space<vmem>> -> memref<128xi32, #tpu.memory_space<vmem>>
            %dma_wait3A_100 = arith.constant 0 : i32
            %dma_wait3A_101 = arith.constant 0 : i32
            %dma_wait3A_102 = tpu.memref_slice %arg14[%dma_wait3A_100, %dma_wait3A_101] : memref<10240x128xf32, #tpu.memory_space<vmem_shared>> -> memref<10240x128xf32, #tpu.memory_space<vmem_shared>>
            tpu.wait_indirect_dma semaphore(%run_scoped3A : memref<!tpu.dma_semaphore, #tpu.memory_space<semaphore_mem>>) src(%arg12 : memref<128x128xf32, #tpu.memory_space<vmem>>) dst(%dma_wait3A_102 : memref<10240x128xf32, #tpu.memory_space<vmem_shared>>)
            tpu.yield
          }) : () -> ()
          %lt3A = arith.constant 13 : i32
          %lt3A_74 = arith.cmpi slt, %scan3A_66, %lt3A : i32
          %convert_element_type3A_75 = arith.extui %lt3A_74 : i1 to i32
          %cond3A_76 = arith.constant 0 : i32
          %cond3A_77 = arith.cmpi ne, %convert_element_type3A_75, %cond3A_76 : i32
          scf.if %cond3A_77 {
            %add3A_91 = arith.constant 2 : i32
            %add3A_92 = arith.addi %mul3A_68, %add3A_91 : i32
            %dma_start3A_93 = arith.constant 0 : i32
            %dma_start3A_94 = tpu.memref_slice %arg9[%add3A_92, %dma_start3A_93] : memref<28x128xi32, #tpu.memory_space<vmem>> -> memref<1x128xi32, #tpu.memory_space<vmem>>
            %dma_start3A_95 = tpu.memref_squeeze %dma_start3A_94 : memref<1x128xi32, #tpu.memory_space<vmem>> -> memref<128xi32, #tpu.memory_space<vmem>>
            %dma_start3A_96 = arith.constant 0 : i32
            %dma_start3A_97 = arith.constant 0 : i32
            %dma_start3A_98 = tpu.memref_slice %arg6[%dma_start3A_96, %dma_start3A_97] : memref<10240x128xf32, #tpu.memory_space<hbm>> -> memref<10240x128xf32, #tpu.memory_space<hbm>>
            tpu.enqueue_indirect_dma source(%dma_start3A_98 : memref<10240x128xf32, #tpu.memory_space<hbm>>) target(%arg12 : memref<128x128xf32, #tpu.memory_space<vmem>>) offsets(%dma_start3A_95 : memref<128xi32, #tpu.memory_space<vmem>>) semaphore(%arg15 : memref<!tpu.dma_semaphore, #tpu.memory_space<semaphore_mem>>)
          } else {
          }
          %dma_wait3A_78 = arith.constant 0 : i32
          %dma_wait3A_79 = tpu.memref_slice %arg9[%mul3A_68, %dma_wait3A_78] : memref<28x128xi32, #tpu.memory_space<vmem>> -> memref<1x128xi32, #tpu.memory_space<vmem>>
          %dma_wait3A_80 = tpu.memref_squeeze %dma_wait3A_79 : memref<1x128xi32, #tpu.memory_space<vmem>> -> memref<128xi32, #tpu.memory_space<vmem>>
          %dma_wait3A_81 = arith.constant 0 : i32
          %dma_wait3A_82 = arith.constant 0 : i32
          %dma_wait3A_83 = tpu.memref_slice %arg6[%dma_wait3A_81, %dma_wait3A_82] : memref<10240x128xf32, #tpu.memory_space<hbm>> -> memref<10240x128xf32, #tpu.memory_space<hbm>>
          tpu.wait_indirect_dma semaphore(%arg16 : memref<!tpu.dma_semaphore, #tpu.memory_space<semaphore_mem>>) src(%dma_wait3A_83 : memref<10240x128xf32, #tpu.memory_space<hbm>>) dst(%arg13 : memref<128x128xf32, #tpu.memory_space<vmem>>)
          %add3A_84 = arith.constant 1 : i32
          %add3A_85 = arith.addi %mul3A_68, %add3A_84 : i32
          "tpu.region"() ({
            %run_scoped3A = tpu.sem_alloc : memref<!tpu.dma_semaphore, #tpu.memory_space<semaphore_mem>>
            %dma_start3A_91 = arith.constant 0 : i32
            %dma_start3A_92 = tpu.memref_slice %arg10[%add3A_85, %dma_start3A_91] : memref<28x128xi32, #tpu.memory_space<vmem>> -> memref<1x128xi32, #tpu.memory_space<vmem>>
            %dma_start3A_93 = tpu.memref_squeeze %dma_start3A_92 : memref<1x128xi32, #tpu.memory_space<vmem>> -> memref<128xi32, #tpu.memory_space<vmem>>
            %dma_start3A_94 = arith.constant 0 : i32
            %dma_start3A_95 = arith.constant 0 : i32
            %dma_start3A_96 = tpu.memref_slice %arg14[%dma_start3A_94, %dma_start3A_95] : memref<10240x128xf32, #tpu.memory_space<vmem_shared>> -> memref<10240x128xf32, #tpu.memory_space<vmem_shared>>
            tpu.enqueue_indirect_dma source(%arg13 : memref<128x128xf32, #tpu.memory_space<vmem>>) target(%dma_start3A_96 : memref<10240x128xf32, #tpu.memory_space<vmem_shared>>) offsets(%dma_start3A_93 : memref<128xi32, #tpu.memory_space<vmem>>) semaphore(%run_scoped3A : memref<!tpu.dma_semaphore, #tpu.memory_space<semaphore_mem>>) {add = true}
            %dma_wait3A_97 = arith.constant 0 : i32
            %dma_wait3A_98 = tpu.memref_slice %arg10[%add3A_85, %dma_wait3A_97] : memref<28x128xi32, #tpu.memory_space<vmem>> -> memref<1x128xi32, #tpu.memory_space<vmem>>
            %dma_wait3A_99 = tpu.memref_squeeze %dma_wait3A_98 : memref<1x128xi32, #tpu.memory_space<vmem>> -> memref<128xi32, #tpu.memory_space<vmem>>
            %dma_wait3A_100 = arith.constant 0 : i32
            %dma_wait3A_101 = arith.constant 0 : i32
            %dma_wait3A_102 = tpu.memref_slice %arg14[%dma_wait3A_100, %dma_wait3A_101] : memref<10240x128xf32, #tpu.memory_space<vmem_shared>> -> memref<10240x128xf32, #tpu.memory_space<vmem_shared>>
            tpu.wait_indirect_dma semaphore(%run_scoped3A : memref<!tpu.dma_semaphore, #tpu.memory_space<semaphore_mem>>) src(%arg13 : memref<128x128xf32, #tpu.memory_space<vmem>>) dst(%dma_wait3A_102 : memref<10240x128xf32, #tpu.memory_space<vmem_shared>>)
            tpu.yield
          }) : () -> ()
          %lt3A_86 = arith.constant 13 : i32
          %lt3A_87 = arith.cmpi slt, %scan3A_66, %lt3A_86 : i32
          %convert_element_type3A_88 = arith.extui %lt3A_87 : i1 to i32
          %cond3A_89 = arith.constant 0 : i32
          %cond3A_90 = arith.cmpi ne, %convert_element_type3A_88, %cond3A_89 : i32
          scf.if %cond3A_90 {
            %add3A_91 = arith.constant 3 : i32
            %add3A_92 = arith.addi %mul3A_68, %add3A_91 : i32
            %dma_start3A_93 = arith.constant 0 : i32
            %dma_start3A_94 = tpu.memref_slice %arg9[%add3A_92, %dma_start3A_93] : memref<28x128xi32, #tpu.memory_space<vmem>> -> memref<1x128xi32, #tpu.memory_space<vmem>>
            %dma_start3A_95 = tpu.memref_squeeze %dma_start3A_94 : memref<1x128xi32, #tpu.memory_space<vmem>> -> memref<128xi32, #tpu.memory_space<vmem>>
            %dma_start3A_96 = arith.constant 0 : i32
            %dma_start3A_97 = arith.constant 0 : i32
            %dma_start3A_98 = tpu.memref_slice %arg6[%dma_start3A_96, %dma_start3A_97] : memref<10240x128xf32, #tpu.memory_space<hbm>> -> memref<10240x128xf32, #tpu.memory_space<hbm>>
            tpu.enqueue_indirect_dma source(%dma_start3A_98 : memref<10240x128xf32, #tpu.memory_space<hbm>>) target(%arg13 : memref<128x128xf32, #tpu.memory_space<vmem>>) offsets(%dma_start3A_95 : memref<128xi32, #tpu.memory_space<vmem>>) semaphore(%arg16 : memref<!tpu.dma_semaphore, #tpu.memory_space<semaphore_mem>>)
          } else {
          }
        }
        %scan3A_65 = arith.constant 14 : i32
      }
      %mul3A_41 = arith.constant 28 : i32
      %mul3A_42 = arith.muli %div3A_31, %mul3A_41 : i32
      %sub3A = arith.subi %div3A_11, %mul3A_42 : i32
      %gt3A = arith.constant 0 : i32
      %gt3A_43 = arith.cmpi sgt, %sub3A, %gt3A : i32
      %convert_element_type3A_44 = arith.extui %gt3A_43 : i1 to i32
      %cond3A_45 = arith.constant 0 : i32
      %cond3A_46 = arith.cmpi ne, %convert_element_type3A_44, %cond3A_45 : i32
      scf.if %cond3A_46 {
        "tpu.region"() ({
          %run_scoped3A = tpu.sem_alloc : memref<!tpu.dma_semaphore, #tpu.memory_space<semaphore_mem>>
          %dma_start3A_88 = arith.constant 0 : i32
          %dma_start3A_89 = arith.constant 0 : i32
          %dma_start3A_90 = tpu.memref_slice %arg2[%arg1, %div3A_31, %dma_start3A_88, %dma_start3A_89] : memref<16x3x28x128xi32, #tpu.memory_space<hbm>> -> memref<1x1x28x128xi32, #tpu.memory_space<hbm>>
          %dma_start3A_91 = tpu.memref_squeeze %dma_start3A_90 : memref<1x1x28x128xi32, #tpu.memory_space<hbm>> -> memref<28x128xi32, #tpu.memory_space<hbm>>
          %dma_start3A_92 = arith.constant 0 : i32
          %dma_start3A_93 = arith.constant 0 : i32
          %dma_start3A_94 = tpu.memref_slice %arg2[%arg1, %div3A_31, %dma_start3A_92, %dma_start3A_93] : memref<16x3x28x128xi32, #tpu.memory_space<hbm>> -> memref<1x1x28x128xi32, #tpu.memory_space<hbm>>
          %dma_start3A_95 = tpu.memref_squeeze %dma_start3A_94 : memref<1x1x28x128xi32, #tpu.memory_space<hbm>> -> memref<28x128xi32, #tpu.memory_space<hbm>>
          tpu.enqueue_dma source(%dma_start3A_95 : memref<28x128xi32, #tpu.memory_space<hbm>>) target(%arg9 : memref<28x128xi32, #tpu.memory_space<vmem>>) target_semaphore(%run_scoped3A : memref<!tpu.dma_semaphore, #tpu.memory_space<semaphore_mem>>)
          %dma_wait3A = arith.constant 0 : i32
          %dma_wait3A_96 = arith.constant 0 : i32
          %dma_wait3A_97 = tpu.memref_slice %arg2[%arg1, %div3A_31, %dma_wait3A, %dma_wait3A_96] : memref<16x3x28x128xi32, #tpu.memory_space<hbm>> -> memref<1x1x28x128xi32, #tpu.memory_space<hbm>>
          %dma_wait3A_98 = tpu.memref_squeeze %dma_wait3A_97 : memref<1x1x28x128xi32, #tpu.memory_space<hbm>> -> memref<28x128xi32, #tpu.memory_space<hbm>>
          %dma_wait3A_99 = arith.constant 0 : i32
          %dma_wait3A_100 = arith.constant 0 : i32
          %dma_wait3A_101 = tpu.memref_slice %arg2[%arg1, %div3A_31, %dma_wait3A_99, %dma_wait3A_100] : memref<16x3x28x128xi32, #tpu.memory_space<hbm>> -> memref<1x1x28x128xi32, #tpu.memory_space<hbm>>
          %dma_wait3A_102 = tpu.memref_squeeze %dma_wait3A_101 : memref<1x1x28x128xi32, #tpu.memory_space<hbm>> -> memref<28x128xi32, #tpu.memory_space<hbm>>
          tpu.wait_dma2 semaphore(%run_scoped3A : memref<!tpu.dma_semaphore, #tpu.memory_space<semaphore_mem>>) src(%dma_wait3A_102 : memref<28x128xi32, #tpu.memory_space<hbm>>) dst(%arg9 : memref<28x128xi32, #tpu.memory_space<vmem>>)
          tpu.yield
        }) : () -> ()
        "tpu.region"() ({
          %run_scoped3A = tpu.sem_alloc : memref<!tpu.dma_semaphore, #tpu.memory_space<semaphore_mem>>
          %dma_start3A_88 = arith.constant 0 : i32
          %dma_start3A_89 = arith.constant 0 : i32
          %dma_start3A_90 = tpu.memref_slice %arg3[%arg1, %div3A_31, %dma_start3A_88, %dma_start3A_89] : memref<16x3x28x128xi32, #tpu.memory_space<hbm>> -> memref<1x1x28x128xi32, #tpu.memory_space<hbm>>
          %dma_start3A_91 = tpu.memref_squeeze %dma_start3A_90 : memref<1x1x28x128xi32, #tpu.memory_space<hbm>> -> memref<28x128xi32, #tpu.memory_space<hbm>>
          %dma_start3A_92 = arith.constant 0 : i32
          %dma_start3A_93 = arith.constant 0 : i32
          %dma_start3A_94 = tpu.memref_slice %arg3[%arg1, %div3A_31, %dma_start3A_92, %dma_start3A_93] : memref<16x3x28x128xi32, #tpu.memory_space<hbm>> -> memref<1x1x28x128xi32, #tpu.memory_space<hbm>>
          %dma_start3A_95 = tpu.memref_squeeze %dma_start3A_94 : memref<1x1x28x128xi32, #tpu.memory_space<hbm>> -> memref<28x128xi32, #tpu.memory_space<hbm>>
          tpu.enqueue_dma source(%dma_start3A_95 : memref<28x128xi32, #tpu.memory_space<hbm>>) target(%arg10 : memref<28x128xi32, #tpu.memory_space<vmem>>) target_semaphore(%run_scoped3A : memref<!tpu.dma_semaphore, #tpu.memory_space<semaphore_mem>>)
          %dma_wait3A = arith.constant 0 : i32
          %dma_wait3A_96 = arith.constant 0 : i32
          %dma_wait3A_97 = tpu.memref_slice %arg3[%arg1, %div3A_31, %dma_wait3A, %dma_wait3A_96] : memref<16x3x28x128xi32, #tpu.memory_space<hbm>> -> memref<1x1x28x128xi32, #tpu.memory_space<hbm>>
          %dma_wait3A_98 = tpu.memref_squeeze %dma_wait3A_97 : memref<1x1x28x128xi32, #tpu.memory_space<hbm>> -> memref<28x128xi32, #tpu.memory_space<hbm>>
          %dma_wait3A_99 = arith.constant 0 : i32
          %dma_wait3A_100 = arith.constant 0 : i32
          %dma_wait3A_101 = tpu.memref_slice %arg3[%arg1, %div3A_31, %dma_wait3A_99, %dma_wait3A_100] : memref<16x3x28x128xi32, #tpu.memory_space<hbm>> -> memref<1x1x28x128xi32, #tpu.memory_space<hbm>>
          %dma_wait3A_102 = tpu.memref_squeeze %dma_wait3A_101 : memref<1x1x28x128xi32, #tpu.memory_space<hbm>> -> memref<28x128xi32, #tpu.memory_space<hbm>>
          tpu.wait_dma2 semaphore(%run_scoped3A : memref<!tpu.dma_semaphore, #tpu.memory_space<semaphore_mem>>) src(%dma_wait3A_102 : memref<28x128xi32, #tpu.memory_space<hbm>>) dst(%arg10 : memref<28x128xi32, #tpu.memory_space<vmem>>)
          tpu.yield
        }) : () -> ()
        %dma_start3A = arith.constant 0 : i32
        %dma_start3A_47 = arith.constant 0 : i32
        %dma_start3A_48 = tpu.memref_slice %arg9[%dma_start3A, %dma_start3A_47] : memref<28x128xi32, #tpu.memory_space<vmem>> -> memref<1x128xi32, #tpu.memory_space<vmem>>
        %dma_start3A_49 = tpu.memref_squeeze %dma_start3A_48 : memref<1x128xi32, #tpu.memory_space<vmem>> -> memref<128xi32, #tpu.memory_space<vmem>>
        %dma_start3A_50 = arith.constant 0 : i32
        %dma_start3A_51 = arith.constant 0 : i32
        %dma_start3A_52 = tpu.memref_slice %arg6[%dma_start3A_50, %dma_start3A_51] : memref<10240x128xf32, #tpu.memory_space<hbm>> -> memref<10240x128xf32, #tpu.memory_space<hbm>>
        tpu.enqueue_indirect_dma source(%dma_start3A_52 : memref<10240x128xf32, #tpu.memory_space<hbm>>) target(%arg12 : memref<128x128xf32, #tpu.memory_space<vmem>>) offsets(%dma_start3A_49 : memref<128xi32, #tpu.memory_space<vmem>>) semaphore(%arg15 : memref<!tpu.dma_semaphore, #tpu.memory_space<semaphore_mem>>)
        %gt3A_53 = arith.constant 1 : i32
        %gt3A_54 = arith.cmpi sgt, %sub3A, %gt3A_53 : i32
        %convert_element_type3A_55 = arith.extui %gt3A_54 : i1 to i32
        %cond3A_56 = arith.constant 0 : i32
        %cond3A_57 = arith.cmpi ne, %convert_element_type3A_55, %cond3A_56 : i32
        scf.if %cond3A_57 {
          %dma_start3A_88 = arith.constant 1 : i32
          %dma_start3A_89 = arith.constant 0 : i32
          %dma_start3A_90 = tpu.memref_slice %arg9[%dma_start3A_88, %dma_start3A_89] : memref<28x128xi32, #tpu.memory_space<vmem>> -> memref<1x128xi32, #tpu.memory_space<vmem>>
          %dma_start3A_91 = tpu.memref_squeeze %dma_start3A_90 : memref<1x128xi32, #tpu.memory_space<vmem>> -> memref<128xi32, #tpu.memory_space<vmem>>
          %dma_start3A_92 = arith.constant 0 : i32
          %dma_start3A_93 = arith.constant 0 : i32
          %dma_start3A_94 = tpu.memref_slice %arg6[%dma_start3A_92, %dma_start3A_93] : memref<10240x128xf32, #tpu.memory_space<hbm>> -> memref<10240x128xf32, #tpu.memory_space<hbm>>
          tpu.enqueue_indirect_dma source(%dma_start3A_94 : memref<10240x128xf32, #tpu.memory_space<hbm>>) target(%arg13 : memref<128x128xf32, #tpu.memory_space<vmem>>) offsets(%dma_start3A_91 : memref<128xi32, #tpu.memory_space<vmem>>) semaphore(%arg16 : memref<!tpu.dma_semaphore, #tpu.memory_space<semaphore_mem>>)
        } else {
        }
        %add3A_58 = arith.constant 1 : i32
        %add3A_59 = arith.addi %sub3A, %add3A_58 : i32
        %jit3A = arith.constant 2 : i32
        %div3A_60 = arith.divsi %add3A_59, %jit3A : i32
        %sign3A = arith.constant 0 : i32
        %sign3A_61 = arith.cmpi sgt, %add3A_59, %sign3A : i32
        %sign3A_62 = arith.extui %sign3A_61 : i1 to i32
        %sign3A_63 = arith.constant 0 : i32
        %sign3A_64 = arith.cmpi slt, %add3A_59, %sign3A_63 : i32
        %sign3A_65 = arith.extui %sign3A_64 : i1 to i32
        %sign3A_66 = arith.subi %sign3A_62, %sign3A_65 : i32
        %sign3A_67 = arith.constant 0 : i32
        %sign3A_68 = arith.cmpi sgt, %jit3A, %sign3A_67 : i32
        %sign3A_69 = arith.extui %sign3A_68 : i1 to i32
        %sign3A_70 = arith.constant 0 : i32
        %sign3A_71 = arith.cmpi slt, %jit3A, %sign3A_70 : i32
        %sign3A_72 = arith.extui %sign3A_71 : i1 to i32
        %sign3A_73 = arith.subi %sign3A_69, %sign3A_72 : i32
        %ne3A = arith.cmpi ne, %sign3A_66, %sign3A_73 : i32
        %rem3A = arith.remsi %add3A_59, %jit3A : i32
        %ne3A_74 = arith.constant 0 : i32
        %ne3A_75 = arith.cmpi ne, %rem3A, %ne3A_74 : i32
        %and3A = arith.andi %ne3A, %ne3A_75 : i1
        %sub3A_76 = arith.constant 1 : i32
        %sub3A_77 = arith.subi %div3A_60, %sub3A_76 : i32
        %select_n3A = arith.select %and3A, %sub3A_77, %div3A_60 : i32
        %while3A_78 = arith.constant 0 : i32
        %while3A_79 = arith.constant 0 : i32
        %while3A_80 = arith.subi %select_n3A, %while3A_79 : i32
        %while3A_81 = arith.addi %while3A_79, %while3A_80 : i32
        %while3A_82 = arith.constant 1 : i32
        %while3A_83 = arith.divsi %while3A_80, %while3A_82 : i32
        %while3A_84 = arith.muli %while3A_83, %while3A_82 : i32
        %while3A_85 = arith.addi %while3A_79, %while3A_84 : i32
        %while3A_86 = arith.constant 1 : i32
        scf.for %while3A_88 = %while3A_79 to %while3A_85 step %while3A_86  : i32 {
          %mul3A_89 = arith.constant 2 : i32
          %mul3A_90 = arith.muli %mul3A_89, %while3A_88 : i32
          %dma_wait3A = arith.constant 0 : i32
          %dma_wait3A_91 = tpu.memref_slice %arg9[%mul3A_90, %dma_wait3A] : memref<28x128xi32, #tpu.memory_space<vmem>> -> memref<1x128xi32, #tpu.memory_space<vmem>>
          %dma_wait3A_92 = tpu.memref_squeeze %dma_wait3A_91 : memref<1x128xi32, #tpu.memory_space<vmem>> -> memref<128xi32, #tpu.memory_space<vmem>>
          %dma_wait3A_93 = arith.constant 0 : i32
          %dma_wait3A_94 = arith.constant 0 : i32
          %dma_wait3A_95 = tpu.memref_slice %arg6[%dma_wait3A_93, %dma_wait3A_94] : memref<10240x128xf32, #tpu.memory_space<hbm>> -> memref<10240x128xf32, #tpu.memory_space<hbm>>
          tpu.wait_indirect_dma semaphore(%arg15 : memref<!tpu.dma_semaphore, #tpu.memory_space<semaphore_mem>>) src(%dma_wait3A_95 : memref<10240x128xf32, #tpu.memory_space<hbm>>) dst(%arg12 : memref<128x128xf32, #tpu.memory_space<vmem>>)
          "tpu.region"() ({
            %run_scoped3A = tpu.sem_alloc : memref<!tpu.dma_semaphore, #tpu.memory_space<semaphore_mem>>
            %dma_start3A_107 = arith.constant 0 : i32
            %dma_start3A_108 = tpu.memref_slice %arg10[%mul3A_90, %dma_start3A_107] : memref<28x128xi32, #tpu.memory_space<vmem>> -> memref<1x128xi32, #tpu.memory_space<vmem>>
            %dma_start3A_109 = tpu.memref_squeeze %dma_start3A_108 : memref<1x128xi32, #tpu.memory_space<vmem>> -> memref<128xi32, #tpu.memory_space<vmem>>
            %dma_start3A_110 = arith.constant 0 : i32
            %dma_start3A_111 = arith.constant 0 : i32
            %dma_start3A_112 = tpu.memref_slice %arg14[%dma_start3A_110, %dma_start3A_111] : memref<10240x128xf32, #tpu.memory_space<vmem_shared>> -> memref<10240x128xf32, #tpu.memory_space<vmem_shared>>
            tpu.enqueue_indirect_dma source(%arg12 : memref<128x128xf32, #tpu.memory_space<vmem>>) target(%dma_start3A_112 : memref<10240x128xf32, #tpu.memory_space<vmem_shared>>) offsets(%dma_start3A_109 : memref<128xi32, #tpu.memory_space<vmem>>) semaphore(%run_scoped3A : memref<!tpu.dma_semaphore, #tpu.memory_space<semaphore_mem>>) {add = true}
            %dma_wait3A_113 = arith.constant 0 : i32
            %dma_wait3A_114 = tpu.memref_slice %arg10[%mul3A_90, %dma_wait3A_113] : memref<28x128xi32, #tpu.memory_space<vmem>> -> memref<1x128xi32, #tpu.memory_space<vmem>>
            %dma_wait3A_115 = tpu.memref_squeeze %dma_wait3A_114 : memref<1x128xi32, #tpu.memory_space<vmem>> -> memref<128xi32, #tpu.memory_space<vmem>>
            %dma_wait3A_116 = arith.constant 0 : i32
            %dma_wait3A_117 = arith.constant 0 : i32
            %dma_wait3A_118 = tpu.memref_slice %arg14[%dma_wait3A_116, %dma_wait3A_117] : memref<10240x128xf32, #tpu.memory_space<vmem_shared>> -> memref<10240x128xf32, #tpu.memory_space<vmem_shared>>
            tpu.wait_indirect_dma semaphore(%run_scoped3A : memref<!tpu.dma_semaphore, #tpu.memory_space<semaphore_mem>>) src(%arg12 : memref<128x128xf32, #tpu.memory_space<vmem>>) dst(%dma_wait3A_118 : memref<10240x128xf32, #tpu.memory_space<vmem_shared>>)
            tpu.yield
          }) : () -> ()
          %add3A_96 = arith.constant 2 : i32
          %add3A_97 = arith.addi %mul3A_90, %add3A_96 : i32
          %lt3A = arith.cmpi slt, %add3A_97, %sub3A : i32
          %convert_element_type3A_98 = arith.extui %lt3A : i1 to i32
          %cond3A_99 = arith.constant 0 : i32
          %cond3A_100 = arith.cmpi ne, %convert_element_type3A_98, %cond3A_99 : i32
          scf.if %cond3A_100 {
            %add3A_107 = arith.constant 2 : i32
            %add3A_108 = arith.addi %mul3A_90, %add3A_107 : i32
            %dma_start3A_109 = arith.constant 0 : i32
            %dma_start3A_110 = tpu.memref_slice %arg9[%add3A_108, %dma_start3A_109] : memref<28x128xi32, #tpu.memory_space<vmem>> -> memref<1x128xi32, #tpu.memory_space<vmem>>
            %dma_start3A_111 = tpu.memref_squeeze %dma_start3A_110 : memref<1x128xi32, #tpu.memory_space<vmem>> -> memref<128xi32, #tpu.memory_space<vmem>>
            %dma_start3A_112 = arith.constant 0 : i32
            %dma_start3A_113 = arith.constant 0 : i32
            %dma_start3A_114 = tpu.memref_slice %arg6[%dma_start3A_112, %dma_start3A_113] : memref<10240x128xf32, #tpu.memory_space<hbm>> -> memref<10240x128xf32, #tpu.memory_space<hbm>>
            tpu.enqueue_indirect_dma source(%dma_start3A_114 : memref<10240x128xf32, #tpu.memory_space<hbm>>) target(%arg12 : memref<128x128xf32, #tpu.memory_space<vmem>>) offsets(%dma_start3A_111 : memref<128xi32, #tpu.memory_space<vmem>>) semaphore(%arg15 : memref<!tpu.dma_semaphore, #tpu.memory_space<semaphore_mem>>)
          } else {
          }
          %add3A_101 = arith.constant 1 : i32
          %add3A_102 = arith.addi %mul3A_90, %add3A_101 : i32
          %lt3A_103 = arith.cmpi slt, %add3A_102, %sub3A : i32
          %convert_element_type3A_104 = arith.extui %lt3A_103 : i1 to i32
          %cond3A_105 = arith.constant 0 : i32
          %cond3A_106 = arith.cmpi ne, %convert_element_type3A_104, %cond3A_105 : i32
          scf.if %cond3A_106 {
            %dma_wait3A_107 = arith.constant 0 : i32
            %dma_wait3A_108 = tpu.memref_slice %arg9[%mul3A_90, %dma_wait3A_107] : memref<28x128xi32, #tpu.memory_space<vmem>> -> memref<1x128xi32, #tpu.memory_space<vmem>>
            %dma_wait3A_109 = tpu.memref_squeeze %dma_wait3A_108 : memref<1x128xi32, #tpu.memory_space<vmem>> -> memref<128xi32, #tpu.memory_space<vmem>>
            %dma_wait3A_110 = arith.constant 0 : i32
            %dma_wait3A_111 = arith.constant 0 : i32
            %dma_wait3A_112 = tpu.memref_slice %arg6[%dma_wait3A_110, %dma_wait3A_111] : memref<10240x128xf32, #tpu.memory_space<hbm>> -> memref<10240x128xf32, #tpu.memory_space<hbm>>
            tpu.wait_indirect_dma semaphore(%arg16 : memref<!tpu.dma_semaphore, #tpu.memory_space<semaphore_mem>>) src(%dma_wait3A_112 : memref<10240x128xf32, #tpu.memory_space<hbm>>) dst(%arg13 : memref<128x128xf32, #tpu.memory_space<vmem>>)
            %add3A_113 = arith.constant 1 : i32
            %add3A_114 = arith.addi %mul3A_90, %add3A_113 : i32
            "tpu.region"() ({
              %run_scoped3A = tpu.sem_alloc : memref<!tpu.dma_semaphore, #tpu.memory_space<semaphore_mem>>
              %dma_start3A_121 = arith.constant 0 : i32
              %dma_start3A_122 = tpu.memref_slice %arg10[%add3A_114, %dma_start3A_121] : memref<28x128xi32, #tpu.memory_space<vmem>> -> memref<1x128xi32, #tpu.memory_space<vmem>>
              %dma_start3A_123 = tpu.memref_squeeze %dma_start3A_122 : memref<1x128xi32, #tpu.memory_space<vmem>> -> memref<128xi32, #tpu.memory_space<vmem>>
              %dma_start3A_124 = arith.constant 0 : i32
              %dma_start3A_125 = arith.constant 0 : i32
              %dma_start3A_126 = tpu.memref_slice %arg14[%dma_start3A_124, %dma_start3A_125] : memref<10240x128xf32, #tpu.memory_space<vmem_shared>> -> memref<10240x128xf32, #tpu.memory_space<vmem_shared>>
              tpu.enqueue_indirect_dma source(%arg13 : memref<128x128xf32, #tpu.memory_space<vmem>>) target(%dma_start3A_126 : memref<10240x128xf32, #tpu.memory_space<vmem_shared>>) offsets(%dma_start3A_123 : memref<128xi32, #tpu.memory_space<vmem>>) semaphore(%run_scoped3A : memref<!tpu.dma_semaphore, #tpu.memory_space<semaphore_mem>>) {add = true}
              %dma_wait3A_127 = arith.constant 0 : i32
              %dma_wait3A_128 = tpu.memref_slice %arg10[%add3A_114, %dma_wait3A_127] : memref<28x128xi32, #tpu.memory_space<vmem>> -> memref<1x128xi32, #tpu.memory_space<vmem>>
              %dma_wait3A_129 = tpu.memref_squeeze %dma_wait3A_128 : memref<1x128xi32, #tpu.memory_space<vmem>> -> memref<128xi32, #tpu.memory_space<vmem>>
              %dma_wait3A_130 = arith.constant 0 : i32
              %dma_wait3A_131 = arith.constant 0 : i32
              %dma_wait3A_132 = tpu.memref_slice %arg14[%dma_wait3A_130, %dma_wait3A_131] : memref<10240x128xf32, #tpu.memory_space<vmem_shared>> -> memref<10240x128xf32, #tpu.memory_space<vmem_shared>>
              tpu.wait_indirect_dma semaphore(%run_scoped3A : memref<!tpu.dma_semaphore, #tpu.memory_space<semaphore_mem>>) src(%arg13 : memref<128x128xf32, #tpu.memory_space<vmem>>) dst(%dma_wait3A_132 : memref<10240x128xf32, #tpu.memory_space<vmem_shared>>)
              tpu.yield
            }) : () -> ()
            %add3A_115 = arith.constant 3 : i32
            %add3A_116 = arith.addi %mul3A_90, %add3A_115 : i32
            %lt3A_117 = arith.cmpi slt, %add3A_116, %sub3A : i32
            %convert_element_type3A_118 = arith.extui %lt3A_117 : i1 to i32
            %cond3A_119 = arith.constant 0 : i32
            %cond3A_120 = arith.cmpi ne, %convert_element_type3A_118, %cond3A_119 : i32
            scf.if %cond3A_120 {
              %add3A_121 = arith.constant 3 : i32
              %add3A_122 = arith.addi %mul3A_90, %add3A_121 : i32
              %dma_start3A_123 = arith.constant 0 : i32
              %dma_start3A_124 = tpu.memref_slice %arg9[%add3A_122, %dma_start3A_123] : memref<28x128xi32, #tpu.memory_space<vmem>> -> memref<1x128xi32, #tpu.memory_space<vmem>>
              %dma_start3A_125 = tpu.memref_squeeze %dma_start3A_124 : memref<1x128xi32, #tpu.memory_space<vmem>> -> memref<128xi32, #tpu.memory_space<vmem>>
              %dma_start3A_126 = arith.constant 0 : i32
              %dma_start3A_127 = arith.constant 0 : i32
              %dma_start3A_128 = tpu.memref_slice %arg6[%dma_start3A_126, %dma_start3A_127] : memref<10240x128xf32, #tpu.memory_space<hbm>> -> memref<10240x128xf32, #tpu.memory_space<hbm>>
              tpu.enqueue_indirect_dma source(%dma_start3A_128 : memref<10240x128xf32, #tpu.memory_space<hbm>>) target(%arg13 : memref<128x128xf32, #tpu.memory_space<vmem>>) offsets(%dma_start3A_125 : memref<128xi32, #tpu.memory_space<vmem>>) semaphore(%arg16 : memref<!tpu.dma_semaphore, #tpu.memory_space<semaphore_mem>>)
            } else {
            }
          } else {
          }
        }
        %while3A_87 = arith.constant 1 : i32
        scf.for %while3A_88 = %while3A_85 to %while3A_81 step %while3A_87  : i32 {
          %mul3A_89 = arith.constant 2 : i32
          %mul3A_90 = arith.muli %mul3A_89, %while3A_88 : i32
          %dma_wait3A = arith.constant 0 : i32
          %dma_wait3A_91 = tpu.memref_slice %arg9[%mul3A_90, %dma_wait3A] : memref<28x128xi32, #tpu.memory_space<vmem>> -> memref<1x128xi32, #tpu.memory_space<vmem>>
          %dma_wait3A_92 = tpu.memref_squeeze %dma_wait3A_91 : memref<1x128xi32, #tpu.memory_space<vmem>> -> memref<128xi32, #tpu.memory_space<vmem>>
          %dma_wait3A_93 = arith.constant 0 : i32
          %dma_wait3A_94 = arith.constant 0 : i32
          %dma_wait3A_95 = tpu.memref_slice %arg6[%dma_wait3A_93, %dma_wait3A_94] : memref<10240x128xf32, #tpu.memory_space<hbm>> -> memref<10240x128xf32, #tpu.memory_space<hbm>>
          tpu.wait_indirect_dma semaphore(%arg15 : memref<!tpu.dma_semaphore, #tpu.memory_space<semaphore_mem>>) src(%dma_wait3A_95 : memref<10240x128xf32, #tpu.memory_space<hbm>>) dst(%arg12 : memref<128x128xf32, #tpu.memory_space<vmem>>)
          "tpu.region"() ({
            %run_scoped3A = tpu.sem_alloc : memref<!tpu.dma_semaphore, #tpu.memory_space<semaphore_mem>>
            %dma_start3A_107 = arith.constant 0 : i32
            %dma_start3A_108 = tpu.memref_slice %arg10[%mul3A_90, %dma_start3A_107] : memref<28x128xi32, #tpu.memory_space<vmem>> -> memref<1x128xi32, #tpu.memory_space<vmem>>
            %dma_start3A_109 = tpu.memref_squeeze %dma_start3A_108 : memref<1x128xi32, #tpu.memory_space<vmem>> -> memref<128xi32, #tpu.memory_space<vmem>>
            %dma_start3A_110 = arith.constant 0 : i32
            %dma_start3A_111 = arith.constant 0 : i32
            %dma_start3A_112 = tpu.memref_slice %arg14[%dma_start3A_110, %dma_start3A_111] : memref<10240x128xf32, #tpu.memory_space<vmem_shared>> -> memref<10240x128xf32, #tpu.memory_space<vmem_shared>>
            tpu.enqueue_indirect_dma source(%arg12 : memref<128x128xf32, #tpu.memory_space<vmem>>) target(%dma_start3A_112 : memref<10240x128xf32, #tpu.memory_space<vmem_shared>>) offsets(%dma_start3A_109 : memref<128xi32, #tpu.memory_space<vmem>>) semaphore(%run_scoped3A : memref<!tpu.dma_semaphore, #tpu.memory_space<semaphore_mem>>) {add = true}
            %dma_wait3A_113 = arith.constant 0 : i32
            %dma_wait3A_114 = tpu.memref_slice %arg10[%mul3A_90, %dma_wait3A_113] : memref<28x128xi32, #tpu.memory_space<vmem>> -> memref<1x128xi32, #tpu.memory_space<vmem>>
            %dma_wait3A_115 = tpu.memref_squeeze %dma_wait3A_114 : memref<1x128xi32, #tpu.memory_space<vmem>> -> memref<128xi32, #tpu.memory_space<vmem>>
            %dma_wait3A_116 = arith.constant 0 : i32
            %dma_wait3A_117 = arith.constant 0 : i32
            %dma_wait3A_118 = tpu.memref_slice %arg14[%dma_wait3A_116, %dma_wait3A_117] : memref<10240x128xf32, #tpu.memory_space<vmem_shared>> -> memref<10240x128xf32, #tpu.memory_space<vmem_shared>>
            tpu.wait_indirect_dma semaphore(%run_scoped3A : memref<!tpu.dma_semaphore, #tpu.memory_space<semaphore_mem>>) src(%arg12 : memref<128x128xf32, #tpu.memory_space<vmem>>) dst(%dma_wait3A_118 : memref<10240x128xf32, #tpu.memory_space<vmem_shared>>)
            tpu.yield
          }) : () -> ()
          %add3A_96 = arith.constant 2 : i32
          %add3A_97 = arith.addi %mul3A_90, %add3A_96 : i32
          %lt3A = arith.cmpi slt, %add3A_97, %sub3A : i32
          %convert_element_type3A_98 = arith.extui %lt3A : i1 to i32
          %cond3A_99 = arith.constant 0 : i32
          %cond3A_100 = arith.cmpi ne, %convert_element_type3A_98, %cond3A_99 : i32
          scf.if %cond3A_100 {
            %add3A_107 = arith.constant 2 : i32
            %add3A_108 = arith.addi %mul3A_90, %add3A_107 : i32
            %dma_start3A_109 = arith.constant 0 : i32
            %dma_start3A_110 = tpu.memref_slice %arg9[%add3A_108, %dma_start3A_109] : memref<28x128xi32, #tpu.memory_space<vmem>> -> memref<1x128xi32, #tpu.memory_space<vmem>>
            %dma_start3A_111 = tpu.memref_squeeze %dma_start3A_110 : memref<1x128xi32, #tpu.memory_space<vmem>> -> memref<128xi32, #tpu.memory_space<vmem>>
            %dma_start3A_112 = arith.constant 0 : i32
            %dma_start3A_113 = arith.constant 0 : i32
            %dma_start3A_114 = tpu.memref_slice %arg6[%dma_start3A_112, %dma_start3A_113] : memref<10240x128xf32, #tpu.memory_space<hbm>> -> memref<10240x128xf32, #tpu.memory_space<hbm>>
            tpu.enqueue_indirect_dma source(%dma_start3A_114 : memref<10240x128xf32, #tpu.memory_space<hbm>>) target(%arg12 : memref<128x128xf32, #tpu.memory_space<vmem>>) offsets(%dma_start3A_111 : memref<128xi32, #tpu.memory_space<vmem>>) semaphore(%arg15 : memref<!tpu.dma_semaphore, #tpu.memory_space<semaphore_mem>>)
          } else {
          }
          %add3A_101 = arith.constant 1 : i32
          %add3A_102 = arith.addi %mul3A_90, %add3A_101 : i32
          %lt3A_103 = arith.cmpi slt, %add3A_102, %sub3A : i32
          %convert_element_type3A_104 = arith.extui %lt3A_103 : i1 to i32
          %cond3A_105 = arith.constant 0 : i32
          %cond3A_106 = arith.cmpi ne, %convert_element_type3A_104, %cond3A_105 : i32
          scf.if %cond3A_106 {
            %dma_wait3A_107 = arith.constant 0 : i32
            %dma_wait3A_108 = tpu.memref_slice %arg9[%mul3A_90, %dma_wait3A_107] : memref<28x128xi32, #tpu.memory_space<vmem>> -> memref<1x128xi32, #tpu.memory_space<vmem>>
            %dma_wait3A_109 = tpu.memref_squeeze %dma_wait3A_108 : memref<1x128xi32, #tpu.memory_space<vmem>> -> memref<128xi32, #tpu.memory_space<vmem>>
            %dma_wait3A_110 = arith.constant 0 : i32
            %dma_wait3A_111 = arith.constant 0 : i32
            %dma_wait3A_112 = tpu.memref_slice %arg6[%dma_wait3A_110, %dma_wait3A_111] : memref<10240x128xf32, #tpu.memory_space<hbm>> -> memref<10240x128xf32, #tpu.memory_space<hbm>>
            tpu.wait_indirect_dma semaphore(%arg16 : memref<!tpu.dma_semaphore, #tpu.memory_space<semaphore_mem>>) src(%dma_wait3A_112 : memref<10240x128xf32, #tpu.memory_space<hbm>>) dst(%arg13 : memref<128x128xf32, #tpu.memory_space<vmem>>)
            %add3A_113 = arith.constant 1 : i32
            %add3A_114 = arith.addi %mul3A_90, %add3A_113 : i32
            "tpu.region"() ({
              %run_scoped3A = tpu.sem_alloc : memref<!tpu.dma_semaphore, #tpu.memory_space<semaphore_mem>>
              %dma_start3A_121 = arith.constant 0 : i32
              %dma_start3A_122 = tpu.memref_slice %arg10[%add3A_114, %dma_start3A_121] : memref<28x128xi32, #tpu.memory_space<vmem>> -> memref<1x128xi32, #tpu.memory_space<vmem>>
              %dma_start3A_123 = tpu.memref_squeeze %dma_start3A_122 : memref<1x128xi32, #tpu.memory_space<vmem>> -> memref<128xi32, #tpu.memory_space<vmem>>
              %dma_start3A_124 = arith.constant 0 : i32
              %dma_start3A_125 = arith.constant 0 : i32
              %dma_start3A_126 = tpu.memref_slice %arg14[%dma_start3A_124, %dma_start3A_125] : memref<10240x128xf32, #tpu.memory_space<vmem_shared>> -> memref<10240x128xf32, #tpu.memory_space<vmem_shared>>
              tpu.enqueue_indirect_dma source(%arg13 : memref<128x128xf32, #tpu.memory_space<vmem>>) target(%dma_start3A_126 : memref<10240x128xf32, #tpu.memory_space<vmem_shared>>) offsets(%dma_start3A_123 : memref<128xi32, #tpu.memory_space<vmem>>) semaphore(%run_scoped3A : memref<!tpu.dma_semaphore, #tpu.memory_space<semaphore_mem>>) {add = true}
              %dma_wait3A_127 = arith.constant 0 : i32
              %dma_wait3A_128 = tpu.memref_slice %arg10[%add3A_114, %dma_wait3A_127] : memref<28x128xi32, #tpu.memory_space<vmem>> -> memref<1x128xi32, #tpu.memory_space<vmem>>
              %dma_wait3A_129 = tpu.memref_squeeze %dma_wait3A_128 : memref<1x128xi32, #tpu.memory_space<vmem>> -> memref<128xi32, #tpu.memory_space<vmem>>
              %dma_wait3A_130 = arith.constant 0 : i32
              %dma_wait3A_131 = arith.constant 0 : i32
              %dma_wait3A_132 = tpu.memref_slice %arg14[%dma_wait3A_130, %dma_wait3A_131] : memref<10240x128xf32, #tpu.memory_space<vmem_shared>> -> memref<10240x128xf32, #tpu.memory_space<vmem_shared>>
              tpu.wait_indirect_dma semaphore(%run_scoped3A : memref<!tpu.dma_semaphore, #tpu.memory_space<semaphore_mem>>) src(%arg13 : memref<128x128xf32, #tpu.memory_space<vmem>>) dst(%dma_wait3A_132 : memref<10240x128xf32, #tpu.memory_space<vmem_shared>>)
              tpu.yield
            }) : () -> ()
            %add3A_115 = arith.constant 3 : i32
            %add3A_116 = arith.addi %mul3A_90, %add3A_115 : i32
            %lt3A_117 = arith.cmpi slt, %add3A_116, %sub3A : i32
            %convert_element_type3A_118 = arith.extui %lt3A_117 : i1 to i32
            %cond3A_119 = arith.constant 0 : i32
            %cond3A_120 = arith.cmpi ne, %convert_element_type3A_118, %cond3A_119 : i32
            scf.if %cond3A_120 {
              %add3A_121 = arith.constant 3 : i32
              %add3A_122 = arith.addi %mul3A_90, %add3A_121 : i32
              %dma_start3A_123 = arith.constant 0 : i32
              %dma_start3A_124 = tpu.memref_slice %arg9[%add3A_122, %dma_start3A_123] : memref<28x128xi32, #tpu.memory_space<vmem>> -> memref<1x128xi32, #tpu.memory_space<vmem>>
              %dma_start3A_125 = tpu.memref_squeeze %dma_start3A_124 : memref<1x128xi32, #tpu.memory_space<vmem>> -> memref<128xi32, #tpu.memory_space<vmem>>
              %dma_start3A_126 = arith.constant 0 : i32
              %dma_start3A_127 = arith.constant 0 : i32
              %dma_start3A_128 = tpu.memref_slice %arg6[%dma_start3A_126, %dma_start3A_127] : memref<10240x128xf32, #tpu.memory_space<hbm>> -> memref<10240x128xf32, #tpu.memory_space<hbm>>
              tpu.enqueue_indirect_dma source(%dma_start3A_128 : memref<10240x128xf32, #tpu.memory_space<hbm>>) target(%arg13 : memref<128x128xf32, #tpu.memory_space<vmem>>) offsets(%dma_start3A_125 : memref<128xi32, #tpu.memory_space<vmem>>) semaphore(%arg16 : memref<!tpu.dma_semaphore, #tpu.memory_space<semaphore_mem>>)
            } else {
            }
          } else {
          }
        }
      } else {
      }
    } else {
    }
    %barrier3A_19 = arith.constant 0 : index
    tpu.barrier barrier_id(%barrier3A_19)
    %eq3A_20 = arith.constant 0 : i32
    %eq3A_21 = arith.cmpi eq, %arg0, %eq3A_20 : i32
    %convert_element_type3A_22 = arith.extui %eq3A_21 : i1 to i32
    %cond3A_23 = arith.constant 0 : i32
    %cond3A_24 = arith.cmpi ne, %convert_element_type3A_22, %cond3A_23 : i32
    scf.if %cond3A_24 {
      %mul3A_30 = arith.constant 640 : i32
      %mul3A_31 = arith.muli %arg1, %mul3A_30 : i32
      %mul3A_32 = arith.constant 640 : i32
      %mul3A_33 = arith.muli %arg1, %mul3A_32 : i32
      "tpu.region"() ({
        %run_scoped3A = tpu.sem_alloc : memref<!tpu.dma_semaphore, #tpu.memory_space<semaphore_mem>>
        %dma_start3A = arith.constant 0 : i32
        %dma_start3A_34 = tpu.memref_slice %arg8[%mul3A_33, %dma_start3A] : memref<10240x256xf32, #tpu.memory_space<hbm>> -> memref<640x128xf32, #tpu.memory_space<hbm>>
        %dma_start3A_35 = arith.constant 0 : i32
        %dma_start3A_36 = tpu.memref_slice %arg14[%mul3A_31, %dma_start3A_35] : memref<10240x128xf32, #tpu.memory_space<vmem_shared>> -> memref<640x128xf32, #tpu.memory_space<vmem_shared>>
        tpu.enqueue_dma source(%dma_start3A_36 : memref<640x128xf32, #tpu.memory_space<vmem_shared>>) target(%dma_start3A_34 : memref<640x128xf32, #tpu.memory_space<hbm>>) target_semaphore(%run_scoped3A : memref<!tpu.dma_semaphore, #tpu.memory_space<semaphore_mem>>)
        %dma_wait3A = arith.constant 0 : i32
        %dma_wait3A_37 = tpu.memref_slice %arg8[%mul3A_33, %dma_wait3A] : memref<10240x256xf32, #tpu.memory_space<hbm>> -> memref<640x128xf32, #tpu.memory_space<hbm>>
        %dma_wait3A_38 = arith.constant 0 : i32
        %dma_wait3A_39 = tpu.memref_slice %arg14[%mul3A_31, %dma_wait3A_38] : memref<10240x128xf32, #tpu.memory_space<vmem_shared>> -> memref<640x128xf32, #tpu.memory_space<vmem_shared>>
        tpu.wait_dma2 semaphore(%run_scoped3A : memref<!tpu.dma_semaphore, #tpu.memory_space<semaphore_mem>>) src(%dma_wait3A_39 : memref<640x128xf32, #tpu.memory_space<vmem_shared>>) dst(%dma_wait3A_37 : memref<640x128xf32, #tpu.memory_space<hbm>>)
        tpu.yield
      }) : () -> ()
    } else {
    }
    %eq3A_25 = arith.constant 1 : i32
    %eq3A_26 = arith.cmpi eq, %arg0, %eq3A_25 : i32
    %convert_element_type3A_27 = arith.extui %eq3A_26 : i1 to i32
    %cond3A_28 = arith.constant 0 : i32
    %cond3A_29 = arith.cmpi ne, %convert_element_type3A_27, %cond3A_28 : i32
    scf.if %cond3A_29 {
      %mul3A_30 = arith.constant 640 : i32
      %mul3A_31 = arith.muli %arg1, %mul3A_30 : i32
      %mul3A_32 = arith.constant 640 : i32
      %mul3A_33 = arith.muli %arg1, %mul3A_32 : i32
      "tpu.region"() ({
        %run_scoped3A = tpu.sem_alloc : memref<!tpu.dma_semaphore, #tpu.memory_space<semaphore_mem>>
        %dma_start3A = arith.constant 128 : i32
        %dma_start3A_34 = tpu.memref_slice %arg8[%mul3A_33, %dma_start3A] : memref<10240x256xf32, #tpu.memory_space<hbm>> -> memref<640x128xf32, #tpu.memory_space<hbm>>
        %dma_start3A_35 = arith.constant 0 : i32
        %dma_start3A_36 = tpu.memref_slice %arg14[%mul3A_31, %dma_start3A_35] : memref<10240x128xf32, #tpu.memory_space<vmem_shared>> -> memref<640x128xf32, #tpu.memory_space<vmem_shared>>
        tpu.enqueue_dma source(%dma_start3A_36 : memref<640x128xf32, #tpu.memory_space<vmem_shared>>) target(%dma_start3A_34 : memref<640x128xf32, #tpu.memory_space<hbm>>) target_semaphore(%run_scoped3A : memref<!tpu.dma_semaphore, #tpu.memory_space<semaphore_mem>>)
        %dma_wait3A = arith.constant 128 : i32
        %dma_wait3A_37 = tpu.memref_slice %arg8[%mul3A_33, %dma_wait3A] : memref<10240x256xf32, #tpu.memory_space<hbm>> -> memref<640x128xf32, #tpu.memory_space<hbm>>
        %dma_wait3A_38 = arith.constant 0 : i32
        %dma_wait3A_39 = tpu.memref_slice %arg14[%mul3A_31, %dma_wait3A_38] : memref<10240x128xf32, #tpu.memory_space<vmem_shared>> -> memref<640x128xf32, #tpu.memory_space<vmem_shared>>
        tpu.wait_dma2 semaphore(%run_scoped3A : memref<!tpu.dma_semaphore, #tpu.memory_space<semaphore_mem>>) src(%dma_wait3A_39 : memref<640x128xf32, #tpu.memory_space<vmem_shared>>) dst(%dma_wait3A_37 : memref<640x128xf32, #tpu.memory_space<hbm>>)
        tpu.yield
      }) : () -> ()
    } else {
    }
    return
  }
}

module attributes {stable_mosaic.version = 14 : i64} {
  func.func @_scale_body(%arg0: i32, %arg1: memref<1024x1xf32, #tpu.memory_space<vmem>>, %arg2: memref<1024x256xf32, #tpu.memory_space<vmem>>, %arg3: memref<1024x1xf32, #tpu.memory_space<vmem>>, %arg4: memref<1024x128xf32, #tpu.memory_space<vmem>>, %arg5: memref<1024x128xf32, #tpu.memory_space<vmem>>) attributes {dimension_semantics = [#tpu.dimension_semantics<arbitrary>], iteration_bounds = array<i64: 10>, scalar_prefetch = 0 : i64, scratch_operands = 0 : i64, tpu.core_type = #tpu.core_type<tc>, window_params = [{transform_indices = @transform_0, window_bounds = array<i64: 1024, 1>}, {transform_indices = @transform_1, window_bounds = array<i64: 1024, 256>}, {transform_indices = @transform_2, window_bounds = array<i64: 1024, 1>}, {transform_indices = @transform_3, window_bounds = array<i64: 1024, 128>}, {transform_indices = @transform_4, window_bounds = array<i64: 1024, 128>}]} {
    %get3A = arith.constant 0 : index
    %get3A_0 = arith.constant 0 : index
    %get3A_1 = vector.load %arg1[%get3A, %get3A_0] : memref<1024x1xf32, #tpu.memory_space<vmem>>, vector<1024x1xf32>
    %gt3A = arith.constant 0.000000e+00 : f32
    %gt3A_2 = vector.broadcast %gt3A : f32 to vector<1024x1xf32>
    %gt3A_3 = arith.cmpf ogt, %get3A_1, %gt3A_2 : vector<1024x1xf32>
    %rsqrt3A = math.rsqrt %get3A_1 : vector<1024x1xf32>
    %jit3A = arith.constant 0.000000e+00 : f32
    %broadcast_in_dim3A = vector.broadcast %jit3A : f32 to vector<1024x1xf32>
    %select_n3A = arith.select %gt3A_3, %rsqrt3A, %broadcast_in_dim3A : vector<1024x1xi1>, vector<1024x1xf32>
    %swap3A = arith.constant 0 : index
    %swap3A_4 = arith.constant 0 : index
    %swap3A_5 = vector.load %arg3[%swap3A, %swap3A_4] : memref<1024x1xf32, #tpu.memory_space<vmem>>, vector<1024x1xf32>
    tpu.vector_store %arg3[%swap3A, %swap3A_4], %select_n3A {strides = array<i32>} : memref<1024x1xf32, #tpu.memory_space<vmem>>, vector<1024x1xf32>,
    %get3A_6 = arith.constant 0 : index
    %get3A_7 = arith.constant 0 : index
    %get3A_8 = vector.load %arg2[%get3A_6, %get3A_7] : memref<1024x256xf32, #tpu.memory_space<vmem>>, vector<1024x256xf32>
    %slice3A = vector.extract_strided_slice %get3A_8 {offsets = [0, 0], sizes = [1024, 128], strides = [1, 1]} : vector<1024x256xf32> to vector<1024x128xf32>
    %mul3A = vector.broadcast %select_n3A : vector<1024x1xf32> to vector<1024x128xf32>
    %mul3A_9 = arith.mulf %slice3A, %mul3A : vector<1024x128xf32>
    %swap3A_10 = arith.constant 0 : index
    %swap3A_11 = arith.constant 0 : index
    %swap3A_12 = vector.load %arg4[%swap3A_10, %swap3A_11] : memref<1024x128xf32, #tpu.memory_space<vmem>>, vector<1024x128xf32>
    tpu.vector_store %arg4[%swap3A_10, %swap3A_11], %mul3A_9 {strides = array<i32>} : memref<1024x128xf32, #tpu.memory_space<vmem>>, vector<1024x128xf32>,
    %slice3A_13 = vector.extract_strided_slice %get3A_8 {offsets = [0, 128], sizes = [1024, 128], strides = [1, 1]} : vector<1024x256xf32> to vector<1024x128xf32>
    %mul3A_14 = vector.broadcast %select_n3A : vector<1024x1xf32> to vector<1024x128xf32>
    %mul3A_15 = arith.mulf %slice3A_13, %mul3A_14 : vector<1024x128xf32>
    %swap3A_16 = arith.constant 0 : index
    %swap3A_17 = arith.constant 0 : index
    %swap3A_18 = vector.load %arg5[%swap3A_16, %swap3A_17] : memref<1024x128xf32, #tpu.memory_space<vmem>>, vector<1024x128xf32>
    tpu.vector_store %arg5[%swap3A_16, %swap3A_17], %mul3A_15 {strides = array<i32>} : memref<1024x128xf32, #tpu.memory_space<vmem>>, vector<1024x128xf32>,
    return
  }
  func.func @transform_0(%arg0: i32) -> (i32, i32) {
    %c0_i32 = arith.constant 0 : i32
    %c0_i32_0 = arith.constant 0 : i32
    return %arg0, %c0_i32 : i32, i32
  }
  func.func @transform_1(%arg0: i32) -> (i32, i32) {
    %c0_i32 = arith.constant 0 : i32
    %c0_i32_0 = arith.constant 0 : i32
    return %arg0, %c0_i32 : i32, i32
  }
  func.func @transform_2(%arg0: i32) -> (i32, i32) {
    %c0_i32 = arith.constant 0 : i32
    %c0_i32_0 = arith.constant 0 : i32
    return %arg0, %c0_i32 : i32, i32
  }
  func.func @transform_3(%arg0: i32) -> (i32, i32) {
    %c0_i32 = arith.constant 0 : i32
    %c0_i32_0 = arith.constant 0 : i32
    return %arg0, %c0_i32 : i32, i32
  }
  func.func @transform_4(%arg0: i32) -> (i32, i32) {
    %c0_i32 = arith.constant 0 : i32
    %c0_i32_0 = arith.constant 0 : i32
    return %arg0, %c0_i32 : i32, i32
  }
}

module attributes {stable_mosaic.version = 14 : i64} {
  func.func @_mid_body(%arg0: i32, %arg1: memref<1024x256xf32, #tpu.memory_space<vmem>>, %arg2: memref<1024x1xf32, #tpu.memory_space<vmem>>, %arg3: memref<256x512xf32, #tpu.memory_space<vmem>>, %arg4: memref<1x512xf32, #tpu.memory_space<vmem>>, %arg5: memref<512x256xf32, #tpu.memory_space<vmem>>, %arg6: memref<1024x128xf32, #tpu.memory_space<vmem>>, %arg7: memref<1024x128xf32, #tpu.memory_space<vmem>>) attributes {dimension_semantics = [#tpu.dimension_semantics<arbitrary>], iteration_bounds = array<i64: 10>, scalar_prefetch = 0 : i64, scratch_operands = 0 : i64, tpu.core_type = #tpu.core_type<tc>, window_params = [{transform_indices = @transform_0, window_bounds = array<i64: 1024, 256>}, {transform_indices = @transform_1, window_bounds = array<i64: 1024, 1>}, {pipeline_mode = #tpu.pipeline_mode<synchronous>, transform_indices = @transform_2, window_bounds = array<i64: 256, 512>}, {pipeline_mode = #tpu.pipeline_mode<synchronous>, transform_indices = @transform_3, window_bounds = array<i64: 1, 512>}, {pipeline_mode = #tpu.pipeline_mode<synchronous>, transform_indices = @transform_4, window_bounds = array<i64: 512, 256>}, {transform_indices = @transform_5, window_bounds = array<i64: 1024, 128>}, {transform_indices = @transform_6, window_bounds = array<i64: 1024, 128>}]} {
    %get3A = arith.constant 0 : index
    %get3A_0 = arith.constant 0 : index
    %get3A_1 = vector.load %arg2[%get3A, %get3A_0] : memref<1024x1xf32, #tpu.memory_space<vmem>>, vector<1024x1xf32>
    %get3A_2 = arith.constant 0 : index
    %get3A_3 = arith.constant 0 : index
    %get3A_4 = vector.load %arg1[%get3A_2, %get3A_3] : memref<1024x256xf32, #tpu.memory_space<vmem>>, vector<1024x256xf32>
    %mul3A = vector.broadcast %get3A_1 : vector<1024x1xf32> to vector<1024x256xf32>
    %mul3A_5 = arith.mulf %get3A_4, %mul3A : vector<1024x256xf32>
    %get3A_6 = arith.constant 0 : index
    %get3A_7 = arith.constant 0 : index
    %get3A_8 = vector.load %arg3[%get3A_6, %get3A_7] : memref<256x512xf32, #tpu.memory_space<vmem>>, vector<256x512xf32>
    %dot_general3A = arith.constant dense<0.000000e+00> : vector<1024x512xf32>
    %dot_general3A_9 = tpu.matmul %mul3A_5, %get3A_8, %dot_general3A {dimension_numbers = #tpu.dot_dimension_numbers<[1], [0], [0], [1], [0, 0, 1, 1], [], []>, transpose_lhs_hint = false} : vector<1024x256xf32>, vector<256x512xf32>, vector<1024x512xf32> -> vector<1024x512xf32>
    %get3A_10 = arith.constant 0 : index
    %get3A_11 = arith.constant 0 : index
    %get3A_12 = vector.load %arg4[%get3A_10, %get3A_11] : memref<1x512xf32, #tpu.memory_space<vmem>>, vector<1x512xf32>
    %add3A = vector.broadcast %get3A_12 : vector<1x512xf32> to vector<1024x512xf32>
    %add3A_13 = arith.addf %dot_general3A_9, %add3A : vector<1024x512xf32>
    %get3A_14 = arith.constant 0 : index
    %get3A_15 = arith.constant 0 : index
    %get3A_16 = vector.load %arg5[%get3A_14, %get3A_15] : memref<512x256xf32, #tpu.memory_space<vmem>>, vector<512x256xf32>
    %dot_general3A_17 = arith.constant dense<0.000000e+00> : vector<1024x256xf32>
    %dot_general3A_18 = tpu.matmul %add3A_13, %get3A_16, %dot_general3A_17 {dimension_numbers = #tpu.dot_dimension_numbers<[1], [0], [0], [1], [0, 0, 1, 1], [], []>, transpose_lhs_hint = false} : vector<1024x512xf32>, vector<512x256xf32>, vector<1024x256xf32> -> vector<1024x256xf32>
    %mul3A_19 = vector.broadcast %get3A_1 : vector<1024x1xf32> to vector<1024x256xf32>
    %mul3A_20 = arith.mulf %dot_general3A_18, %mul3A_19 : vector<1024x256xf32>
    %mul3A_21 = arith.constant 1024 : i32
    %mul3A_22 = arith.muli %arg0, %mul3A_21 : i32
    %iota3A = tpu.iota {dimensions = array<i32: 0>} : vector<1024x1xi32>
    %add3A_23 = vector.broadcast %mul3A_22 : i32 to vector<1024x1xi32>
    %add3A_24 = arith.addi %add3A_23, %iota3A : vector<1024x1xi32>
    %lt3A = arith.constant 10000 : i32
    %lt3A_25 = vector.broadcast %lt3A : i32 to vector<1024x1xi32>
    %lt3A_26 = arith.cmpi slt, %add3A_24, %lt3A_25 : vector<1024x1xi32>
    %jit3A = arith.constant 0.000000e+00 : f32
    %broadcast_in_dim3A = vector.shape_cast %lt3A_26 : vector<1024x1xi1> to vector<1024x1xi1>
    %broadcast_in_dim3A_27 = vector.broadcast %broadcast_in_dim3A : vector<1024x1xi1> to vector<1024x256xi1>
    %broadcast_in_dim3A_28 = vector.broadcast %jit3A : f32 to vector<1024x256xf32>
    %select_n3A = arith.select %broadcast_in_dim3A_27, %mul3A_20, %broadcast_in_dim3A_28 : vector<1024x256xi1>, vector<1024x256xf32>
    %slice3A = vector.extract_strided_slice %select_n3A {offsets = [0, 0], sizes = [1024, 128], strides = [1, 1]} : vector<1024x256xf32> to vector<1024x128xf32>
    %swap3A = arith.constant 0 : index
    %swap3A_29 = arith.constant 0 : index
    %swap3A_30 = vector.load %arg6[%swap3A, %swap3A_29] : memref<1024x128xf32, #tpu.memory_space<vmem>>, vector<1024x128xf32>
    tpu.vector_store %arg6[%swap3A, %swap3A_29], %slice3A {strides = array<i32>} : memref<1024x128xf32, #tpu.memory_space<vmem>>, vector<1024x128xf32>,
    %slice3A_31 = vector.extract_strided_slice %select_n3A {offsets = [0, 128], sizes = [1024, 128], strides = [1, 1]} : vector<1024x256xf32> to vector<1024x128xf32>
    %swap3A_32 = arith.constant 0 : index
    %swap3A_33 = arith.constant 0 : index
    %swap3A_34 = vector.load %arg7[%swap3A_32, %swap3A_33] : memref<1024x128xf32, #tpu.memory_space<vmem>>, vector<1024x128xf32>
    tpu.vector_store %arg7[%swap3A_32, %swap3A_33], %slice3A_31 {strides = array<i32>} : memref<1024x128xf32, #tpu.memory_space<vmem>>, vector<1024x128xf32>,
    return
  }
  func.func @transform_0(%arg0: i32) -> (i32, i32) {
    %c0_i32 = arith.constant 0 : i32
    %c0_i32_0 = arith.constant 0 : i32
    return %arg0, %c0_i32 : i32, i32
  }
  func.func @transform_1(%arg0: i32) -> (i32, i32) {
    %c0_i32 = arith.constant 0 : i32
    %c0_i32_0 = arith.constant 0 : i32
    return %arg0, %c0_i32 : i32, i32
  }
  func.func @transform_2(%arg0: i32) -> (i32, i32) {
    %c0_i32 = arith.constant 0 : i32
    %c0_i32_0 = arith.constant 0 : i32
    %c0_i32_1 = arith.constant 0 : i32
    return %c0_i32, %c0_i32_0 : i32, i32
  }
  func.func @transform_3(%arg0: i32) -> (i32, i32) {
    %c0_i32 = arith.constant 0 : i32
    %c0_i32_0 = arith.constant 0 : i32
    %c0_i32_1 = arith.constant 0 : i32
    return %c0_i32, %c0_i32_0 : i32, i32
  }
  func.func @transform_4(%arg0: i32) -> (i32, i32) {
    %c0_i32 = arith.constant 0 : i32
    %c0_i32_0 = arith.constant 0 : i32
    %c0_i32_1 = arith.constant 0 : i32
    return %c0_i32, %c0_i32_0 : i32, i32
  }
  func.func @transform_5(%arg0: i32) -> (i32, i32) {
    %c0_i32 = arith.constant 0 : i32
    %c0_i32_0 = arith.constant 0 : i32
    return %arg0, %c0_i32 : i32, i32
  }
  func.func @transform_6(%arg0: i32) -> (i32, i32) {
    %c0_i32 = arith.constant 0 : i32
    %c0_i32_0 = arith.constant 0 : i32
    return %arg0, %c0_i32 : i32, i32
  }
}

</mosaic_0001>

<sc_bundles>
// kernel: kernel.11.cloned.1.call-start
scs
__scs_entry_jumppad:
0x0: {  	(pc) =	sbr.rel $0x88, $3  }
0x1: {  	(tag) =	ssettag $0x0;
	lr =	simm.s32 $0x1  }
0x2: {  	[smem:$0x3F9A] =	sst lr;
	_ =	strace $0xD0000000  }
0x3: {  	_ = 	snop  }
0x4: {  	_ = 	snop  }
0x5: {  	_ = 	snop  }
0x6: {  	_ = 	snop  }
0x7: {  	_ = 	snop  }
__scs_overlays_trampoline_lowered:
0x8: {  	[smem:$0x3FA9] =	sst s0  }
0x9: {  	[smem:$0x3FAA] =	sst s1  }
0xa: {  	[smem:$0x3FAB] =	sst s2  }
0xb: {  	[smem:$0x3FAC] =	sst s3  }
0xc: {  	[smem:$0x3FAD] =	sst s4  }
0xd: {  	[smem:$0x3FAE] =	sst s5  }
0xe: {  	[smem:$0x3FAF] =	sst s6  }
0xf: {  	[smem:$0x3FB0] =	sst s7  }
0x10: {  	[smem:$0x3FB1] =	sst s8  }
0x11: {  	[smem:$0x3FB2] =	sst s9;
	s0 =	simm.s32 @!p0 $0x0  }
0x12: {  	s1 =	sld [smem:$0x3F98];
	s0 =	simm.s32 @p0 $0x1  }
0x13: {  	[smem:$0x3FB3] =	sst s0;
	s0 =	simm.s32 @!p1 $0x0  }
0x14: {  	s2 =	sld [smem:$0x3F97];
	s0 =	simm.s32 @p1 $0x1  }
0x15: {  	[smem:$0x3FB4] =	sst s0;
	s0 =	simm.s32 @!p2 $0x0  }
0x16: {  	s3 =	sld [smem:$0x3FDB];
	s0 =	simm.s32 @p2 $0x1  }
0x17: {  	s4 =	simm.s32 $0x1BF5;
	[smem:$0x3FB6] =	sst s0  }
0x18: {  	s0 =	sld [smem:$0x3F99];
	_ =	swait.ge [sflag:s4], $0x0  }
0x19: {  	s7 =	sld [smem:$0x3F9A]  }
0x1a: {  	s8 =	sadd.s32 $0xFFFFE003, lr  }
0x1b: {  	s9 =	sadd.s32 $0xFFFFFEF7, lr;
	s5 =	simm.s32 $0xFFFFFFFF;
	p2 =	slt.u32 s8, $0xFFFFF086  }
0x1c: {  	p1 =	slt.u32 s9, $0xF7A;
	s5 =	simm.s32 @!p2 $0x0  }
0x1d: {  	s5 =	simm.s32 @p1 $0x1;
	p0 =	seq.s32 s7, s2  }
0x1e: {  	s7 =	smul.u32 @!p0 $0xF7A, s2;
	p2 =	seq.s32 @!p0 s5, $0x0  }
0x1f: {  	s9 =	smul.u32 $0xF7A, s1;
	s8 =	simm.s32 @!p0 $0x1BF5;
	p2 =	por !p2, p0  }
0x20: {  	[sflag:s8] =	ssyncset.s32 @!p0 $0xFFFFF086;
	s6 =	sadd.s32 @!p0 s3, s7;
	s7 =	simm.s32 @!p0 $0x108  }
0x21: {  	s3 =	sadd.s32 s3, s9;
	s6 =	sadd.s32 @!p0 $0x88, s6;
	s7 =	simm.s32 @p2 $0x1082  }
0x22: {  	[simem:s7], [sflag:s8] =	dma.local @!p0 [hbm:s6], $0xF7A  }
0x23: {  	s9 =	sor.u32 $0xD0000000, s2;
	s6 =	simm.s32 $0x108;
	_ =	swait.ge @!p0 [sflag:s8], $0x0  }
0x24: {  	s3 =	sadd.s32 $0x88, s3;
	s6 =	simm.s32 @!p1 $0x1082;
	[sflag:s4] =	ssyncset.s32 $0xFFFFF086  }
0x25: {  	[simem:s6], [sflag:s4] =	dma.local [hbm:s3], $0xF7A  }
0x26: {  	[smem:$0x3F9A] =	sst s1;
	(tag) =	ssettag s2;
	_ =	strace s9  }
0x27: {  	s1 =	sld [smem:$0x3FAA]  }
0x28: {  	s2 =	sld [smem:$0x3FAB]  }
0x29: {  	s4 =	sld [smem:$0x3FAD]  }
0x2a: {  	p0 =	seq.s32 s5, $0x0;
	s5 =	sld [smem:$0x3FAE]  }
0x2b: {  	s6 =	sld [smem:$0x3FAF]  }
0x2c: {  	s7 =	sld [smem:$0x3FB0]  }
0x2d: {  	s3 =	simm.s32 $0x108;
	s8 =	sld [smem:$0x3FB1]  }
0x2e: {  	s3 =	simm.s32 @!p0 $0x1082;
	s9 =	sld [smem:$0x3FB2]  }
0x2f: {  	lr =	sadd.s32 s0, s3;
	s0 =	sld [smem:$0x3FA9]  }
0x30: {  	s3 =	sld [smem:$0x3FAC]  }
0x31: {  	[smem:$0x3FB5] =	sst s10  }
0x32: {  	s10 =	sld [smem:$0x3FB3];
	_ =	sdelay $0x3  }
0x33: {  	p0 =	seq.s32 s10, $0x1;
	s10 =	sld [smem:$0x3FB5];
	_ =	sdelay $0x3  }
0x34: {  	[smem:$0x3FB5] =	sst s10  }
0x35: {  	s10 =	sld [smem:$0x3FB4];
	_ =	sdelay $0x3  }
0x36: {  	p1 =	seq.s32 s10, $0x1;
	s10 =	sld [smem:$0x3FB5];
	_ =	sdelay $0x3  }
0x37: {  	[smem:$0x3FB5] =	sst s10  }
0x38: {  	s10 =	sld [smem:$0x3FB6]  }
0x39: {  	_ = 	snop;
	(pc) =	sbr.ind lr, $3  }
0x3a: {  	_ = 	snop  }
0x3b: {  	_ = 	snop  }
0x3c: {  	p2 =	seq.s32 s10, $0x1;
	s10 =	sld [smem:$0x3FB5]  }
0x3d: {  	_ =	shalt  }
0x3e: {  	_ =	shalt  }
0x3f: {  	_ =	shalt  }
0x40: {  	_ =	shalt  }
0x41: {  	_ =	shalt  }
0x42: {  	_ =	shalt  }
0x43: {  	_ =	shalt  }
0x44: {  	_ =	shalt  }
0x45: {  	_ =	shalt  }
0x46: {  	_ =	shalt  }
0x47: {  	_ =	shalt  }
0x48: {  	_ =	shalt  }
0x49: {  	_ =	shalt  }
0x4a: {  	_ =	shalt  }
0x4b: {  	_ =	shalt  }
0x4c: {  	_ =	shalt  }
0x4d: {  	_ =	shalt  }
0x4e: {  	_ =	shalt  }
0x4f: {  	_ =	shalt  }
0x50: {  	_ =	shalt  }
0x51: {  	_ =	shalt  }
0x52: {  	_ =	shalt  }
0x53: {  	_ =	shalt  }
0x54: {  	_ =	shalt  }
0x55: {  	_ =	shalt  }
0x56: {  	_ =	shalt  }
0x57: {  	_ =	shalt  }
0x58: {  	_ =	shalt  }
0x59: {  	_ =	shalt  }
0x5a: {  	_ =	shalt  }
0x5b: {  	_ =	shalt  }
0x5c: {  	_ =	shalt  }
0x5d: {  	_ =	shalt  }
0x5e: {  	_ =	shalt  }
0x5f: {  	_ =	shalt  }
0x60: {  	_ =	shalt  }
0x61: {  	_ =	shalt  }
0x62: {  	_ =	shalt  }
0x63: {  	_ =	shalt  }
0x64: {  	_ =	shalt  }
0x65: {  	_ =	shalt  }
0x66: {  	_ =	shalt  }
0x67: {  	_ =	shalt  }
0x68: {  	_ =	shalt  }
0x69: {  	_ =	shalt  }
0x6a: {  	_ =	shalt  }
0x6b: {  	_ =	shalt  }
0x6c: {  	_ =	shalt  }
0x6d: {  	_ =	shalt  }
0x6e: {  	_ =	shalt  }
0x6f: {  	_ =	shalt  }
0x70: {  	_ =	shalt  }
0x71: {  	_ =	shalt  }
0x72: {  	_ =	shalt  }
0x73: {  	_ =	shalt  }
0x74: {  	_ =	shalt  }
0x75: {  	_ =	shalt  }
0x76: {  	_ =	shalt  }
0x77: {  	_ =	shalt  }
0x78: {  	_ =	shalt  }
0x79: {  	_ =	shalt  }
0x7a: {  	_ =	shalt  }
0x7b: {  	_ =	shalt  }
0x7c: {  	_ =	shalt  }
0x7d: {  	_ =	shalt  }
0x7e: {  	_ =	shalt  }
0x7f: {  	_ =	shalt  }
0x80: {  	_ =	shalt  }
0x81: {  	_ =	shalt  }
0x82: {  	_ =	shalt  }
0x83: {  	_ =	shalt  }
0x84: {  	_ =	shalt  }
0x85: {  	_ =	shalt  }
0x86: {  	_ =	shalt  }
0x87: {  	_ =	shalt  }
.Lfunc_end0:
.L_simem_size_0:
called_computation.1_lowered:
.L_overlay_start_0:
0x88: {  	s2 =	sld [smem:$0x3FD9]  }
0x89: {  	s3 =	sld [smem:$0x3FFE];
	_ =	sdelay $0x1  }
0x8a: {  	s1 =	srdreg.scid  }
0x8b: {  	s0 =	sand.u32 $0x1, s1  }
0x8c: {  	s16 =	sshll.u32 s0, $0xA;
	s2 =	sadd.s32 s3, s2  }
0x8d: {  	s2 =	sadd.s32 s2, s16  }
0x8e: {  	[smem:$0x3FC1] =	sst s2  }
0x8f: {  	_ = 	snop  }
0x90: {  	(tm) =	ssettm $0x1  }
0x91: {  	s17 =	sld [smem:$0x3FFB];
	_ =	sdelay $0x3  }
0x92: {  	_ =	strace s17  }
0x93: {  	s2 =	sld [smem:$0x3FFC];
	_ =	sdelay $0x3  }
0x94: {  	_ =	strace s2  }
0x95: {  	s2 =	sld [smem:$0x3FFD];
	_ =	sdelay $0x3  }
0x96: {  	_ =	strace s2  }
0x97: {  	_ =	strace $0x8FFFFFFF  }
0x98: {  	s18 =	sld [smem:$0x3FDB];
	_ =	sdelay $0x1  }
0x99: {  	s19 =	simm.s32 $_scs_section_size  }
0x9a: {  	s4 =	simm.s32 $_size__tile_overlayer_lowered;
	s5 =	simm.s32 $_tile_overlayer_lowered  }
0x9b: {  	s22 =	simm.s32 $0x1BFF;
	s21 =	sshll.u32 s5, $0x1;
	s2 =	sadd.s32 s19, s18  }
0x9c: {  	s6 =	simm.s32 $0x0;
	s20 =	sshll.u32 s4, $0x1;
	s4 =	sadd.s32 s21, s2  }
0x9d: {  	[timem:s6], [sflag:s22] =	dma.local [hbm:s4], s20  }
0x9e: {  	_ =	swait.ge [sflag:s22], s20  }
0x9f: {  	s3 =	ssub.s32 $0x0, s20;
	[sflag:s22] =	ssyncset.done $0x0  }
0xa0: {  	[sflag:s22] =	ssyncadd.s32 s3;
	_ =	sdelay $0x1  }
0xa1: {  	s23 =	simm.s32 $0x1B8B  }
0xa2: {  	_ =	swait.ge [sflag:s23], $0x1  }
0xa3: {  	[sflag:s23] =	ssyncset.done $0x0  }
0xa4: {  	s25 =	simm.s32 $0x1B8E;
	s24 =	sld [smem:$0x3FFE];
	[sflag:s23] =	ssyncadd.s32 $0xFFFFFFFF  }
0xa5: {  	s26 =	simm.s32 $execute0_lowered;
	[smem:$0x3FD2] =	sst s25  }
0xa6: {  	s4 =	sshll.u32 s26, $0x1;
	_ =	strace $0x80000049;
	[dreg:$0x1] =	wrdreg $0xFFFFFFFF  }
0xa7: {  	s28 =	simm.s32 $_size_execute0_lowered;
	s2 =	sadd.s32 s2, s4;
	[dreg:$0x0] =	wrdreg $0x0  }
0xa8: {  	s4 =	sshll.u32 s28, $0x1;
	[dreg:$0x2] =	wrdreg s2  }
0xa9: {  	[dreg:$0x3] =	wrdreg s4  }
0xaa: {  	[dreg:$0x4] =	wrdreg $0xC0  }
0xab: {  	_ =	task [dreg:s6], $0x5FFFF  }
0xac: {  	[dreg:$0x1] =	wrdreg $0xFFFFFFFF  }
0xad: {  	[dreg:$0x0] =	wrdreg $0x60  }
0xae: {  	[dreg:$0x2] =	wrdreg s24  }
0xaf: {  	[dreg:$0x3] =	wrdreg $0xA0000  }
0xb0: {  	[dreg:$0x4] =	wrdreg $0x9  }
0xb1: {  	_ =	task.clear_ibuf [dreg:s6], $0x5FFFF;
	_ =	strace $0x90000049  }
0xb2: {  	s29 =	simm.s32 $0x9;
	_ =	strace $0x8000004B  }
0xb3: {  	_ =	swait.ge [sflag:s29], $0x1  }
0xb4: {  	[sflag:s29] =	ssyncadd.s32 $0xFFFFFFFF  }
0xb5: {  	_ =	strace $0x9000004B  }
0xb6: {  	_ =	sfence  }
0xb7: {  	s30 =	sld [smem:$0x0];
	_ =	sdelay $0x2  }
0xb8: {  	s31 =	sshll.u32 s1, $0xD;
	s1 =	sshrl.u32 s1, $0x2  }
0xb9: {  	s3 =	sand.u32 $0x4000, s31;
	s1 =	sadd.s32 s1, s30  }
0xba: {  	s0 =	sor.u32 s3, s0;
	s1 =	sshll.u32 s1, $0x11  }
0xbb: {  	s0 =	sor.u32 s1, s0  }
0xbc: {  	s0 =	sadd.s32 $0x8F2B, s0  }
0xbd: {  	[sflag:s0] =	ssyncadd.remote.s32 $0x1  }
0xbe: {  	_ =	sfence.sel $0xFFFF  }
0xbf: {  	[dreg:$0x0] =	wrdreg $0xFFFFFFFF;
	(pc) =	sbr.abs _section_cstart, $3  }
0xc0: {  	[dreg:$0x1] =	wrdreg $0xFFFFFFFF  }
0xc1: {  	_ =	task.clear_ibuf [dreg:s6], $0x2FFFF;
	_ =	strace $0x9FFFFFFF  }
0xc2: {  	(tm) =	ssettm $0x7FFFFFFF  }
0xc3: {  	_ =	shalt  }
tec
execute0_lowered:
.L_overlay_start_1:
0x0: {  	(tag) =	ssettag $0x1  }
0x1: {  	s9 =	rddreg [dreg:$0x0]  }
0x2: {  	s1 =	rddreg [dreg:$0x1]  }
0x3: {  	s0 =	rddreg [dreg:$0x2]  }
0x4: {  	s3 =	simm.s32 $0x0;
	s2 =	stileid.u32;
	s7 =	srdreg.scid  }
0x5: {  	s17 =	simm.s32 $0x80;
	s18 =	simm.s32 $0x2000;
	s19 =	simm.s32 $0x6000  }
0x6: {  	s20 =	simm.s32 $0x1;
	s21 =	simm.s32 $0x2;
	s22 =	simm.s32 $0x1D00  }
0x7: {  	s23 =	simm.s32 $0x1D80;
	s24 =	simm.s32 $0x8;
	s25 =	simm.s32 $0x100  }
0x8: {  	[smem:$0x7FF] =	sst s3;
	s4 =	sadd.s32 $0x1F000, s9;
	s5 =	sadd.s32 $0x19000, s9  }
0x9: {  	s10 =	smul.u32 $0x5000, s2;
	s6 =	sadd.s32 $0x25000, s9;
	s14 =	sand.u32 $0x1, s7  }
0xa: {  	s11 =	smul.u32 $0x50000, s2;
	s7 =	sadd.s32 $0x4D000, s9;
	s8 =	sadd.s32 $0x2C00, s9  }
0xb: {  	s31 =	sshll.u32 s2, $0x6;
	_ =	strace $0x8000004A;
	s12 =	ssub.s32 $0x2, s14  }
.Ltmp0:
0xc: {  	p0 =	sne.s32 s14, $0x0;
	s13 =	sadd.s32 s10, s9;
	(pc) =	sbr.rel .LBB2_1-.Ltmp0, $4  }
0xd: {  	s29 =	sshrl.u32 s12, $0x1;
	s30 =	sshrl.u32 s11, $0x2;
	s9 =	sor.u32 $0x1C03, s31  }
0xe: {  	s10 =	smul.u32 $0x3000, s2;
	s15 =	ssub.s32 s12, s29;
	s16 =	sadd.s32 s30, s1  }
0xf: {  	s11 =	sadd.s32 $0x75080, s13;
	s12 =	sadd.s32 $0x75000, s13;
	s13 =	smax.u32 s15, $0x1  }
0x10: {  	s14 =	sshrl.u32 s16, $0x3;
	s15 =	simm.s32 $0x3;
	s16 =	simm.s32 $0x1000  }
.LBB2_10:
0x11: {  	s3 =	sadd.s32 $0x1, s3  }
0x12: {  	p1 =	sne.s32 s3, s13  }
.Ltmp1:
0x13: {  	[bflag:$0x0] =	sbarrier.arrive $0xFFFF;
	(pc) =	sbr.rel @!p1 .LBB2_11-.Ltmp1, $4  }
0x14: {  	[hbm:s26@s25], [sflag:s9] =	dma.strided [spmem:s14@s17], $0x2800, s24, $0x10   }
0x15: {  	_ =	swait.ge [sflag:s15], $0x2800  }
0x16: {  	[sflag:s15] =	ssyncset.done $0x0  }
0x17: {  	[sflag:s15] =	ssyncadd.s32 $0xFFFFD800  }
.LBB2_1:
0x18: {  	[spmem:s14], [sflag:s9] =	dma.local [hbm:s8], $0x2800  }
.Ltmp2:
0x19: {  	_ =	swait.ge [sflag:s15], $0x2800;
	(pc) =	sbr.rel @p0 .LBB2_6-.Ltmp2, $4  }
0x1a: {  	[sflag:s15] =	ssyncset.done $0x0  }
0x1b: {  	[sflag:s15] =	ssyncadd.s32 $0xFFFFD800  }
0x1c: {  	[bflag:$0x0] =	sbarrier.arrive $0xFFFF  }
0x1d: {  	s26 =	simm.s32 $0x0;
	s28 =	simm.s32 $0x0  }
.LBB2_2:
0x1e: {  	s28 =	sshll.u32 s26, $0xC  }
0x1f: {  	s28 =	sadd.s32 s10, s28  }
0x20: {  	s28 =	sshrl.u32 s28, $0x3  }
0x21: {  	s30 =	simm.s32 $0x0;
	s29 =	sadd.s32 s4, s28  }
0x22: {  	[tilespmem:s30], [sflag:$0x3] =	stream.linear.gather [hbm4b:s29+s30], $0xE00, $0x38;
	[tilespmem:$0x1E000] =	vst v63  }
0x23: {  	_ =	swait.ge [sflag:s15], $0xE00  }
0x24: {  	[sflag:s15] =	ssyncset.done $0x0  }
0x25: {  	s28 =	sadd.s32 s5, s28;
	[sflag:s15] =	ssyncadd.s32 $0xFFFFF200  }
0x26: {  	[tilespmem:s16], [sflag:$0x3] =	stream.linear.gather [hbm4b:s28+s30], $0xE00, $0x38;
	[tilespmem:$0x1E000] =	vst v63  }
0x27: {  	_ =	swait.ge [sflag:s15], $0xE00  }
0x28: {  	[sflag:s15] =	ssyncset.done $0x0  }
0x29: {  	[sflag:s15] =	ssyncadd.s32 $0xFFFFF200  }
0x2a: {  	[tilespmem:s18], [sflag:$0x1] =	stream.indirect.gather [hbm4b:s6+s17], $0x80, s30, s17, $0xb8;
	[tilespmem:$0x1E000] =	vst v63  }
0x2b: {  	_ = 	snop  }
0x2c: {  	[tilespmem:s19], [sflag:$0x2] =	stream.indirect.gather [hbm4b:s6+s17], $0x80, s17, s17, $0xb8;
	[tilespmem:$0x1E000] =	vst v63  }
0x2d: {  	_ =	swait.ge [sflag:s20], $0x4000  }
0x2e: {  	[sflag:s20] =	ssyncset.done $0x0  }
0x2f: {  	s28 =	simm.s32 $0x1000;
	[sflag:s20] =	ssyncadd.s32 $0xFFFFC000  }
0x30: {  	[spmem:s1] =	stream.indirect.scatter.add.f32 [tilespmem:s18], [sflag:$0x3], $0x80, s28, s17, $0xb8;
	[tilespmem:$0x1E000] =	vst v63  }
0x31: {  	_ =	swait.ge [sflag:s15], $0x4000  }
0x32: {  	[sflag:s15] =	ssyncset.done $0x0  }
0x33: {  	s28 =	simm.s32 $0x100;
	[sflag:s15] =	ssyncadd.s32 $0xFFFFC000  }
0x34: {  	[tilespmem:s18], [sflag:$0x1] =	stream.indirect.gather [hbm4b:s6+s17], $0x80, s28, s17, $0xb8;
	[tilespmem:$0x1E000] =	vst v63  }
0x35: {  	_ =	swait.ge [sflag:s21], $0x4000  }
0x36: {  	[sflag:s21] =	ssyncset.done $0x0  }
0x37: {  	s28 =	simm.s32 $0x1080;
	[sflag:s21] =	ssyncadd.s32 $0xFFFFC000  }
0x38: {  	[spmem:s1] =	stream.indirect.scatter.add.f32 [tilespmem:s19], [sflag:$0x3], $0x80, s28, s17, $0xb8;
	[tilespmem:$0x1E000] =	vst v63  }
0x39: {  	_ =	swait.ge [sflag:s15], $0x4000  }
0x3a: {  	[sflag:s15] =	ssyncset.done $0x0  }
0x3b: {  	s29 =	simm.s32 $0x180;
	s28 =	simm.s32 $0x400;
	[sflag:s15] =	ssyncadd.s32 $0xFFFFC000  }
.LBB2_3:
0x3c: {  	[tilespmem:s19], [sflag:$0x2] =	stream.indirect.gather [hbm4b:s6+s17], $0x80, s29, s17, $0xb8;
	[tilespmem:$0x1E000] =	vst v63  }
0x3d: {  	s29 =	smov.u32 s28  }
0x3e: {  	p1 =	sne.s32 s28, $0x3000;
	s28 =	sadd.s32 $0x400, s28;
	_ =	swait.ge [sflag:s20], $0x4000  }
0x3f: {  	s29 =	sshra.s32 s29, $0x2;
	[sflag:s20] =	ssyncset.done $0x0  }
0x40: {  	s30 =	sadd.s32 $0x1000, s29;
	[sflag:s20] =	ssyncadd.s32 $0xFFFFC000  }
0x41: {  	[spmem:s1] =	stream.indirect.scatter.add.f32 [tilespmem:s18], [sflag:$0x3], $0x80, s30, s17, $0xb8;
	[tilespmem:$0x1E000] =	vst v63  }
0x42: {  	_ =	swait.ge [sflag:s15], $0x4000  }
0x43: {  	[sflag:s15] =	ssyncset.done $0x0  }
0x44: {  	s30 =	sadd.s32 $0x100, s29;
	[sflag:s15] =	ssyncadd.s32 $0xFFFFC000  }
0x45: {  	[tilespmem:s18], [sflag:$0x1] =	stream.indirect.gather [hbm4b:s6+s17], $0x80, s30, s17, $0xb8;
	[tilespmem:$0x1E000] =	vst v63  }
0x46: {  	_ =	swait.ge [sflag:s21], $0x4000  }
0x47: {  	[sflag:s21] =	ssyncset.done $0x0  }
.Ltmp3:
0x48: {  	s30 =	sadd.s32 $0x1080, s29;
	[sflag:s21] =	ssyncadd.s32 $0xFFFFC000;
	(pc) =	sbr.rel @p1 .LBB2_3-.Ltmp3, $4  }
0x49: {  	[spmem:s1] =	stream.indirect.scatter.add.f32 [tilespmem:s19], [sflag:$0x3], $0x80, s30, s17, $0xb8;
	[tilespmem:$0x1E000] =	vst v63  }
0x4a: {  	_ =	swait.ge [sflag:s15], $0x4000  }
0x4b: {  	[sflag:s15] =	ssyncset.done $0x0  }
0x4c: {  	s29 =	sadd.s32 $0x180, s29;
	[sflag:s15] =	ssyncadd.s32 $0xFFFFC000  }
0x4d: {  	[tilespmem:s19], [sflag:$0x2] =	stream.indirect.gather [hbm4b:s6+s17], $0x80, s29, s17, $0xb8;
	[tilespmem:$0x1E000] =	vst v63  }
0x4e: {  	_ =	swait.ge [sflag:s20], $0x4000  }
0x4f: {  	[sflag:s20] =	ssyncset.done $0x0  }
0x50: {  	[sflag:s20] =	ssyncadd.s32 $0xFFFFC000  }
0x51: {  	[spmem:s1] =	stream.indirect.scatter.add.f32 [tilespmem:s18], [sflag:$0x3], $0x80, s22, s17, $0xb8;
	[tilespmem:$0x1E000] =	vst v63  }
0x52: {  	_ =	swait.ge [sflag:s15], $0x4000  }
0x53: {  	[sflag:s15] =	ssyncset.done $0x0  }
0x54: {  	[sflag:s15] =	ssyncadd.s32 $0xFFFFC000  }
0x55: {  	s26 =	sadd.s32 $0x1, s26;
	_ =	swait.ge [sflag:s21], $0x4000  }
0x56: {  	p1 =	seq.s32 s26, $0x3;
	[sflag:s21] =	ssyncset.done $0x0  }
.Ltmp4:
0x57: {  	[sflag:s21] =	ssyncadd.s32 $0xFFFFC000;
	(pc) =	sbr.rel @!p1 .LBB2_2-.Ltmp4, $4  }
0x58: {  	[spmem:s1] =	stream.indirect.scatter.add.f32 [tilespmem:s19], [sflag:$0x3], $0x80, s23, s17, $0xb8;
	[tilespmem:$0x1E000] =	vst v63  }
0x59: {  	_ =	swait.ge [sflag:s15], $0x4000  }
0x5a: {  	[sflag:s15] =	ssyncset.done $0x0  }
0x5b: {  	[sflag:s15] =	ssyncadd.s32 $0xFFFFC000  }
.Ltmp5:
0x5c: {  	(pc) =	sbr.rel .LBB2_10-.Ltmp5, $2  }
0x5d: {  	_ =	sdelay $0x2  }
0x5e: {  	s26 =	smov.u32 s12  }
.LBB2_6:
0x5f: {  	s26 =	sshll.u32 s28, $0xC  }
0x60: {  	s26 =	sadd.s32 s10, s26  }
0x61: {  	s26 =	sshrl.u32 s26, $0x3  }
0x62: {  	s30 =	simm.s32 $0x0;
	s29 =	sadd.s32 s4, s26  }
0x63: {  	[tilespmem:s30], [sflag:$0x3] =	stream.linear.gather [hbm4b:s29+s30], $0xE00, $0x38;
	[tilespmem:$0x1E000] =	vst v63  }
0x64: {  	_ =	swait.ge [sflag:s15], $0xE00  }
0x65: {  	[sflag:s15] =	ssyncset.done $0x0  }
0x66: {  	s26 =	sadd.s32 s5, s26;
	[sflag:s15] =	ssyncadd.s32 $0xFFFFF200  }
0x67: {  	[tilespmem:s16], [sflag:$0x3] =	stream.linear.gather [hbm4b:s26+s30], $0xE00, $0x38;
	[tilespmem:$0x1E000] =	vst v63  }
0x68: {  	_ =	swait.ge [sflag:s15], $0xE00  }
0x69: {  	[sflag:s15] =	ssyncset.done $0x0  }
0x6a: {  	[sflag:s15] =	ssyncadd.s32 $0xFFFFF200  }
0x6b: {  	[tilespmem:s18], [sflag:$0x1] =	stream.indirect.gather [hbm4b:s7+s17], $0x80, s30, s17, $0xb8;
	[tilespmem:$0x1E000] =	vst v63  }
0x6c: {  	_ = 	snop  }
0x6d: {  	[tilespmem:s19], [sflag:$0x2] =	stream.indirect.gather [hbm4b:s7+s17], $0x80, s17, s17, $0xb8;
	[tilespmem:$0x1E000] =	vst v63  }
0x6e: {  	_ =	swait.ge [sflag:s20], $0x4000  }
0x6f: {  	[sflag:s20] =	ssyncset.done $0x0  }
0x70: {  	s31 =	simm.s32 $0x1000;
	[sflag:s20] =	ssyncadd.s32 $0xFFFFC000  }
0x71: {  	[spmem:s1] =	stream.indirect.scatter.add.f32 [tilespmem:s18], [sflag:$0x3], $0x80, s31, s17, $0xb8;
	[tilespmem:$0x1E000] =	vst v63  }
0x72: {  	_ =	swait.ge [sflag:s15], $0x4000  }
0x73: {  	[sflag:s15] =	ssyncset.done $0x0  }
0x74: {  	s30 =	simm.s32 $0x100;
	[sflag:s15] =	ssyncadd.s32 $0xFFFFC000  }
0x75: {  	[tilespmem:s18], [sflag:$0x1] =	stream.indirect.gather [hbm4b:s7+s17], $0x80, s30, s17, $0xb8;
	[tilespmem:$0x1E000] =	vst v63  }
0x76: {  	_ =	swait.ge [sflag:s21], $0x4000  }
0x77: {  	[sflag:s21] =	ssyncset.done $0x0  }
0x78: {  	s31 =	simm.s32 $0x1080;
	[sflag:s21] =	ssyncadd.s32 $0xFFFFC000  }
0x79: {  	[spmem:s1] =	stream.indirect.scatter.add.f32 [tilespmem:s19], [sflag:$0x3], $0x80, s31, s17, $0xb8;
	[tilespmem:$0x1E000] =	vst v63  }
0x7a: {  	_ =	swait.ge [sflag:s15], $0x4000  }
0x7b: {  	[sflag:s15] =	ssyncset.done $0x0  }
0x7c: {  	s29 =	simm.s32 $0x180;
	s26 =	simm.s32 $0x400;
	[sflag:s15] =	ssyncadd.s32 $0xFFFFC000  }
.LBB2_7:
0x7d: {  	[tilespmem:s19], [sflag:$0x2] =	stream.indirect.gather [hbm4b:s7+s17], $0x80, s29, s17, $0xb8;
	[tilespmem:$0x1E000] =	vst v63  }
0x7e: {  	s29 =	smov.u32 s26  }
0x7f: {  	p1 =	sne.s32 s26, $0x3000;
	s26 =	sadd.s32 $0x400, s26;
	_ =	swait.ge [sflag:s20], $0x4000  }
0x80: {  	s29 =	sshra.s32 s29, $0x2;
	[sflag:s20] =	ssyncset.done $0x0  }
0x81: {  	s30 =	sadd.s32 $0x1000, s29;
	[sflag:s20] =	ssyncadd.s32 $0xFFFFC000  }
0x82: {  	[spmem:s1] =	stream.indirect.scatter.add.f32 [tilespmem:s18], [sflag:$0x3], $0x80, s30, s17, $0xb8;
	[tilespmem:$0x1E000] =	vst v63  }
0x83: {  	_ =	swait.ge [sflag:s15], $0x4000  }
0x84: {  	[sflag:s15] =	ssyncset.done $0x0  }
0x85: {  	s30 =	sadd.s32 $0x100, s29;
	[sflag:s15] =	ssyncadd.s32 $0xFFFFC000  }
0x86: {  	[tilespmem:s18], [sflag:$0x1] =	stream.indirect.gather [hbm4b:s7+s17], $0x80, s30, s17, $0xb8;
	[tilespmem:$0x1E000] =	vst v63  }
0x87: {  	_ =	swait.ge [sflag:s21], $0x4000  }
0x88: {  	[sflag:s21] =	ssyncset.done $0x0  }
.Ltmp6:
0x89: {  	s30 =	sadd.s32 $0x1080, s29;
	[sflag:s21] =	ssyncadd.s32 $0xFFFFC000;
	(pc) =	sbr.rel @p1 .LBB2_7-.Ltmp6, $4  }
0x8a: {  	[spmem:s1] =	stream.indirect.scatter.add.f32 [tilespmem:s19], [sflag:$0x3], $0x80, s30, s17, $0xb8;
	[tilespmem:$0x1E000] =	vst v63  }
0x8b: {  	_ =	swait.ge [sflag:s15], $0x4000  }
0x8c: {  	[sflag:s15] =	ssyncset.done $0x0  }
0x8d: {  	s29 =	sadd.s32 $0x180, s29;
	[sflag:s15] =	ssyncadd.s32 $0xFFFFC000  }
0x8e: {  	[tilespmem:s19], [sflag:$0x2] =	stream.indirect.gather [hbm4b:s7+s17], $0x80, s29, s17, $0xb8;
	[tilespmem:$0x1E000] =	vst v63  }
0x8f: {  	_ =	swait.ge [sflag:s20], $0x4000  }
0x90: {  	[sflag:s20] =	ssyncset.done $0x0  }
0x91: {  	[sflag:s20] =	ssyncadd.s32 $0xFFFFC000  }
0x92: {  	[spmem:s1] =	stream.indirect.scatter.add.f32 [tilespmem:s18], [sflag:$0x3], $0x80, s22, s17, $0xb8;
	[tilespmem:$0x1E000] =	vst v63  }
0x93: {  	_ =	swait.ge [sflag:s15], $0x4000  }
0x94: {  	[sflag:s15] =	ssyncset.done $0x0  }
0x95: {  	[sflag:s15] =	ssyncadd.s32 $0xFFFFC000  }
0x96: {  	s28 =	sadd.s32 $0x1, s28;
	_ =	swait.ge [sflag:s21], $0x4000  }
0x97: {  	p1 =	sne.s32 s28, $0x3;
	[sflag:s21] =	ssyncset.done $0x0  }
.Ltmp7:
0x98: {  	[sflag:s21] =	ssyncadd.s32 $0xFFFFC000;
	(pc) =	sbr.rel @p1 .LBB2_6-.Ltmp7, $4  }
0x99: {  	[spmem:s1] =	stream.indirect.scatter.add.f32 [tilespmem:s19], [sflag:$0x3], $0x80, s23, s17, $0xb8;
	[tilespmem:$0x1E000] =	vst v63  }
0x9a: {  	_ =	swait.ge [sflag:s15], $0x4000  }
0x9b: {  	[sflag:s15] =	ssyncset.done $0x0  }
0x9c: {  	[sflag:s15] =	ssyncadd.s32 $0xFFFFC000  }
.Ltmp8:
0x9d: {  	(pc) =	sbr.rel .LBB2_10-.Ltmp8, $2  }
0x9e: {  	_ =	sdelay $0x2  }
0x9f: {  	s26 =	smov.u32 s11  }
.LBB2_11:
0xa0: {  	_ =	sfence.sel $0x180000  }
0xa1: {  	[bflag:$0x0] =	sbarrier.arrive $0xFFFF  }
0xa2: {  	p0 =	sne.s32 s2, $0x0;
	_ =	strace $0x9000004A  }
0xa3: {  	s0 =	sadd.s32 @!p0 $0x100000, s0;
	[bflag:$0x2] =	sbarrier.arrive $0xFFFF  }
0xa4: {  	[sflag:s0] =	ssyncadd.tile.s32 @!p0 $0x1;
	_ =	shalt  }
.Lfunc_end2:
_tile_overlayer_lowered:
.L_overlay_start_2:
0xa5: {  	(tag) =	ssettag $0x2  }
0xa6: {  	s0 =	rddreg [dreg:$0x0];
	s2 =	stileid.u32  }
0xa7: {  	s1 =	rddreg [dreg:$0x1];
	p0 =	sne.s32 s2, $0x0  }
0xa8: {  	s3 =	rddreg [dreg:$0x2];
	[bflag:$0x3] =	sbarrier.arrive $0xFFFF;
	s2 =	simm.s32 @!p0 $0x1C03  }
0xa9: {  	[timem:s3], [sflag:s2] =	dma.local @!p0 [hbm:s0], s1  }
0xaa: {  	s0 =	simm.s32 @!p0 $0x3  }
0xab: {  	_ =	swait.ge @!p0 [sflag:s0], s1  }
0xac: {  	s1 =	ssub.s32 @!p0 $0x0, s1;
	[sflag:s0] =	ssyncset.done @!p0 $0x0  }
0xad: {  	[sflag:s0] =	ssyncadd.s32 @!p0 s1  }
0xae: {  	[bflag:$0x3] =	sbarrier.arrive $0xFFFF  }
0xaf: {  	_ =	shalt  }

// kernel: kernel.14.cloned.1.call-start
scs
__scs_entry_jumppad:
0x0: {  	(pc) =	sbr.rel $0x88, $3  }
0x1: {  	(tag) =	ssettag $0x0;
	lr =	simm.s32 $0x1  }
0x2: {  	[smem:$0x3F9A] =	sst lr;
	_ =	strace $0xD0000000  }
0x3: {  	_ = 	snop  }
0x4: {  	_ = 	snop  }
0x5: {  	_ = 	snop  }
0x6: {  	_ = 	snop  }
0x7: {  	_ = 	snop  }
__scs_overlays_trampoline_lowered:
0x8: {  	[smem:$0x3FA9] =	sst s0  }
0x9: {  	[smem:$0x3FAA] =	sst s1  }
0xa: {  	[smem:$0x3FAB] =	sst s2  }
0xb: {  	[smem:$0x3FAC] =	sst s3  }
0xc: {  	[smem:$0x3FAD] =	sst s4  }
0xd: {  	[smem:$0x3FAE] =	sst s5  }
0xe: {  	[smem:$0x3FAF] =	sst s6  }
0xf: {  	[smem:$0x3FB0] =	sst s7  }
0x10: {  	[smem:$0x3FB1] =	sst s8  }
0x11: {  	[smem:$0x3FB2] =	sst s9;
	s0 =	simm.s32 @!p0 $0x0  }
0x12: {  	s1 =	sld [smem:$0x3F98];
	s0 =	simm.s32 @p0 $0x1  }
0x13: {  	[smem:$0x3FB3] =	sst s0;
	s0 =	simm.s32 @!p1 $0x0  }
0x14: {  	s2 =	sld [smem:$0x3F97];
	s0 =	simm.s32 @p1 $0x1  }
0x15: {  	[smem:$0x3FB4] =	sst s0;
	s0 =	simm.s32 @!p2 $0x0  }
0x16: {  	s3 =	sld [smem:$0x3FDB];
	s0 =	simm.s32 @p2 $0x1  }
0x17: {  	s4 =	simm.s32 $0x1BF5;
	[smem:$0x3FB6] =	sst s0  }
0x18: {  	s0 =	sld [smem:$0x3F99];
	_ =	swait.ge [sflag:s4], $0x0  }
0x19: {  	s7 =	sld [smem:$0x3F9A]  }
0x1a: {  	s8 =	sadd.s32 $0xFFFFE003, lr  }
0x1b: {  	s9 =	sadd.s32 $0xFFFFFEF7, lr;
	s5 =	simm.s32 $0xFFFFFFFF;
	p2 =	slt.u32 s8, $0xFFFFF086  }
0x1c: {  	p1 =	slt.u32 s9, $0xF7A;
	s5 =	simm.s32 @!p2 $0x0  }
0x1d: {  	s5 =	simm.s32 @p1 $0x1;
	p0 =	seq.s32 s7, s2  }
0x1e: {  	s7 =	smul.u32 @!p0 $0xF7A, s2;
	p2 =	seq.s32 @!p0 s5, $0x0  }
0x1f: {  	s9 =	smul.u32 $0xF7A, s1;
	s8 =	simm.s32 @!p0 $0x1BF5;
	p2 =	por !p2, p0  }
0x20: {  	[sflag:s8] =	ssyncset.s32 @!p0 $0xFFFFF086;
	s6 =	sadd.s32 @!p0 s3, s7;
	s7 =	simm.s32 @!p0 $0x108  }
0x21: {  	s3 =	sadd.s32 s3, s9;
	s6 =	sadd.s32 @!p0 $0x88, s6;
	s7 =	simm.s32 @p2 $0x1082  }
0x22: {  	[simem:s7], [sflag:s8] =	dma.local @!p0 [hbm:s6], $0xF7A  }
0x23: {  	s9 =	sor.u32 $0xD0000000, s2;
	s6 =	simm.s32 $0x108;
	_ =	swait.ge @!p0 [sflag:s8], $0x0  }
0x24: {  	s3 =	sadd.s32 $0x88, s3;
	s6 =	simm.s32 @!p1 $0x1082;
	[sflag:s4] =	ssyncset.s32 $0xFFFFF086  }
0x25: {  	[simem:s6], [sflag:s4] =	dma.local [hbm:s3], $0xF7A  }
0x26: {  	[smem:$0x3F9A] =	sst s1;
	(tag) =	ssettag s2;
	_ =	strace s9  }
0x27: {  	s1 =	sld [smem:$0x3FAA]  }
0x28: {  	s2 =	sld [smem:$0x3FAB]  }
0x29: {  	s4 =	sld [smem:$0x3FAD]  }
0x2a: {  	p0 =	seq.s32 s5, $0x0;
	s5 =	sld [smem:$0x3FAE]  }
0x2b: {  	s6 =	sld [smem:$0x3FAF]  }
0x2c: {  	s7 =	sld [smem:$0x3FB0]  }
0x2d: {  	s3 =	simm.s32 $0x108;
	s8 =	sld [smem:$0x3FB1]  }
0x2e: {  	s3 =	simm.s32 @!p0 $0x1082;
	s9 =	sld [smem:$0x3FB2]  }
0x2f: {  	lr =	sadd.s32 s0, s3;
	s0 =	sld [smem:$0x3FA9]  }
0x30: {  	s3 =	sld [smem:$0x3FAC]  }
0x31: {  	[smem:$0x3FB5] =	sst s10  }
0x32: {  	s10 =	sld [smem:$0x3FB3];
	_ =	sdelay $0x3  }
0x33: {  	p0 =	seq.s32 s10, $0x1;
	s10 =	sld [smem:$0x3FB5];
	_ =	sdelay $0x3  }
0x34: {  	[smem:$0x3FB5] =	sst s10  }
0x35: {  	s10 =	sld [smem:$0x3FB4];
	_ =	sdelay $0x3  }
0x36: {  	p1 =	seq.s32 s10, $0x1;
	s10 =	sld [smem:$0x3FB5];
	_ =	sdelay $0x3  }
0x37: {  	[smem:$0x3FB5] =	sst s10  }
0x38: {  	s10 =	sld [smem:$0x3FB6]  }
0x39: {  	_ = 	snop;
	(pc) =	sbr.ind lr, $3  }
0x3a: {  	_ = 	snop  }
0x3b: {  	_ = 	snop  }
0x3c: {  	p2 =	seq.s32 s10, $0x1;
	s10 =	sld [smem:$0x3FB5]  }
0x3d: {  	_ =	shalt  }
0x3e: {  	_ =	shalt  }
0x3f: {  	_ =	shalt  }
0x40: {  	_ =	shalt  }
0x41: {  	_ =	shalt  }
0x42: {  	_ =	shalt  }
0x43: {  	_ =	shalt  }
0x44: {  	_ =	shalt  }
0x45: {  	_ =	shalt  }
0x46: {  	_ =	shalt  }
0x47: {  	_ =	shalt  }
0x48: {  	_ =	shalt  }
0x49: {  	_ =	shalt  }
0x4a: {  	_ =	shalt  }
0x4b: {  	_ =	shalt  }
0x4c: {  	_ =	shalt  }
0x4d: {  	_ =	shalt  }
0x4e: {  	_ =	shalt  }
0x4f: {  	_ =	shalt  }
0x50: {  	_ =	shalt  }
0x51: {  	_ =	shalt  }
0x52: {  	_ =	shalt  }
0x53: {  	_ =	shalt  }
0x54: {  	_ =	shalt  }
0x55: {  	_ =	shalt  }
0x56: {  	_ =	shalt  }
0x57: {  	_ =	shalt  }
0x58: {  	_ =	shalt  }
0x59: {  	_ =	shalt  }
0x5a: {  	_ =	shalt  }
0x5b: {  	_ =	shalt  }
0x5c: {  	_ =	shalt  }
0x5d: {  	_ =	shalt  }
0x5e: {  	_ =	shalt  }
0x5f: {  	_ =	shalt  }
0x60: {  	_ =	shalt  }
0x61: {  	_ =	shalt  }
0x62: {  	_ =	shalt  }
0x63: {  	_ =	shalt  }
0x64: {  	_ =	shalt  }
0x65: {  	_ =	shalt  }
0x66: {  	_ =	shalt  }
0x67: {  	_ =	shalt  }
0x68: {  	_ =	shalt  }
0x69: {  	_ =	shalt  }
0x6a: {  	_ =	shalt  }
0x6b: {  	_ =	shalt  }
0x6c: {  	_ =	shalt  }
0x6d: {  	_ =	shalt  }
0x6e: {  	_ =	shalt  }
0x6f: {  	_ =	shalt  }
0x70: {  	_ =	shalt  }
0x71: {  	_ =	shalt  }
0x72: {  	_ =	shalt  }
0x73: {  	_ =	shalt  }
0x74: {  	_ =	shalt  }
0x75: {  	_ =	shalt  }
0x76: {  	_ =	shalt  }
0x77: {  	_ =	shalt  }
0x78: {  	_ =	shalt  }
0x79: {  	_ =	shalt  }
0x7a: {  	_ =	shalt  }
0x7b: {  	_ =	shalt  }
0x7c: {  	_ =	shalt  }
0x7d: {  	_ =	shalt  }
0x7e: {  	_ =	shalt  }
0x7f: {  	_ =	shalt  }
0x80: {  	_ =	shalt  }
0x81: {  	_ =	shalt  }
0x82: {  	_ =	shalt  }
0x83: {  	_ =	shalt  }
0x84: {  	_ =	shalt  }
0x85: {  	_ =	shalt  }
0x86: {  	_ =	shalt  }
0x87: {  	_ =	shalt  }
.Lfunc_end0:
.L_simem_size_0:
called_computation.2_lowered:
.L_overlay_start_0:
0x88: {  	s2 =	sld [smem:$0x3FD9]  }
0x89: {  	s3 =	sld [smem:$0x3FFE];
	_ =	sdelay $0x1  }
0x8a: {  	s1 =	srdreg.scid  }
0x8b: {  	s0 =	sand.u32 $0x1, s1  }
0x8c: {  	s17 =	sshll.u32 s0, $0xA;
	s2 =	sadd.s32 s3, s2  }
0x8d: {  	s2 =	sadd.s32 s2, s17  }
0x8e: {  	[smem:$0x3FC1] =	sst s2  }
0x8f: {  	_ = 	snop  }
0x90: {  	s2 =	sld [smem:$0x3FD0];
	(tm) =	ssettm $0x1  }
0x91: {  	s18 =	sld [smem:$0x3FFB];
	_ =	sdelay $0x3  }
0x92: {  	_ =	strace s18  }
0x93: {  	s3 =	sld [smem:$0x3FFC];
	_ =	sdelay $0x3  }
0x94: {  	_ =	strace s3  }
0x95: {  	s3 =	sld [smem:$0x3FFD];
	_ =	sdelay $0x3  }
0x96: {  	_ =	strace s3  }
0x97: {  	_ =	strace $0x8FFFFFFF  }
0x98: {  	s19 =	sld [smem:$0x3FDB];
	_ =	sdelay $0x1  }
0x99: {  	s4 =	simm.s32 $_scs_section_size  }
0x9a: {  	s5 =	simm.s32 $_size__tile_overlayer_lowered;
	s6 =	simm.s32 $_tile_overlayer_lowered  }
0x9b: {  	s22 =	simm.s32 $0x1BFF;
	s21 =	sshll.u32 s6, $0x1;
	s3 =	sadd.s32 s4, s19  }
0x9c: {  	s7 =	simm.s32 $0x0;
	s20 =	sshll.u32 s5, $0x1;
	s5 =	sadd.s32 s21, s3  }
0x9d: {  	[timem:s7], [sflag:s22] =	dma.local [hbm:s5], s20  }
0x9e: {  	_ =	swait.ge [sflag:s22], s20  }
0x9f: {  	s4 =	ssub.s32 $0x0, s20;
	[sflag:s22] =	ssyncset.done $0x0  }
0xa0: {  	[sflag:s22] =	ssyncadd.s32 s4;
	_ =	sdelay $0x1  }
0xa1: {  	s23 =	simm.s32 $0x1B8B  }
0xa2: {  	_ =	swait.ge [sflag:s23], $0x1  }
0xa3: {  	[sflag:s23] =	ssyncset.done $0x0  }
0xa4: {  	s25 =	simm.s32 $0x1B8E;
	s24 =	sld [smem:$0x3FFE];
	[sflag:s23] =	ssyncadd.s32 $0xFFFFFFFF  }
0xa5: {  	s26 =	simm.s32 $execute0_lowered;
	[smem:$0x3FD2] =	sst s25  }
0xa6: {  	s5 =	sshll.u32 s26, $0x1;
	_ =	strace $0x8000004C;
	[dreg:$0x1] =	wrdreg $0xFFFFFFFF  }
0xa7: {  	s28 =	simm.s32 $_size_execute0_lowered;
	s3 =	sadd.s32 s3, s5;
	[dreg:$0x0] =	wrdreg $0x0  }
0xa8: {  	s5 =	sshll.u32 s28, $0x1;
	[dreg:$0x2] =	wrdreg s3  }
0xa9: {  	[dreg:$0x3] =	wrdreg s5  }
0xaa: {  	[dreg:$0x4] =	wrdreg $0xC0  }
0xab: {  	_ =	task [dreg:s7], $0x5FFFF  }
0xac: {  	[dreg:$0x1] =	wrdreg $0xFFFFFFFF  }
0xad: {  	[dreg:$0x0] =	wrdreg $0x60  }
0xae: {  	[dreg:$0x2] =	wrdreg s2  }
0xaf: {  	[dreg:$0x3] =	wrdreg s24  }
0xb0: {  	[dreg:$0x4] =	wrdreg $0xA8000  }
0xb1: {  	[dreg:$0x5] =	wrdreg $0x9  }
0xb2: {  	_ =	task.clear_ibuf [dreg:s7], $0x6FFFF;
	_ =	strace $0x9000004C  }
0xb3: {  	s29 =	simm.s32 $0x9;
	_ =	strace $0x8000004E  }
0xb4: {  	_ =	swait.ge [sflag:s29], $0x1  }
0xb5: {  	[sflag:s29] =	ssyncadd.s32 $0xFFFFFFFF  }
0xb6: {  	_ =	strace $0x9000004E  }
0xb7: {  	_ =	sfence  }
0xb8: {  	s30 =	sld [smem:$0x0];
	_ =	sdelay $0x2  }
0xb9: {  	s31 =	sshll.u32 s1, $0xD;
	s1 =	sshrl.u32 s1, $0x2  }
0xba: {  	s3 =	sand.u32 $0x4000, s31;
	s1 =	sadd.s32 s1, s30  }
0xbb: {  	s0 =	sor.u32 s3, s0;
	s1 =	sshll.u32 s1, $0x11  }
0xbc: {  	s0 =	sor.u32 s1, s0  }
0xbd: {  	s0 =	sadd.s32 $0x8F2B, s0  }
0xbe: {  	[sflag:s0] =	ssyncadd.remote.s32 $0x1  }
0xbf: {  	_ =	sfence.sel $0xFFFF  }
0xc0: {  	[dreg:$0x0] =	wrdreg $0xFFFFFFFF;
	(pc) =	sbr.abs _section_cstart, $3  }
0xc1: {  	[dreg:$0x1] =	wrdreg $0xFFFFFFFF  }
0xc2: {  	_ =	task.clear_ibuf [dreg:s7], $0x2FFFF;
	_ =	strace $0x9FFFFFFF  }
0xc3: {  	(tm) =	ssettm $0x7FFFFFFF  }
tec
execute0_lowered:
.L_overlay_start_1:
0x0: {  	(tag) =	ssettag $0x1  }
0x1: {  	s1 =	rddreg [dreg:$0x0]  }
0x2: {  	s0 =	rddreg [dreg:$0x1]  }
0x3: {  	s2 =	rddreg [dreg:$0x2];
	s4 =	simm.s32 $0x0  }
0x4: {  	s6 =	stileid.u32;
	s3 =	srdreg.scid;
	s15 =	simm.s32 $0x3  }
0x5: {  	s19 =	simm.s32 $0x1000;
	s20 =	simm.s32 $0x80;
	s21 =	simm.s32 $0x2800  }
0x6: {  	s22 =	simm.s32 $0x6800;
	s23 =	simm.s32 $0x1;
	s24 =	simm.s32 $0x2  }
0x7: {  	s30 =	simm.s32 $0x0;
	[smem:$0x7FF] =	sst s4;
	s5 =	sadd.s32 $0x5400, s0  }
0x8: {  	s7 =	sadd.s32 $0x18E00, s0;
	s10 =	smul.u32 $0x5000, s6;
	s3 =	sand.u32 $0x1, s3  }
0x9: {  	s12 =	smul.u32 $0x50000, s6;
	s8 =	sadd.s32 $0x41000, s0;
	s9 =	sadd.s32 $0x2C00, s0  }
0xa: {  	s14 =	sshll.u32 s6, $0x9;
	s29 =	sshll.u32 s6, $0x6;
	_ =	strace $0x8000004D  }
0xb: {  	[dreg:$0x4] =	wrdreg s7;
	s7 =	sadd.s32 $0x19000, s0;
	s11 =	ssub.s32 $0x2, s3  }
0xc: {  	[dreg:$0x5] =	wrdreg s9;
	p0 =	sne.s32 s3, $0x0;
	s16 =	sor.u32 $0x1C03, s29  }
0xd: {  	s31 =	sshrl.u32 s14, $0x2;
	s0 =	sadd.s32 s10, s0;
	s10 =	smul.u32 $0x3000, s6  }
.Ltmp0:
0xe: {  	s13 =	sshrl.u32 s11, $0x1;
	s25 =	sshrl.u32 s12, $0x2;
	(pc) =	sbr.rel .LBB2_1-.Ltmp0, $4  }
0xf: {  	[dreg:$0x9] =	wrdreg s31;
	s11 =	ssub.s32 s11, s13;
	s26 =	sadd.s32 $0x69080, s0  }
0x10: {  	s12 =	sadd.s32 s25, s2;
	s0 =	sadd.s32 $0x69000, s0;
	[dreg:$0x6] =	wrdreg s26  }
0x11: {  	s25 =	simm.s32 $0x1D00;
	[dreg:$0x7] =	wrdreg s0;
	s28 =	smax.u32 s11, $0x1  }
0x12: {  	s17 =	sshrl.u32 s12, $0x3;
	s26 =	simm.s32 $0x1D80;
	[dreg:$0x8] =	wrdreg s28  }
.LBB2_17:
0x13: {  	[sflag:s29] =	ssyncadd.s32 @!p1 $0xFFFFC000;
	s0 =	simm.s32 @!p3 $0x80;
	s3 =	rddreg [dreg:$0x6]  }
0x14: {  	[tilespmem:s12], [sflag:$0x2] =	stream.indirect.gather @!p3 [hbm4b:s8+s0], $0x80, s11, s0, $0xb8;
	[tilespmem:$0x1E800] =	vst v63  }
.LBB2_18:
0x15: {  	[bflag:$0x0] =	sbarrier.arrive $0xFFFF;
	s0 =	simm.s32 $0x8;
	s6 =	simm.s32 $0x100  }
0x16: {  	[hbm:s3@s6], [sflag:s16] =	dma.strided [spmem:s17@s20], $0x2800, s0, $0x10   }
0x17: {  	_ =	swait.ge [sflag:s15], $0x2800  }
0x18: {  	s30 =	sadd.s32 $0x1, s30;
	s31 =	rddreg [dreg:$0x8]  }
0x19: {  	p1 =	sne.s32 s30, s31  }
.Ltmp1:
0x1a: {  	_ = 	snop;
	(pc) =	sbr.rel @!p1 .LBB2_19-.Ltmp1, $3  }
0x1b: {  	_ =	sdelay $0x1  }
0x1c: {  	[sflag:s15] =	ssyncset.done $0x0  }
0x1d: {  	[sflag:s15] =	ssyncadd.s32 $0xFFFFD800  }
.LBB2_1:
0x1e: {  	s0 =	rddreg [dreg:$0x4];
	s3 =	simm.s32 $0x2000  }
0x1f: {  	[tilespmem:s3], [sflag:$0x3] =	stream.linear.gather [hbm4b:s0+s4], $0x800, $0x38;
	[tilespmem:$0x1E800] =	vst v63  }
0x20: {  	_ =	swait.ge [sflag:s15], $0x800  }
0x21: {  	[sflag:s15] =	ssyncset.done $0x0  }
0x22: {  	s11 =	rddreg [dreg:$0x5];
	[sflag:s15] =	ssyncadd.s32 $0xFFFFF800  }
0x23: {  	[spmem:s17], [sflag:s16] =	dma.local [hbm:s11], $0x2800  }
0x24: {  	_ =	swait.ge [sflag:s15], $0x2800  }
0x25: {  	[sflag:s15] =	ssyncset.done $0x0  }
0x26: {  	[sflag:s15] =	ssyncadd.s32 $0xFFFFD800  }
0x27: {  	[bflag:$0x0] =	sbarrier.arrive $0xFFFF  }
0x28: {  	s12 =	rddreg [dreg:$0x9]  }
0x29: {  	v0 =	vld [tilespmem:s12+$0x2000];
	_ =	sdelay $0x4  }
0x2a: {  	v0 =	vxor.u32 $0x80000000, v0  }
0x2b: {  	(xrf0) =	vmax.scan.msk.u32 $0xffff, v0;
	_ =	sdelay $0x5  }
0x2c: {  	v0, _, _ =	vpop (xrf0)  }
0x2d: {  	(v2sf) =	vpush v0, $0xF;
	_ =	sdelay $0xe  }
0x2e: {  	s13 =	spop (v2sf)  }
0x2f: {  	s18 =	sadd.s32 $0x8000007F, s13  }
0x30: {  	s11 =	sshra.s32 s18, $0x1F;
	s12 =	smulhi.u32 $0x92492493, s18  }
0x31: {  	s14 =	smul.u32 $0x92492493, s11  }
0x32: {  	s0 =	ssub.s32 s12, s13  }
.Ltmp2:
0x33: {  	s0 =	sadd.s32 s14, s0;
	(pc) =	sbr.rel @p0 .LBB2_10-.Ltmp2, $4  }
0x34: {  	s3 =	simm.s32 $0x0;
	s0 =	sadd.s32 s18, s0  }
0x35: {  	p1 =	slt.s32 s18, $0xE00;
	s11 =	sshrl.u32 s11, $0x19;
	s0 =	sadd.s32 $0x7FFFFF81, s0  }
0x36: {  	s11 =	sadd.s32 s11, s18;
	s28 =	sshrl.u32 s0, $0x1F;
	s29 =	sshra.s32 s0, $0xB  }
0x37: {  	s14 =	simm.s32 $0x0;
	s0 =	sshra.s32 s11, $0x7;
	s31 =	sadd.s32 s28, s29  }
.Ltmp3:
0x38: {  	(pc) =	sbr.rel @p1 .LBB2_6-.Ltmp3, $1  }
0x39: {  	_ =	sdelay $0x3  }
.LBB2_3:
0x3a: {  	s11 =	sshll.u32 s14, $0xC  }
0x3b: {  	s11 =	sadd.s32 s10, s11  }
0x3c: {  	s11 =	sshrl.u32 s11, $0x3  }
0x3d: {  	s12 =	sadd.s32 s1, s11  }
0x3e: {  	[tilespmem:s3], [sflag:$0x3] =	stream.linear.gather [hbm4b:s12+s3], $0xE00, $0x38;
	[tilespmem:$0x1E800] =	vst v63  }
0x3f: {  	_ =	swait.ge [sflag:s15], $0xE00  }
0x40: {  	[sflag:s15] =	ssyncset.done $0x0  }
0x41: {  	s11 =	sadd.s32 s5, s11;
	[sflag:s15] =	ssyncadd.s32 $0xFFFFF200  }
0x42: {  	[tilespmem:s19], [sflag:$0x3] =	stream.linear.gather [hbm4b:s11+s3], $0xE00, $0x38;
	[tilespmem:$0x1E800] =	vst v63  }
0x43: {  	_ =	swait.ge [sflag:s15], $0xE00  }
0x44: {  	[sflag:s15] =	ssyncset.done $0x0  }
0x45: {  	[sflag:s15] =	ssyncadd.s32 $0xFFFFF200  }
0x46: {  	[tilespmem:s21], [sflag:$0x1] =	stream.indirect.gather [hbm4b:s7+s20], $0x80, s3, s20, $0xb8;
	[tilespmem:$0x1E800] =	vst v63  }
0x47: {  	_ = 	snop  }
0x48: {  	[tilespmem:s22], [sflag:$0x2] =	stream.indirect.gather [hbm4b:s7+s20], $0x80, s20, s20, $0xb8;
	[tilespmem:$0x1E800] =	vst v63  }
0x49: {  	_ =	swait.ge [sflag:s23], $0x4000  }
0x4a: {  	[sflag:s23] =	ssyncset.done $0x0  }
0x4b: {  	s13 =	simm.s32 $0x1000;
	[sflag:s23] =	ssyncadd.s32 $0xFFFFC000  }
0x4c: {  	[spmem:s2] =	stream.indirect.scatter.add.f32 [tilespmem:s21], [sflag:$0x3], $0x80, s13, s20, $0xb8;
	[tilespmem:$0x1E800] =	vst v63  }
0x4d: {  	_ =	swait.ge [sflag:s15], $0x4000  }
0x4e: {  	[sflag:s15] =	ssyncset.done $0x0  }
0x4f: {  	s18 =	simm.s32 $0x100;
	[sflag:s15] =	ssyncadd.s32 $0xFFFFC000  }
0x50: {  	[tilespmem:s21], [sflag:$0x1] =	stream.indirect.gather [hbm4b:s7+s20], $0x80, s18, s20, $0xb8;
	[tilespmem:$0x1E800] =	vst v63  }
0x51: {  	_ =	swait.ge [sflag:s24], $0x4000  }
0x52: {  	[sflag:s24] =	ssyncset.done $0x0  }
0x53: {  	s29 =	simm.s32 $0x1080;
	[sflag:s24] =	ssyncadd.s32 $0xFFFFC000  }
0x54: {  	[spmem:s2] =	stream.indirect.scatter.add.f32 [tilespmem:s22], [sflag:$0x3], $0x80, s29, s20, $0xb8;
	[tilespmem:$0x1E800] =	vst v63  }
0x55: {  	_ =	swait.ge [sflag:s15], $0x4000  }
0x56: {  	[sflag:s15] =	ssyncset.done $0x0  }
0x57: {  	s28 =	simm.s32 $0x400;
	s11 =	simm.s32 $0x180;
	[sflag:s15] =	ssyncadd.s32 $0xFFFFC000  }
.LBB2_4:
0x58: {  	[tilespmem:s22], [sflag:$0x2] =	stream.indirect.gather [hbm4b:s7+s20], $0x80, s11, s20, $0xb8;
	[tilespmem:$0x1E800] =	vst v63  }
0x59: {  	s11 =	smov.u32 s28  }
0x5a: {  	p1 =	sne.s32 s28, $0x3000;
	s28 =	sadd.s32 $0x400, s28;
	_ =	swait.ge [sflag:s23], $0x4000  }
0x5b: {  	s11 =	sshra.s32 s11, $0x2;
	[sflag:s23] =	ssyncset.done $0x0  }
0x5c: {  	s12 =	sadd.s32 $0x1000, s11;
	[sflag:s23] =	ssyncadd.s32 $0xFFFFC000  }
0x5d: {  	[spmem:s2] =	stream.indirect.scatter.add.f32 [tilespmem:s21], [sflag:$0x3], $0x80, s12, s20, $0xb8;
	[tilespmem:$0x1E800] =	vst v63  }
0x5e: {  	_ =	swait.ge [sflag:s15], $0x4000  }
0x5f: {  	[sflag:s15] =	ssyncset.done $0x0  }
0x60: {  	s12 =	sadd.s32 $0x100, s11;
	[sflag:s15] =	ssyncadd.s32 $0xFFFFC000  }
0x61: {  	[tilespmem:s21], [sflag:$0x1] =	stream.indirect.gather [hbm4b:s7+s20], $0x80, s12, s20, $0xb8;
	[tilespmem:$0x1E800] =	vst v63  }
0x62: {  	_ =	swait.ge [sflag:s24], $0x4000  }
0x63: {  	[sflag:s24] =	ssyncset.done $0x0  }
.Ltmp4:
0x64: {  	s12 =	sadd.s32 $0x1080, s11;
	[sflag:s24] =	ssyncadd.s32 $0xFFFFC000;
	(pc) =	sbr.rel @p1 .LBB2_4-.Ltmp4, $4  }
0x65: {  	[spmem:s2] =	stream.indirect.scatter.add.f32 [tilespmem:s22], [sflag:$0x3], $0x80, s12, s20, $0xb8;
	[tilespmem:$0x1E800] =	vst v63  }
0x66: {  	_ =	swait.ge [sflag:s15], $0x4000  }
0x67: {  	[sflag:s15] =	ssyncset.done $0x0  }
0x68: {  	s11 =	sadd.s32 $0x180, s11;
	[sflag:s15] =	ssyncadd.s32 $0xFFFFC000  }
0x69: {  	[tilespmem:s22], [sflag:$0x2] =	stream.indirect.gather [hbm4b:s7+s20], $0x80, s11, s20, $0xb8;
	[tilespmem:$0x1E800] =	vst v63  }
0x6a: {  	_ =	swait.ge [sflag:s23], $0x4000  }
0x6b: {  	[sflag:s23] =	ssyncset.done $0x0  }
0x6c: {  	[sflag:s23] =	ssyncadd.s32 $0xFFFFC000  }
0x6d: {  	[spmem:s2] =	stream.indirect.scatter.add.f32 [tilespmem:s21], [sflag:$0x3], $0x80, s25, s20, $0xb8;
	[tilespmem:$0x1E800] =	vst v63  }
0x6e: {  	_ =	swait.ge [sflag:s15], $0x4000  }
0x6f: {  	[sflag:s15] =	ssyncset.done $0x0  }
0x70: {  	[sflag:s15] =	ssyncadd.s32 $0xFFFFC000  }
0x71: {  	s14 =	sadd.s32 $0x1, s14;
	_ =	swait.ge [sflag:s24], $0x4000  }
0x72: {  	p1 =	sne.s32 s14, s31;
	[sflag:s24] =	ssyncset.done $0x0  }
.Ltmp5:
0x73: {  	[sflag:s24] =	ssyncadd.s32 $0xFFFFC000;
	(pc) =	sbr.rel @p1 .LBB2_3-.Ltmp5, $4  }
0x74: {  	[spmem:s2] =	stream.indirect.scatter.add.f32 [tilespmem:s22], [sflag:$0x3], $0x80, s26, s20, $0xb8;
	[tilespmem:$0x1E800] =	vst v63  }
0x75: {  	_ =	swait.ge [sflag:s15], $0x4000  }
0x76: {  	[sflag:s15] =	ssyncset.done $0x0  }
0x77: {  	[sflag:s15] =	ssyncadd.s32 $0xFFFFC000  }
.LBB2_6:
0x78: {  	s3 =	smul.u32 $0xFFFFFFE4, s31;
	_ =	sdelay $0x1  }
0x79: {  	s0 =	sadd.s32 s0, s3  }
0x7a: {  	p1 =	slt.s32 s0, $0x1  }
.Ltmp6:
0x7b: {  	_ = 	snop;
	(pc) =	sbr.rel @p1 .LBB2_18-.Ltmp6, $2  }
0x7c: {  	_ =	sdelay $0x2  }
0x7d: {  	s3 =	rddreg [dreg:$0x7]  }
0x7e: {  	s3 =	sshll.u32 s31, $0xC  }
0x7f: {  	s3 =	sadd.s32 s10, s3  }
0x80: {  	s3 =	sshrl.u32 s3, $0x3  }
0x81: {  	s11 =	sadd.s32 s1, s3  }
0x82: {  	[tilespmem:s4], [sflag:$0x3] =	stream.linear.gather [hbm4b:s11+s4], $0xE00, $0x38;
	[tilespmem:$0x1E800] =	vst v63  }
0x83: {  	_ =	swait.ge [sflag:s15], $0xE00  }
0x84: {  	[sflag:s15] =	ssyncset.done $0x0  }
0x85: {  	s3 =	sadd.s32 s5, s3;
	[sflag:s15] =	ssyncadd.s32 $0xFFFFF200  }
0x86: {  	[tilespmem:s19], [sflag:$0x3] =	stream.linear.gather [hbm4b:s3+s4], $0xE00, $0x38;
	[tilespmem:$0x1E800] =	vst v63  }
0x87: {  	_ =	swait.ge [sflag:s15], $0xE00  }
0x88: {  	[sflag:s15] =	ssyncset.done $0x0  }
0x89: {  	p1 =	seq.s32 s0, $0x1;
	[sflag:s15] =	ssyncadd.s32 $0xFFFFF200  }
0x8a: {  	[tilespmem:s21], [sflag:$0x1] =	stream.indirect.gather [hbm4b:s7+s20], $0x80, s4, s20, $0xb8;
	[tilespmem:$0x1E800] =	vst v63  }
0x8b: {  	s14 =	sadd.s32 $0x1, s0;
	s11 =	simm.s32 @!p1 $0x6800;
	s3 =	simm.s32 @!p1 $0x80  }
0x8c: {  	[tilespmem:s11], [sflag:$0x2] =	stream.indirect.gather @!p1 [hbm4b:s7+s3], $0x80, s3, s3, $0xb8;
	[tilespmem:$0x1E800] =	vst v63  }
0x8d: {  	s18 =	simm.s32 $0x1000;
	s12 =	simm.s32 $0x100;
	_ =	swait.ge [sflag:s23], $0x4000  }
0x8e: {  	p3 =	sle.s32 s0, $0x2;
	s31 =	simm.s32 $0x3;
	[sflag:s23] =	ssyncset.done $0x0  }
0x8f: {  	s28 =	simm.s32 @!p3 $0x2800;
	s3 =	sshrl.u32 s14, $0x1;
	[sflag:s23] =	ssyncadd.s32 $0xFFFFC000  }
0x90: {  	[spmem:s2] =	stream.indirect.scatter.add.f32 [tilespmem:s21], [sflag:$0x3], $0x80, s18, s20, $0xb8;
	[tilespmem:$0x1E800] =	vst v63  }
0x91: {  	s14 =	simm.s32 $0x200;
	p1 =	sle.s32 s0, $0x1;
	_ =	swait.ge [sflag:s15], $0x4000  }
0x92: {  	s11 =	simm.s32 @!p3 $0x80;
	s3 =	sadd.s32 $0xFFFFFFFF, s3;
	[sflag:s15] =	ssyncset.done $0x0  }
0x93: {  	s29 =	simm.s32 @!p1 $0x2;
	p2 =	seq.s32 s3, $0x0;
	[sflag:s15] =	ssyncadd.s32 $0xFFFFC000  }
0x94: {  	[tilespmem:s28], [sflag:$0x1] =	stream.indirect.gather @!p3 [hbm4b:s7+s11], $0x80, s12, s11, $0xb8;
	[tilespmem:$0x1E800] =	vst v63  }
0x95: {  	s11 =	simm.s32 @!p1 $0x80;
	s12 =	simm.s32 @!p1 $0x6800;
	_ =	swait.ge @!p1 [sflag:s29], $0x4000  }
.Ltmp7:
0x96: {  	s28 =	simm.s32 @!p1 $0x1080;
	[sflag:s29] =	ssyncset.done @!p1 $0x0;
	(pc) =	sbr.rel @p2 .LBB2_9-.Ltmp7, $4  }
0x97: {  	p3 =	sle.s32 @!p1 s0, $0x3;
	[sflag:s29] =	ssyncadd.s32 @!p1 $0xFFFFC000;
	s29 =	simm.s32 @!p1 $0x3  }
0x98: {  	[spmem:s2] =	stream.indirect.scatter.add.f32 @!p1 [tilespmem:s12], [sflag:$0x3], $0x80, s28, s11, $0xb8;
	[tilespmem:$0x1E800] =	vst v63  }
0x99: {  	p3 =	por p3, p1;
	s28 =	simm.s32 $0x1100;
	_ =	swait.ge @!p1 [sflag:s29], $0x4000  }
0x9a: {  	s11 =	simm.s32 @!p3 $0x180;
	s12 =	simm.s32 @!p3 $0x6800;
	[sflag:s29] =	ssyncset.done @!p1 $0x0  }
.LBB2_8:
0x9b: {  	s3 =	sadd.s32 $0xFFFFFFFF, s3;
	[sflag:s29] =	ssyncadd.s32 @!p1 $0xFFFFC000;
	s29 =	simm.s32 @!p3 $0x80  }
0x9c: {  	[tilespmem:s12], [sflag:$0x2] =	stream.indirect.gather @!p3 [hbm4b:s7+s29], $0x80, s11, s29, $0xb8;
	[tilespmem:$0x1E800] =	vst v63  }
0x9d: {  	p2 =	seq.s32 s3, $0x0;
	s11 =	smov.u32 s14;
	_ =	swait.ge [sflag:s23], $0x4000  }
0x9e: {  	s14 =	sadd.s32 $0x100, s14;
	s12 =	smov.u32 s31;
	[sflag:s23] =	ssyncset.done $0x0  }
0x9f: {  	s31 =	sadd.s32 $0x2, s31;
	s29 =	sadd.s32 $0x1, s12;
	[sflag:s23] =	ssyncadd.s32 $0xFFFFC000  }
0xa0: {  	[spmem:s2] =	stream.indirect.scatter.add.f32 [tilespmem:s21], [sflag:$0x3], $0x80, s28, s20, $0xb8;
	[tilespmem:$0x1E800] =	vst v63  }
0xa1: {  	p1 =	sge.s32 s12, s0;
	p3 =	sge.s32 s29, s0;
	_ =	swait.ge [sflag:s15], $0x4000  }
0xa2: {  	s29 =	simm.s32 @!p3 $0x80;
	s6 =	simm.s32 @!p3 $0x2800;
	[sflag:s15] =	ssyncset.done $0x0  }
0xa3: {  	s9 =	simm.s32 @!p1 $0x2;
	s12 =	sadd.s32 @!p1 $0x2, s12;
	[sflag:s15] =	ssyncadd.s32 $0xFFFFC000  }
0xa4: {  	[tilespmem:s6], [sflag:$0x1] =	stream.indirect.gather @!p3 [hbm4b:s7+s29], $0x80, s11, s29, $0xb8;
	[tilespmem:$0x1E800] =	vst v63  }
0xa5: {  	s13 =	simm.s32 @!p1 $0x6800;
	s6 =	simm.s32 @!p1 $0x80;
	_ =	swait.ge @!p1 [sflag:s9], $0x4000  }
.Ltmp8:
0xa6: {  	s18 =	sadd.s32 @!p1 $0x80, s28;
	[sflag:s9] =	ssyncset.done @!p1 $0x0;
	(pc) =	sbr.rel @!p2 .LBB2_8-.Ltmp8, $4  }
0xa7: {  	s29 =	simm.s32 @!p1 $0x3;
	p3 =	sge.s32 @!p1 s12, s0;
	[sflag:s9] =	ssyncadd.s32 @!p1 $0xFFFFC000  }
0xa8: {  	[spmem:s2] =	stream.indirect.scatter.add.f32 @!p1 [tilespmem:s13], [sflag:$0x3], $0x80, s18, s6, $0xb8;
	[tilespmem:$0x1E800] =	vst v63  }
0xa9: {  	s28 =	sadd.s32 $0x100, s28;
	p3 =	por p3, p1;
	_ =	swait.ge @!p1 [sflag:s29], $0x4000  }
0xaa: {  	s11 =	sadd.s32 @!p3 $0x80, s11;
	s12 =	simm.s32 @!p3 $0x6800;
	[sflag:s29] =	ssyncset.done @!p1 $0x0  }
.LBB2_9:
.Ltmp9:
0xab: {  	(pc) =	sbr.rel .LBB2_18-.Ltmp9, $3  }
0xac: {  	_ =	sdelay $0x1  }
0xad: {  	[sflag:s29] =	ssyncadd.s32 @!p1 $0xFFFFC000;
	s0 =	simm.s32 @!p3 $0x80;
	s3 =	rddreg [dreg:$0x7]  }
0xae: {  	[tilespmem:s12], [sflag:$0x2] =	stream.indirect.gather @!p3 [hbm4b:s7+s0], $0x80, s11, s0, $0xb8;
	[tilespmem:$0x1E800] =	vst v63  }
.LBB2_10:
.Ltmp10:
0xaf: {  	(pc) =	sbr.rel @p1 .LBB2_14-.Ltmp10, $1  }
0xb0: {  	_ =	sdelay $0x3  }
.LBB2_11:
0xb1: {  	s6 =	sshll.u32 s14, $0xC  }
0xb2: {  	s6 =	sadd.s32 s10, s6  }
0xb3: {  	s6 =	sshrl.u32 s6, $0x3  }
0xb4: {  	s9 =	sadd.s32 s1, s6  }
0xb5: {  	[tilespmem:s3], [sflag:$0x3] =	stream.linear.gather [hbm4b:s9+s3], $0xE00, $0x38;
	[tilespmem:$0x1E800] =	vst v63  }
0xb6: {  	_ =	swait.ge [sflag:s15], $0xE00  }
0xb7: {  	[sflag:s15] =	ssyncset.done $0x0  }
0xb8: {  	s6 =	sadd.s32 s5, s6;
	[sflag:s15] =	ssyncadd.s32 $0xFFFFF200  }
0xb9: {  	[tilespmem:s19], [sflag:$0x3] =	stream.linear.gather [hbm4b:s6+s3], $0xE00, $0x38;
	[tilespmem:$0x1E800] =	vst v63  }
0xba: {  	_ =	swait.ge [sflag:s15], $0xE00  }
0xbb: {  	[sflag:s15] =	ssyncset.done $0x0  }
0xbc: {  	[sflag:s15] =	ssyncadd.s32 $0xFFFFF200  }
0xbd: {  	[tilespmem:s21], [sflag:$0x1] =	stream.indirect.gather [hbm4b:s8+s20], $0x80, s3, s20, $0xb8;
	[tilespmem:$0x1E800] =	vst v63  }
0xbe: {  	_ = 	snop  }
0xbf: {  	[tilespmem:s22], [sflag:$0x2] =	stream.indirect.gather [hbm4b:s8+s20], $0x80, s20, s20, $0xb8;
	[tilespmem:$0x1E800] =	vst v63  }
0xc0: {  	_ =	swait.ge [sflag:s23], $0x4000  }
0xc1: {  	[sflag:s23] =	ssyncset.done $0x0  }
0xc2: {  	s13 =	simm.s32 $0x1000;
	[sflag:s23] =	ssyncadd.s32 $0xFFFFC000  }
0xc3: {  	[spmem:s2] =	stream.indirect.scatter.add.f32 [tilespmem:s21], [sflag:$0x3], $0x80, s13, s20, $0xb8;
	[tilespmem:$0x1E800] =	vst v63  }
0xc4: {  	_ =	swait.ge [sflag:s15], $0x4000  }
0xc5: {  	[sflag:s15] =	ssyncset.done $0x0  }
0xc6: {  	s18 =	simm.s32 $0x100;
	[sflag:s15] =	ssyncadd.s32 $0xFFFFC000  }
0xc7: {  	[tilespmem:s21], [sflag:$0x1] =	stream.indirect.gather [hbm4b:s8+s20], $0x80, s18, s20, $0xb8;
	[tilespmem:$0x1E800] =	vst v63  }
0xc8: {  	_ =	swait.ge [sflag:s24], $0x4000  }
0xc9: {  	[sflag:s24] =	ssyncset.done $0x0  }
0xca: {  	s29 =	simm.s32 $0x1080;
	[sflag:s24] =	ssyncadd.s32 $0xFFFFC000  }
0xcb: {  	[spmem:s2] =	stream.indirect.scatter.add.f32 [tilespmem:s22], [sflag:$0x3], $0x80, s29, s20, $0xb8;
	[tilespmem:$0x1E800] =	vst v63  }
0xcc: {  	_ =	swait.ge [sflag:s15], $0x4000  }
0xcd: {  	[sflag:s15] =	ssyncset.done $0x0  }
0xce: {  	s28 =	simm.s32 $0x400;
	s11 =	simm.s32 $0x180;
	[sflag:s15] =	ssyncadd.s32 $0xFFFFC000  }
.LBB2_12:
0xcf: {  	[tilespmem:s22], [sflag:$0x2] =	stream.indirect.gather [hbm4b:s8+s20], $0x80, s11, s20, $0xb8;
	[tilespmem:$0x1E800] =	vst v63  }
0xd0: {  	s6 =	smov.u32 s28  }
0xd1: {  	p1 =	sne.s32 s28, $0x3000;
	s28 =	sadd.s32 $0x400, s28;
	_ =	swait.ge [sflag:s23], $0x4000  }
0xd2: {  	s6 =	sshra.s32 s6, $0x2;
	[sflag:s23] =	ssyncset.done $0x0  }
0xd3: {  	s9 =	sadd.s32 $0x1000, s6;
	[sflag:s23] =	ssyncadd.s32 $0xFFFFC000  }
0xd4: {  	[spmem:s2] =	stream.indirect.scatter.add.f32 [tilespmem:s21], [sflag:$0x3], $0x80, s9, s20, $0xb8;
	[tilespmem:$0x1E800] =	vst v63  }
0xd5: {  	_ =	swait.ge [sflag:s15], $0x4000  }
0xd6: {  	[sflag:s15] =	ssyncset.done $0x0  }
0xd7: {  	s9 =	sadd.s32 $0x100, s6;
	[sflag:s15] =	ssyncadd.s32 $0xFFFFC000  }
0xd8: {  	[tilespmem:s21], [sflag:$0x1] =	stream.indirect.gather [hbm4b:s8+s20], $0x80, s9, s20, $0xb8;
	[tilespmem:$0x1E800] =	vst v63  }
0xd9: {  	_ =	swait.ge [sflag:s24], $0x4000  }
0xda: {  	[sflag:s24] =	ssyncset.done $0x0  }
.Ltmp11:
0xdb: {  	s9 =	sadd.s32 $0x1080, s6;
	[sflag:s24] =	ssyncadd.s32 $0xFFFFC000;
	(pc) =	sbr.rel @p1 .LBB2_12-.Ltmp11, $4  }
0xdc: {  	[spmem:s2] =	stream.indirect.scatter.add.f32 [tilespmem:s22], [sflag:$0x3], $0x80, s9, s20, $0xb8;
	[tilespmem:$0x1E800] =	vst v63  }
0xdd: {  	_ =	swait.ge [sflag:s15], $0x4000  }
0xde: {  	[sflag:s15] =	ssyncset.done $0x0  }
0xdf: {  	s11 =	sadd.s32 $0x180, s6;
	[sflag:s15] =	ssyncadd.s32 $0xFFFFC000  }
0xe0: {  	[tilespmem:s22], [sflag:$0x2] =	stream.indirect.gather [hbm4b:s8+s20], $0x80, s11, s20, $0xb8;
	[tilespmem:$0x1E800] =	vst v63  }
0xe1: {  	_ =	swait.ge [sflag:s23], $0x4000  }
0xe2: {  	[sflag:s23] =	ssyncset.done $0x0  }
0xe3: {  	[sflag:s23] =	ssyncadd.s32 $0xFFFFC000  }
0xe4: {  	[spmem:s2] =	stream.indirect.scatter.add.f32 [tilespmem:s21], [sflag:$0x3], $0x80, s25, s20, $0xb8;
	[tilespmem:$0x1E800] =	vst v63  }
0xe5: {  	_ =	swait.ge [sflag:s15], $0x4000  }
0xe6: {  	[sflag:s15] =	ssyncset.done $0x0  }
0xe7: {  	[sflag:s15] =	ssyncadd.s32 $0xFFFFC000  }
0xe8: {  	s14 =	sadd.s32 $0x1, s14;
	_ =	swait.ge [sflag:s24], $0x4000  }
0xe9: {  	p1 =	sne.s32 s14, s31;
	[sflag:s24] =	ssyncset.done $0x0  }
.Ltmp12:
0xea: {  	[sflag:s24] =	ssyncadd.s32 $0xFFFFC000;
	(pc) =	sbr.rel @p1 .LBB2_11-.Ltmp12, $4  }
0xeb: {  	[spmem:s2] =	stream.indirect.scatter.add.f32 [tilespmem:s22], [sflag:$0x3], $0x80, s26, s20, $0xb8;
	[tilespmem:$0x1E800] =	vst v63  }
0xec: {  	_ =	swait.ge [sflag:s15], $0x4000  }
0xed: {  	[sflag:s15] =	ssyncset.done $0x0  }
0xee: {  	[sflag:s15] =	ssyncadd.s32 $0xFFFFC000  }
.LBB2_14:
0xef: {  	s3 =	smul.u32 $0xFFFFFFE4, s31;
	_ =	sdelay $0x1  }
0xf0: {  	s0 =	sadd.s32 s0, s3  }
0xf1: {  	p1 =	slt.s32 s0, $0x1  }
.Ltmp13:
0xf2: {  	_ = 	snop;
	(pc) =	sbr.rel @p1 .LBB2_18-.Ltmp13, $2  }
0xf3: {  	_ =	sdelay $0x2  }
0xf4: {  	s3 =	rddreg [dreg:$0x6]  }
0xf5: {  	s3 =	sshll.u32 s31, $0xC  }
0xf6: {  	s3 =	sadd.s32 s10, s3  }
0xf7: {  	s3 =	sshrl.u32 s3, $0x3  }
0xf8: {  	s6 =	sadd.s32 s1, s3  }
0xf9: {  	[tilespmem:s4], [sflag:$0x3] =	stream.linear.gather [hbm4b:s6+s4], $0xE00, $0x38;
	[tilespmem:$0x1E800] =	vst v63  }
0xfa: {  	_ =	swait.ge [sflag:s15], $0xE00  }
0xfb: {  	[sflag:s15] =	ssyncset.done $0x0  }
0xfc: {  	s3 =	sadd.s32 s5, s3;
	[sflag:s15] =	ssyncadd.s32 $0xFFFFF200  }
0xfd: {  	[tilespmem:s19], [sflag:$0x3] =	stream.linear.gather [hbm4b:s3+s4], $0xE00, $0x38;
	[tilespmem:$0x1E800] =	vst v63  }
0xfe: {  	_ =	swait.ge [sflag:s15], $0xE00  }
0xff: {  	[sflag:s15] =	ssyncset.done $0x0  }
0x100: {  	p1 =	seq.s32 s0, $0x1;
	[sflag:s15] =	ssyncadd.s32 $0xFFFFF200  }
0x101: {  	[tilespmem:s21], [sflag:$0x1] =	stream.indirect.gather [hbm4b:s8+s20], $0x80, s4, s20, $0xb8;
	[tilespmem:$0x1E800] =	vst v63  }
0x102: {  	s14 =	sadd.s32 $0x1, s0;
	s6 =	simm.s32 @!p1 $0x6800;
	s3 =	simm.s32 @!p1 $0x80  }
0x103: {  	[tilespmem:s6], [sflag:$0x2] =	stream.indirect.gather @!p1 [hbm4b:s8+s3], $0x80, s3, s3, $0xb8;
	[tilespmem:$0x1E800] =	vst v63  }
0x104: {  	s18 =	simm.s32 $0x1000;
	s9 =	simm.s32 $0x100;
	_ =	swait.ge [sflag:s23], $0x4000  }
0x105: {  	p3 =	sle.s32 s0, $0x2;
	s31 =	simm.s32 $0x3;
	[sflag:s23] =	ssyncset.done $0x0  }
0x106: {  	s28 =	simm.s32 $0x1100;
	s11 =	simm.s32 @!p3 $0x2800;
	[sflag:s23] =	ssyncadd.s32 $0xFFFFC000  }
0x107: {  	[spmem:s2] =	stream.indirect.scatter.add.f32 [tilespmem:s21], [sflag:$0x3], $0x80, s18, s20, $0xb8;
	[tilespmem:$0x1E800] =	vst v63  }
0x108: {  	s3 =	sshrl.u32 s14, $0x1;
	p1 =	sle.s32 s0, $0x1;
	_ =	swait.ge [sflag:s15], $0x4000  }
0x109: {  	s6 =	simm.s32 @!p3 $0x80;
	s3 =	sadd.s32 $0xFFFFFFFF, s3;
	[sflag:s15] =	ssyncset.done $0x0  }
0x10a: {  	s12 =	simm.s32 @!p1 $0x2;
	s29 =	simm.s32 @!p1 $0x3;
	[sflag:s15] =	ssyncadd.s32 $0xFFFFC000  }
0x10b: {  	[tilespmem:s11], [sflag:$0x1] =	stream.indirect.gather @!p3 [hbm4b:s8+s6], $0x80, s9, s6, $0xb8;
	[tilespmem:$0x1E800] =	vst v63  }
0x10c: {  	p2 =	sne.s32 s3, $0x0;
	s6 =	simm.s32 @!p1 $0x80;
	_ =	swait.ge @!p1 [sflag:s12], $0x4000  }
.Ltmp14:
0x10d: {  	s9 =	simm.s32 @!p1 $0x6800;
	[sflag:s12] =	ssyncset.done @!p1 $0x0;
	(pc) =	sbr.rel @!p2 .LBB2_17-.Ltmp14, $4  }
0x10e: {  	s11 =	simm.s32 @!p1 $0x1080;
	p3 =	sle.s32 @!p1 s0, $0x3;
	[sflag:s12] =	ssyncadd.s32 @!p1 $0xFFFFC000  }
0x10f: {  	[spmem:s2] =	stream.indirect.scatter.add.f32 @!p1 [tilespmem:s9], [sflag:$0x3], $0x80, s11, s6, $0xb8;
	[tilespmem:$0x1E800] =	vst v63  }
0x110: {  	s14 =	simm.s32 $0x200;
	p3 =	por p3, p1;
	_ =	swait.ge @!p1 [sflag:s29], $0x4000  }
0x111: {  	s12 =	simm.s32 @!p3 $0x6800;
	s11 =	simm.s32 @!p3 $0x180;
	[sflag:s29] =	ssyncset.done @!p1 $0x0  }
.LBB2_16:
0x112: {  	s3 =	sadd.s32 $0xFFFFFFFF, s3;
	[sflag:s29] =	ssyncadd.s32 @!p1 $0xFFFFC000;
	s6 =	simm.s32 @!p3 $0x80  }
0x113: {  	[tilespmem:s12], [sflag:$0x2] =	stream.indirect.gather @!p3 [hbm4b:s8+s6], $0x80, s11, s6, $0xb8;
	[tilespmem:$0x1E800] =	vst v63  }
0x114: {  	p2 =	sne.s32 s3, $0x0;
	s6 =	smov.u32 s14;
	_ =	swait.ge [sflag:s23], $0x4000  }
0x115: {  	s9 =	smov.u32 s31;
	s14 =	sadd.s32 $0x100, s14;
	[sflag:s23] =	ssyncset.done $0x0  }
0x116: {  	s31 =	sadd.s32 $0x2, s31;
	s11 =	sadd.s32 $0x1, s9;
	[sflag:s23] =	ssyncadd.s32 $0xFFFFC000  }
0x117: {  	[spmem:s2] =	stream.indirect.scatter.add.f32 [tilespmem:s21], [sflag:$0x3], $0x80, s28, s20, $0xb8;
	[tilespmem:$0x1E800] =	vst v63  }
0x118: {  	p1 =	sge.s32 s9, s0;
	p3 =	sge.s32 s11, s0;
	_ =	swait.ge [sflag:s15], $0x4000  }
0x119: {  	s11 =	simm.s32 @!p3 $0x80;
	s12 =	simm.s32 @!p3 $0x2800;
	[sflag:s15] =	ssyncset.done $0x0  }
0x11a: {  	s13 =	simm.s32 @!p1 $0x2;
	s9 =	sadd.s32 @!p1 $0x2, s9;
	[sflag:s15] =	ssyncadd.s32 $0xFFFFC000  }
0x11b: {  	[tilespmem:s12], [sflag:$0x1] =	stream.indirect.gather @!p3 [hbm4b:s8+s11], $0x80, s6, s11, $0xb8;
	[tilespmem:$0x1E800] =	vst v63  }
0x11c: {  	s11 =	simm.s32 @!p1 $0x80;
	s12 =	simm.s32 @!p1 $0x6800;
	_ =	swait.ge @!p1 [sflag:s13], $0x4000  }
.Ltmp15:
0x11d: {  	s18 =	sadd.s32 @!p1 $0x80, s28;
	[sflag:s13] =	ssyncset.done @!p1 $0x0;
	(pc) =	sbr.rel @p2 .LBB2_16-.Ltmp15, $4  }
0x11e: {  	s29 =	simm.s32 @!p1 $0x3;
	p3 =	sge.s32 @!p1 s9, s0;
	[sflag:s13] =	ssyncadd.s32 @!p1 $0xFFFFC000  }
0x11f: {  	[spmem:s2] =	stream.indirect.scatter.add.f32 @!p1 [tilespmem:s12], [sflag:$0x3], $0x80, s18, s11, $0xb8;
	[tilespmem:$0x1E800] =	vst v63  }
0x120: {  	s28 =	sadd.s32 $0x100, s28;
	p3 =	por p3, p1;
	_ =	swait.ge @!p1 [sflag:s29], $0x4000  }
0x121: {  	s11 =	sadd.s32 @!p3 $0x80, s6;
	s12 =	simm.s32 @!p3 $0x6800;
	[sflag:s29] =	ssyncset.done @!p1 $0x0  }
.Ltmp16:
0x122: {  	_ = 	snop;
	(pc) =	sbr.rel .LBB2_17-.Ltmp16, $1  }
0x123: {  	_ =	sdelay $0x3  }
.LBB2_19:
0x124: {  	_ =	sfence.sel $0x180000  }
0x125: {  	[bflag:$0x0] =	sbarrier.arrive $0xFFFF  }
0x126: {  	_ =	strace $0x9000004D  }
0x127: {  	s0 =	stileid.u32;
	[bflag:$0x2] =	sbarrier.arrive $0xFFFF  }
0x128: {  	p0 =	sne.s32 s0, $0x0;
	s0 =	rddreg [dreg:$0x3]  }
0x129: {  	s0 =	sadd.s32 @!p0 $0x100000, s0  }
0x12a: {  	[sflag:s0] =	ssyncadd.tile.s32 @!p0 $0x1;
	_ =	shalt  }
.Lfunc_end2:
_tile_overlayer_lowered:
.L_overlay_start_2:
0x12b: {  	(tag) =	ssettag $0x2  }
0x12c: {  	s0 =	rddreg [dreg:$0x0];
	s2 =	stileid.u32  }
0x12d: {  	s1 =	rddreg [dreg:$0x1];
	p0 =	sne.s32 s2, $0x0  }
0x12e: {  	s3 =	rddreg [dreg:$0x2];
	[bflag:$0x3] =	sbarrier.arrive $0xFFFF;
	s2 =	simm.s32 @!p0 $0x1C03  }
0x12f: {  	[timem:s3], [sflag:s2] =	dma.local @!p0 [hbm:s0], s1  }
0x130: {  	s0 =	simm.s32 @!p0 $0x3  }
0x131: {  	_ =	swait.ge @!p0 [sflag:s0], s1  }
0x132: {  	s1 =	ssub.s32 @!p0 $0x0, s1;
	[sflag:s0] =	ssyncset.done @!p0 $0x0  }
0x133: {  	[sflag:s0] =	ssyncadd.s32 @!p0 s1  }
0x134: {  	[bflag:$0x3] =	sbarrier.arrive $0xFFFF  }
0x135: {  	_ =	shalt  }

// kernel: kernel.17.cloned.1.call-start
scs
__scs_entry_jumppad:
0x0: {  	(pc) =	sbr.rel $0x88, $3  }
0x1: {  	(tag) =	ssettag $0x0;
	lr =	simm.s32 $0x1  }
0x2: {  	[smem:$0x3F9A] =	sst lr;
	_ =	strace $0xD0000000  }
0x3: {  	_ = 	snop  }
0x4: {  	_ = 	snop  }
0x5: {  	_ = 	snop  }
0x6: {  	_ = 	snop  }
0x7: {  	_ = 	snop  }
__scs_overlays_trampoline_lowered:
0x8: {  	[smem:$0x3FA9] =	sst s0  }
0x9: {  	[smem:$0x3FAA] =	sst s1  }
0xa: {  	[smem:$0x3FAB] =	sst s2  }
0xb: {  	[smem:$0x3FAC] =	sst s3  }
0xc: {  	[smem:$0x3FAD] =	sst s4  }
0xd: {  	[smem:$0x3FAE] =	sst s5  }
0xe: {  	[smem:$0x3FAF] =	sst s6  }
0xf: {  	[smem:$0x3FB0] =	sst s7  }
0x10: {  	[smem:$0x3FB1] =	sst s8  }
0x11: {  	[smem:$0x3FB2] =	sst s9;
	s0 =	simm.s32 @!p0 $0x0  }
0x12: {  	s1 =	sld [smem:$0x3F98];
	s0 =	simm.s32 @p0 $0x1  }
0x13: {  	[smem:$0x3FB3] =	sst s0;
	s0 =	simm.s32 @!p1 $0x0  }
0x14: {  	s2 =	sld [smem:$0x3F97];
	s0 =	simm.s32 @p1 $0x1  }
0x15: {  	[smem:$0x3FB4] =	sst s0;
	s0 =	simm.s32 @!p2 $0x0  }
0x16: {  	s3 =	sld [smem:$0x3FDB];
	s0 =	simm.s32 @p2 $0x1  }
0x17: {  	s4 =	simm.s32 $0x1BF5;
	[smem:$0x3FB6] =	sst s0  }
0x18: {  	s0 =	sld [smem:$0x3F99];
	_ =	swait.ge [sflag:s4], $0x0  }
0x19: {  	s7 =	sld [smem:$0x3F9A]  }
0x1a: {  	s8 =	sadd.s32 $0xFFFFE003, lr  }
0x1b: {  	s9 =	sadd.s32 $0xFFFFFEF7, lr;
	s5 =	simm.s32 $0xFFFFFFFF;
	p2 =	slt.u32 s8, $0xFFFFF086  }
0x1c: {  	p1 =	slt.u32 s9, $0xF7A;
	s5 =	simm.s32 @!p2 $0x0  }
0x1d: {  	s5 =	simm.s32 @p1 $0x1;
	p0 =	seq.s32 s7, s2  }
0x1e: {  	s7 =	smul.u32 @!p0 $0xF7A, s2;
	p2 =	seq.s32 @!p0 s5, $0x0  }
0x1f: {  	s9 =	smul.u32 $0xF7A, s1;
	s8 =	simm.s32 @!p0 $0x1BF5;
	p2 =	por !p2, p0  }
0x20: {  	[sflag:s8] =	ssyncset.s32 @!p0 $0xFFFFF086;
	s6 =	sadd.s32 @!p0 s3, s7;
	s7 =	simm.s32 @!p0 $0x108  }
0x21: {  	s3 =	sadd.s32 s3, s9;
	s6 =	sadd.s32 @!p0 $0x88, s6;
	s7 =	simm.s32 @p2 $0x1082  }
0x22: {  	[simem:s7], [sflag:s8] =	dma.local @!p0 [hbm:s6], $0xF7A  }
0x23: {  	s9 =	sor.u32 $0xD0000000, s2;
	s6 =	simm.s32 $0x108;
	_ =	swait.ge @!p0 [sflag:s8], $0x0  }
0x24: {  	s3 =	sadd.s32 $0x88, s3;
	s6 =	simm.s32 @!p1 $0x1082;
	[sflag:s4] =	ssyncset.s32 $0xFFFFF086  }
0x25: {  	[simem:s6], [sflag:s4] =	dma.local [hbm:s3], $0xF7A  }
0x26: {  	[smem:$0x3F9A] =	sst s1;
	(tag) =	ssettag s2;
	_ =	strace s9  }
0x27: {  	s1 =	sld [smem:$0x3FAA]  }
0x28: {  	s2 =	sld [smem:$0x3FAB]  }
0x29: {  	s4 =	sld [smem:$0x3FAD]  }
0x2a: {  	p0 =	seq.s32 s5, $0x0;
	s5 =	sld [smem:$0x3FAE]  }
0x2b: {  	s6 =	sld [smem:$0x3FAF]  }
0x2c: {  	s7 =	sld [smem:$0x3FB0]  }
0x2d: {  	s3 =	simm.s32 $0x108;
	s8 =	sld [smem:$0x3FB1]  }
0x2e: {  	s3 =	simm.s32 @!p0 $0x1082;
	s9 =	sld [smem:$0x3FB2]  }
0x2f: {  	lr =	sadd.s32 s0, s3;
	s0 =	sld [smem:$0x3FA9]  }
0x30: {  	s3 =	sld [smem:$0x3FAC]  }
0x31: {  	[smem:$0x3FB5] =	sst s10  }
0x32: {  	s10 =	sld [smem:$0x3FB3];
	_ =	sdelay $0x3  }
0x33: {  	p0 =	seq.s32 s10, $0x1;
	s10 =	sld [smem:$0x3FB5];
	_ =	sdelay $0x3  }
0x34: {  	[smem:$0x3FB5] =	sst s10  }
0x35: {  	s10 =	sld [smem:$0x3FB4];
	_ =	sdelay $0x3  }
0x36: {  	p1 =	seq.s32 s10, $0x1;
	s10 =	sld [smem:$0x3FB5];
	_ =	sdelay $0x3  }
0x37: {  	[smem:$0x3FB5] =	sst s10  }
0x38: {  	s10 =	sld [smem:$0x3FB6]  }
0x39: {  	_ = 	snop;
	(pc) =	sbr.ind lr, $3  }
0x3a: {  	_ = 	snop  }
0x3b: {  	_ = 	snop  }
0x3c: {  	p2 =	seq.s32 s10, $0x1;
	s10 =	sld [smem:$0x3FB5]  }
0x3d: {  	_ =	shalt  }
0x3e: {  	_ =	shalt  }
0x3f: {  	_ =	shalt  }
0x40: {  	_ =	shalt  }
0x41: {  	_ =	shalt  }
0x42: {  	_ =	shalt  }
0x43: {  	_ =	shalt  }
0x44: {  	_ =	shalt  }
0x45: {  	_ =	shalt  }
0x46: {  	_ =	shalt  }
0x47: {  	_ =	shalt  }
0x48: {  	_ =	shalt  }
0x49: {  	_ =	shalt  }
0x4a: {  	_ =	shalt  }
0x4b: {  	_ =	shalt  }
0x4c: {  	_ =	shalt  }
0x4d: {  	_ =	shalt  }
0x4e: {  	_ =	shalt  }
0x4f: {  	_ =	shalt  }
0x50: {  	_ =	shalt  }
0x51: {  	_ =	shalt  }
0x52: {  	_ =	shalt  }
0x53: {  	_ =	shalt  }
0x54: {  	_ =	shalt  }
0x55: {  	_ =	shalt  }
0x56: {  	_ =	shalt  }
0x57: {  	_ =	shalt  }
0x58: {  	_ =	shalt  }
0x59: {  	_ =	shalt  }
0x5a: {  	_ =	shalt  }
0x5b: {  	_ =	shalt  }
0x5c: {  	_ =	shalt  }
0x5d: {  	_ =	shalt  }
0x5e: {  	_ =	shalt  }
0x5f: {  	_ =	shalt  }
0x60: {  	_ =	shalt  }
0x61: {  	_ =	shalt  }
0x62: {  	_ =	shalt  }
0x63: {  	_ =	shalt  }
0x64: {  	_ =	shalt  }
0x65: {  	_ =	shalt  }
0x66: {  	_ =	shalt  }
0x67: {  	_ =	shalt  }
0x68: {  	_ =	shalt  }
0x69: {  	_ =	shalt  }
0x6a: {  	_ =	shalt  }
0x6b: {  	_ =	shalt  }
0x6c: {  	_ =	shalt  }
0x6d: {  	_ =	shalt  }
0x6e: {  	_ =	shalt  }
0x6f: {  	_ =	shalt  }
0x70: {  	_ =	shalt  }
0x71: {  	_ =	shalt  }
0x72: {  	_ =	shalt  }
0x73: {  	_ =	shalt  }
0x74: {  	_ =	shalt  }
0x75: {  	_ =	shalt  }
0x76: {  	_ =	shalt  }
0x77: {  	_ =	shalt  }
0x78: {  	_ =	shalt  }
0x79: {  	_ =	shalt  }
0x7a: {  	_ =	shalt  }
0x7b: {  	_ =	shalt  }
0x7c: {  	_ =	shalt  }
0x7d: {  	_ =	shalt  }
0x7e: {  	_ =	shalt  }
0x7f: {  	_ =	shalt  }
0x80: {  	_ =	shalt  }
0x81: {  	_ =	shalt  }
0x82: {  	_ =	shalt  }
0x83: {  	_ =	shalt  }
0x84: {  	_ =	shalt  }
0x85: {  	_ =	shalt  }
0x86: {  	_ =	shalt  }
0x87: {  	_ =	shalt  }
.Lfunc_end0:
.L_simem_size_0:
called_computation.3_lowered:
.L_overlay_start_0:
0x88: {  	s2 =	sld [smem:$0x3FD9]  }
0x89: {  	s3 =	sld [smem:$0x3FFE];
	_ =	sdelay $0x1  }
0x8a: {  	s1 =	srdreg.scid  }
0x8b: {  	s0 =	sand.u32 $0x1, s1  }
0x8c: {  	s17 =	sshll.u32 s0, $0xA;
	s2 =	sadd.s32 s3, s2  }
0x8d: {  	s2 =	sadd.s32 s2, s17  }
0x8e: {  	[smem:$0x3FC1] =	sst s2  }
0x8f: {  	_ = 	snop  }
0x90: {  	s2 =	sld [smem:$0x3FC3];
	(tm) =	ssettm $0x1  }
0x91: {  	s18 =	sld [smem:$0x3FFB];
	_ =	sdelay $0x3  }
0x92: {  	_ =	strace s18  }
0x93: {  	s3 =	sld [smem:$0x3FFC];
	_ =	sdelay $0x3  }
0x94: {  	_ =	strace s3  }
0x95: {  	s3 =	sld [smem:$0x3FFD];
	_ =	sdelay $0x3  }
0x96: {  	_ =	strace s3  }
0x97: {  	_ =	strace $0x8FFFFFFF  }
0x98: {  	s19 =	sld [smem:$0x3FDB];
	_ =	sdelay $0x1  }
0x99: {  	s4 =	simm.s32 $_scs_section_size  }
0x9a: {  	s5 =	simm.s32 $_size__tile_overlayer_lowered;
	s6 =	simm.s32 $_tile_overlayer_lowered  }
0x9b: {  	s22 =	simm.s32 $0x1BFF;
	s21 =	sshll.u32 s6, $0x1;
	s3 =	sadd.s32 s4, s19  }
0x9c: {  	s7 =	simm.s32 $0x0;
	s20 =	sshll.u32 s5, $0x1;
	s5 =	sadd.s32 s21, s3  }
0x9d: {  	[timem:s7], [sflag:s22] =	dma.local [hbm:s5], s20  }
0x9e: {  	_ =	swait.ge [sflag:s22], s20  }
0x9f: {  	s4 =	ssub.s32 $0x0, s20;
	[sflag:s22] =	ssyncset.done $0x0  }
0xa0: {  	[sflag:s22] =	ssyncadd.s32 s4;
	_ =	sdelay $0x1  }
0xa1: {  	s23 =	simm.s32 $0x1B8B  }
0xa2: {  	_ =	swait.ge [sflag:s23], $0x1  }
0xa3: {  	[sflag:s23] =	ssyncset.done $0x0  }
0xa4: {  	s25 =	simm.s32 $0x1B8E;
	s24 =	sld [smem:$0x3FFE];
	[sflag:s23] =	ssyncadd.s32 $0xFFFFFFFF  }
0xa5: {  	s26 =	simm.s32 $execute0_lowered;
	[smem:$0x3FD2] =	sst s25  }
0xa6: {  	s5 =	sshll.u32 s26, $0x1;
	_ =	strace $0x8000004F;
	[dreg:$0x1] =	wrdreg $0xFFFFFFFF  }
0xa7: {  	s28 =	simm.s32 $_size_execute0_lowered;
	s3 =	sadd.s32 s3, s5;
	[dreg:$0x0] =	wrdreg $0x0  }
0xa8: {  	s5 =	sshll.u32 s28, $0x1;
	[dreg:$0x2] =	wrdreg s3  }
0xa9: {  	[dreg:$0x3] =	wrdreg s5  }
0xaa: {  	[dreg:$0x4] =	wrdreg $0xC0  }
0xab: {  	_ =	task [dreg:s7], $0x5FFFF  }
0xac: {  	[dreg:$0x1] =	wrdreg $0xFFFFFFFF  }
0xad: {  	[dreg:$0x0] =	wrdreg $0x60  }
0xae: {  	[dreg:$0x2] =	wrdreg s24  }
0xaf: {  	[dreg:$0x3] =	wrdreg s2  }
0xb0: {  	[dreg:$0x4] =	wrdreg $0x9  }
0xb1: {  	_ =	task.clear_ibuf [dreg:s7], $0x5FFFF;
	_ =	strace $0x9000004F  }
0xb2: {  	s29 =	simm.s32 $0x9;
	_ =	strace $0x80000051  }
0xb3: {  	_ =	swait.ge [sflag:s29], $0x1  }
0xb4: {  	[sflag:s29] =	ssyncadd.s32 $0xFFFFFFFF  }
0xb5: {  	_ =	strace $0x90000051  }
0xb6: {  	_ =	sfence  }
0xb7: {  	s30 =	sld [smem:$0x0];
	_ =	sdelay $0x2  }
0xb8: {  	s31 =	sshll.u32 s1, $0xD;
	s1 =	sshrl.u32 s1, $0x2  }
0xb9: {  	s3 =	sand.u32 $0x4000, s31;
	s1 =	sadd.s32 s1, s30  }
0xba: {  	s0 =	sor.u32 s3, s0;
	s1 =	sshll.u32 s1, $0x11  }
0xbb: {  	s0 =	sor.u32 s1, s0  }
0xbc: {  	s0 =	sadd.s32 $0x8F2B, s0  }
0xbd: {  	[sflag:s0] =	ssyncadd.remote.s32 $0x1  }
0xbe: {  	_ =	sfence.sel $0xFFFF  }
0xbf: {  	[dreg:$0x0] =	wrdreg $0xFFFFFFFF;
	(pc) =	sbr.abs _section_cstart, $3  }
0xc0: {  	[dreg:$0x1] =	wrdreg $0xFFFFFFFF  }
0xc1: {  	_ =	task.clear_ibuf [dreg:s7], $0x2FFFF;
	_ =	strace $0x9FFFFFFF  }
0xc2: {  	(tm) =	ssettm $0x7FFFFFFF  }
0xc3: {  	_ =	shalt  }
tec
execute0_lowered:
.L_overlay_start_1:
0x0: {  	(tag) =	ssettag $0x1  }
0x1: {  	v2 =	vlaneseq.u32;
	vm0 =	vmmov $0xffff  }
0x2: {  	v3 =	vimm.s32 $0xB80;
	vm1 =	vcmask $0x300;
	v4 =	vimm.s32 $0x1B80  }
0x3: {  	vm2 =	vcmask $0x704;
	v1 =	vshrl.u32 v2, $0x3;
	v0 =	vand.u32 $0x7, v2  }
0x4: {  	v3 =	vsel vm1, $0x0, v3;
	v4 =	vsel vm1, $0x1000, v4;
	vm1 =	vcmask $0xB08  }
0x5: {  	v2 =	vor.u32 $0x8, v2;
	v3 =	vsel vm2, $0x80, v3;
	v4 =	vsel vm2, $0x1080, v4  }
0x6: {  	s6 =	rddreg [dreg:$0x0];
	vm2 =	vcmask $0xF0C;
	v3 =	vsel vm1, $0x100, v3;
	v4 =	vsel vm1, $0x1100, v4  }
0x7: {  	s1 =	rddreg [dreg:$0x1];
	vm1 =	vcmask $0x1310;
	v3 =	vsel vm2, $0x180, v3;
	v4 =	vsel vm2, $0x1180, v4  }
0x8: {  	s0 =	rddreg [dreg:$0x2];
	vm2 =	vcmask $0x1714;
	v3 =	vsel vm1, $0x200, v3;
	v4 =	vsel vm1, $0x1200, v4  }
0x9: {  	s4 =	srdreg.scid;
	s2 =	stileid.u32;
	s3 =	simm.s32 $0x0;
	vm1 =	vcmask $0x1B18;
	v3 =	vsel vm2, $0x280, v3;
	v4 =	vsel vm2, $0x1280, v4  }
0xa: {  	s11 =	simm.s32 $0x2880;
	s12 =	simm.s32 $0x2980;
	s13 =	simm.s32 $0x3180;
	vm2 =	vcmask $0x1F1C;
	v3 =	vsel vm1, $0x300, v3;
	v4 =	vsel vm1, $0x1300, v4  }
0xb: {  	s14 =	simm.s32 $0x3980;
	s15 =	simm.s32 $0x4180;
	s16 =	simm.s32 $0x1;
	vm1 =	vcmask $0x2320;
	v3 =	vsel vm2, $0x380, v3;
	v4 =	vsel vm2, $0x1380, v4  }
0xc: {  	s17 =	simm.s32 $0x4980;
	s5 =	sand.u32 $0x1, s4;
	s31 =	sshll.u32 s2, $0x1;
	vm2 =	vcmask $0x2724;
	v3 =	vsel vm1, $0x800, v3;
	v4 =	vsel vm1, $0x1800, v4  }
0xd: {  	s18 =	simm.s32 $0x0;
	[smem:$0x7FF] =	sst s3;
	s7 =	sor.u32 s5, s31;
	vm1 =	vcmask $0x2B28;
	v3 =	vsel vm2, $0x880, v3;
	v4 =	vsel vm2, $0x1880, v4  }
0xe: {  	_ =	strace $0x80000050;
	s9 =	ssub.s32 $0x2, s5;
	s5 =	sadd.s32 $0xB600, s6;
	vm2 =	vcmask $0x2F2C;
	v3 =	vsel vm1, $0x900, v3;
	v4 =	vsel vm1, $0x1900, v4  }
0xf: {  	s4 =	sshll.u32 s7, $0x4;
	s7 =	sshll.u32 s7, $0xA;
	s10 =	sshrl.u32 s9, $0x1;
	vm1 =	vcmask $0x3330;
	v3 =	vsel vm2, $0x980, v3;
	v4 =	vsel vm2, $0x1980, v4  }
0x10: {  	s8 =	sadd.s32 s4, s6;
	s4 =	sadd.s32 $0x69000, s6;
	s7 =	sadd.s32 s7, s6;
	vm2 =	vcmask $0x3734;
	v3 =	vsel vm1, $0xA00, v3;
	v4 =	vsel vm1, $0x1A00, v4  }
0x11: {  	s9 =	ssub.s32 s9, s10;
	s10 =	simm.s32 $0x80;
	s6 =	sadd.s32 $0xB400, s8;
	vm1 =	vcmask $0x3B38;
	v3 =	vsel vm2, $0xA80, v3;
	v4 =	vsel vm2, $0x1A80, v4  }
0x12: {  	v1 =	vmul.u32 $0x8, v1;
	s7 =	sadd.s32 $0x2C00, s7;
	s8 =	smax.u32 s9, $0x1;
	s9 =	simm.s32 $0x2;
	v3 =	vsel vm1, $0xB00, v3;
	v4 =	vsel vm1, $0x1B00, v4  }
.LBB2_1:
0x13: {  	[tilespmem:s3], [sflag:$0x2] =	stream.linear.gather [hbm4b:s6+s3], $0x80, $0x38;
	[tilespmem:$0x6980] =	vst v63  }
0x14: {  	_ =	swait.ge [sflag:s9], $0x80  }
0x15: {  	[sflag:s9] =	ssyncset.done $0x0  }
0x16: {  	[sflag:s9] =	ssyncadd.s32 $0xFFFFFF80  }
0x17: {  	[tilespmem:s10], [sflag:$0x2] =	stream.linear.gather [hbm4b:s5+s3], $0x2800, $0x38;
	[tilespmem:$0x6980] =	vst v63  }
0x18: {  	_ =	swait.ge [sflag:s9], $0x2800  }
0x19: {  	[sflag:s9] =	ssyncset.done $0x0  }
0x1a: {  	[sflag:s9] =	ssyncadd.s32 $0xFFFFD800  }
0x1b: {  	[tilespmem:s11], [sflag:$0x2] =	stream.linear.gather [hbm4b:s1+s3], $0x100, $0x38;
	[tilespmem:$0x6980] =	vst v63  }
0x1c: {  	_ =	swait.ge [sflag:s9], $0x100  }
0x1d: {  	[sflag:s9] =	ssyncset.done $0x0  }
0x1e: {  	[sflag:s9] =	ssyncadd.s32 $0xFFFFFF00  }
0x1f: {  	v5 =	vld [tilespmem:$0x0];
	_ =	sdelay $0x4  }
0x20: {  	v6 =	vshll.u32 v5, $0x1  }
0x21: {  	v5 =	vand.u32 $0x7, v5;
	v6 =	vand.u32 $0xFFFFFFF0, v6  }
0x22: {  	v5 =	vor.u32 v5, v6  }
0x23: {  	v6 =	vperm.xlane v5, v0;
	_ =	sdelay $0x1  }
0x24: {  	v5 =	vperm.xlane v5, v2;
	v6 =	vadd.s32 v1, v6;
	_ =	sdelay $0x1  }
0x25: {  	v5 =	vadd.s32 v1, v5;
	_ =	sdelay $0x2  }
0x26: {  	[tilespmem:s12], [sflag:$0x1] =	stream.indirect_vreg.gather [hbm4b:s4+s3], $0x80, v6, vm0, $0xb8;
	[tilespmem:$0x6980] =	vst v63  }
0x27: {  	_ = 	snop  }
0x28: {  	[tilespmem:s13], [sflag:$0x1] =	stream.indirect_vreg.gather [hbm4b:s4+s3], $0x80, v5, vm0, $0xb8;
	[tilespmem:$0x6980] =	vst v63  }
0x29: {  	v5 =	vld [tilespmem:$0x10];
	_ =	sdelay $0x4  }
0x2a: {  	v6 =	vshll.u32 v5, $0x1  }
0x2b: {  	v5 =	vand.u32 $0x7, v5;
	v6 =	vand.u32 $0xFFFFFFF0, v6  }
0x2c: {  	v5 =	vor.u32 v5, v6  }
0x2d: {  	v6 =	vperm.xlane v5, v0;
	_ =	sdelay $0x1  }
0x2e: {  	v5 =	vperm.xlane v5, v2;
	v6 =	vadd.s32 v1, v6;
	_ =	sdelay $0x1  }
0x2f: {  	v5 =	vadd.s32 v1, v5;
	_ =	sdelay $0x2  }
0x30: {  	[tilespmem:s14], [sflag:$0x1] =	stream.indirect_vreg.gather [hbm4b:s4+s3], $0x80, v6, vm0, $0xb8;
	[tilespmem:$0x6980] =	vst v63  }
0x31: {  	_ = 	snop  }
0x32: {  	[tilespmem:s15], [sflag:$0x1] =	stream.indirect_vreg.gather [hbm4b:s4+s3], $0x80, v5, vm0, $0xb8;
	[tilespmem:$0x6980] =	vst v63  }
0x33: {  	v10 =	vmov s3;
	_ =	swait.ge [sflag:s16], $0x2000  }
0x34: {  	v7 =	vshll.u32 v10, $0x3;
	[sflag:s16] =	ssyncset.done $0x0  }
0x35: {  	v8 =	vand.u32 $0x7F, v10;
	v7 =	vand.u32 $0x400, v7;
	[sflag:s16] =	ssyncadd.s32 $0xFFFFE000  }
0x36: {  	v8 =	vor.u32 v8, v7;
	v5 =	vld [tilespmem:$0x0]  }
0x37: {  	v7 =	vor.u32 v3, v8;
	v6 =	vld [tilespmem:$0x10]  }
0x38: {  	v8 =	vor.u32 v4, v8;
	_ =	sdelay $0x3  }
0x39: {  	v12 =	vld.idx.msk [tilespmem:v7+s12+$0x0], $0xffff  }
0x3a: {  	v11 =	vld.idx.msk [tilespmem:v8+s12+$0x0], $0xffff  }
0x3b: {  	v5 =	vld.idx.msk [tilespmem:v5+s10+$0x0], $0xffff  }
0x3c: {  	s19 =	simm.s32 $0x1;
	v6 =	vld.idx.msk [tilespmem:v6+s10+$0x0], $0xffff  }
0x3d: {  	v9 =	vmov s19;
	v10 =	vld.idx.msk [tilespmem:v10+s11+$0x0], $0xffff  }
0x3e: {  	s19 =	simm.s32 $0x2;
	v13 =	vshll.u32 v9, $0x3  }
.LBB2_2:
0x3f: {  	p0 =	sne.s32 s19, $0xFF;
	v14 =	vand.u32 $0x7F, v9;
	v13 =	vand.u32 $0x400, v13  }
0x40: {  	v12 =	vmul.f32 v12, v5;
	v13 =	vor.u32 v14, v13  }
0x41: {  	v11 =	vmul.f32 v11, v6;
	v14 =	vor.u32 v3, v13  }
0x42: {  	v13 =	vor.u32 v4, v13;
	v12 =	vadd.f32 v12, v10  }
0x43: {  	v10 =	vadd.f32 v11, v10  }
0x44: {  	[tilespmem:v7+s17+$0x0] =	vst.idx.msk $0xffff, v12;
	v7 =	vmov v14  }
0x45: {  	[tilespmem:v8+s17+$0x0] =	vst.idx.msk $0xffff, v10;
	v8 =	vmov v13  }
.Ltmp0:
0x46: {  	v12 =	vld.idx.msk [tilespmem:v14+s12+$0x0], $0xffff;
	(pc) =	sbr.rel @p0 .LBB2_2-.Ltmp0, $4  }
0x47: {  	v11 =	vld.idx.msk [tilespmem:v13+s12+$0x0], $0xffff  }
0x48: {  	v10 =	vld.idx.msk [tilespmem:v9+s11+$0x0], $0xffff  }
0x49: {  	v9 =	vmov s19  }
0x4a: {  	s19 =	sadd.s32 $0x1, s19;
	v13 =	vshll.u32 v9, $0x3  }
0x4b: {  	v14 =	vand.u32 $0x7F, v9;
	v13 =	vand.u32 $0x400, v13  }
0x4c: {  	v12 =	vmul.f32 v12, v5;
	v13 =	vor.u32 v14, v13  }
0x4d: {  	v11 =	vmul.f32 v11, v6;
	v14 =	vor.u32 v3, v13  }
0x4e: {  	v13 =	vor.u32 v4, v13;
	v12 =	vadd.f32 v12, v10  }
0x4f: {  	v62 =	vadd.f32 v11, v10  }
0x50: {  	[tilespmem:v7+s17+$0x0] =	vst.idx.msk $0xffff, v12  }
0x51: {  	[tilespmem:v8+s17+$0x0] =	vst.idx.msk $0xffff, v62  }
0x52: {  	v7 =	vld.idx.msk [tilespmem:v14+s12+$0x0], $0xffff  }
0x53: {  	v8 =	vld.idx.msk [tilespmem:v13+s12+$0x0], $0xffff  }
0x54: {  	v63 =	vld.idx.msk [tilespmem:v9+s11+$0x0], $0xffff;
	_ =	sdelay $0x2  }
0x55: {  	v5 =	vmul.f32 v7, v5  }
0x56: {  	v6 =	vmul.f32 v8, v6  }
0x57: {  	v5 =	vadd.f32 v5, v63  }
0x58: {  	s18 =	sadd.s32 $0x1, s18;
	v6 =	vadd.f32 v6, v63  }
0x59: {  	p0 =	sne.s32 s18, s8;
	[tilespmem:v14+s17+$0x0] =	vst.idx.msk $0xffff, v5  }
.Ltmp1:
0x5a: {  	[tilespmem:v13+s17+$0x0] =	vst.idx.msk $0xffff, v6;
	(pc) =	sbr.rel @p0 .LBB2_1-.Ltmp1, $4  }
0x5b: {  	[hbm4b:s7+s3] =	stream.linear.scatter [tilespmem:s17], [sflag:$0x2], $0x2000, $0x38;
	[tilespmem:$0x6980] =	vst v63  }
0x5c: {  	_ =	swait.ge [sflag:s9], $0x2000  }
0x5d: {  	[sflag:s9] =	ssyncset.done $0x0  }
0x5e: {  	[sflag:s9] =	ssyncadd.s32 $0xFFFFE000  }
0x5f: {  	_ =	sfence.sel $0x180000  }
0x60: {  	[bflag:$0x0] =	sbarrier.arrive $0xFFFF  }
0x61: {  	p0 =	sne.s32 s2, $0x0;
	_ =	strace $0x90000050  }
0x62: {  	s0 =	sadd.s32 @!p0 $0x100000, s0;
	[bflag:$0x2] =	sbarrier.arrive $0xFFFF  }
0x63: {  	[sflag:s0] =	ssyncadd.tile.s32 @!p0 $0x1;
	_ =	shalt  }
.Lfunc_end2:
_tile_overlayer_lowered:
.L_overlay_start_2:
0x64: {  	(tag) =	ssettag $0x2  }
0x65: {  	s0 =	rddreg [dreg:$0x0];
	s2 =	stileid.u32  }
0x66: {  	s1 =	rddreg [dreg:$0x1];
	p0 =	sne.s32 s2, $0x0  }
0x67: {  	s3 =	rddreg [dreg:$0x2];
	[bflag:$0x3] =	sbarrier.arrive $0xFFFF;
	s2 =	simm.s32 @!p0 $0x1C02  }
0x68: {  	[timem:s3], [sflag:s2] =	dma.local @!p0 [hbm:s0], s1  }
0x69: {  	s0 =	simm.s32 @!p0 $0x2  }
0x6a: {  	_ =	swait.ge @!p0 [sflag:s0], s1  }
0x6b: {  	s1 =	ssub.s32 @!p0 $0x0, s1;
	[sflag:s0] =	ssyncset.done @!p0 $0x0  }
0x6c: {  	[sflag:s0] =	ssyncadd.s32 @!p0 s1  }
0x6d: {  	[bflag:$0x3] =	sbarrier.arrive $0xFFFF  }
0x6e: {  	_ =	shalt  }

// kernel: kernel.8.cloned.1.call-start
scs
__scs_entry_jumppad:
0x0: {  	(pc) =	sbr.rel $0x88, $3  }
0x1: {  	(tag) =	ssettag $0x0;
	lr =	simm.s32 $0x1  }
0x2: {  	[smem:$0x3F9A] =	sst lr;
	_ =	strace $0xD0000000  }
0x3: {  	_ = 	snop  }
0x4: {  	_ = 	snop  }
0x5: {  	_ = 	snop  }
0x6: {  	_ = 	snop  }
0x7: {  	_ = 	snop  }
__scs_overlays_trampoline_lowered:
0x8: {  	[smem:$0x3FA9] =	sst s0  }
0x9: {  	[smem:$0x3FAA] =	sst s1  }
0xa: {  	[smem:$0x3FAB] =	sst s2  }
0xb: {  	[smem:$0x3FAC] =	sst s3  }
0xc: {  	[smem:$0x3FAD] =	sst s4  }
0xd: {  	[smem:$0x3FAE] =	sst s5  }
0xe: {  	[smem:$0x3FAF] =	sst s6  }
0xf: {  	[smem:$0x3FB0] =	sst s7  }
0x10: {  	[smem:$0x3FB1] =	sst s8  }
0x11: {  	[smem:$0x3FB2] =	sst s9;
	s0 =	simm.s32 @!p0 $0x0  }
0x12: {  	s1 =	sld [smem:$0x3F98];
	s0 =	simm.s32 @p0 $0x1  }
0x13: {  	[smem:$0x3FB3] =	sst s0;
	s0 =	simm.s32 @!p1 $0x0  }
0x14: {  	s2 =	sld [smem:$0x3F97];
	s0 =	simm.s32 @p1 $0x1  }
0x15: {  	[smem:$0x3FB4] =	sst s0;
	s0 =	simm.s32 @!p2 $0x0  }
0x16: {  	s3 =	sld [smem:$0x3FDB];
	s0 =	simm.s32 @p2 $0x1  }
0x17: {  	s4 =	simm.s32 $0x1BF5;
	[smem:$0x3FB6] =	sst s0  }
0x18: {  	s0 =	sld [smem:$0x3F99];
	_ =	swait.ge [sflag:s4], $0x0  }
0x19: {  	s7 =	sld [smem:$0x3F9A]  }
0x1a: {  	s8 =	sadd.s32 $0xFFFFE003, lr  }
0x1b: {  	s9 =	sadd.s32 $0xFFFFFEF7, lr;
	s5 =	simm.s32 $0xFFFFFFFF;
	p2 =	slt.u32 s8, $0xFFFFF086  }
0x1c: {  	p1 =	slt.u32 s9, $0xF7A;
	s5 =	simm.s32 @!p2 $0x0  }
0x1d: {  	s5 =	simm.s32 @p1 $0x1;
	p0 =	seq.s32 s7, s2  }
0x1e: {  	s7 =	smul.u32 @!p0 $0xF7A, s2;
	p2 =	seq.s32 @!p0 s5, $0x0  }
0x1f: {  	s9 =	smul.u32 $0xF7A, s1;
	s8 =	simm.s32 @!p0 $0x1BF5;
	p2 =	por !p2, p0  }
0x20: {  	[sflag:s8] =	ssyncset.s32 @!p0 $0xFFFFF086;
	s6 =	sadd.s32 @!p0 s3, s7;
	s7 =	simm.s32 @!p0 $0x108  }
0x21: {  	s3 =	sadd.s32 s3, s9;
	s6 =	sadd.s32 @!p0 $0x88, s6;
	s7 =	simm.s32 @p2 $0x1082  }
0x22: {  	[simem:s7], [sflag:s8] =	dma.local @!p0 [hbm:s6], $0xF7A  }
0x23: {  	s9 =	sor.u32 $0xD0000000, s2;
	s6 =	simm.s32 $0x108;
	_ =	swait.ge @!p0 [sflag:s8], $0x0  }
0x24: {  	s3 =	sadd.s32 $0x88, s3;
	s6 =	simm.s32 @!p1 $0x1082;
	[sflag:s4] =	ssyncset.s32 $0xFFFFF086  }
0x25: {  	[simem:s6], [sflag:s4] =	dma.local [hbm:s3], $0xF7A  }
0x26: {  	[smem:$0x3F9A] =	sst s1;
	(tag) =	ssettag s2;
	_ =	strace s9  }
0x27: {  	s1 =	sld [smem:$0x3FAA]  }
0x28: {  	s2 =	sld [smem:$0x3FAB]  }
0x29: {  	s4 =	sld [smem:$0x3FAD]  }
0x2a: {  	p0 =	seq.s32 s5, $0x0;
	s5 =	sld [smem:$0x3FAE]  }
0x2b: {  	s6 =	sld [smem:$0x3FAF]  }
0x2c: {  	s7 =	sld [smem:$0x3FB0]  }
0x2d: {  	s3 =	simm.s32 $0x108;
	s8 =	sld [smem:$0x3FB1]  }
0x2e: {  	s3 =	simm.s32 @!p0 $0x1082;
	s9 =	sld [smem:$0x3FB2]  }
0x2f: {  	lr =	sadd.s32 s0, s3;
	s0 =	sld [smem:$0x3FA9]  }
0x30: {  	s3 =	sld [smem:$0x3FAC]  }
0x31: {  	[smem:$0x3FB5] =	sst s10  }
0x32: {  	s10 =	sld [smem:$0x3FB3];
	_ =	sdelay $0x3  }
0x33: {  	p0 =	seq.s32 s10, $0x1;
	s10 =	sld [smem:$0x3FB5];
	_ =	sdelay $0x3  }
0x34: {  	[smem:$0x3FB5] =	sst s10  }
0x35: {  	s10 =	sld [smem:$0x3FB4];
	_ =	sdelay $0x3  }
0x36: {  	p1 =	seq.s32 s10, $0x1;
	s10 =	sld [smem:$0x3FB5];
	_ =	sdelay $0x3  }
0x37: {  	[smem:$0x3FB5] =	sst s10  }
0x38: {  	s10 =	sld [smem:$0x3FB6]  }
0x39: {  	_ = 	snop;
	(pc) =	sbr.ind lr, $3  }
0x3a: {  	_ = 	snop  }
0x3b: {  	_ = 	snop  }
0x3c: {  	p2 =	seq.s32 s10, $0x1;
	s10 =	sld [smem:$0x3FB5]  }
0x3d: {  	_ =	shalt  }
0x3e: {  	_ =	shalt  }
0x3f: {  	_ =	shalt  }
0x40: {  	_ =	shalt  }
0x41: {  	_ =	shalt  }
0x42: {  	_ =	shalt  }
0x43: {  	_ =	shalt  }
0x44: {  	_ =	shalt  }
0x45: {  	_ =	shalt  }
0x46: {  	_ =	shalt  }
0x47: {  	_ =	shalt  }
0x48: {  	_ =	shalt  }
0x49: {  	_ =	shalt  }
0x4a: {  	_ =	shalt  }
0x4b: {  	_ =	shalt  }
0x4c: {  	_ =	shalt  }
0x4d: {  	_ =	shalt  }
0x4e: {  	_ =	shalt  }
0x4f: {  	_ =	shalt  }
0x50: {  	_ =	shalt  }
0x51: {  	_ =	shalt  }
0x52: {  	_ =	shalt  }
0x53: {  	_ =	shalt  }
0x54: {  	_ =	shalt  }
0x55: {  	_ =	shalt  }
0x56: {  	_ =	shalt  }
0x57: {  	_ =	shalt  }
0x58: {  	_ =	shalt  }
0x59: {  	_ =	shalt  }
0x5a: {  	_ =	shalt  }
0x5b: {  	_ =	shalt  }
0x5c: {  	_ =	shalt  }
0x5d: {  	_ =	shalt  }
0x5e: {  	_ =	shalt  }
0x5f: {  	_ =	shalt  }
0x60: {  	_ =	shalt  }
0x61: {  	_ =	shalt  }
0x62: {  	_ =	shalt  }
0x63: {  	_ =	shalt  }
0x64: {  	_ =	shalt  }
0x65: {  	_ =	shalt  }
0x66: {  	_ =	shalt  }
0x67: {  	_ =	shalt  }
0x68: {  	_ =	shalt  }
0x69: {  	_ =	shalt  }
0x6a: {  	_ =	shalt  }
0x6b: {  	_ =	shalt  }
0x6c: {  	_ =	shalt  }
0x6d: {  	_ =	shalt  }
0x6e: {  	_ =	shalt  }
0x6f: {  	_ =	shalt  }
0x70: {  	_ =	shalt  }
0x71: {  	_ =	shalt  }
0x72: {  	_ =	shalt  }
0x73: {  	_ =	shalt  }
0x74: {  	_ =	shalt  }
0x75: {  	_ =	shalt  }
0x76: {  	_ =	shalt  }
0x77: {  	_ =	shalt  }
0x78: {  	_ =	shalt  }
0x79: {  	_ =	shalt  }
0x7a: {  	_ =	shalt  }
0x7b: {  	_ =	shalt  }
0x7c: {  	_ =	shalt  }
0x7d: {  	_ =	shalt  }
0x7e: {  	_ =	shalt  }
0x7f: {  	_ =	shalt  }
0x80: {  	_ =	shalt  }
0x81: {  	_ =	shalt  }
0x82: {  	_ =	shalt  }
0x83: {  	_ =	shalt  }
0x84: {  	_ =	shalt  }
0x85: {  	_ =	shalt  }
0x86: {  	_ =	shalt  }
0x87: {  	_ =	shalt  }
.Lfunc_end0:
.L_simem_size_0:
called_computation_lowered:
.L_overlay_start_0:
0x88: {  	s2 =	sld [smem:$0x3FD9]  }
0x89: {  	s3 =	sld [smem:$0x3FFE];
	_ =	sdelay $0x1  }
0x8a: {  	s1 =	srdreg.scid  }
0x8b: {  	s0 =	sand.u32 $0x1, s1  }
0x8c: {  	s17 =	sshll.u32 s0, $0xA;
	s2 =	sadd.s32 s3, s2  }
0x8d: {  	s2 =	sadd.s32 s2, s17  }
0x8e: {  	[smem:$0x3FC1] =	sst s2  }
0x8f: {  	_ = 	snop  }
0x90: {  	s2 =	sld [smem:$0x3FD0];
	(tm) =	ssettm $0x1  }
0x91: {  	s18 =	sld [smem:$0x3FFB];
	_ =	sdelay $0x3  }
0x92: {  	_ =	strace s18  }
0x93: {  	s3 =	sld [smem:$0x3FFC];
	_ =	sdelay $0x3  }
0x94: {  	_ =	strace s3  }
0x95: {  	s3 =	sld [smem:$0x3FFD];
	_ =	sdelay $0x3  }
0x96: {  	_ =	strace s3  }
0x97: {  	_ =	strace $0x8FFFFFFF  }
0x98: {  	s19 =	sld [smem:$0x3FDB];
	_ =	sdelay $0x1  }
0x99: {  	s4 =	simm.s32 $_scs_section_size  }
0x9a: {  	s5 =	simm.s32 $_size__tile_overlayer_lowered;
	s6 =	simm.s32 $_tile_overlayer_lowered  }
0x9b: {  	s22 =	simm.s32 $0x1BFF;
	s21 =	sshll.u32 s6, $0x1;
	s3 =	sadd.s32 s4, s19  }
0x9c: {  	s7 =	simm.s32 $0x0;
	s20 =	sshll.u32 s5, $0x1;
	s5 =	sadd.s32 s21, s3  }
0x9d: {  	[timem:s7], [sflag:s22] =	dma.local [hbm:s5], s20  }
0x9e: {  	_ =	swait.ge [sflag:s22], s20  }
0x9f: {  	s4 =	ssub.s32 $0x0, s20;
	[sflag:s22] =	ssyncset.done $0x0  }
0xa0: {  	[sflag:s22] =	ssyncadd.s32 s4;
	_ =	sdelay $0x1  }
0xa1: {  	s23 =	simm.s32 $0x1B8B  }
0xa2: {  	_ =	swait.ge [sflag:s23], $0x1  }
0xa3: {  	[sflag:s23] =	ssyncset.done $0x0  }
0xa4: {  	s25 =	simm.s32 $0x1B8E;
	s24 =	sld [smem:$0x3FFE];
	[sflag:s23] =	ssyncadd.s32 $0xFFFFFFFF  }
0xa5: {  	s26 =	simm.s32 $execute0_lowered;
	[smem:$0x3FD2] =	sst s25  }
0xa6: {  	s5 =	sshll.u32 s26, $0x1;
	_ =	strace $0x80000046;
	[dreg:$0x1] =	wrdreg $0xFFFFFFFF  }
0xa7: {  	s28 =	simm.s32 $_size_execute0_lowered;
	s3 =	sadd.s32 s3, s5;
	[dreg:$0x0] =	wrdreg $0x0  }
0xa8: {  	s5 =	sshll.u32 s28, $0x1;
	[dreg:$0x2] =	wrdreg s3  }
0xa9: {  	[dreg:$0x3] =	wrdreg s5  }
0xaa: {  	[dreg:$0x4] =	wrdreg $0xC0  }
0xab: {  	_ =	task [dreg:s7], $0x5FFFF  }
0xac: {  	[dreg:$0x1] =	wrdreg $0xFFFFFFFF  }
0xad: {  	[dreg:$0x0] =	wrdreg $0x60  }
0xae: {  	[dreg:$0x2] =	wrdreg s24  }
0xaf: {  	[dreg:$0x3] =	wrdreg s2  }
0xb0: {  	[dreg:$0x4] =	wrdreg $0x102000  }
0xb1: {  	[dreg:$0x5] =	wrdreg $0x9  }
0xb2: {  	_ =	task.clear_ibuf [dreg:s7], $0x6FFFF;
	_ =	strace $0x90000046  }
0xb3: {  	s29 =	simm.s32 $0x9;
	_ =	strace $0x80000048  }
0xb4: {  	_ =	swait.ge [sflag:s29], $0x1  }
0xb5: {  	[sflag:s29] =	ssyncadd.s32 $0xFFFFFFFF  }
0xb6: {  	_ =	strace $0x90000048  }
0xb7: {  	_ =	sfence  }
0xb8: {  	s30 =	sld [smem:$0x0];
	_ =	sdelay $0x2  }
0xb9: {  	s31 =	sshll.u32 s1, $0xD;
	s1 =	sshrl.u32 s1, $0x2  }
0xba: {  	s3 =	sand.u32 $0x4000, s31;
	s1 =	sadd.s32 s1, s30  }
0xbb: {  	s0 =	sor.u32 s3, s0;
	s1 =	sshll.u32 s1, $0x11  }
0xbc: {  	s0 =	sor.u32 s1, s0  }
0xbd: {  	s0 =	sadd.s32 $0x8F2B, s0  }
0xbe: {  	[sflag:s0] =	ssyncadd.remote.s32 $0x1  }
0xbf: {  	_ =	sfence.sel $0xFFFF  }
0xc0: {  	[dreg:$0x0] =	wrdreg $0xFFFFFFFF;
	(pc) =	sbr.abs _section_cstart, $3  }
0xc1: {  	[dreg:$0x1] =	wrdreg $0xFFFFFFFF  }
0xc2: {  	_ =	task.clear_ibuf [dreg:s7], $0x2FFFF;
	_ =	strace $0x9FFFFFFF  }
0xc3: {  	(tm) =	ssettm $0x7FFFFFFF  }
tec
execute0_lowered:
.L_overlay_start_1:
0x0: {  	(tag) =	ssettag $0x1  }
0x1: {  	s8 =	rddreg [dreg:$0x0]  }
0x2: {  	s9 =	rddreg [dreg:$0x1]  }
0x3: {  	s2 =	rddreg [dreg:$0x2]  }
0x4: {  	s1 =	stileid.u32;
	s0 =	rddreg [dreg:$0x3]  }
0x5: {  	s3 =	simm.s32 $0x0;
	s18 =	srdreg.scid;
	s19 =	simm.s32 $0x5400  }
0x6: {  	s20 =	simm.s32 $0x8000;
	s21 =	simm.s32 $0x8400;
	s4 =	smul.u32 $0x500, s1  }
0x7: {  	s22 =	simm.s32 $0x10100;
	s23 =	simm.s32 $0x80;
	s10 =	smul.u32 $0x580, s1  }
0x8: {  	[smem:$0x7FF] =	sst s3;
	s11 =	smul.u32 $0x280, s1;
	s5 =	sadd.s32 $0xDE00, s8  }
0x9: {  	s6 =	sadd.s32 $0xDC00, s8;
	s7 =	sadd.s32 $0xD600, s8;
	s15 =	sshrl.u32 s1, $0x3  }
0xa: {  	s16 =	sshll.u32 s1, $0x7;
	s24 =	sand.u32 $0x1, s18;
	s18 =	simm.s32 $0x2800  }
0xb: {  	_ =	strace $0x80000047;
	s17 =	smul.u32 $0x15000, s15;
	s16 =	sand.u32 $0x380, s16  }
0xc: {  	s15 =	sshll.u32 s15, $0xA;
	s30 =	ssub.s32 $0x2, s24;
	p0 =	sne.s32 s24, $0x0  }
0xd: {  	s24 =	simm.s32 $0x0;
	s12 =	sadd.s32 s4, s8;
	s13 =	sadd.s32 s10, s8  }
0xe: {  	s4 =	sadd.s32 $0xD400, s8;
	s14 =	sshrl.u32 s11, $0x3;
	s15 =	sor.u32 s16, s15  }
0xf: {  	s31 =	sshrl.u32 s30, $0x1;
	s9 =	sadd.s32 s9, s10;
	s11 =	sadd.s32 s11, s2  }
0x10: {  	s14 =	sadd.s32 s14, s8;
	s17 =	sor.u32 s16, s17;
	s15 =	sshrl.u32 s15, $0x3  }
0x11: {  	s16 =	ssub.s32 s30, s31;
	s10 =	sadd.s32 $0x2C00, s13;
	s17 =	sshrl.u32 s17, $0x3  }
0x12: {  	s15 =	sadd.s32 s15, s8;
	s16 =	smax.u32 s16, $0x1;
	s17 =	sadd.s32 s17, s8  }
0x13: {  	s8 =	sadd.s32 $0x8400, s12;
	s12 =	sadd.s32 $0xE000, s14;
	s15 =	sadd.s32 $0x18E00, s15  }
0x14: {  	v0 =	vimm.s32 $0x1;
	v1 =	vimm.s32 $0x0;
	v2 =	vimm.s32 $0x2720;
	s13 =	sadd.s32 $0xE600, s17;
	s14 =	sadd.s32 $0x13A00, s17;
	s17 =	simm.s32 $0x1  }
.LBB2_1:
0x15: {  	[tilespmem:s3], [sflag:$0x1] =	stream.linear.gather [hbm4b:s8+s3], $0x2780, $0x38;
	[tilespmem:$0x10480] =	vst v63  }
0x16: {  	_ =	swait.ge [sflag:s17], $0x2780  }
0x17: {  	[sflag:s17] =	ssyncset.done $0x0  }
0x18: {  	[sflag:s17] =	ssyncadd.s32 $0xFFFFD880  }
0x19: {  	[tilespmem:s18], [sflag:$0x1] =	stream.linear.gather [hbm4b:s9+s3], $0x2A00, $0x38;
	[tilespmem:$0x10480] =	vst v63  }
0x1a: {  	_ =	swait.ge [sflag:s17], $0x2A00  }
0x1b: {  	[sflag:s17] =	ssyncset.done $0x0  }
0x1c: {  	[sflag:s17] =	ssyncadd.s32 $0xFFFFD600  }
0x1d: {  	[tilespmem:s19], [sflag:$0x1] =	stream.linear.gather [hbm4b:s10+s3], $0x2A00, $0x38;
	[tilespmem:$0x10480] =	vst v63  }
0x1e: {  	_ =	swait.ge [sflag:s17], $0x2A00  }
0x1f: {  	[sflag:s17] =	ssyncset.done $0x0  }
0x20: {  	[sflag:s17] =	ssyncadd.s32 $0xFFFFD600  }
0x21: {  	[tilespmem:s20], [sflag:$0x1] =	stream.linear.gather [hbm4b:s4+s3], $0x400, $0x38;
	[tilespmem:$0x10480] =	vst v63  }
0x22: {  	_ =	swait.ge [sflag:s17], $0x400  }
0x23: {  	[sflag:s17] =	ssyncset.done $0x0  }
0x24: {  	[sflag:s17] =	ssyncadd.s32 $0xFFFFFC00  }
0x25: {  	[tilespmem:s21], [sflag:$0x1] =	stream.linear.gather [hbm4b:s7+s3], $0x2800, $0x38;
	[tilespmem:$0x10480] =	vst v63  }
0x26: {  	_ =	swait.ge [sflag:s17], $0x2800  }
0x27: {  	[sflag:s17] =	ssyncset.done $0x0  }
0x28: {  	[sflag:s17] =	ssyncadd.s32 $0xFFFFD800  }
0x29: {  	[tilespmem:s22], [sflag:$0x1] =	stream.linear.gather [hbm4b:s5+s3], $0x80, $0x38;
	[tilespmem:$0x10480] =	vst v63  }
0x2a: {  	_ =	swait.ge [sflag:s17], $0x80  }
0x2b: {  	s25 =	sshll.u32 s1, $0x6;
	[sflag:s17] =	ssyncset.done $0x0  }
0x2c: {  	s26 =	sshrl.u32 s11, $0x3;
	s25 =	sor.u32 $0x1C01, s25;
	[sflag:s17] =	ssyncadd.s32 $0xFFFFFF80  }
0x2d: {  	[spmem:s26], [sflag:s25] =	dma.local [hbm:s6], $0x50  }
0x2e: {  	_ =	swait.ge [sflag:s17], $0x50  }
0x2f: {  	[sflag:s17] =	ssyncset.done $0x0  }
0x30: {  	[sflag:s17] =	ssyncadd.s32 $0xFFFFFFB0  }
0x31: {  	s28 =	simm.s32 $0x0;
	s26 =	simm.s32 $0x40;
	[bflag:$0x0] =	sbarrier.arrive $0xFFFF  }
.LBB2_2:
0x32: {  	p1 =	sne.s32 s26, $0xFC0;
	v3 =	vld [tilespmem:s28+$0x8000];
	_ =	sdelay $0x3  }
.Ltmp0:
0x33: {  	(pc) =	sbr.rel @p1 .LBB2_2-.Ltmp0, $2  }
0x34: {  	_ =	sdelay $0x2  }
0x35: {  	s28 =	sshra.s32 s26, $0x2;
	s26 =	sadd.s32 $0x40, s26;
	[tilespmem:v3+s21+$0x0] =	vst.idx.msk $0xffff, v0  }
0x36: {  	v3 =	vld [tilespmem:s28+$0x8000];
	_ =	sdelay $0x7  }
0x37: {  	s26 =	simm.s32 $0x0;
	[tilespmem:v3+s21+$0x0] =	vst.idx.msk $0xffff, v0  }
0x38: {  	[spmem:s2] =	stream.indirect.scatter.add.f32 [tilespmem:s22], [sflag:$0x1], $0x1, s26, s23, $0xb8;
	[tilespmem:$0x10480] =	vst v63  }
0x39: {  	_ =	swait.ge [sflag:s17], $0x80  }
0x3a: {  	s28 =	simm.s32 $0x0;
	s26 =	simm.s32 $0x200;
	[sflag:s17] =	ssyncset.done $0x0  }
.LBB2_4:
0x3b: {  	s29 =	sshra.s32 s26, $0x2;
	[sflag:s17] =	ssyncadd.s32 $0xFFFFFF80;
	p1 =	sne.s32 s26, $0x9C00  }
0x3c: {  	[spmem:s2] =	stream.indirect.scatter.add.f32 [tilespmem:s22], [sflag:$0x1], $0x1, s29, s23, $0xb8;
	[tilespmem:$0x10480] =	vst v63  }
.Ltmp1:
0x3d: {  	_ = 	snop;
	(pc) =	sbr.rel @p1 .LBB2_4-.Ltmp1, $4  }
0x3e: {  	_ = 	snop  }
0x3f: {  	s26 =	sadd.s32 $0x200, s26  }
0x40: {  	_ =	swait.ge [sflag:s17], $0x80  }
0x41: {  	[sflag:s17] =	ssyncset.done $0x0  }
0x42: {  	[sflag:s17] =	ssyncadd.s32 $0xFFFFFF80;
	s26 =	simm.s32 $0x0  }
0x43: {  	v3 =	vld [tilespmem:s26+$0x5400];
	_ =	sdelay $0x7  }
0x44: {  	v4 =	vld.idx.msk [tilespmem:v3+s21+$0x0], $0xffff  }
0x45: {  	v5 =	vld [tilespmem:s26+$0x2800];
	_ =	sdelay $0x3  }
0x46: {  	vm0 =	vgt.s32 v4, $0x0  }
0x47: {  	[tilespmem:s28+$0xAC00] =	vst.msk vm0, v5;
	v4 =	vsel vm0, $0x1, v1  }
0x48: {  	[tilespmem:s28+$0xD680] =	vst.msk vm0, v3;
	(xrf0) =	vadd.scan.msk.s32 $0xffff, v4  }
0x49: {  	v3 =	vld [tilespmem:s26+$0x5410];
	_ =	sdelay $0x4  }
0x4a: {  	v4, _, _ =	vpop (xrf0)  }
0x4b: {  	(v2sf) =	vpush v4, $0xF;
	_ =	sdelay $0x1  }
0x4c: {  	v4 =	vld.idx.msk [tilespmem:v3+s21+$0x0], $0xffff;
	_ =	sdelay $0x4  }
0x4d: {  	vm9 =	vgt.s32 v4, $0x0  }
0x4e: {  	v4 =	vsel vm9, $0x1, v1  }
0x4f: {  	(xrf0) =	vadd.scan.msk.s32 $0xffff, v4;
	_ =	sdelay $0x2  }
0x50: {  	v4 =	vld [tilespmem:s26+$0x2810];
	_ =	sdelay $0x2  }
0x51: {  	s28 =	spop (v2sf);
	v5, _, _ =	vpop (xrf0)  }
0x52: {  	s28 =	sadd.s32 $0x0, s28;
	(v2sf) =	vpush v5, $0xF  }
0x53: {  	[tilespmem:s28+$0xAC00] =	vst.msk vm9, v4  }
0x54: {  	[tilespmem:s28+$0xD680] =	vst.msk vm9, v3  }
0x55: {  	v3 =	vld [tilespmem:s26+$0x5420];
	_ =	sdelay $0x7  }
0x56: {  	v4 =	vld.idx.msk [tilespmem:v3+s21+$0x0], $0xffff  }
0x57: {  	v5 =	vld [tilespmem:s26+$0x2820];
	_ =	sdelay $0x2  }
0x58: {  	s29 =	spop (v2sf)  }
0x59: {  	s28 =	sadd.s32 s28, s29;
	vm10 =	vgt.s32 v4, $0x0  }
0x5a: {  	[tilespmem:s28+$0xAC00] =	vst.msk vm10, v5;
	v4 =	vsel vm10, $0x1, v1  }
0x5b: {  	[tilespmem:s28+$0xD680] =	vst.msk vm10, v3;
	(xrf0) =	vadd.scan.msk.s32 $0xffff, v4  }
0x5c: {  	v3 =	vld [tilespmem:s26+$0x5430];
	_ =	sdelay $0x4  }
0x5d: {  	v4, _, _ =	vpop (xrf0)  }
0x5e: {  	(v2sf) =	vpush v4, $0xF;
	_ =	sdelay $0x1  }
0x5f: {  	v4 =	vld.idx.msk [tilespmem:v3+s21+$0x0], $0xffff;
	_ =	sdelay $0x4  }
0x60: {  	vm11 =	vgt.s32 v4, $0x0  }
0x61: {  	v4 =	vsel vm11, $0x1, v1  }
0x62: {  	(xrf0) =	vadd.scan.msk.s32 $0xffff, v4;
	_ =	sdelay $0x2  }
0x63: {  	v4 =	vld [tilespmem:s26+$0x2830];
	_ =	sdelay $0x2  }
0x64: {  	s29 =	spop (v2sf);
	v5, _, _ =	vpop (xrf0)  }
0x65: {  	s28 =	sadd.s32 s28, s29;
	(v2sf) =	vpush v5, $0xF  }
0x66: {  	[tilespmem:s28+$0xAC00] =	vst.msk vm11, v4  }
0x67: {  	[tilespmem:s28+$0xD680] =	vst.msk vm11, v3  }
0x68: {  	v3 =	vld [tilespmem:s26+$0x5440];
	_ =	sdelay $0x7  }
0x69: {  	v4 =	vld.idx.msk [tilespmem:v3+s21+$0x0], $0xffff  }
0x6a: {  	v5 =	vld [tilespmem:s26+$0x2840];
	_ =	sdelay $0x2  }
0x6b: {  	s29 =	spop (v2sf)  }
0x6c: {  	s28 =	sadd.s32 s28, s29;
	vm12 =	vgt.s32 v4, $0x0  }
0x6d: {  	[tilespmem:s28+$0xAC00] =	vst.msk vm12, v5;
	v4 =	vsel vm12, $0x1, v1  }
0x6e: {  	[tilespmem:s28+$0xD680] =	vst.msk vm12, v3;
	(xrf0) =	vadd.scan.msk.s32 $0xffff, v4  }
0x6f: {  	v3 =	vld [tilespmem:s26+$0x5450];
	_ =	sdelay $0x4  }
0x70: {  	v4, _, _ =	vpop (xrf0)  }
0x71: {  	(v2sf) =	vpush v4, $0xF;
	_ =	sdelay $0x1  }
0x72: {  	v4 =	vld.idx.msk [tilespmem:v3+s21+$0x0], $0xffff;
	_ =	sdelay $0x4  }
0x73: {  	vm13 =	vgt.s32 v4, $0x0  }
0x74: {  	v4 =	vsel vm13, $0x1, v1  }
0x75: {  	(xrf0) =	vadd.scan.msk.s32 $0xffff, v4;
	_ =	sdelay $0x2  }
0x76: {  	v4 =	vld [tilespmem:s26+$0x2850];
	_ =	sdelay $0x2  }
0x77: {  	s29 =	spop (v2sf);
	v5, _, _ =	vpop (xrf0)  }
0x78: {  	s28 =	sadd.s32 s28, s29;
	(v2sf) =	vpush v5, $0xF  }
0x79: {  	[tilespmem:s28+$0xAC00] =	vst.msk vm13, v4  }
0x7a: {  	[tilespmem:s28+$0xD680] =	vst.msk vm13, v3  }
0x7b: {  	v3 =	vld [tilespmem:s26+$0x5460];
	_ =	sdelay $0x7  }
0x7c: {  	v4 =	vld.idx.msk [tilespmem:v3+s21+$0x0], $0xffff  }
0x7d: {  	v5 =	vld [tilespmem:s26+$0x2860];
	_ =	sdelay $0x2  }
0x7e: {  	s29 =	spop (v2sf)  }
0x7f: {  	s28 =	sadd.s32 s28, s29;
	vm14 =	vgt.s32 v4, $0x0  }
0x80: {  	[tilespmem:s28+$0xAC00] =	vst.msk vm14, v5  }
0x81: {  	v4 =	vsel vm14, $0x1, v1;
	[tilespmem:s28+$0xD680] =	vst.msk vm14, v3  }
0x82: {  	(xrf0) =	vadd.scan.msk.s32 $0xffff, v4;
	v3 =	vld [tilespmem:s26+$0x5470];
	_ =	sdelay $0x5  }
0x83: {  	v4, _, _ =	vpop (xrf0)  }
0x84: {  	(v2sf) =	vpush v4, $0xF  }
0x85: {  	v5 =	vld.idx.msk [tilespmem:v3+s21+$0x0], $0xffff;
	_ =	sdelay $0x4  }
0x86: {  	vm15 =	vgt.s32 v5, $0x0  }
0x87: {  	v4 =	vsel vm15, $0x1, v1  }
0x88: {  	(xrf0) =	vadd.scan.msk.s32 $0xffff, v4;
	_ =	sdelay $0x3  }
0x89: {  	v4 =	vld [tilespmem:s26+$0x2870];
	_ =	sdelay $0x1  }
0x8a: {  	v5, _, _ =	vpop (xrf0)  }
0x8b: {  	s31 =	spop (v2sf);
	(v2sf) =	vpush v5, $0xF  }
0x8c: {  	s30 =	sadd.s32 s28, s31  }
0x8d: {  	[tilespmem:s30+$0xAC00] =	vst.msk vm15, v4  }
0x8e: {  	s26 =	simm.s32 $0x80;
	[tilespmem:s30+$0xD680] =	vst.msk vm15, v3  }
0x8f: {  	v3 =	vld [tilespmem:s26+$0x5400];
	_ =	sdelay $0x7  }
0x90: {  	v5 =	vld.idx.msk [tilespmem:v3+s21+$0x0], $0xffff  }
0x91: {  	v4 =	vld [tilespmem:s26+$0x2800];
	_ =	sdelay $0x1  }
0x92: {  	s28 =	simm.s32 $0x400;
	s29 =	spop (v2sf)  }
.LBB2_6:
0x93: {  	p1 =	sne.s32 s28, $0xA600  }
0x94: {  	vm0 =	vgt.s32 v5, $0x0;
	s30 =	sadd.s32 s30, s29;
	s29 =	smov.u32 s28;
	s28 =	sadd.s32 $0x200, s28  }
0x95: {  	[tilespmem:s30+$0xAC00] =	vst.msk vm0, v4;
	v4 =	vsel vm0, $0x1, v1  }
0x96: {  	[tilespmem:s30+$0xD680] =	vst.msk vm0, v3;
	(xrf0) =	vadd.scan.msk.s32 $0xffff, v4  }
0x97: {  	v3 =	vld [tilespmem:s26+$0x5410];
	_ =	sdelay $0x4  }
0x98: {  	v4, _, _ =	vpop (xrf0)  }
0x99: {  	(v2sf) =	vpush v4, $0xF;
	_ =	sdelay $0x1  }
0x9a: {  	v4 =	vld.idx.msk [tilespmem:v3+s21+$0x0], $0xffff;
	_ =	sdelay $0x5  }
0x9b: {  	vm0 =	vgt.s32 v4, $0x0  }
0x9c: {  	v4 =	vsel vm0, $0x1, v1  }
0x9d: {  	(xrf0) =	vadd.scan.msk.s32 $0xffff, v4;
	_ =	sdelay $0x1  }
0x9e: {  	v4 =	vld [tilespmem:s26+$0x2810];
	_ =	sdelay $0x2  }
0x9f: {  	s31 =	spop (v2sf)  }
0xa0: {  	s30 =	sadd.s32 s30, s31;
	v5, _, _ =	vpop (xrf0)  }
0xa1: {  	[tilespmem:s30+$0xAC00] =	vst.msk vm0, v4;
	(v2sf) =	vpush v5, $0xF  }
0xa2: {  	[tilespmem:s30+$0xD680] =	vst.msk vm0, v3  }
0xa3: {  	v3 =	vld [tilespmem:s26+$0x5420];
	_ =	sdelay $0x7  }
0xa4: {  	v4 =	vld.idx.msk [tilespmem:v3+s21+$0x0], $0xffff;
	_ =	sdelay $0x1  }
0xa5: {  	v5 =	vld [tilespmem:s26+$0x2820];
	_ =	sdelay $0x2  }
0xa6: {  	s31 =	spop (v2sf)  }
0xa7: {  	vm0 =	vgt.s32 v4, $0x0;
	s30 =	sadd.s32 s30, s31  }
0xa8: {  	v4 =	vsel vm0, $0x1, v1;
	[tilespmem:s30+$0xAC00] =	vst.msk vm0, v5  }
0xa9: {  	[tilespmem:s30+$0xD680] =	vst.msk vm0, v3;
	(xrf0) =	vadd.scan.msk.s32 $0xffff, v4  }
0xaa: {  	v3 =	vld [tilespmem:s26+$0x5430];
	_ =	sdelay $0x4  }
0xab: {  	v4, _, _ =	vpop (xrf0)  }
0xac: {  	(v2sf) =	vpush v4, $0xF;
	_ =	sdelay $0x1  }
0xad: {  	v4 =	vld.idx.msk [tilespmem:v3+s21+$0x0], $0xffff;
	_ =	sdelay $0x5  }
0xae: {  	vm0 =	vgt.s32 v4, $0x0  }
0xaf: {  	v4 =	vsel vm0, $0x1, v1  }
0xb0: {  	(xrf0) =	vadd.scan.msk.s32 $0xffff, v4;
	_ =	sdelay $0x1  }
0xb1: {  	v4 =	vld [tilespmem:s26+$0x2830];
	_ =	sdelay $0x2  }
0xb2: {  	s31 =	spop (v2sf)  }
0xb3: {  	s30 =	sadd.s32 s30, s31;
	v5, _, _ =	vpop (xrf0)  }
0xb4: {  	[tilespmem:s30+$0xAC00] =	vst.msk vm0, v4;
	(v2sf) =	vpush v5, $0xF  }
0xb5: {  	[tilespmem:s30+$0xD680] =	vst.msk vm0, v3  }
0xb6: {  	v3 =	vld [tilespmem:s26+$0x5440];
	_ =	sdelay $0x7  }
0xb7: {  	v4 =	vld.idx.msk [tilespmem:v3+s21+$0x0], $0xffff;
	_ =	sdelay $0x1  }
0xb8: {  	v5 =	vld [tilespmem:s26+$0x2840];
	_ =	sdelay $0x2  }
0xb9: {  	s31 =	spop (v2sf)  }
0xba: {  	vm0 =	vgt.s32 v4, $0x0;
	s30 =	sadd.s32 s30, s31  }
0xbb: {  	v4 =	vsel vm0, $0x1, v1;
	[tilespmem:s30+$0xAC00] =	vst.msk vm0, v5  }
0xbc: {  	[tilespmem:s30+$0xD680] =	vst.msk vm0, v3;
	(xrf0) =	vadd.scan.msk.s32 $0xffff, v4  }
0xbd: {  	v3 =	vld [tilespmem:s26+$0x5450]  }
0xbe: {  	v4 =	vld [tilespmem:s26+$0x2850];
	_ =	sdelay $0x3  }
0xbf: {  	v5, _, _ =	vpop (xrf0)  }
0xc0: {  	(v2sf) =	vpush v5, $0xF;
	_ =	sdelay $0x1  }
0xc1: {  	v5 =	vld.idx.msk [tilespmem:v3+s21+$0x0], $0xffff;
	_ =	sdelay $0x5  }
0xc2: {  	vm0 =	vgt.s32 v5, $0x0  }
0xc3: {  	v5 =	vsel vm0, $0x1, v1  }
0xc4: {  	(xrf0) =	vadd.scan.msk.s32 $0xffff, v5;
	_ =	sdelay $0x4  }
0xc5: {  	s31 =	spop (v2sf)  }
0xc6: {  	s30 =	sadd.s32 s30, s31;
	v5, _, _ =	vpop (xrf0)  }
0xc7: {  	[tilespmem:s30+$0xAC00] =	vst.msk vm0, v4;
	(v2sf) =	vpush v5, $0xF  }
0xc8: {  	[tilespmem:s30+$0xD680] =	vst.msk vm0, v3  }
0xc9: {  	v3 =	vld [tilespmem:s26+$0x5460]  }
0xca: {  	v4 =	vld [tilespmem:s26+$0x2860];
	_ =	sdelay $0x6  }
0xcb: {  	v5 =	vld.idx.msk [tilespmem:v3+s21+$0x0], $0xffff;
	_ =	sdelay $0x4  }
0xcc: {  	s31 =	spop (v2sf)  }
0xcd: {  	vm0 =	vgt.s32 v5, $0x0;
	s30 =	sadd.s32 s30, s31  }
0xce: {  	[tilespmem:s30+$0xAC00] =	vst.msk vm0, v4;
	v4 =	vsel vm0, $0x1, v1  }
0xcf: {  	[tilespmem:s30+$0xD680] =	vst.msk vm0, v3;
	(xrf0) =	vadd.scan.msk.s32 $0xffff, v4  }
0xd0: {  	v3 =	vld [tilespmem:s26+$0x5470]  }
0xd1: {  	v4 =	vld [tilespmem:s26+$0x2870];
	_ =	sdelay $0x3  }
0xd2: {  	v5, _, _ =	vpop (xrf0)  }
0xd3: {  	(v2sf) =	vpush v5, $0xF;
	_ =	sdelay $0x1  }
0xd4: {  	v5 =	vld.idx.msk [tilespmem:v3+s21+$0x0], $0xffff;
	_ =	sdelay $0x5  }
0xd5: {  	vm0 =	vgt.s32 v5, $0x0  }
0xd6: {  	v5 =	vsel vm0, $0x1, v1  }
0xd7: {  	(xrf0) =	vadd.scan.msk.s32 $0xffff, v5;
	_ =	sdelay $0x4  }
0xd8: {  	s26 =	spop (v2sf)  }
0xd9: {  	s30 =	sadd.s32 s30, s26;
	v5, _, _ =	vpop (xrf0)  }
0xda: {  	[tilespmem:s30+$0xAC00] =	vst.msk vm0, v4;
	(v2sf) =	vpush v5, $0xF  }
0xdb: {  	s26 =	sshra.s32 s29, $0x2;
	[tilespmem:s30+$0xD680] =	vst.msk vm0, v3  }
0xdc: {  	v3 =	vld [tilespmem:s26+$0x5400];
	_ =	sdelay $0x7  }
0xdd: {  	v5 =	vld.idx.msk [tilespmem:v3+s21+$0x0], $0xffff  }
.Ltmp2:
0xde: {  	(pc) =	sbr.rel @p1 .LBB2_6-.Ltmp2, $2  }
0xdf: {  	v4 =	vld [tilespmem:s26+$0x2800];
	_ =	sdelay $0x2  }
0xe0: {  	s29 =	spop (v2sf)  }
0xe1: {  	vm0 =	vgt.s32 v5, $0x0;
	s28 =	sadd.s32 s30, s29  }
0xe2: {  	[tilespmem:s28+$0xAC00] =	vst.msk vm0, v4;
	v46 =	vsel vm0, $0x1, v1  }
0xe3: {  	[tilespmem:s28+$0xD680] =	vst.msk vm0, v3;
	(xrf0) =	vadd.scan.msk.s32 $0xffff, v46  }
0xe4: {  	v3 =	vld [tilespmem:s26+$0x5410];
	_ =	sdelay $0x4  }
0xe5: {  	v4, _, _ =	vpop (xrf0)  }
0xe6: {  	(v2sf) =	vpush v4, $0xF;
	_ =	sdelay $0x1  }
0xe7: {  	v47 =	vld.idx.msk [tilespmem:v3+s21+$0x0], $0xffff;
	_ =	sdelay $0x4  }
0xe8: {  	vm9 =	vgt.s32 v47, $0x0  }
0xe9: {  	v4 =	vsel vm9, $0x1, v1  }
0xea: {  	(xrf0) =	vadd.scan.msk.s32 $0xffff, v4;
	_ =	sdelay $0x2  }
0xeb: {  	v48 =	vld [tilespmem:s26+$0x2810];
	_ =	sdelay $0x2  }
0xec: {  	s30 =	spop (v2sf);
	v49, _, _ =	vpop (xrf0)  }
0xed: {  	s28 =	sadd.s32 s28, s30;
	(v2sf) =	vpush v49, $0xF  }
0xee: {  	[tilespmem:s28+$0xAC00] =	vst.msk vm9, v48  }
0xef: {  	[tilespmem:s28+$0xD680] =	vst.msk vm9, v3  }
0xf0: {  	v3 =	vld [tilespmem:s26+$0x5420];
	_ =	sdelay $0x7  }
0xf1: {  	v4 =	vld.idx.msk [tilespmem:v3+s21+$0x0], $0xffff  }
0xf2: {  	v50 =	vld [tilespmem:s26+$0x2820];
	_ =	sdelay $0x2  }
0xf3: {  	s31 =	spop (v2sf)  }
0xf4: {  	s28 =	sadd.s32 s28, s31;
	vm10 =	vgt.s32 v4, $0x0  }
0xf5: {  	[tilespmem:s28+$0xAC00] =	vst.msk vm10, v50;
	v4 =	vsel vm10, $0x1, v1  }
0xf6: {  	[tilespmem:s28+$0xD680] =	vst.msk vm10, v3;
	(xrf0) =	vadd.scan.msk.s32 $0xffff, v4  }
0xf7: {  	v3 =	vld [tilespmem:s26+$0x5430];
	_ =	sdelay $0x4  }
0xf8: {  	v4, _, _ =	vpop (xrf0)  }
0xf9: {  	(v2sf) =	vpush v4, $0xF;
	_ =	sdelay $0x1  }
0xfa: {  	v51 =	vld.idx.msk [tilespmem:v3+s21+$0x0], $0xffff;
	_ =	sdelay $0x4  }
0xfb: {  	vm11 =	vgt.s32 v51, $0x0  }
0xfc: {  	v4 =	vsel vm11, $0x1, v1  }
0xfd: {  	(xrf0) =	vadd.scan.msk.s32 $0xffff, v4;
	_ =	sdelay $0x2  }
0xfe: {  	v52 =	vld [tilespmem:s26+$0x2830];
	_ =	sdelay $0x2  }
0xff: {  	s30 =	spop (v2sf);
	v53, _, _ =	vpop (xrf0)  }
0x100: {  	s28 =	sadd.s32 s28, s30;
	(v2sf) =	vpush v53, $0xF  }
0x101: {  	[tilespmem:s28+$0xAC00] =	vst.msk vm11, v52  }
0x102: {  	[tilespmem:s28+$0xD680] =	vst.msk vm11, v3  }
0x103: {  	v3 =	vld [tilespmem:s26+$0x5440];
	_ =	sdelay $0x7  }
0x104: {  	v4 =	vld.idx.msk [tilespmem:v3+s21+$0x0], $0xffff  }
0x105: {  	v54 =	vld [tilespmem:s26+$0x2840];
	_ =	sdelay $0x2  }
0x106: {  	s31 =	spop (v2sf)  }
0x107: {  	s28 =	sadd.s32 s28, s31;
	vm12 =	vgt.s32 v4, $0x0  }
0x108: {  	[tilespmem:s28+$0xAC00] =	vst.msk vm12, v54;
	v4 =	vsel vm12, $0x1, v1  }
0x109: {  	[tilespmem:s28+$0xD680] =	vst.msk vm12, v3;
	(xrf0) =	vadd.scan.msk.s32 $0xffff, v4  }
0x10a: {  	v3 =	vld [tilespmem:s26+$0x5450];
	_ =	sdelay $0x4  }
0x10b: {  	v4, _, _ =	vpop (xrf0)  }
0x10c: {  	(v2sf) =	vpush v4, $0xF;
	_ =	sdelay $0x1  }
0x10d: {  	v55 =	vld.idx.msk [tilespmem:v3+s21+$0x0], $0xffff;
	_ =	sdelay $0x4  }
0x10e: {  	vm13 =	vgt.s32 v55, $0x0  }
0x10f: {  	v4 =	vsel vm13, $0x1, v1  }
0x110: {  	(xrf0) =	vadd.scan.msk.s32 $0xffff, v4;
	_ =	sdelay $0x2  }
0x111: {  	v56 =	vld [tilespmem:s26+$0x2850];
	_ =	sdelay $0x2  }
0x112: {  	s30 =	spop (v2sf);
	v57, _, _ =	vpop (xrf0)  }
0x113: {  	s28 =	sadd.s32 s28, s30;
	(v2sf) =	vpush v57, $0xF  }
0x114: {  	[tilespmem:s28+$0xAC00] =	vst.msk vm13, v56  }
0x115: {  	[tilespmem:s28+$0xD680] =	vst.msk vm13, v3  }
0x116: {  	v3 =	vld [tilespmem:s26+$0x5460];
	_ =	sdelay $0x7  }
0x117: {  	v4 =	vld.idx.msk [tilespmem:v3+s21+$0x0], $0xffff  }
0x118: {  	v58 =	vld [tilespmem:s26+$0x2860];
	_ =	sdelay $0x2  }
0x119: {  	s31 =	spop (v2sf)  }
0x11a: {  	s28 =	sadd.s32 s28, s31;
	vm14 =	vgt.s32 v4, $0x0  }
0x11b: {  	[tilespmem:s28+$0xAC00] =	vst.msk vm14, v58  }
0x11c: {  	[tilespmem:s28+$0xD680] =	vst.msk vm14, v3  }
0x11d: {  	v3 =	vld [tilespmem:s26+$0x5470];
	_ =	sdelay $0x7  }
0x11e: {  	v59 =	vld.idx.msk [tilespmem:v3+s21+$0x0], $0xffff;
	_ =	sdelay $0x3  }
0x11f: {  	v60 =	vsel vm14, $0x1, v1  }
0x120: {  	(xrf0) =	vadd.scan.msk.s32 $0xffff, v60;
	vm15 =	vgt.s32 v59, $0x0  }
0x121: {  	v4 =	vsel vm15, $0x1, v1  }
0x122: {  	(xrf0) =	vadd.scan.msk.s32 $0xffff, v4;
	_ =	sdelay $0x3  }
0x123: {  	v61, _, _ =	vpop (xrf0)  }
0x124: {  	(v2sf) =	vpush v61, $0xF  }
0x125: {  	v62, _, _ =	vpop (xrf0)  }
0x126: {  	(v2sf) =	vpush v62, $0xF;
	_ =	sdelay $0x9  }
0x127: {  	v63 =	vld [tilespmem:s26+$0x2870];
	_ =	sdelay $0x2  }
0x128: {  	s30 =	spop (v2sf)  }
0x129: {  	s26 =	sadd.s32 s28, s30  }
0x12a: {  	[tilespmem:s26+$0xAC00] =	vst.msk vm15, v63;
	s31 =	spop (v2sf)  }
0x12b: {  	[tilespmem:s26+$0xD680] =	vst.msk vm15, v3;
	s26 =	sadd.s32 s26, s31  }
0x12c: {  	[tilespmem:s26+$0xAC00] =	vst v2  }
0x12d: {  	[tilespmem:s26+$0xD680] =	vst v2  }
0x12e: {  	[tilespmem:s26+$0xAC10] =	vst v2  }
0x12f: {  	[tilespmem:s26+$0xD690] =	vst v2  }
0x130: {  	[tilespmem:s26+$0xAC20] =	vst v2  }
0x131: {  	[tilespmem:s26+$0xD6A0] =	vst v2  }
0x132: {  	[tilespmem:s26+$0xAC30] =	vst v2  }
0x133: {  	[tilespmem:s26+$0xD6B0] =	vst v2  }
0x134: {  	[tilespmem:s26+$0xAC40] =	vst v2  }
0x135: {  	[tilespmem:s26+$0xD6C0] =	vst v2  }
0x136: {  	[tilespmem:s26+$0xAC50] =	vst v2  }
0x137: {  	[tilespmem:s26+$0xD6D0] =	vst v2  }
0x138: {  	[tilespmem:s26+$0xAC60] =	vst v2  }
0x139: {  	[tilespmem:s26+$0xD6E0] =	vst v2  }
0x13a: {  	[tilespmem:s26+$0xAC70] =	vst v2  }
0x13b: {  	[tilespmem:s26+$0xD6F0] =	vst v2;
	v3 =	vmov s26  }
0x13c: {  	[tilespmem:$0x10180] =	vst v3  }
0x13d: {  	s26 =	sshrl.u32 @!p0 s11, $0x3;
	[bflag:$0x0] =	sbarrier.arrive $0xFFFF  }
0x13e: {  	[hbm:s12], [sflag:s25] =	dma.local @!p0 [spmem:s26], $0x50  }
0x13f: {  	s25 =	simm.s32 @!p0 $0x1  }
0x140: {  	_ =	swait.ge @!p0 [sflag:s25], $0x50  }
0x141: {  	s29 =	simm.s32 @!p0 $0xAC00;
	[sflag:s25] =	ssyncset.done @!p0 $0x0  }
0x142: {  	s28 =	simm.s32 @!p0 $0x400;
	s26 =	simm.s32 @!p0 $0x80;
	[sflag:s25] =	ssyncadd.s32 @!p0 $0xFFFFFFB0  }
0x143: {  	[hbm4b:s13+s26] =	stream.strided.scatter @!p0 [tilespmem:s29], [sflag:$0x1], $0x2A00, s28, s26, $0x38;
	[tilespmem:$0x10480] =	vst v63  }
0x144: {  	_ =	swait.ge @!p0 [sflag:s25], $0x2A00  }
0x145: {  	[sflag:s25] =	ssyncset.done @!p0 $0x0  }
0x146: {  	s29 =	simm.s32 @!p0 $0xD680;
	[sflag:s25] =	ssyncadd.s32 @!p0 $0xFFFFD600  }
0x147: {  	[hbm4b:s14+s26] =	stream.strided.scatter @!p0 [tilespmem:s29], [sflag:$0x1], $0x2A00, s28, s26, $0x38;
	[tilespmem:$0x10480] =	vst v63  }
0x148: {  	s24 =	sadd.s32 $0x1, s24;
	_ =	swait.ge @!p0 [sflag:s25], $0x2A00  }
0x149: {  	p1 =	sne.s32 s24, s16;
	s26 =	simm.s32 @!p0 $0x0;
	[sflag:s25] =	ssyncset.done @!p0 $0x0  }
.Ltmp3:
0x14a: {  	s28 =	simm.s32 @!p0 $0x10180;
	[sflag:s25] =	ssyncadd.s32 @!p0 $0xFFFFD600;
	(pc) =	sbr.rel @p1 .LBB2_1-.Ltmp3, $4  }
0x14b: {  	[hbm4b:s15+s26] =	stream.linear.scatter @!p0 [tilespmem:s28], [sflag:$0x1], $0x80, $0x38;
	[tilespmem:$0x10480] =	vst v63  }
0x14c: {  	_ =	swait.ge @!p0 [sflag:s25], $0x80  }
0x14d: {  	[sflag:s25] =	ssyncset.done @!p0 $0x0  }
0x14e: {  	[sflag:s25] =	ssyncadd.s32 @!p0 $0xFFFFFF80  }
0x14f: {  	_ =	sfence.sel $0x180000  }
0x150: {  	[bflag:$0x0] =	sbarrier.arrive $0xFFFF  }
0x151: {  	p0 =	sne.s32 s1, $0x0;
	_ =	strace $0x90000047  }
0x152: {  	s0 =	sadd.s32 @!p0 $0x100000, s0;
	[bflag:$0x2] =	sbarrier.arrive $0xFFFF  }
0x153: {  	[sflag:s0] =	ssyncadd.tile.s32 @!p0 $0x1;
	_ =	shalt  }
.Lfunc_end2:
_tile_overlayer_lowered:
.L_overlay_start_2:
0x154: {  	(tag) =	ssettag $0x2  }
0x155: {  	s0 =	rddreg [dreg:$0x0];
	s2 =	stileid.u32  }
0x156: {  	s1 =	rddreg [dreg:$0x1];
	p0 =	sne.s32 s2, $0x0  }
0x157: {  	s3 =	rddreg [dreg:$0x2];
	[bflag:$0x3] =	sbarrier.arrive $0xFFFF;
	s2 =	simm.s32 @!p0 $0x1C01  }
0x158: {  	[timem:s3], [sflag:s2] =	dma.local @!p0 [hbm:s0], s1  }
0x159: {  	s0 =	simm.s32 @!p0 $0x1  }
0x15a: {  	_ =	swait.ge @!p0 [sflag:s0], s1  }
0x15b: {  	s1 =	ssub.s32 @!p0 $0x0, s1;
	[sflag:s0] =	ssyncset.done @!p0 $0x0  }
0x15c: {  	[sflag:s0] =	ssyncadd.s32 @!p0 s1  }
0x15d: {  	[bflag:$0x3] =	sbarrier.arrive $0xFFFF  }
0x15e: {  	_ =	shalt  }

</sc_bundles>
